<compile_context>
chip_gen: v7x
topology: tpu7x:2x2x1
jax: 0.10.2.dev20260603
libtpu: 0.0.44.dev20260713+nightly
codegen_flags: <defaults>
</compile_context>

<pallas_src>
import functools

import jax
import jax.numpy as jnp
from jax import lax
from jax.experimental import pallas as pl
from jax.experimental.pallas import tpu as pltpu
from jax.experimental.pallas import tpu_sc as plsc

N = 10000
D = 128
N2 = 10240
TRASH = N
NC, NS, LANES = 2, 16, 16
NW = NC * NS
CHUNK = 64
NCHUNKS = 160
EPT = CHUNK * NCHUNKS
EPAD = NW * EPT
RPT = N2 // NS
NBUF = 4
QTR = NCHUNKS // 4

_sc_mesh = plsc.VectorSubcoreMesh(core_axis_name="c", subcore_axis_name="s")


@functools.partial(
    pl.kernel,
    out_type=jax.ShapeDtypeStruct((NC, N2), jnp.float32),
    mesh=_sc_mesh,
    scratch_types=[
        pltpu.VMEM((CHUNK,), jnp.float32),
        pltpu.VMEM((CHUNK,), jnp.float32),
        pltpu.VMEM((NCHUNKS, CHUNK), jnp.int32),
        pltpu.VMEM_SHARED((N2,), jnp.float32),
        pltpu.SemaphoreType.DMA,
    ],
)
def _sc_degree(dst3_hbm, deg_hbm, ones_v, zero_v, dsts, acc, sem):
    c = lax.axis_index("c")
    s = lax.axis_index("s")
    wid = c * NS + s
    for q in range(CHUNK // LANES):
        ones_v[pl.ds(q * LANES, LANES)] = jnp.ones((LANES,), jnp.float32)
        zero_v[pl.ds(q * LANES, LANES)] = jnp.zeros((LANES,), jnp.float32)
    for j in range(RPT // CHUNK):
        pltpu.sync_copy(zero_v, acc.at[pl.ds(s * RPT + j * CHUNK, CHUNK)])
    pltpu.sync_copy(dst3_hbm.at[wid], dsts)
    plsc.subcore_barrier()

    @pl.loop(0, NCHUNKS)
    def _fire(i):
        pltpu.async_copy(ones_v, acc.at[dsts.at[i]], sem, add=True)

    @pl.loop(0, NCHUNKS)
    def _drain(i):
        pltpu.make_async_copy(ones_v, acc.at[dsts.at[0]], sem).wait()

    plsc.subcore_barrier()
    pltpu.sync_copy(acc.at[pl.ds(s * RPT, RPT)],
                    deg_hbm.at[c, pl.ds(s * RPT, RPT)])


NB = N2 // 128
_BT = 1024
_BF = _BT // 128


def _tc_prep_body(x_ref, w_ref, deg_ref, h1s_ref, dinvf_ref):
    i = pl.program_id(0)
    dsum = deg_ref[0] + deg_ref[1] + 1.0
    node = ((i * _BF + lax.broadcasted_iota(jnp.int32, (_BF, 128), 0)) * 128
            + lax.broadcasted_iota(jnp.int32, (_BF, 128), 1))
    dv = jnp.where(node < N, 1.0 / jnp.sqrt(dsum), 0.0)
    dinvf_ref[...] = dv
    h = jnp.dot(x_ref[...].astype(jnp.bfloat16),
                w_ref[...].astype(jnp.bfloat16),
                preferred_element_type=jnp.float32)
    dvT = jnp.transpose(dv)
    for r in range(_BF):
        h1s_ref[pl.ds(r * 128, 128), :] = (
            h[r * 128:(r + 1) * 128, :] * dvT[:, r:r + 1])


def _tc_prep(x_p, W1, degf):
    return pl.pallas_call(
        _tc_prep_body,
        grid=(N2 // _BT,),
        in_specs=[
            pl.BlockSpec((_BT, D), lambda i: (i, 0)),
            pl.BlockSpec((D, D), lambda i: (0, 0)),
            pl.BlockSpec((NC, _BF, 128), lambda i: (0, i, 0)),
        ],
        out_specs=[
            pl.BlockSpec((_BT, D), lambda i: (i, 0)),
            pl.BlockSpec((_BF, 128), lambda i: (i, 0)),
        ],
        out_shape=[
            jax.ShapeDtypeStruct((N2, D), jnp.float32),
            jax.ShapeDtypeStruct((NB, 128), jnp.float32),
        ],
    )(x_p, W1, degf)


@functools.partial(
    pl.kernel,
    out_type=(
        jax.ShapeDtypeStruct((NC, N2, D), jnp.float32),
        jax.ShapeDtypeStruct((NC, N2), jnp.float32),
    ),
    mesh=_sc_mesh,
    scratch_types=(
        [
            pltpu.VMEM((QTR, CHUNK), jnp.int32),
            pltpu.VMEM((QTR, CHUNK), jnp.int32),
            pltpu.VMEM((NBUF, CHUNK, D), jnp.float32),
            pltpu.VMEM((NBUF, CHUNK), jnp.float32),
            pltpu.VMEM_SHARED((N2, D), jnp.float32),
            pltpu.VMEM_SHARED((N2,), jnp.float32),
        ]
        + [pltpu.SemaphoreType.DMA] * (2 * NBUF)
    ),
)
def _sc_aggregate(h1s_hbm, src3_hbm, dst3_hbm, dinv_hbm, t_hbm, g_hbm,
                  srcs, dsts, rows, dval, accT, accg, *sems):
    gsem = sems[:NBUF]
    ssem = sems[NBUF:]
    c = lax.axis_index("c")
    s = lax.axis_index("s")
    wid = c * NS + s

    @pl.loop(0, CHUNK)
    def _zrow(r):
        for q in range(D // LANES):
            rows[0, r, pl.ds(q * LANES, LANES)] = jnp.zeros((LANES,),
                                                            jnp.float32)

    for q in range(CHUNK // LANES):
        dval[0, pl.ds(q * LANES, LANES)] = jnp.zeros((LANES,), jnp.float32)
    for j in range(RPT // CHUNK):
        pltpu.sync_copy(rows.at[0], accT.at[pl.ds(s * RPT + j * CHUNK, CHUNK)])
        pltpu.sync_copy(dval.at[0], accg.at[pl.ds(s * RPT + j * CHUNK, CHUNK)])

    plsc.subcore_barrier()

    for h in range(NCHUNKS // QTR):
        pltpu.sync_copy(src3_hbm.at[wid, pl.ds(h * QTR, QTR)], srcs)
        pltpu.sync_copy(dst3_hbm.at[wid, pl.ds(h * QTR, QTR)], dsts)

        for b in range(NBUF):
            pltpu.async_copy(h1s_hbm.at[srcs.at[b]], rows.at[b], gsem[b])
            pltpu.async_copy(dinv_hbm.at[dsts.at[b]], dval.at[b], gsem[b])

        @pl.loop(0, QTR, step=NBUF)
        def _ring(g0):
            for b in range(NBUF):
                i = g0 + b
                pltpu.make_async_copy(h1s_hbm.at[srcs.at[b]], rows.at[b],
                                      gsem[b]).wait()
                pltpu.make_async_copy(dinv_hbm.at[dsts.at[b]], dval.at[b],
                                      gsem[b]).wait()
                a1 = pltpu.async_copy(rows.at[b], accT.at[dsts.at[i]],
                                      ssem[b], add=True)
                a2 = pltpu.async_copy(dval.at[b], accg.at[srcs.at[i]],
                                      ssem[b], add=True)
                a1.wait()
                a2.wait()

                @pl.when(i + NBUF < QTR)
                def _refill():
                    pltpu.async_copy(h1s_hbm.at[srcs.at[i + NBUF]],
                                     rows.at[b], gsem[b])
                    pltpu.async_copy(dinv_hbm.at[dsts.at[i + NBUF]],
                                     dval.at[b], gsem[b])

    plsc.subcore_barrier()
    pltpu.sync_copy(accT.at[pl.ds(s * RPT, RPT)],
                    t_hbm.at[c, pl.ds(s * RPT, RPT)])
    pltpu.sync_copy(accg.at[pl.ds(s * RPT, RPT)],
                    g_hbm.at[c, pl.ds(s * RPT, RPT)])


_RB = 1024


def _tc_finish_body(t_ref, g_ref, h1s_ref, dinvf_ref, b1_ref, w2_ref, b2_ref,
                    out_ref, acc_ref):
    k = pl.program_id(0)
    dvf = dinvf_ref[...]
    gf = g_ref[0] + g_ref[1]
    swf = dvf * gf + dvf * dvf
    dvT = jnp.transpose(dvf)
    swT = jnp.transpose(swf)
    z = t_ref[0] + t_ref[1] + h1s_ref[...]
    w2c = w2_ref[...].astype(jnp.bfloat16)
    contrib = jnp.zeros((1, 1), jnp.float32)
    for r in range(_RF):
        zr = z[r * 128:(r + 1) * 128, :]
        rr = jnp.maximum(zr * dvT[:, r:r + 1] + b1_ref[...], 0.0)
        h2c = jnp.dot(rr.astype(jnp.bfloat16), w2c,
                      preferred_element_type=jnp.float32)
        contrib = contrib + jnp.sum(swT[:, r:r + 1] * h2c, axis=0,
                                    keepdims=True)

    @pl.when(k == 0)
    def _():
        acc_ref[...] = contrib

    @pl.when(k > 0)
    def _():
        acc_ref[...] = acc_ref[...] + contrib

    @pl.when(k == pl.num_programs(0) - 1)
    def _():
        out_ref[...] = acc_ref[...] * (1.0 / N) + b2_ref[...]


_RF = _RB // 128


def _tc_finish(t, gf, h1s, dinvf, b1r, w2r, b2r):
    return pl.pallas_call(
        _tc_finish_body,
        grid=(N2 // _RB,),
        in_specs=[
            pl.BlockSpec((NC, _RB, D), lambda i: (0, i, 0)),
            pl.BlockSpec((NC, _RF, 128), lambda i: (0, i, 0)),
            pl.BlockSpec((_RB, D), lambda i: (i, 0)),
            pl.BlockSpec((_RF, 128), lambda i: (i, 0)),
            pl.BlockSpec((1, D), lambda i: (0, 0)),
            pl.BlockSpec((D, 1), lambda i: (0, 0)),
            pl.BlockSpec((1, 1), lambda i: (0, 0)),
        ],
        out_specs=pl.BlockSpec((1, 1), lambda i: (0, 0)),
        out_shape=jax.ShapeDtypeStruct((1, 1), jnp.float32),
        scratch_shapes=[pltpu.VMEM((1, 1), jnp.float32)],
    )(t, gf, h1s, dinvf, b1r, w2r, b2r)


def kernel(x, edge_index, W1, b1, W2, b2):
    E = edge_index.shape[1]
    src = edge_index[0]
    dst = edge_index[1]
    pad = TRASH + jnp.arange(EPAD - E, dtype=jnp.int32) % (N2 - N)
    src3 = jnp.concatenate([src, pad]).reshape(NW, NCHUNKS, CHUNK)
    dst3 = jnp.concatenate([dst, pad]).reshape(NW, NCHUNKS, CHUNK)
    x_p = jnp.pad(x, ((0, N2 - N), (0, 0)))

    deg = _sc_degree(dst3)
    h1s, dinvf = _tc_prep(x_p, W1, deg.reshape(NC, NB, 128))
    t, g = _sc_aggregate(h1s, src3, dst3, dinvf.reshape(N2))
    out = _tc_finish(t, g.reshape(NC, NB, 128), h1s, dinvf,
                     b1.reshape(1, D), W2, b2.reshape(1, 1))
    return out.reshape(1)

# --- scband reference (transcript-rebuilt; emitter-appended) ---
"""Pipeline reference for scband-gcn-91233695302289 (READ-ONLY COPY).

The authoritative reference and input builder live on the scoring server;
editing this copy changes nothing except your own understanding.
"""

import jax, jax.numpy as jnp
import numpy as np

N = 10000
E = 320000
D_IN = 128
D_HID = 128


def gcn_conv(x, edge_index, W, b):
    # PyG-style GCNConv: out = D^{-1/2} (A + I) D^{-1/2} X W + b
    num_nodes = x.shape[0]
    src = edge_index[0]
    dst = edge_index[1]
    loop = jnp.arange(num_nodes, dtype=src.dtype)
    src = jnp.concatenate([src, loop])
    dst = jnp.concatenate([dst, loop])
    deg = jnp.zeros((num_nodes,), dtype=x.dtype).at[dst].add(1.0)
    dinv = jnp.where(deg > 0, 1.0 / jnp.sqrt(deg), 0.0)
    norm = dinv[src] * dinv[dst]
    h = x @ W
    msg = h[src] * norm[:, None]
    out = jnp.zeros((num_nodes, W.shape[1]), dtype=x.dtype).at[dst].add(msg)
    return out + b


def setup_inputs(seed: int = 0) -> dict:
    key = jax.random.key(seed)
    k1, k2, k3, k4, k5, k6 = jax.random.split(key, 6)
    x = jax.random.normal(k1, (N, D_IN), dtype=jnp.float32)
    edge_index = jax.random.randint(k2, (2, E), 0, N, dtype=jnp.int32)
    W1 = jax.random.normal(k3, (D_IN, D_HID), dtype=jnp.float32) * (1.0 / np.sqrt(D_IN))
    b1 = jnp.zeros((D_HID,), dtype=jnp.float32)
    W2 = jax.random.normal(k4, (D_HID, 1), dtype=jnp.float32) * (1.0 / np.sqrt(D_HID))
    b2 = jnp.zeros((1,), dtype=jnp.float32)
    return {"x": x, "edge_index": edge_index, "W1": W1, "b1": b1, "W2": W2, "b2": b2}


def reference(x, edge_index, W1, b1, W2, b2):
    # conv1 -> relu -> (dropout identity in eval) -> conv2 -> mean over nodes
    h = gcn_conv(x, edge_index, W1, b1)
    h = jax.nn.relu(h)
    out = gcn_conv(h, edge_index, W2, b2)
    return out.mean(axis=0)

if __name__ == "__main__":
    import jax
    _d = setup_inputs()
    print(jax.jit(kernel)(*tuple(_d.values())))

</pallas_src>

<mosaic_0001>
#map = affine_map<(d0, d1) -> (0, 0, 0)>
#map1 = affine_map<(d0, d1) -> (0, 0)>
module attributes {stable_mosaic.version = 14 : i64} {
  func.func @_sc_degree(%arg0: i32, %arg1: i32, %arg2: memref<32x160x64xi32, #tpu.memory_space<hbm>>, %arg3: memref<2x10240xf32, #tpu.memory_space<hbm>>, %arg4: memref<64xf32, #tpu.memory_space<vmem>>, %arg5: memref<64xf32, #tpu.memory_space<vmem>>, %arg6: memref<160x64xi32, #tpu.memory_space<vmem>>, %arg7: memref<10240xf32, #tpu.memory_space<vmem_shared>>, %arg8: memref<!tpu.dma_semaphore, #tpu.memory_space<semaphore_mem>>) attributes {dimension_semantics = [#tpu.dimension_semantics<core_parallel>, #tpu.dimension_semantics<subcore_parallel>], iteration_bounds = array<i64: 2, 16>, scalar_prefetch = 0 : i64, scratch_operands = 5 : i64, tpu.core_type = #tpu.core_type<sc_vector_subcore>, window_params = [{transform_indices = #map}, {transform_indices = #map1}]} {
    %mul3A = arith.constant 16 : i32
    %mul3A_0 = arith.muli %arg0, %mul3A : i32
    %add3A = arith.addi %mul3A_0, %arg1 : i32
    %broadcast_in_dim3A = arith.constant 1.000000e+00 : f32
    %broadcast_in_dim3A_1 = vector.broadcast %broadcast_in_dim3A : f32 to vector<16xf32>
    %swap3A = arith.constant 0 : index
    %swap3A_2 = tpu.vector_load %arg4[%swap3A] {strides = array<i32>} : memref<64xf32, #tpu.memory_space<vmem>>, vector<16xf32>,
    %swap3A_3 = vector.shape_cast %swap3A_2 : vector<16xf32> to vector<16xf32>
    %swap3A_4 = vector.shape_cast %broadcast_in_dim3A_1 : vector<16xf32> to vector<16xf32>
    tpu.vector_store %arg4[%swap3A], %swap3A_4 {strides = array<i32>} : memref<64xf32, #tpu.memory_space<vmem>>, vector<16xf32>,
    %broadcast_in_dim3A_5 = arith.constant 0.000000e+00 : f32
    %broadcast_in_dim3A_6 = vector.broadcast %broadcast_in_dim3A_5 : f32 to vector<16xf32>
    %swap3A_7 = arith.constant 0 : index
    %swap3A_8 = tpu.vector_load %arg5[%swap3A_7] {strides = array<i32>} : memref<64xf32, #tpu.memory_space<vmem>>, vector<16xf32>,
    %swap3A_9 = vector.shape_cast %swap3A_8 : vector<16xf32> to vector<16xf32>
    %swap3A_10 = vector.shape_cast %broadcast_in_dim3A_6 : vector<16xf32> to vector<16xf32>
    tpu.vector_store %arg5[%swap3A_7], %swap3A_10 {strides = array<i32>} : memref<64xf32, #tpu.memory_space<vmem>>, vector<16xf32>,
    %broadcast_in_dim3A_11 = arith.constant 1.000000e+00 : f32
    %broadcast_in_dim3A_12 = vector.broadcast %broadcast_in_dim3A_11 : f32 to vector<16xf32>
    %swap3A_13 = arith.constant 16 : index
    %swap3A_14 = tpu.vector_load %arg4[%swap3A_13] {strides = array<i32>} : memref<64xf32, #tpu.memory_space<vmem>>, vector<16xf32>,
    %swap3A_15 = vector.shape_cast %swap3A_14 : vector<16xf32> to vector<16xf32>
    %swap3A_16 = vector.shape_cast %broadcast_in_dim3A_12 : vector<16xf32> to vector<16xf32>
    tpu.vector_store %arg4[%swap3A_13], %swap3A_16 {strides = array<i32>} : memref<64xf32, #tpu.memory_space<vmem>>, vector<16xf32>,
    %broadcast_in_dim3A_17 = arith.constant 0.000000e+00 : f32
    %broadcast_in_dim3A_18 = vector.broadcast %broadcast_in_dim3A_17 : f32 to vector<16xf32>
    %swap3A_19 = arith.constant 16 : index
    %swap3A_20 = tpu.vector_load %arg5[%swap3A_19] {strides = array<i32>} : memref<64xf32, #tpu.memory_space<vmem>>, vector<16xf32>,
    %swap3A_21 = vector.shape_cast %swap3A_20 : vector<16xf32> to vector<16xf32>
    %swap3A_22 = vector.shape_cast %broadcast_in_dim3A_18 : vector<16xf32> to vector<16xf32>
    tpu.vector_store %arg5[%swap3A_19], %swap3A_22 {strides = array<i32>} : memref<64xf32, #tpu.memory_space<vmem>>, vector<16xf32>,
    %broadcast_in_dim3A_23 = arith.constant 1.000000e+00 : f32
    %broadcast_in_dim3A_24 = vector.broadcast %broadcast_in_dim3A_23 : f32 to vector<16xf32>
    %swap3A_25 = arith.constant 32 : index
    %swap3A_26 = tpu.vector_load %arg4[%swap3A_25] {strides = array<i32>} : memref<64xf32, #tpu.memory_space<vmem>>, vector<16xf32>,
    %swap3A_27 = vector.shape_cast %swap3A_26 : vector<16xf32> to vector<16xf32>
    %swap3A_28 = vector.shape_cast %broadcast_in_dim3A_24 : vector<16xf32> to vector<16xf32>
    tpu.vector_store %arg4[%swap3A_25], %swap3A_28 {strides = array<i32>} : memref<64xf32, #tpu.memory_space<vmem>>, vector<16xf32>,
    %broadcast_in_dim3A_29 = arith.constant 0.000000e+00 : f32
    %broadcast_in_dim3A_30 = vector.broadcast %broadcast_in_dim3A_29 : f32 to vector<16xf32>
    %swap3A_31 = arith.constant 32 : index
    %swap3A_32 = tpu.vector_load %arg5[%swap3A_31] {strides = array<i32>} : memref<64xf32, #tpu.memory_space<vmem>>, vector<16xf32>,
    %swap3A_33 = vector.shape_cast %swap3A_32 : vector<16xf32> to vector<16xf32>
    %swap3A_34 = vector.shape_cast %broadcast_in_dim3A_30 : vector<16xf32> to vector<16xf32>
    tpu.vector_store %arg5[%swap3A_31], %swap3A_34 {strides = array<i32>} : memref<64xf32, #tpu.memory_space<vmem>>, vector<16xf32>,
    %broadcast_in_dim3A_35 = arith.constant 1.000000e+00 : f32
    %broadcast_in_dim3A_36 = vector.broadcast %broadcast_in_dim3A_35 : f32 to vector<16xf32>
    %swap3A_37 = arith.constant 48 : index
    %swap3A_38 = tpu.vector_load %arg4[%swap3A_37] {strides = array<i32>} : memref<64xf32, #tpu.memory_space<vmem>>, vector<16xf32>,
    %swap3A_39 = vector.shape_cast %swap3A_38 : vector<16xf32> to vector<16xf32>
    %swap3A_40 = vector.shape_cast %broadcast_in_dim3A_36 : vector<16xf32> to vector<16xf32>
    tpu.vector_store %arg4[%swap3A_37], %swap3A_40 {strides = array<i32>} : memref<64xf32, #tpu.memory_space<vmem>>, vector<16xf32>,
    %broadcast_in_dim3A_41 = arith.constant 0.000000e+00 : f32
    %broadcast_in_dim3A_42 = vector.broadcast %broadcast_in_dim3A_41 : f32 to vector<16xf32>
    %swap3A_43 = arith.constant 48 : index
    %swap3A_44 = tpu.vector_load %arg5[%swap3A_43] {strides = array<i32>} : memref<64xf32, #tpu.memory_space<vmem>>, vector<16xf32>,
    %swap3A_45 = vector.shape_cast %swap3A_44 : vector<16xf32> to vector<16xf32>
    %swap3A_46 = vector.shape_cast %broadcast_in_dim3A_42 : vector<16xf32> to vector<16xf32>
    tpu.vector_store %arg5[%swap3A_43], %swap3A_46 {strides = array<i32>} : memref<64xf32, #tpu.memory_space<vmem>>, vector<16xf32>,
    %mul3A_47 = arith.constant 640 : i32
    %mul3A_48 = arith.muli %arg1, %mul3A_47 : i32
    %add3A_49 = arith.constant 0 : i32
    %add3A_50 = arith.addi %mul3A_48, %add3A_49 : i32
    "tpu.region"() ({
      %run_scoped3A = tpu.sem_alloc : memref<!tpu.dma_semaphore, #tpu.memory_space<semaphore_mem>>
      %dma_start3A = tpu.memref_slice %arg7[%add3A_50] : memref<10240xf32, #tpu.memory_space<vmem_shared>> -> memref<64xf32, #tpu.memory_space<vmem_shared>>
      %dma_start3A_101 = tpu.memref_slice %arg7[%add3A_50] : memref<10240xf32, #tpu.memory_space<vmem_shared>> -> memref<64xf32, #tpu.memory_space<vmem_shared>>
      tpu.enqueue_dma source(%arg5 : memref<64xf32, #tpu.memory_space<vmem>>) target(%dma_start3A_101 : memref<64xf32, #tpu.memory_space<vmem_shared>>) target_semaphore(%run_scoped3A : memref<!tpu.dma_semaphore, #tpu.memory_space<semaphore_mem>>)
      %dma_wait3A = tpu.memref_slice %arg7[%add3A_50] : memref<10240xf32, #tpu.memory_space<vmem_shared>> -> memref<64xf32, #tpu.memory_space<vmem_shared>>
      %dma_wait3A_102 = tpu.memref_slice %arg7[%add3A_50] : memref<10240xf32, #tpu.memory_space<vmem_shared>> -> memref<64xf32, #tpu.memory_space<vmem_shared>>
      tpu.wait_dma2 semaphore(%run_scoped3A : memref<!tpu.dma_semaphore, #tpu.memory_space<semaphore_mem>>) src(%arg5 : memref<64xf32, #tpu.memory_space<vmem>>) dst(%dma_wait3A_102 : memref<64xf32, #tpu.memory_space<vmem_shared>>)
      tpu.yield
    }) : () -> ()
    %mul3A_51 = arith.constant 640 : i32
    %mul3A_52 = arith.muli %arg1, %mul3A_51 : i32
    %add3A_53 = arith.constant 64 : i32
    %add3A_54 = arith.addi %mul3A_52, %add3A_53 : i32
    "tpu.region"() ({
      %run_scoped3A = tpu.sem_alloc : memref<!tpu.dma_semaphore, #tpu.memory_space<semaphore_mem>>
      %dma_start3A = tpu.memref_slice %arg7[%add3A_54] : memref<10240xf32, #tpu.memory_space<vmem_shared>> -> memref<64xf32, #tpu.memory_space<vmem_shared>>
      %dma_start3A_101 = tpu.memref_slice %arg7[%add3A_54] : memref<10240xf32, #tpu.memory_space<vmem_shared>> -> memref<64xf32, #tpu.memory_space<vmem_shared>>
      tpu.enqueue_dma source(%arg5 : memref<64xf32, #tpu.memory_space<vmem>>) target(%dma_start3A_101 : memref<64xf32, #tpu.memory_space<vmem_shared>>) target_semaphore(%run_scoped3A : memref<!tpu.dma_semaphore, #tpu.memory_space<semaphore_mem>>)
      %dma_wait3A = tpu.memref_slice %arg7[%add3A_54] : memref<10240xf32, #tpu.memory_space<vmem_shared>> -> memref<64xf32, #tpu.memory_space<vmem_shared>>
      %dma_wait3A_102 = tpu.memref_slice %arg7[%add3A_54] : memref<10240xf32, #tpu.memory_space<vmem_shared>> -> memref<64xf32, #tpu.memory_space<vmem_shared>>
      tpu.wait_dma2 semaphore(%run_scoped3A : memref<!tpu.dma_semaphore, #tpu.memory_space<semaphore_mem>>) src(%arg5 : memref<64xf32, #tpu.memory_space<vmem>>) dst(%dma_wait3A_102 : memref<64xf32, #tpu.memory_space<vmem_shared>>)
      tpu.yield
    }) : () -> ()
    %mul3A_55 = arith.constant 640 : i32
    %mul3A_56 = arith.muli %arg1, %mul3A_55 : i32
    %add3A_57 = arith.constant 128 : i32
    %add3A_58 = arith.addi %mul3A_56, %add3A_57 : i32
    "tpu.region"() ({
      %run_scoped3A = tpu.sem_alloc : memref<!tpu.dma_semaphore, #tpu.memory_space<semaphore_mem>>
      %dma_start3A = tpu.memref_slice %arg7[%add3A_58] : memref<10240xf32, #tpu.memory_space<vmem_shared>> -> memref<64xf32, #tpu.memory_space<vmem_shared>>
      %dma_start3A_101 = tpu.memref_slice %arg7[%add3A_58] : memref<10240xf32, #tpu.memory_space<vmem_shared>> -> memref<64xf32, #tpu.memory_space<vmem_shared>>
      tpu.enqueue_dma source(%arg5 : memref<64xf32, #tpu.memory_space<vmem>>) target(%dma_start3A_101 : memref<64xf32, #tpu.memory_space<vmem_shared>>) target_semaphore(%run_scoped3A : memref<!tpu.dma_semaphore, #tpu.memory_space<semaphore_mem>>)
      %dma_wait3A = tpu.memref_slice %arg7[%add3A_58] : memref<10240xf32, #tpu.memory_space<vmem_shared>> -> memref<64xf32, #tpu.memory_space<vmem_shared>>
      %dma_wait3A_102 = tpu.memref_slice %arg7[%add3A_58] : memref<10240xf32, #tpu.memory_space<vmem_shared>> -> memref<64xf32, #tpu.memory_space<vmem_shared>>
      tpu.wait_dma2 semaphore(%run_scoped3A : memref<!tpu.dma_semaphore, #tpu.memory_space<semaphore_mem>>) src(%arg5 : memref<64xf32, #tpu.memory_space<vmem>>) dst(%dma_wait3A_102 : memref<64xf32, #tpu.memory_space<vmem_shared>>)
      tpu.yield
    }) : () -> ()
    %mul3A_59 = arith.constant 640 : i32
    %mul3A_60 = arith.muli %arg1, %mul3A_59 : i32
    %add3A_61 = arith.constant 192 : i32
    %add3A_62 = arith.addi %mul3A_60, %add3A_61 : i32
    "tpu.region"() ({
      %run_scoped3A = tpu.sem_alloc : memref<!tpu.dma_semaphore, #tpu.memory_space<semaphore_mem>>
      %dma_start3A = tpu.memref_slice %arg7[%add3A_62] : memref<10240xf32, #tpu.memory_space<vmem_shared>> -> memref<64xf32, #tpu.memory_space<vmem_shared>>
      %dma_start3A_101 = tpu.memref_slice %arg7[%add3A_62] : memref<10240xf32, #tpu.memory_space<vmem_shared>> -> memref<64xf32, #tpu.memory_space<vmem_shared>>
      tpu.enqueue_dma source(%arg5 : memref<64xf32, #tpu.memory_space<vmem>>) target(%dma_start3A_101 : memref<64xf32, #tpu.memory_space<vmem_shared>>) target_semaphore(%run_scoped3A : memref<!tpu.dma_semaphore, #tpu.memory_space<semaphore_mem>>)
      %dma_wait3A = tpu.memref_slice %arg7[%add3A_62] : memref<10240xf32, #tpu.memory_space<vmem_shared>> -> memref<64xf32, #tpu.memory_space<vmem_shared>>
      %dma_wait3A_102 = tpu.memref_slice %arg7[%add3A_62] : memref<10240xf32, #tpu.memory_space<vmem_shared>> -> memref<64xf32, #tpu.memory_space<vmem_shared>>
      tpu.wait_dma2 semaphore(%run_scoped3A : memref<!tpu.dma_semaphore, #tpu.memory_space<semaphore_mem>>) src(%arg5 : memref<64xf32, #tpu.memory_space<vmem>>) dst(%dma_wait3A_102 : memref<64xf32, #tpu.memory_space<vmem_shared>>)
      tpu.yield
    }) : () -> ()
    %mul3A_63 = arith.constant 640 : i32
    %mul3A_64 = arith.muli %arg1, %mul3A_63 : i32
    %add3A_65 = arith.constant 256 : i32
    %add3A_66 = arith.addi %mul3A_64, %add3A_65 : i32
    "tpu.region"() ({
      %run_scoped3A = tpu.sem_alloc : memref<!tpu.dma_semaphore, #tpu.memory_space<semaphore_mem>>
      %dma_start3A = tpu.memref_slice %arg7[%add3A_66] : memref<10240xf32, #tpu.memory_space<vmem_shared>> -> memref<64xf32, #tpu.memory_space<vmem_shared>>
      %dma_start3A_101 = tpu.memref_slice %arg7[%add3A_66] : memref<10240xf32, #tpu.memory_space<vmem_shared>> -> memref<64xf32, #tpu.memory_space<vmem_shared>>
      tpu.enqueue_dma source(%arg5 : memref<64xf32, #tpu.memory_space<vmem>>) target(%dma_start3A_101 : memref<64xf32, #tpu.memory_space<vmem_shared>>) target_semaphore(%run_scoped3A : memref<!tpu.dma_semaphore, #tpu.memory_space<semaphore_mem>>)
      %dma_wait3A = tpu.memref_slice %arg7[%add3A_66] : memref<10240xf32, #tpu.memory_space<vmem_shared>> -> memref<64xf32, #tpu.memory_space<vmem_shared>>
      %dma_wait3A_102 = tpu.memref_slice %arg7[%add3A_66] : memref<10240xf32, #tpu.memory_space<vmem_shared>> -> memref<64xf32, #tpu.memory_space<vmem_shared>>
      tpu.wait_dma2 semaphore(%run_scoped3A : memref<!tpu.dma_semaphore, #tpu.memory_space<semaphore_mem>>) src(%arg5 : memref<64xf32, #tpu.memory_space<vmem>>) dst(%dma_wait3A_102 : memref<64xf32, #tpu.memory_space<vmem_shared>>)
      tpu.yield
    }) : () -> ()
    %mul3A_67 = arith.constant 640 : i32
    %mul3A_68 = arith.muli %arg1, %mul3A_67 : i32
    %add3A_69 = arith.constant 320 : i32
    %add3A_70 = arith.addi %mul3A_68, %add3A_69 : i32
    "tpu.region"() ({
      %run_scoped3A = tpu.sem_alloc : memref<!tpu.dma_semaphore, #tpu.memory_space<semaphore_mem>>
      %dma_start3A = tpu.memref_slice %arg7[%add3A_70] : memref<10240xf32, #tpu.memory_space<vmem_shared>> -> memref<64xf32, #tpu.memory_space<vmem_shared>>
      %dma_start3A_101 = tpu.memref_slice %arg7[%add3A_70] : memref<10240xf32, #tpu.memory_space<vmem_shared>> -> memref<64xf32, #tpu.memory_space<vmem_shared>>
      tpu.enqueue_dma source(%arg5 : memref<64xf32, #tpu.memory_space<vmem>>) target(%dma_start3A_101 : memref<64xf32, #tpu.memory_space<vmem_shared>>) target_semaphore(%run_scoped3A : memref<!tpu.dma_semaphore, #tpu.memory_space<semaphore_mem>>)
      %dma_wait3A = tpu.memref_slice %arg7[%add3A_70] : memref<10240xf32, #tpu.memory_space<vmem_shared>> -> memref<64xf32, #tpu.memory_space<vmem_shared>>
      %dma_wait3A_102 = tpu.memref_slice %arg7[%add3A_70] : memref<10240xf32, #tpu.memory_space<vmem_shared>> -> memref<64xf32, #tpu.memory_space<vmem_shared>>
      tpu.wait_dma2 semaphore(%run_scoped3A : memref<!tpu.dma_semaphore, #tpu.memory_space<semaphore_mem>>) src(%arg5 : memref<64xf32, #tpu.memory_space<vmem>>) dst(%dma_wait3A_102 : memref<64xf32, #tpu.memory_space<vmem_shared>>)
      tpu.yield
    }) : () -> ()
    %mul3A_71 = arith.constant 640 : i32
    %mul3A_72 = arith.muli %arg1, %mul3A_71 : i32
    %add3A_73 = arith.constant 384 : i32
    %add3A_74 = arith.addi %mul3A_72, %add3A_73 : i32
    "tpu.region"() ({
      %run_scoped3A = tpu.sem_alloc : memref<!tpu.dma_semaphore, #tpu.memory_space<semaphore_mem>>
      %dma_start3A = tpu.memref_slice %arg7[%add3A_74] : memref<10240xf32, #tpu.memory_space<vmem_shared>> -> memref<64xf32, #tpu.memory_space<vmem_shared>>
      %dma_start3A_101 = tpu.memref_slice %arg7[%add3A_74] : memref<10240xf32, #tpu.memory_space<vmem_shared>> -> memref<64xf32, #tpu.memory_space<vmem_shared>>
      tpu.enqueue_dma source(%arg5 : memref<64xf32, #tpu.memory_space<vmem>>) target(%dma_start3A_101 : memref<64xf32, #tpu.memory_space<vmem_shared>>) target_semaphore(%run_scoped3A : memref<!tpu.dma_semaphore, #tpu.memory_space<semaphore_mem>>)
      %dma_wait3A = tpu.memref_slice %arg7[%add3A_74] : memref<10240xf32, #tpu.memory_space<vmem_shared>> -> memref<64xf32, #tpu.memory_space<vmem_shared>>
      %dma_wait3A_102 = tpu.memref_slice %arg7[%add3A_74] : memref<10240xf32, #tpu.memory_space<vmem_shared>> -> memref<64xf32, #tpu.memory_space<vmem_shared>>
      tpu.wait_dma2 semaphore(%run_scoped3A : memref<!tpu.dma_semaphore, #tpu.memory_space<semaphore_mem>>) src(%arg5 : memref<64xf32, #tpu.memory_space<vmem>>) dst(%dma_wait3A_102 : memref<64xf32, #tpu.memory_space<vmem_shared>>)
      tpu.yield
    }) : () -> ()
    %mul3A_75 = arith.constant 640 : i32
    %mul3A_76 = arith.muli %arg1, %mul3A_75 : i32
    %add3A_77 = arith.constant 448 : i32
    %add3A_78 = arith.addi %mul3A_76, %add3A_77 : i32
    "tpu.region"() ({
      %run_scoped3A = tpu.sem_alloc : memref<!tpu.dma_semaphore, #tpu.memory_space<semaphore_mem>>
      %dma_start3A = tpu.memref_slice %arg7[%add3A_78] : memref<10240xf32, #tpu.memory_space<vmem_shared>> -> memref<64xf32, #tpu.memory_space<vmem_shared>>
      %dma_start3A_101 = tpu.memref_slice %arg7[%add3A_78] : memref<10240xf32, #tpu.memory_space<vmem_shared>> -> memref<64xf32, #tpu.memory_space<vmem_shared>>
      tpu.enqueue_dma source(%arg5 : memref<64xf32, #tpu.memory_space<vmem>>) target(%dma_start3A_101 : memref<64xf32, #tpu.memory_space<vmem_shared>>) target_semaphore(%run_scoped3A : memref<!tpu.dma_semaphore, #tpu.memory_space<semaphore_mem>>)
      %dma_wait3A = tpu.memref_slice %arg7[%add3A_78] : memref<10240xf32, #tpu.memory_space<vmem_shared>> -> memref<64xf32, #tpu.memory_space<vmem_shared>>
      %dma_wait3A_102 = tpu.memref_slice %arg7[%add3A_78] : memref<10240xf32, #tpu.memory_space<vmem_shared>> -> memref<64xf32, #tpu.memory_space<vmem_shared>>
      tpu.wait_dma2 semaphore(%run_scoped3A : memref<!tpu.dma_semaphore, #tpu.memory_space<semaphore_mem>>) src(%arg5 : memref<64xf32, #tpu.memory_space<vmem>>) dst(%dma_wait3A_102 : memref<64xf32, #tpu.memory_space<vmem_shared>>)
      tpu.yield
    }) : () -> ()
    %mul3A_79 = arith.constant 640 : i32
    %mul3A_80 = arith.muli %arg1, %mul3A_79 : i32
    %add3A_81 = arith.constant 512 : i32
    %add3A_82 = arith.addi %mul3A_80, %add3A_81 : i32
    "tpu.region"() ({
      %run_scoped3A = tpu.sem_alloc : memref<!tpu.dma_semaphore, #tpu.memory_space<semaphore_mem>>
      %dma_start3A = tpu.memref_slice %arg7[%add3A_82] : memref<10240xf32, #tpu.memory_space<vmem_shared>> -> memref<64xf32, #tpu.memory_space<vmem_shared>>
      %dma_start3A_101 = tpu.memref_slice %arg7[%add3A_82] : memref<10240xf32, #tpu.memory_space<vmem_shared>> -> memref<64xf32, #tpu.memory_space<vmem_shared>>
      tpu.enqueue_dma source(%arg5 : memref<64xf32, #tpu.memory_space<vmem>>) target(%dma_start3A_101 : memref<64xf32, #tpu.memory_space<vmem_shared>>) target_semaphore(%run_scoped3A : memref<!tpu.dma_semaphore, #tpu.memory_space<semaphore_mem>>)
      %dma_wait3A = tpu.memref_slice %arg7[%add3A_82] : memref<10240xf32, #tpu.memory_space<vmem_shared>> -> memref<64xf32, #tpu.memory_space<vmem_shared>>
      %dma_wait3A_102 = tpu.memref_slice %arg7[%add3A_82] : memref<10240xf32, #tpu.memory_space<vmem_shared>> -> memref<64xf32, #tpu.memory_space<vmem_shared>>
      tpu.wait_dma2 semaphore(%run_scoped3A : memref<!tpu.dma_semaphore, #tpu.memory_space<semaphore_mem>>) src(%arg5 : memref<64xf32, #tpu.memory_space<vmem>>) dst(%dma_wait3A_102 : memref<64xf32, #tpu.memory_space<vmem_shared>>)
      tpu.yield
    }) : () -> ()
    %mul3A_83 = arith.constant 640 : i32
    %mul3A_84 = arith.muli %arg1, %mul3A_83 : i32
    %add3A_85 = arith.constant 576 : i32
    %add3A_86 = arith.addi %mul3A_84, %add3A_85 : i32
    "tpu.region"() ({
      %run_scoped3A = tpu.sem_alloc : memref<!tpu.dma_semaphore, #tpu.memory_space<semaphore_mem>>
      %dma_start3A = tpu.memref_slice %arg7[%add3A_86] : memref<10240xf32, #tpu.memory_space<vmem_shared>> -> memref<64xf32, #tpu.memory_space<vmem_shared>>
      %dma_start3A_101 = tpu.memref_slice %arg7[%add3A_86] : memref<10240xf32, #tpu.memory_space<vmem_shared>> -> memref<64xf32, #tpu.memory_space<vmem_shared>>
      tpu.enqueue_dma source(%arg5 : memref<64xf32, #tpu.memory_space<vmem>>) target(%dma_start3A_101 : memref<64xf32, #tpu.memory_space<vmem_shared>>) target_semaphore(%run_scoped3A : memref<!tpu.dma_semaphore, #tpu.memory_space<semaphore_mem>>)
      %dma_wait3A = tpu.memref_slice %arg7[%add3A_86] : memref<10240xf32, #tpu.memory_space<vmem_shared>> -> memref<64xf32, #tpu.memory_space<vmem_shared>>
      %dma_wait3A_102 = tpu.memref_slice %arg7[%add3A_86] : memref<10240xf32, #tpu.memory_space<vmem_shared>> -> memref<64xf32, #tpu.memory_space<vmem_shared>>
      tpu.wait_dma2 semaphore(%run_scoped3A : memref<!tpu.dma_semaphore, #tpu.memory_space<semaphore_mem>>) src(%arg5 : memref<64xf32, #tpu.memory_space<vmem>>) dst(%dma_wait3A_102 : memref<64xf32, #tpu.memory_space<vmem_shared>>)
      tpu.yield
    }) : () -> ()
    "tpu.region"() ({
      %run_scoped3A = tpu.sem_alloc : memref<!tpu.dma_semaphore, #tpu.memory_space<semaphore_mem>>
      %dma_start3A = arith.constant 0 : i32
      %dma_start3A_101 = arith.constant 0 : i32
      %dma_start3A_102 = tpu.memref_slice %arg2[%add3A, %dma_start3A, %dma_start3A_101] : memref<32x160x64xi32, #tpu.memory_space<hbm>> -> memref<1x160x64xi32, #tpu.memory_space<hbm>>
      %dma_start3A_103 = tpu.memref_squeeze %dma_start3A_102 : memref<1x160x64xi32, #tpu.memory_space<hbm>> -> memref<160x64xi32, #tpu.memory_space<hbm>>
      %dma_start3A_104 = arith.constant 0 : i32
      %dma_start3A_105 = arith.constant 0 : i32
      %dma_start3A_106 = tpu.memref_slice %arg2[%add3A, %dma_start3A_104, %dma_start3A_105] : memref<32x160x64xi32, #tpu.memory_space<hbm>> -> memref<1x160x64xi32, #tpu.memory_space<hbm>>
      %dma_start3A_107 = tpu.memref_squeeze %dma_start3A_106 : memref<1x160x64xi32, #tpu.memory_space<hbm>> -> memref<160x64xi32, #tpu.memory_space<hbm>>
      tpu.enqueue_dma source(%dma_start3A_107 : memref<160x64xi32, #tpu.memory_space<hbm>>) target(%arg6 : memref<160x64xi32, #tpu.memory_space<vmem>>) target_semaphore(%run_scoped3A : memref<!tpu.dma_semaphore, #tpu.memory_space<semaphore_mem>>)
      %dma_wait3A = arith.constant 0 : i32
      %dma_wait3A_108 = arith.constant 0 : i32
      %dma_wait3A_109 = tpu.memref_slice %arg2[%add3A, %dma_wait3A, %dma_wait3A_108] : memref<32x160x64xi32, #tpu.memory_space<hbm>> -> memref<1x160x64xi32, #tpu.memory_space<hbm>>
      %dma_wait3A_110 = tpu.memref_squeeze %dma_wait3A_109 : memref<1x160x64xi32, #tpu.memory_space<hbm>> -> memref<160x64xi32, #tpu.memory_space<hbm>>
      %dma_wait3A_111 = arith.constant 0 : i32
      %dma_wait3A_112 = arith.constant 0 : i32
      %dma_wait3A_113 = tpu.memref_slice %arg2[%add3A, %dma_wait3A_111, %dma_wait3A_112] : memref<32x160x64xi32, #tpu.memory_space<hbm>> -> memref<1x160x64xi32, #tpu.memory_space<hbm>>
      %dma_wait3A_114 = tpu.memref_squeeze %dma_wait3A_113 : memref<1x160x64xi32, #tpu.memory_space<hbm>> -> memref<160x64xi32, #tpu.memory_space<hbm>>
      tpu.wait_dma2 semaphore(%run_scoped3A : memref<!tpu.dma_semaphore, #tpu.memory_space<semaphore_mem>>) src(%dma_wait3A_114 : memref<160x64xi32, #tpu.memory_space<hbm>>) dst(%arg6 : memref<160x64xi32, #tpu.memory_space<vmem>>)
      tpu.yield
    }) : () -> ()
    %barrier3A = arith.constant 0 : index
    tpu.barrier barrier_id(%barrier3A)
    %scan3A = arith.constant 0 : i32
    %scan3A_87 = arith.constant 160 : i32
    %scan3A_88 = arith.addi %scan3A, %scan3A_87 : i32
    %scan3A_89 = arith.constant 1 : i32
    scf.for %scan3A_101 = %scan3A to %scan3A_88 step %scan3A_89  : i32 {
      %mul3A_102 = arith.constant 1 : i32
      %mul3A_103 = arith.muli %scan3A_101, %mul3A_102 : i32
      %add3A_104 = arith.constant 0 : i32
      %add3A_105 = arith.addi %add3A_104, %mul3A_103 : i32
      %dma_start3A = arith.constant 0 : i32
      %dma_start3A_106 = tpu.memref_slice %arg6[%add3A_105, %dma_start3A] : memref<160x64xi32, #tpu.memory_space<vmem>> -> memref<1x64xi32, #tpu.memory_space<vmem>>
      %dma_start3A_107 = tpu.memref_squeeze %dma_start3A_106 : memref<1x64xi32, #tpu.memory_space<vmem>> -> memref<64xi32, #tpu.memory_space<vmem>>
      %dma_start3A_108 = arith.constant 0 : i32
      %dma_start3A_109 = tpu.memref_slice %arg7[%dma_start3A_108] : memref<10240xf32, #tpu.memory_space<vmem_shared>> -> memref<10240xf32, #tpu.memory_space<vmem_shared>>
      tpu.enqueue_indirect_dma source(%arg4 : memref<64xf32, #tpu.memory_space<vmem>>) target(%dma_start3A_109 : memref<10240xf32, #tpu.memory_space<vmem_shared>>) offsets(%dma_start3A_107 : memref<64xi32, #tpu.memory_space<vmem>>) semaphore(%arg8 : memref<!tpu.dma_semaphore, #tpu.memory_space<semaphore_mem>>) {add = true}
    }
    %scan3A_90 = arith.constant 160 : i32
    %scan3A_91 = arith.constant 0 : i32
    %scan3A_92 = arith.constant 160 : i32
    %scan3A_93 = arith.addi %scan3A_91, %scan3A_92 : i32
    %scan3A_94 = arith.constant 1 : i32
    scf.for %scan3A_101 = %scan3A_91 to %scan3A_93 step %scan3A_94  : i32 {
      %mul3A_102 = arith.constant 1 : i32
      %mul3A_103 = arith.muli %scan3A_101, %mul3A_102 : i32
      %add3A_104 = arith.constant 0 : i32
      %add3A_105 = arith.addi %add3A_104, %mul3A_103 : i32
      %dma_wait3A = arith.constant 0 : i32
      %dma_wait3A_106 = arith.constant 0 : i32
      %dma_wait3A_107 = tpu.memref_slice %arg6[%dma_wait3A, %dma_wait3A_106] : memref<160x64xi32, #tpu.memory_space<vmem>> -> memref<1x64xi32, #tpu.memory_space<vmem>>
      %dma_wait3A_108 = tpu.memref_squeeze %dma_wait3A_107 : memref<1x64xi32, #tpu.memory_space<vmem>> -> memref<64xi32, #tpu.memory_space<vmem>>
      %dma_wait3A_109 = arith.constant 0 : i32
      %dma_wait3A_110 = tpu.memref_slice %arg7[%dma_wait3A_109] : memref<10240xf32, #tpu.memory_space<vmem_shared>> -> memref<10240xf32, #tpu.memory_space<vmem_shared>>
      tpu.wait_indirect_dma semaphore(%arg8 : memref<!tpu.dma_semaphore, #tpu.memory_space<semaphore_mem>>) src(%arg4 : memref<64xf32, #tpu.memory_space<vmem>>) dst(%dma_wait3A_110 : memref<10240xf32, #tpu.memory_space<vmem_shared>>)
    }
    %scan3A_95 = arith.constant 160 : i32
    %barrier3A_96 = arith.constant 0 : index
    tpu.barrier barrier_id(%barrier3A_96)
    %mul3A_97 = arith.constant 640 : i32
    %mul3A_98 = arith.muli %arg1, %mul3A_97 : i32
    %mul3A_99 = arith.constant 640 : i32
    %mul3A_100 = arith.muli %arg1, %mul3A_99 : i32
    "tpu.region"() ({
      %run_scoped3A = tpu.sem_alloc : memref<!tpu.dma_semaphore, #tpu.memory_space<semaphore_mem>>
      %dma_start3A = tpu.memref_slice %arg3[%arg0, %mul3A_100] : memref<2x10240xf32, #tpu.memory_space<hbm>> -> memref<1x640xf32, #tpu.memory_space<hbm>>
      %dma_start3A_101 = tpu.memref_squeeze %dma_start3A : memref<1x640xf32, #tpu.memory_space<hbm>> -> memref<640xf32, #tpu.memory_space<hbm>>
      %dma_start3A_102 = tpu.memref_slice %arg7[%mul3A_98] : memref<10240xf32, #tpu.memory_space<vmem_shared>> -> memref<640xf32, #tpu.memory_space<vmem_shared>>
      tpu.enqueue_dma source(%dma_start3A_102 : memref<640xf32, #tpu.memory_space<vmem_shared>>) target(%dma_start3A_101 : memref<640xf32, #tpu.memory_space<hbm>>) target_semaphore(%run_scoped3A : memref<!tpu.dma_semaphore, #tpu.memory_space<semaphore_mem>>)
      %dma_wait3A = tpu.memref_slice %arg3[%arg0, %mul3A_100] : memref<2x10240xf32, #tpu.memory_space<hbm>> -> memref<1x640xf32, #tpu.memory_space<hbm>>
      %dma_wait3A_103 = tpu.memref_squeeze %dma_wait3A : memref<1x640xf32, #tpu.memory_space<hbm>> -> memref<640xf32, #tpu.memory_space<hbm>>
      %dma_wait3A_104 = tpu.memref_slice %arg7[%mul3A_98] : memref<10240xf32, #tpu.memory_space<vmem_shared>> -> memref<640xf32, #tpu.memory_space<vmem_shared>>
      tpu.wait_dma2 semaphore(%run_scoped3A : memref<!tpu.dma_semaphore, #tpu.memory_space<semaphore_mem>>) src(%dma_wait3A_104 : memref<640xf32, #tpu.memory_space<vmem_shared>>) dst(%dma_wait3A_103 : memref<640xf32, #tpu.memory_space<hbm>>)
      tpu.yield
    }) : () -> ()
    return
  }
}

#map = affine_map<(d0, d1) -> (0, 0)>
#map1 = affine_map<(d0, d1) -> (0, 0, 0)>
#map2 = affine_map<(d0, d1) -> (0)>
module attributes {stable_mosaic.version = 14 : i64} {
  func.func @_sc_aggregate(%arg0: i32, %arg1: i32, %arg2: memref<10240x128xf32, #tpu.memory_space<hbm>>, %arg3: memref<32x160x64xi32, #tpu.memory_space<hbm>>, %arg4: memref<32x160x64xi32, #tpu.memory_space<hbm>>, %arg5: memref<10240xf32, #tpu.memory_space<hbm>>, %arg6: memref<2x10240x128xf32, #tpu.memory_space<hbm>>, %arg7: memref<2x10240xf32, #tpu.memory_space<hbm>>, %arg8: memref<40x64xi32, #tpu.memory_space<vmem>>, %arg9: memref<40x64xi32, #tpu.memory_space<vmem>>, %arg10: memref<4x64x128xf32, #tpu.memory_space<vmem>>, %arg11: memref<4x64xf32, #tpu.memory_space<vmem>>, %arg12: memref<10240x128xf32, #tpu.memory_space<vmem_shared>>, %arg13: memref<10240xf32, #tpu.memory_space<vmem_shared>>, %arg14: memref<!tpu.dma_semaphore, #tpu.memory_space<semaphore_mem>>, %arg15: memref<!tpu.dma_semaphore, #tpu.memory_space<semaphore_mem>>, %arg16: memref<!tpu.dma_semaphore, #tpu.memory_space<semaphore_mem>>, %arg17: memref<!tpu.dma_semaphore, #tpu.memory_space<semaphore_mem>>, %arg18: memref<!tpu.dma_semaphore, #tpu.memory_space<semaphore_mem>>, %arg19: memref<!tpu.dma_semaphore, #tpu.memory_space<semaphore_mem>>, %arg20: memref<!tpu.dma_semaphore, #tpu.memory_space<semaphore_mem>>, %arg21: memref<!tpu.dma_semaphore, #tpu.memory_space<semaphore_mem>>) attributes {dimension_semantics = [#tpu.dimension_semantics<core_parallel>, #tpu.dimension_semantics<subcore_parallel>], iteration_bounds = array<i64: 2, 16>, scalar_prefetch = 0 : i64, scratch_operands = 14 : i64, tpu.core_type = #tpu.core_type<sc_vector_subcore>, window_params = [{transform_indices = #map}, {transform_indices = #map1}, {transform_indices = #map1}, {transform_indices = #map2}, {transform_indices = #map1}, {transform_indices = #map}]} {
    %mul3A = arith.constant 16 : i32
    %mul3A_0 = arith.muli %arg0, %mul3A : i32
    %add3A = arith.addi %mul3A_0, %arg1 : i32
    %scan3A = arith.constant 0 : i32
    %scan3A_1 = arith.constant 64 : i32
    %scan3A_2 = arith.addi %scan3A, %scan3A_1 : i32
    %scan3A_3 = arith.constant 1 : i32
    scf.for %scan3A_514 = %scan3A to %scan3A_2 step %scan3A_3  : i32 {
      %mul3A_515 = arith.constant 1 : i32
      %mul3A_516 = arith.muli %scan3A_514, %mul3A_515 : i32
      %add3A_517 = arith.constant 0 : i32
      %add3A_518 = arith.addi %add3A_517, %mul3A_516 : i32
      %broadcast_in_dim3A_519 = arith.constant 0.000000e+00 : f32
      %broadcast_in_dim3A_520 = vector.broadcast %broadcast_in_dim3A_519 : f32 to vector<16xf32>
      %swap3A_521 = arith.constant 0 : i32
      %swap3A_522 = arith.index_cast %swap3A_521 : i32 to index
      %swap3A_523 = arith.index_cast %add3A_518 : i32 to index
      %swap3A_524 = arith.constant 0 : index
      %swap3A_525 = tpu.vector_load %arg10[%swap3A_522, %swap3A_523, %swap3A_524] {strides = array<i32>} : memref<4x64x128xf32, #tpu.memory_space<vmem>>, vector<1x1x16xf32>,
      %swap3A_526 = vector.shape_cast %swap3A_525 : vector<1x1x16xf32> to vector<16xf32>
      %swap3A_527 = vector.shape_cast %broadcast_in_dim3A_520 : vector<16xf32> to vector<1x1x16xf32>
      tpu.vector_store %arg10[%swap3A_522, %swap3A_523, %swap3A_524], %swap3A_527 {strides = array<i32>} : memref<4x64x128xf32, #tpu.memory_space<vmem>>, vector<1x1x16xf32>,
      %broadcast_in_dim3A_528 = arith.constant 0.000000e+00 : f32
      %broadcast_in_dim3A_529 = vector.broadcast %broadcast_in_dim3A_528 : f32 to vector<16xf32>
      %swap3A_530 = arith.constant 0 : i32
      %swap3A_531 = arith.index_cast %swap3A_530 : i32 to index
      %swap3A_532 = arith.index_cast %add3A_518 : i32 to index
      %swap3A_533 = arith.constant 16 : index
      %swap3A_534 = tpu.vector_load %arg10[%swap3A_531, %swap3A_532, %swap3A_533] {strides = array<i32>} : memref<4x64x128xf32, #tpu.memory_space<vmem>>, vector<1x1x16xf32>,
      %swap3A_535 = vector.shape_cast %swap3A_534 : vector<1x1x16xf32> to vector<16xf32>
      %swap3A_536 = vector.shape_cast %broadcast_in_dim3A_529 : vector<16xf32> to vector<1x1x16xf32>
      tpu.vector_store %arg10[%swap3A_531, %swap3A_532, %swap3A_533], %swap3A_536 {strides = array<i32>} : memref<4x64x128xf32, #tpu.memory_space<vmem>>, vector<1x1x16xf32>,
      %broadcast_in_dim3A_537 = arith.constant 0.000000e+00 : f32
      %broadcast_in_dim3A_538 = vector.broadcast %broadcast_in_dim3A_537 : f32 to vector<16xf32>
      %swap3A_539 = arith.constant 0 : i32
      %swap3A_540 = arith.index_cast %swap3A_539 : i32 to index
      %swap3A_541 = arith.index_cast %add3A_518 : i32 to index
      %swap3A_542 = arith.constant 32 : index
      %swap3A_543 = tpu.vector_load %arg10[%swap3A_540, %swap3A_541, %swap3A_542] {strides = array<i32>} : memref<4x64x128xf32, #tpu.memory_space<vmem>>, vector<1x1x16xf32>,
      %swap3A_544 = vector.shape_cast %swap3A_543 : vector<1x1x16xf32> to vector<16xf32>
      %swap3A_545 = vector.shape_cast %broadcast_in_dim3A_538 : vector<16xf32> to vector<1x1x16xf32>
      tpu.vector_store %arg10[%swap3A_540, %swap3A_541, %swap3A_542], %swap3A_545 {strides = array<i32>} : memref<4x64x128xf32, #tpu.memory_space<vmem>>, vector<1x1x16xf32>,
      %broadcast_in_dim3A_546 = arith.constant 0.000000e+00 : f32
      %broadcast_in_dim3A_547 = vector.broadcast %broadcast_in_dim3A_546 : f32 to vector<16xf32>
      %swap3A_548 = arith.constant 0 : i32
      %swap3A_549 = arith.index_cast %swap3A_548 : i32 to index
      %swap3A_550 = arith.index_cast %add3A_518 : i32 to index
      %swap3A_551 = arith.constant 48 : index
      %swap3A_552 = tpu.vector_load %arg10[%swap3A_549, %swap3A_550, %swap3A_551] {strides = array<i32>} : memref<4x64x128xf32, #tpu.memory_space<vmem>>, vector<1x1x16xf32>,
      %swap3A_553 = vector.shape_cast %swap3A_552 : vector<1x1x16xf32> to vector<16xf32>
      %swap3A_554 = vector.shape_cast %broadcast_in_dim3A_547 : vector<16xf32> to vector<1x1x16xf32>
      tpu.vector_store %arg10[%swap3A_549, %swap3A_550, %swap3A_551], %swap3A_554 {strides = array<i32>} : memref<4x64x128xf32, #tpu.memory_space<vmem>>, vector<1x1x16xf32>,
      %broadcast_in_dim3A_555 = arith.constant 0.000000e+00 : f32
      %broadcast_in_dim3A_556 = vector.broadcast %broadcast_in_dim3A_555 : f32 to vector<16xf32>
      %swap3A_557 = arith.constant 0 : i32
      %swap3A_558 = arith.index_cast %swap3A_557 : i32 to index
      %swap3A_559 = arith.index_cast %add3A_518 : i32 to index
      %swap3A_560 = arith.constant 64 : index
      %swap3A_561 = tpu.vector_load %arg10[%swap3A_558, %swap3A_559, %swap3A_560] {strides = array<i32>} : memref<4x64x128xf32, #tpu.memory_space<vmem>>, vector<1x1x16xf32>,
      %swap3A_562 = vector.shape_cast %swap3A_561 : vector<1x1x16xf32> to vector<16xf32>
      %swap3A_563 = vector.shape_cast %broadcast_in_dim3A_556 : vector<16xf32> to vector<1x1x16xf32>
      tpu.vector_store %arg10[%swap3A_558, %swap3A_559, %swap3A_560], %swap3A_563 {strides = array<i32>} : memref<4x64x128xf32, #tpu.memory_space<vmem>>, vector<1x1x16xf32>,
      %broadcast_in_dim3A_564 = arith.constant 0.000000e+00 : f32
      %broadcast_in_dim3A_565 = vector.broadcast %broadcast_in_dim3A_564 : f32 to vector<16xf32>
      %swap3A_566 = arith.constant 0 : i32
      %swap3A_567 = arith.index_cast %swap3A_566 : i32 to index
      %swap3A_568 = arith.index_cast %add3A_518 : i32 to index
      %swap3A_569 = arith.constant 80 : index
      %swap3A_570 = tpu.vector_load %arg10[%swap3A_567, %swap3A_568, %swap3A_569] {strides = array<i32>} : memref<4x64x128xf32, #tpu.memory_space<vmem>>, vector<1x1x16xf32>,
      %swap3A_571 = vector.shape_cast %swap3A_570 : vector<1x1x16xf32> to vector<16xf32>
      %swap3A_572 = vector.shape_cast %broadcast_in_dim3A_565 : vector<16xf32> to vector<1x1x16xf32>
      tpu.vector_store %arg10[%swap3A_567, %swap3A_568, %swap3A_569], %swap3A_572 {strides = array<i32>} : memref<4x64x128xf32, #tpu.memory_space<vmem>>, vector<1x1x16xf32>,
      %broadcast_in_dim3A_573 = arith.constant 0.000000e+00 : f32
      %broadcast_in_dim3A_574 = vector.broadcast %broadcast_in_dim3A_573 : f32 to vector<16xf32>
      %swap3A_575 = arith.constant 0 : i32
      %swap3A_576 = arith.index_cast %swap3A_575 : i32 to index
      %swap3A_577 = arith.index_cast %add3A_518 : i32 to index
      %swap3A_578 = arith.constant 96 : index
      %swap3A_579 = tpu.vector_load %arg10[%swap3A_576, %swap3A_577, %swap3A_578] {strides = array<i32>} : memref<4x64x128xf32, #tpu.memory_space<vmem>>, vector<1x1x16xf32>,
      %swap3A_580 = vector.shape_cast %swap3A_579 : vector<1x1x16xf32> to vector<16xf32>
      %swap3A_581 = vector.shape_cast %broadcast_in_dim3A_574 : vector<16xf32> to vector<1x1x16xf32>
      tpu.vector_store %arg10[%swap3A_576, %swap3A_577, %swap3A_578], %swap3A_581 {strides = array<i32>} : memref<4x64x128xf32, #tpu.memory_space<vmem>>, vector<1x1x16xf32>,
      %broadcast_in_dim3A_582 = arith.constant 0.000000e+00 : f32
      %broadcast_in_dim3A_583 = vector.broadcast %broadcast_in_dim3A_582 : f32 to vector<16xf32>
      %swap3A_584 = arith.constant 0 : i32
      %swap3A_585 = arith.index_cast %swap3A_584 : i32 to index
      %swap3A_586 = arith.index_cast %add3A_518 : i32 to index
      %swap3A_587 = arith.constant 112 : index
      %swap3A_588 = tpu.vector_load %arg10[%swap3A_585, %swap3A_586, %swap3A_587] {strides = array<i32>} : memref<4x64x128xf32, #tpu.memory_space<vmem>>, vector<1x1x16xf32>,
      %swap3A_589 = vector.shape_cast %swap3A_588 : vector<1x1x16xf32> to vector<16xf32>
      %swap3A_590 = vector.shape_cast %broadcast_in_dim3A_583 : vector<16xf32> to vector<1x1x16xf32>
      tpu.vector_store %arg10[%swap3A_585, %swap3A_586, %swap3A_587], %swap3A_590 {strides = array<i32>} : memref<4x64x128xf32, #tpu.memory_space<vmem>>, vector<1x1x16xf32>,
    }
    %scan3A_4 = arith.constant 64 : i32
    %broadcast_in_dim3A = arith.constant 0.000000e+00 : f32
    %broadcast_in_dim3A_5 = vector.broadcast %broadcast_in_dim3A : f32 to vector<16xf32>
    %swap3A = arith.constant 0 : i32
    %swap3A_6 = arith.index_cast %swap3A : i32 to index
    %swap3A_7 = arith.constant 0 : index
    %swap3A_8 = tpu.vector_load %arg11[%swap3A_6, %swap3A_7] {strides = array<i32>} : memref<4x64xf32, #tpu.memory_space<vmem>>, vector<1x16xf32>,
    %swap3A_9 = vector.shape_cast %swap3A_8 : vector<1x16xf32> to vector<16xf32>
    %swap3A_10 = vector.shape_cast %broadcast_in_dim3A_5 : vector<16xf32> to vector<1x16xf32>
    tpu.vector_store %arg11[%swap3A_6, %swap3A_7], %swap3A_10 {strides = array<i32>} : memref<4x64xf32, #tpu.memory_space<vmem>>, vector<1x16xf32>,
    %broadcast_in_dim3A_11 = arith.constant 0.000000e+00 : f32
    %broadcast_in_dim3A_12 = vector.broadcast %broadcast_in_dim3A_11 : f32 to vector<16xf32>
    %swap3A_13 = arith.constant 0 : i32
    %swap3A_14 = arith.index_cast %swap3A_13 : i32 to index
    %swap3A_15 = arith.constant 16 : index
    %swap3A_16 = tpu.vector_load %arg11[%swap3A_14, %swap3A_15] {strides = array<i32>} : memref<4x64xf32, #tpu.memory_space<vmem>>, vector<1x16xf32>,
    %swap3A_17 = vector.shape_cast %swap3A_16 : vector<1x16xf32> to vector<16xf32>
    %swap3A_18 = vector.shape_cast %broadcast_in_dim3A_12 : vector<16xf32> to vector<1x16xf32>
    tpu.vector_store %arg11[%swap3A_14, %swap3A_15], %swap3A_18 {strides = array<i32>} : memref<4x64xf32, #tpu.memory_space<vmem>>, vector<1x16xf32>,
    %broadcast_in_dim3A_19 = arith.constant 0.000000e+00 : f32
    %broadcast_in_dim3A_20 = vector.broadcast %broadcast_in_dim3A_19 : f32 to vector<16xf32>
    %swap3A_21 = arith.constant 0 : i32
    %swap3A_22 = arith.index_cast %swap3A_21 : i32 to index
    %swap3A_23 = arith.constant 32 : index
    %swap3A_24 = tpu.vector_load %arg11[%swap3A_22, %swap3A_23] {strides = array<i32>} : memref<4x64xf32, #tpu.memory_space<vmem>>, vector<1x16xf32>,
    %swap3A_25 = vector.shape_cast %swap3A_24 : vector<1x16xf32> to vector<16xf32>
    %swap3A_26 = vector.shape_cast %broadcast_in_dim3A_20 : vector<16xf32> to vector<1x16xf32>
    tpu.vector_store %arg11[%swap3A_22, %swap3A_23], %swap3A_26 {strides = array<i32>} : memref<4x64xf32, #tpu.memory_space<vmem>>, vector<1x16xf32>,
    %broadcast_in_dim3A_27 = arith.constant 0.000000e+00 : f32
    %broadcast_in_dim3A_28 = vector.broadcast %broadcast_in_dim3A_27 : f32 to vector<16xf32>
    %swap3A_29 = arith.constant 0 : i32
    %swap3A_30 = arith.index_cast %swap3A_29 : i32 to index
    %swap3A_31 = arith.constant 48 : index
    %swap3A_32 = tpu.vector_load %arg11[%swap3A_30, %swap3A_31] {strides = array<i32>} : memref<4x64xf32, #tpu.memory_space<vmem>>, vector<1x16xf32>,
    %swap3A_33 = vector.shape_cast %swap3A_32 : vector<1x16xf32> to vector<16xf32>
    %swap3A_34 = vector.shape_cast %broadcast_in_dim3A_28 : vector<16xf32> to vector<1x16xf32>
    tpu.vector_store %arg11[%swap3A_30, %swap3A_31], %swap3A_34 {strides = array<i32>} : memref<4x64xf32, #tpu.memory_space<vmem>>, vector<1x16xf32>,
    %mul3A_35 = arith.constant 640 : i32
    %mul3A_36 = arith.muli %arg1, %mul3A_35 : i32
    %add3A_37 = arith.constant 0 : i32
    %add3A_38 = arith.addi %mul3A_36, %add3A_37 : i32
    %run_scoped3A = arith.constant 0 : i32
    "tpu.region"() ({
      %run_scoped3A_514 = tpu.sem_alloc : memref<!tpu.dma_semaphore, #tpu.memory_space<semaphore_mem>>
      %dma_start3A_515 = arith.constant 0 : i32
      %dma_start3A_516 = arith.constant 0 : i32
      %dma_start3A_517 = tpu.memref_slice %arg10[%run_scoped3A, %dma_start3A_515, %dma_start3A_516] : memref<4x64x128xf32, #tpu.memory_space<vmem>> -> memref<1x64x128xf32, #tpu.memory_space<vmem>>
      %dma_start3A_518 = tpu.memref_squeeze %dma_start3A_517 : memref<1x64x128xf32, #tpu.memory_space<vmem>> -> memref<64x128xf32, #tpu.memory_space<vmem>>
      %dma_start3A_519 = arith.constant 0 : i32
      %dma_start3A_520 = tpu.memref_slice %arg12[%add3A_38, %dma_start3A_519] : memref<10240x128xf32, #tpu.memory_space<vmem_shared>> -> memref<64x128xf32, #tpu.memory_space<vmem_shared>>
      %dma_start3A_521 = arith.constant 0 : i32
      %dma_start3A_522 = tpu.memref_slice %arg12[%add3A_38, %dma_start3A_521] : memref<10240x128xf32, #tpu.memory_space<vmem_shared>> -> memref<64x128xf32, #tpu.memory_space<vmem_shared>>
      %dma_start3A_523 = arith.constant 0 : i32
      %dma_start3A_524 = arith.constant 0 : i32
      %dma_start3A_525 = tpu.memref_slice %arg10[%run_scoped3A, %dma_start3A_523, %dma_start3A_524] : memref<4x64x128xf32, #tpu.memory_space<vmem>> -> memref<1x64x128xf32, #tpu.memory_space<vmem>>
      %dma_start3A_526 = tpu.memref_squeeze %dma_start3A_525 : memref<1x64x128xf32, #tpu.memory_space<vmem>> -> memref<64x128xf32, #tpu.memory_space<vmem>>
      tpu.enqueue_dma source(%dma_start3A_526 : memref<64x128xf32, #tpu.memory_space<vmem>>) target(%dma_start3A_522 : memref<64x128xf32, #tpu.memory_space<vmem_shared>>) target_semaphore(%run_scoped3A_514 : memref<!tpu.dma_semaphore, #tpu.memory_space<semaphore_mem>>)
      %dma_wait3A = arith.constant 0 : i32
      %dma_wait3A_527 = arith.constant 0 : i32
      %dma_wait3A_528 = tpu.memref_slice %arg10[%run_scoped3A, %dma_wait3A, %dma_wait3A_527] : memref<4x64x128xf32, #tpu.memory_space<vmem>> -> memref<1x64x128xf32, #tpu.memory_space<vmem>>
      %dma_wait3A_529 = tpu.memref_squeeze %dma_wait3A_528 : memref<1x64x128xf32, #tpu.memory_space<vmem>> -> memref<64x128xf32, #tpu.memory_space<vmem>>
      %dma_wait3A_530 = arith.constant 0 : i32
      %dma_wait3A_531 = tpu.memref_slice %arg12[%add3A_38, %dma_wait3A_530] : memref<10240x128xf32, #tpu.memory_space<vmem_shared>> -> memref<64x128xf32, #tpu.memory_space<vmem_shared>>
      %dma_wait3A_532 = arith.constant 0 : i32
      %dma_wait3A_533 = tpu.memref_slice %arg12[%add3A_38, %dma_wait3A_532] : memref<10240x128xf32, #tpu.memory_space<vmem_shared>> -> memref<64x128xf32, #tpu.memory_space<vmem_shared>>
      %dma_wait3A_534 = arith.constant 0 : i32
      %dma_wait3A_535 = arith.constant 0 : i32
      %dma_wait3A_536 = tpu.memref_slice %arg10[%run_scoped3A, %dma_wait3A_534, %dma_wait3A_535] : memref<4x64x128xf32, #tpu.memory_space<vmem>> -> memref<1x64x128xf32, #tpu.memory_space<vmem>>
      %dma_wait3A_537 = tpu.memref_squeeze %dma_wait3A_536 : memref<1x64x128xf32, #tpu.memory_space<vmem>> -> memref<64x128xf32, #tpu.memory_space<vmem>>
      tpu.wait_dma2 semaphore(%run_scoped3A_514 : memref<!tpu.dma_semaphore, #tpu.memory_space<semaphore_mem>>) src(%dma_wait3A_537 : memref<64x128xf32, #tpu.memory_space<vmem>>) dst(%dma_wait3A_533 : memref<64x128xf32, #tpu.memory_space<vmem_shared>>)
      tpu.yield
    }) : () -> ()
    %mul3A_39 = arith.constant 640 : i32
    %mul3A_40 = arith.muli %arg1, %mul3A_39 : i32
    %add3A_41 = arith.constant 0 : i32
    %add3A_42 = arith.addi %mul3A_40, %add3A_41 : i32
    %run_scoped3A_43 = arith.constant 0 : i32
    "tpu.region"() ({
      %run_scoped3A_514 = tpu.sem_alloc : memref<!tpu.dma_semaphore, #tpu.memory_space<semaphore_mem>>
      %dma_start3A_515 = arith.constant 0 : i32
      %dma_start3A_516 = tpu.memref_slice %arg11[%run_scoped3A_43, %dma_start3A_515] : memref<4x64xf32, #tpu.memory_space<vmem>> -> memref<1x64xf32, #tpu.memory_space<vmem>>
      %dma_start3A_517 = tpu.memref_squeeze %dma_start3A_516 : memref<1x64xf32, #tpu.memory_space<vmem>> -> memref<64xf32, #tpu.memory_space<vmem>>
      %dma_start3A_518 = tpu.memref_slice %arg13[%add3A_42] : memref<10240xf32, #tpu.memory_space<vmem_shared>> -> memref<64xf32, #tpu.memory_space<vmem_shared>>
      %dma_start3A_519 = tpu.memref_slice %arg13[%add3A_42] : memref<10240xf32, #tpu.memory_space<vmem_shared>> -> memref<64xf32, #tpu.memory_space<vmem_shared>>
      %dma_start3A_520 = arith.constant 0 : i32
      %dma_start3A_521 = tpu.memref_slice %arg11[%run_scoped3A_43, %dma_start3A_520] : memref<4x64xf32, #tpu.memory_space<vmem>> -> memref<1x64xf32, #tpu.memory_space<vmem>>
      %dma_start3A_522 = tpu.memref_squeeze %dma_start3A_521 : memref<1x64xf32, #tpu.memory_space<vmem>> -> memref<64xf32, #tpu.memory_space<vmem>>
      tpu.enqueue_dma source(%dma_start3A_522 : memref<64xf32, #tpu.memory_space<vmem>>) target(%dma_start3A_519 : memref<64xf32, #tpu.memory_space<vmem_shared>>) target_semaphore(%run_scoped3A_514 : memref<!tpu.dma_semaphore, #tpu.memory_space<semaphore_mem>>)
      %dma_wait3A = arith.constant 0 : i32
      %dma_wait3A_523 = tpu.memref_slice %arg11[%run_scoped3A_43, %dma_wait3A] : memref<4x64xf32, #tpu.memory_space<vmem>> -> memref<1x64xf32, #tpu.memory_space<vmem>>
      %dma_wait3A_524 = tpu.memref_squeeze %dma_wait3A_523 : memref<1x64xf32, #tpu.memory_space<vmem>> -> memref<64xf32, #tpu.memory_space<vmem>>
      %dma_wait3A_525 = tpu.memref_slice %arg13[%add3A_42] : memref<10240xf32, #tpu.memory_space<vmem_shared>> -> memref<64xf32, #tpu.memory_space<vmem_shared>>
      %dma_wait3A_526 = tpu.memref_slice %arg13[%add3A_42] : memref<10240xf32, #tpu.memory_space<vmem_shared>> -> memref<64xf32, #tpu.memory_space<vmem_shared>>
      %dma_wait3A_527 = arith.constant 0 : i32
      %dma_wait3A_528 = tpu.memref_slice %arg11[%run_scoped3A_43, %dma_wait3A_527] : memref<4x64xf32, #tpu.memory_space<vmem>> -> memref<1x64xf32, #tpu.memory_space<vmem>>
      %dma_wait3A_529 = tpu.memref_squeeze %dma_wait3A_528 : memref<1x64xf32, #tpu.memory_space<vmem>> -> memref<64xf32, #tpu.memory_space<vmem>>
      tpu.wait_dma2 semaphore(%run_scoped3A_514 : memref<!tpu.dma_semaphore, #tpu.memory_space<semaphore_mem>>) src(%dma_wait3A_529 : memref<64xf32, #tpu.memory_space<vmem>>) dst(%dma_wait3A_526 : memref<64xf32, #tpu.memory_space<vmem_shared>>)
      tpu.yield
    }) : () -> ()
    %mul3A_44 = arith.constant 640 : i32
    %mul3A_45 = arith.muli %arg1, %mul3A_44 : i32
    %add3A_46 = arith.constant 64 : i32
    %add3A_47 = arith.addi %mul3A_45, %add3A_46 : i32
    %run_scoped3A_48 = arith.constant 0 : i32
    "tpu.region"() ({
      %run_scoped3A_514 = tpu.sem_alloc : memref<!tpu.dma_semaphore, #tpu.memory_space<semaphore_mem>>
      %dma_start3A_515 = arith.constant 0 : i32
      %dma_start3A_516 = arith.constant 0 : i32
      %dma_start3A_517 = tpu.memref_slice %arg10[%run_scoped3A_48, %dma_start3A_515, %dma_start3A_516] : memref<4x64x128xf32, #tpu.memory_space<vmem>> -> memref<1x64x128xf32, #tpu.memory_space<vmem>>
      %dma_start3A_518 = tpu.memref_squeeze %dma_start3A_517 : memref<1x64x128xf32, #tpu.memory_space<vmem>> -> memref<64x128xf32, #tpu.memory_space<vmem>>
      %dma_start3A_519 = arith.constant 0 : i32
      %dma_start3A_520 = tpu.memref_slice %arg12[%add3A_47, %dma_start3A_519] : memref<10240x128xf32, #tpu.memory_space<vmem_shared>> -> memref<64x128xf32, #tpu.memory_space<vmem_shared>>
      %dma_start3A_521 = arith.constant 0 : i32
      %dma_start3A_522 = tpu.memref_slice %arg12[%add3A_47, %dma_start3A_521] : memref<10240x128xf32, #tpu.memory_space<vmem_shared>> -> memref<64x128xf32, #tpu.memory_space<vmem_shared>>
      %dma_start3A_523 = arith.constant 0 : i32
      %dma_start3A_524 = arith.constant 0 : i32
      %dma_start3A_525 = tpu.memref_slice %arg10[%run_scoped3A_48, %dma_start3A_523, %dma_start3A_524] : memref<4x64x128xf32, #tpu.memory_space<vmem>> -> memref<1x64x128xf32, #tpu.memory_space<vmem>>
      %dma_start3A_526 = tpu.memref_squeeze %dma_start3A_525 : memref<1x64x128xf32, #tpu.memory_space<vmem>> -> memref<64x128xf32, #tpu.memory_space<vmem>>
      tpu.enqueue_dma source(%dma_start3A_526 : memref<64x128xf32, #tpu.memory_space<vmem>>) target(%dma_start3A_522 : memref<64x128xf32, #tpu.memory_space<vmem_shared>>) target_semaphore(%run_scoped3A_514 : memref<!tpu.dma_semaphore, #tpu.memory_space<semaphore_mem>>)
      %dma_wait3A = arith.constant 0 : i32
      %dma_wait3A_527 = arith.constant 0 : i32
      %dma_wait3A_528 = tpu.memref_slice %arg10[%run_scoped3A_48, %dma_wait3A, %dma_wait3A_527] : memref<4x64x128xf32, #tpu.memory_space<vmem>> -> memref<1x64x128xf32, #tpu.memory_space<vmem>>
      %dma_wait3A_529 = tpu.memref_squeeze %dma_wait3A_528 : memref<1x64x128xf32, #tpu.memory_space<vmem>> -> memref<64x128xf32, #tpu.memory_space<vmem>>
      %dma_wait3A_530 = arith.constant 0 : i32
      %dma_wait3A_531 = tpu.memref_slice %arg12[%add3A_47, %dma_wait3A_530] : memref<10240x128xf32, #tpu.memory_space<vmem_shared>> -> memref<64x128xf32, #tpu.memory_space<vmem_shared>>
      %dma_wait3A_532 = arith.constant 0 : i32
      %dma_wait3A_533 = tpu.memref_slice %arg12[%add3A_47, %dma_wait3A_532] : memref<10240x128xf32, #tpu.memory_space<vmem_shared>> -> memref<64x128xf32, #tpu.memory_space<vmem_shared>>
      %dma_wait3A_534 = arith.constant 0 : i32
      %dma_wait3A_535 = arith.constant 0 : i32
      %dma_wait3A_536 = tpu.memref_slice %arg10[%run_scoped3A_48, %dma_wait3A_534, %dma_wait3A_535] : memref<4x64x128xf32, #tpu.memory_space<vmem>> -> memref<1x64x128xf32, #tpu.memory_space<vmem>>
      %dma_wait3A_537 = tpu.memref_squeeze %dma_wait3A_536 : memref<1x64x128xf32, #tpu.memory_space<vmem>> -> memref<64x128xf32, #tpu.memory_space<vmem>>
      tpu.wait_dma2 semaphore(%run_scoped3A_514 : memref<!tpu.dma_semaphore, #tpu.memory_space<semaphore_mem>>) src(%dma_wait3A_537 : memref<64x128xf32, #tpu.memory_space<vmem>>) dst(%dma_wait3A_533 : memref<64x128xf32, #tpu.memory_space<vmem_shared>>)
      tpu.yield
    }) : () -> ()
    %mul3A_49 = arith.constant 640 : i32
    %mul3A_50 = arith.muli %arg1, %mul3A_49 : i32
    %add3A_51 = arith.constant 64 : i32
    %add3A_52 = arith.addi %mul3A_50, %add3A_51 : i32
    %run_scoped3A_53 = arith.constant 0 : i32
    "tpu.region"() ({
      %run_scoped3A_514 = tpu.sem_alloc : memref<!tpu.dma_semaphore, #tpu.memory_space<semaphore_mem>>
      %dma_start3A_515 = arith.constant 0 : i32
      %dma_start3A_516 = tpu.memref_slice %arg11[%run_scoped3A_53, %dma_start3A_515] : memref<4x64xf32, #tpu.memory_space<vmem>> -> memref<1x64xf32, #tpu.memory_space<vmem>>
      %dma_start3A_517 = tpu.memref_squeeze %dma_start3A_516 : memref<1x64xf32, #tpu.memory_space<vmem>> -> memref<64xf32, #tpu.memory_space<vmem>>
      %dma_start3A_518 = tpu.memref_slice %arg13[%add3A_52] : memref<10240xf32, #tpu.memory_space<vmem_shared>> -> memref<64xf32, #tpu.memory_space<vmem_shared>>
      %dma_start3A_519 = tpu.memref_slice %arg13[%add3A_52] : memref<10240xf32, #tpu.memory_space<vmem_shared>> -> memref<64xf32, #tpu.memory_space<vmem_shared>>
      %dma_start3A_520 = arith.constant 0 : i32
      %dma_start3A_521 = tpu.memref_slice %arg11[%run_scoped3A_53, %dma_start3A_520] : memref<4x64xf32, #tpu.memory_space<vmem>> -> memref<1x64xf32, #tpu.memory_space<vmem>>
      %dma_start3A_522 = tpu.memref_squeeze %dma_start3A_521 : memref<1x64xf32, #tpu.memory_space<vmem>> -> memref<64xf32, #tpu.memory_space<vmem>>
      tpu.enqueue_dma source(%dma_start3A_522 : memref<64xf32, #tpu.memory_space<vmem>>) target(%dma_start3A_519 : memref<64xf32, #tpu.memory_space<vmem_shared>>) target_semaphore(%run_scoped3A_514 : memref<!tpu.dma_semaphore, #tpu.memory_space<semaphore_mem>>)
      %dma_wait3A = arith.constant 0 : i32
      %dma_wait3A_523 = tpu.memref_slice %arg11[%run_scoped3A_53, %dma_wait3A] : memref<4x64xf32, #tpu.memory_space<vmem>> -> memref<1x64xf32, #tpu.memory_space<vmem>>
      %dma_wait3A_524 = tpu.memref_squeeze %dma_wait3A_523 : memref<1x64xf32, #tpu.memory_space<vmem>> -> memref<64xf32, #tpu.memory_space<vmem>>
      %dma_wait3A_525 = tpu.memref_slice %arg13[%add3A_52] : memref<10240xf32, #tpu.memory_space<vmem_shared>> -> memref<64xf32, #tpu.memory_space<vmem_shared>>
      %dma_wait3A_526 = tpu.memref_slice %arg13[%add3A_52] : memref<10240xf32, #tpu.memory_space<vmem_shared>> -> memref<64xf32, #tpu.memory_space<vmem_shared>>
      %dma_wait3A_527 = arith.constant 0 : i32
      %dma_wait3A_528 = tpu.memref_slice %arg11[%run_scoped3A_53, %dma_wait3A_527] : memref<4x64xf32, #tpu.memory_space<vmem>> -> memref<1x64xf32, #tpu.memory_space<vmem>>
      %dma_wait3A_529 = tpu.memref_squeeze %dma_wait3A_528 : memref<1x64xf32, #tpu.memory_space<vmem>> -> memref<64xf32, #tpu.memory_space<vmem>>
      tpu.wait_dma2 semaphore(%run_scoped3A_514 : memref<!tpu.dma_semaphore, #tpu.memory_space<semaphore_mem>>) src(%dma_wait3A_529 : memref<64xf32, #tpu.memory_space<vmem>>) dst(%dma_wait3A_526 : memref<64xf32, #tpu.memory_space<vmem_shared>>)
      tpu.yield
    }) : () -> ()
    %mul3A_54 = arith.constant 640 : i32
    %mul3A_55 = arith.muli %arg1, %mul3A_54 : i32
    %add3A_56 = arith.constant 128 : i32
    %add3A_57 = arith.addi %mul3A_55, %add3A_56 : i32
    %run_scoped3A_58 = arith.constant 0 : i32
    "tpu.region"() ({
      %run_scoped3A_514 = tpu.sem_alloc : memref<!tpu.dma_semaphore, #tpu.memory_space<semaphore_mem>>
      %dma_start3A_515 = arith.constant 0 : i32
      %dma_start3A_516 = arith.constant 0 : i32
      %dma_start3A_517 = tpu.memref_slice %arg10[%run_scoped3A_58, %dma_start3A_515, %dma_start3A_516] : memref<4x64x128xf32, #tpu.memory_space<vmem>> -> memref<1x64x128xf32, #tpu.memory_space<vmem>>
      %dma_start3A_518 = tpu.memref_squeeze %dma_start3A_517 : memref<1x64x128xf32, #tpu.memory_space<vmem>> -> memref<64x128xf32, #tpu.memory_space<vmem>>
      %dma_start3A_519 = arith.constant 0 : i32
      %dma_start3A_520 = tpu.memref_slice %arg12[%add3A_57, %dma_start3A_519] : memref<10240x128xf32, #tpu.memory_space<vmem_shared>> -> memref<64x128xf32, #tpu.memory_space<vmem_shared>>
      %dma_start3A_521 = arith.constant 0 : i32
      %dma_start3A_522 = tpu.memref_slice %arg12[%add3A_57, %dma_start3A_521] : memref<10240x128xf32, #tpu.memory_space<vmem_shared>> -> memref<64x128xf32, #tpu.memory_space<vmem_shared>>
      %dma_start3A_523 = arith.constant 0 : i32
      %dma_start3A_524 = arith.constant 0 : i32
      %dma_start3A_525 = tpu.memref_slice %arg10[%run_scoped3A_58, %dma_start3A_523, %dma_start3A_524] : memref<4x64x128xf32, #tpu.memory_space<vmem>> -> memref<1x64x128xf32, #tpu.memory_space<vmem>>
      %dma_start3A_526 = tpu.memref_squeeze %dma_start3A_525 : memref<1x64x128xf32, #tpu.memory_space<vmem>> -> memref<64x128xf32, #tpu.memory_space<vmem>>
      tpu.enqueue_dma source(%dma_start3A_526 : memref<64x128xf32, #tpu.memory_space<vmem>>) target(%dma_start3A_522 : memref<64x128xf32, #tpu.memory_space<vmem_shared>>) target_semaphore(%run_scoped3A_514 : memref<!tpu.dma_semaphore, #tpu.memory_space<semaphore_mem>>)
      %dma_wait3A = arith.constant 0 : i32
      %dma_wait3A_527 = arith.constant 0 : i32
      %dma_wait3A_528 = tpu.memref_slice %arg10[%run_scoped3A_58, %dma_wait3A, %dma_wait3A_527] : memref<4x64x128xf32, #tpu.memory_space<vmem>> -> memref<1x64x128xf32, #tpu.memory_space<vmem>>
      %dma_wait3A_529 = tpu.memref_squeeze %dma_wait3A_528 : memref<1x64x128xf32, #tpu.memory_space<vmem>> -> memref<64x128xf32, #tpu.memory_space<vmem>>
      %dma_wait3A_530 = arith.constant 0 : i32
      %dma_wait3A_531 = tpu.memref_slice %arg12[%add3A_57, %dma_wait3A_530] : memref<10240x128xf32, #tpu.memory_space<vmem_shared>> -> memref<64x128xf32, #tpu.memory_space<vmem_shared>>
      %dma_wait3A_532 = arith.constant 0 : i32
      %dma_wait3A_533 = tpu.memref_slice %arg12[%add3A_57, %dma_wait3A_532] : memref<10240x128xf32, #tpu.memory_space<vmem_shared>> -> memref<64x128xf32, #tpu.memory_space<vmem_shared>>
      %dma_wait3A_534 = arith.constant 0 : i32
      %dma_wait3A_535 = arith.constant 0 : i32
      %dma_wait3A_536 = tpu.memref_slice %arg10[%run_scoped3A_58, %dma_wait3A_534, %dma_wait3A_535] : memref<4x64x128xf32, #tpu.memory_space<vmem>> -> memref<1x64x128xf32, #tpu.memory_space<vmem>>
      %dma_wait3A_537 = tpu.memref_squeeze %dma_wait3A_536 : memref<1x64x128xf32, #tpu.memory_space<vmem>> -> memref<64x128xf32, #tpu.memory_space<vmem>>
      tpu.wait_dma2 semaphore(%run_scoped3A_514 : memref<!tpu.dma_semaphore, #tpu.memory_space<semaphore_mem>>) src(%dma_wait3A_537 : memref<64x128xf32, #tpu.memory_space<vmem>>) dst(%dma_wait3A_533 : memref<64x128xf32, #tpu.memory_space<vmem_shared>>)
      tpu.yield
    }) : () -> ()
    %mul3A_59 = arith.constant 640 : i32
    %mul3A_60 = arith.muli %arg1, %mul3A_59 : i32
    %add3A_61 = arith.constant 128 : i32
    %add3A_62 = arith.addi %mul3A_60, %add3A_61 : i32
    %run_scoped3A_63 = arith.constant 0 : i32
    "tpu.region"() ({
      %run_scoped3A_514 = tpu.sem_alloc : memref<!tpu.dma_semaphore, #tpu.memory_space<semaphore_mem>>
      %dma_start3A_515 = arith.constant 0 : i32
      %dma_start3A_516 = tpu.memref_slice %arg11[%run_scoped3A_63, %dma_start3A_515] : memref<4x64xf32, #tpu.memory_space<vmem>> -> memref<1x64xf32, #tpu.memory_space<vmem>>
      %dma_start3A_517 = tpu.memref_squeeze %dma_start3A_516 : memref<1x64xf32, #tpu.memory_space<vmem>> -> memref<64xf32, #tpu.memory_space<vmem>>
      %dma_start3A_518 = tpu.memref_slice %arg13[%add3A_62] : memref<10240xf32, #tpu.memory_space<vmem_shared>> -> memref<64xf32, #tpu.memory_space<vmem_shared>>
      %dma_start3A_519 = tpu.memref_slice %arg13[%add3A_62] : memref<10240xf32, #tpu.memory_space<vmem_shared>> -> memref<64xf32, #tpu.memory_space<vmem_shared>>
      %dma_start3A_520 = arith.constant 0 : i32
      %dma_start3A_521 = tpu.memref_slice %arg11[%run_scoped3A_63, %dma_start3A_520] : memref<4x64xf32, #tpu.memory_space<vmem>> -> memref<1x64xf32, #tpu.memory_space<vmem>>
      %dma_start3A_522 = tpu.memref_squeeze %dma_start3A_521 : memref<1x64xf32, #tpu.memory_space<vmem>> -> memref<64xf32, #tpu.memory_space<vmem>>
      tpu.enqueue_dma source(%dma_start3A_522 : memref<64xf32, #tpu.memory_space<vmem>>) target(%dma_start3A_519 : memref<64xf32, #tpu.memory_space<vmem_shared>>) target_semaphore(%run_scoped3A_514 : memref<!tpu.dma_semaphore, #tpu.memory_space<semaphore_mem>>)
      %dma_wait3A = arith.constant 0 : i32
      %dma_wait3A_523 = tpu.memref_slice %arg11[%run_scoped3A_63, %dma_wait3A] : memref<4x64xf32, #tpu.memory_space<vmem>> -> memref<1x64xf32, #tpu.memory_space<vmem>>
      %dma_wait3A_524 = tpu.memref_squeeze %dma_wait3A_523 : memref<1x64xf32, #tpu.memory_space<vmem>> -> memref<64xf32, #tpu.memory_space<vmem>>
      %dma_wait3A_525 = tpu.memref_slice %arg13[%add3A_62] : memref<10240xf32, #tpu.memory_space<vmem_shared>> -> memref<64xf32, #tpu.memory_space<vmem_shared>>
      %dma_wait3A_526 = tpu.memref_slice %arg13[%add3A_62] : memref<10240xf32, #tpu.memory_space<vmem_shared>> -> memref<64xf32, #tpu.memory_space<vmem_shared>>
      %dma_wait3A_527 = arith.constant 0 : i32
      %dma_wait3A_528 = tpu.memref_slice %arg11[%run_scoped3A_63, %dma_wait3A_527] : memref<4x64xf32, #tpu.memory_space<vmem>> -> memref<1x64xf32, #tpu.memory_space<vmem>>
      %dma_wait3A_529 = tpu.memref_squeeze %dma_wait3A_528 : memref<1x64xf32, #tpu.memory_space<vmem>> -> memref<64xf32, #tpu.memory_space<vmem>>
      tpu.wait_dma2 semaphore(%run_scoped3A_514 : memref<!tpu.dma_semaphore, #tpu.memory_space<semaphore_mem>>) src(%dma_wait3A_529 : memref<64xf32, #tpu.memory_space<vmem>>) dst(%dma_wait3A_526 : memref<64xf32, #tpu.memory_space<vmem_shared>>)
      tpu.yield
    }) : () -> ()
    %mul3A_64 = arith.constant 640 : i32
    %mul3A_65 = arith.muli %arg1, %mul3A_64 : i32
    %add3A_66 = arith.constant 192 : i32
    %add3A_67 = arith.addi %mul3A_65, %add3A_66 : i32
    %run_scoped3A_68 = arith.constant 0 : i32
    "tpu.region"() ({
      %run_scoped3A_514 = tpu.sem_alloc : memref<!tpu.dma_semaphore, #tpu.memory_space<semaphore_mem>>
      %dma_start3A_515 = arith.constant 0 : i32
      %dma_start3A_516 = arith.constant 0 : i32
      %dma_start3A_517 = tpu.memref_slice %arg10[%run_scoped3A_68, %dma_start3A_515, %dma_start3A_516] : memref<4x64x128xf32, #tpu.memory_space<vmem>> -> memref<1x64x128xf32, #tpu.memory_space<vmem>>
      %dma_start3A_518 = tpu.memref_squeeze %dma_start3A_517 : memref<1x64x128xf32, #tpu.memory_space<vmem>> -> memref<64x128xf32, #tpu.memory_space<vmem>>
      %dma_start3A_519 = arith.constant 0 : i32
      %dma_start3A_520 = tpu.memref_slice %arg12[%add3A_67, %dma_start3A_519] : memref<10240x128xf32, #tpu.memory_space<vmem_shared>> -> memref<64x128xf32, #tpu.memory_space<vmem_shared>>
      %dma_start3A_521 = arith.constant 0 : i32
      %dma_start3A_522 = tpu.memref_slice %arg12[%add3A_67, %dma_start3A_521] : memref<10240x128xf32, #tpu.memory_space<vmem_shared>> -> memref<64x128xf32, #tpu.memory_space<vmem_shared>>
      %dma_start3A_523 = arith.constant 0 : i32
      %dma_start3A_524 = arith.constant 0 : i32
      %dma_start3A_525 = tpu.memref_slice %arg10[%run_scoped3A_68, %dma_start3A_523, %dma_start3A_524] : memref<4x64x128xf32, #tpu.memory_space<vmem>> -> memref<1x64x128xf32, #tpu.memory_space<vmem>>
      %dma_start3A_526 = tpu.memref_squeeze %dma_start3A_525 : memref<1x64x128xf32, #tpu.memory_space<vmem>> -> memref<64x128xf32, #tpu.memory_space<vmem>>
      tpu.enqueue_dma source(%dma_start3A_526 : memref<64x128xf32, #tpu.memory_space<vmem>>) target(%dma_start3A_522 : memref<64x128xf32, #tpu.memory_space<vmem_shared>>) target_semaphore(%run_scoped3A_514 : memref<!tpu.dma_semaphore, #tpu.memory_space<semaphore_mem>>)
      %dma_wait3A = arith.constant 0 : i32
      %dma_wait3A_527 = arith.constant 0 : i32
      %dma_wait3A_528 = tpu.memref_slice %arg10[%run_scoped3A_68, %dma_wait3A, %dma_wait3A_527] : memref<4x64x128xf32, #tpu.memory_space<vmem>> -> memref<1x64x128xf32, #tpu.memory_space<vmem>>
      %dma_wait3A_529 = tpu.memref_squeeze %dma_wait3A_528 : memref<1x64x128xf32, #tpu.memory_space<vmem>> -> memref<64x128xf32, #tpu.memory_space<vmem>>
      %dma_wait3A_530 = arith.constant 0 : i32
      %dma_wait3A_531 = tpu.memref_slice %arg12[%add3A_67, %dma_wait3A_530] : memref<10240x128xf32, #tpu.memory_space<vmem_shared>> -> memref<64x128xf32, #tpu.memory_space<vmem_shared>>
      %dma_wait3A_532 = arith.constant 0 : i32
      %dma_wait3A_533 = tpu.memref_slice %arg12[%add3A_67, %dma_wait3A_532] : memref<10240x128xf32, #tpu.memory_space<vmem_shared>> -> memref<64x128xf32, #tpu.memory_space<vmem_shared>>
      %dma_wait3A_534 = arith.constant 0 : i32
      %dma_wait3A_535 = arith.constant 0 : i32
      %dma_wait3A_536 = tpu.memref_slice %arg10[%run_scoped3A_68, %dma_wait3A_534, %dma_wait3A_535] : memref<4x64x128xf32, #tpu.memory_space<vmem>> -> memref<1x64x128xf32, #tpu.memory_space<vmem>>
      %dma_wait3A_537 = tpu.memref_squeeze %dma_wait3A_536 : memref<1x64x128xf32, #tpu.memory_space<vmem>> -> memref<64x128xf32, #tpu.memory_space<vmem>>
      tpu.wait_dma2 semaphore(%run_scoped3A_514 : memref<!tpu.dma_semaphore, #tpu.memory_space<semaphore_mem>>) src(%dma_wait3A_537 : memref<64x128xf32, #tpu.memory_space<vmem>>) dst(%dma_wait3A_533 : memref<64x128xf32, #tpu.memory_space<vmem_shared>>)
      tpu.yield
    }) : () -> ()
    %mul3A_69 = arith.constant 640 : i32
    %mul3A_70 = arith.muli %arg1, %mul3A_69 : i32
    %add3A_71 = arith.constant 192 : i32
    %add3A_72 = arith.addi %mul3A_70, %add3A_71 : i32
    %run_scoped3A_73 = arith.constant 0 : i32
    "tpu.region"() ({
      %run_scoped3A_514 = tpu.sem_alloc : memref<!tpu.dma_semaphore, #tpu.memory_space<semaphore_mem>>
      %dma_start3A_515 = arith.constant 0 : i32
      %dma_start3A_516 = tpu.memref_slice %arg11[%run_scoped3A_73, %dma_start3A_515] : memref<4x64xf32, #tpu.memory_space<vmem>> -> memref<1x64xf32, #tpu.memory_space<vmem>>
      %dma_start3A_517 = tpu.memref_squeeze %dma_start3A_516 : memref<1x64xf32, #tpu.memory_space<vmem>> -> memref<64xf32, #tpu.memory_space<vmem>>
      %dma_start3A_518 = tpu.memref_slice %arg13[%add3A_72] : memref<10240xf32, #tpu.memory_space<vmem_shared>> -> memref<64xf32, #tpu.memory_space<vmem_shared>>
      %dma_start3A_519 = tpu.memref_slice %arg13[%add3A_72] : memref<10240xf32, #tpu.memory_space<vmem_shared>> -> memref<64xf32, #tpu.memory_space<vmem_shared>>
      %dma_start3A_520 = arith.constant 0 : i32
      %dma_start3A_521 = tpu.memref_slice %arg11[%run_scoped3A_73, %dma_start3A_520] : memref<4x64xf32, #tpu.memory_space<vmem>> -> memref<1x64xf32, #tpu.memory_space<vmem>>
      %dma_start3A_522 = tpu.memref_squeeze %dma_start3A_521 : memref<1x64xf32, #tpu.memory_space<vmem>> -> memref<64xf32, #tpu.memory_space<vmem>>
      tpu.enqueue_dma source(%dma_start3A_522 : memref<64xf32, #tpu.memory_space<vmem>>) target(%dma_start3A_519 : memref<64xf32, #tpu.memory_space<vmem_shared>>) target_semaphore(%run_scoped3A_514 : memref<!tpu.dma_semaphore, #tpu.memory_space<semaphore_mem>>)
      %dma_wait3A = arith.constant 0 : i32
      %dma_wait3A_523 = tpu.memref_slice %arg11[%run_scoped3A_73, %dma_wait3A] : memref<4x64xf32, #tpu.memory_space<vmem>> -> memref<1x64xf32, #tpu.memory_space<vmem>>
      %dma_wait3A_524 = tpu.memref_squeeze %dma_wait3A_523 : memref<1x64xf32, #tpu.memory_space<vmem>> -> memref<64xf32, #tpu.memory_space<vmem>>
      %dma_wait3A_525 = tpu.memref_slice %arg13[%add3A_72] : memref<10240xf32, #tpu.memory_space<vmem_shared>> -> memref<64xf32, #tpu.memory_space<vmem_shared>>
      %dma_wait3A_526 = tpu.memref_slice %arg13[%add3A_72] : memref<10240xf32, #tpu.memory_space<vmem_shared>> -> memref<64xf32, #tpu.memory_space<vmem_shared>>
      %dma_wait3A_527 = arith.constant 0 : i32
      %dma_wait3A_528 = tpu.memref_slice %arg11[%run_scoped3A_73, %dma_wait3A_527] : memref<4x64xf32, #tpu.memory_space<vmem>> -> memref<1x64xf32, #tpu.memory_space<vmem>>
      %dma_wait3A_529 = tpu.memref_squeeze %dma_wait3A_528 : memref<1x64xf32, #tpu.memory_space<vmem>> -> memref<64xf32, #tpu.memory_space<vmem>>
      tpu.wait_dma2 semaphore(%run_scoped3A_514 : memref<!tpu.dma_semaphore, #tpu.memory_space<semaphore_mem>>) src(%dma_wait3A_529 : memref<64xf32, #tpu.memory_space<vmem>>) dst(%dma_wait3A_526 : memref<64xf32, #tpu.memory_space<vmem_shared>>)
      tpu.yield
    }) : () -> ()
    %mul3A_74 = arith.constant 640 : i32
    %mul3A_75 = arith.muli %arg1, %mul3A_74 : i32
    %add3A_76 = arith.constant 256 : i32
    %add3A_77 = arith.addi %mul3A_75, %add3A_76 : i32
    %run_scoped3A_78 = arith.constant 0 : i32
    "tpu.region"() ({
      %run_scoped3A_514 = tpu.sem_alloc : memref<!tpu.dma_semaphore, #tpu.memory_space<semaphore_mem>>
      %dma_start3A_515 = arith.constant 0 : i32
      %dma_start3A_516 = arith.constant 0 : i32
      %dma_start3A_517 = tpu.memref_slice %arg10[%run_scoped3A_78, %dma_start3A_515, %dma_start3A_516] : memref<4x64x128xf32, #tpu.memory_space<vmem>> -> memref<1x64x128xf32, #tpu.memory_space<vmem>>
      %dma_start3A_518 = tpu.memref_squeeze %dma_start3A_517 : memref<1x64x128xf32, #tpu.memory_space<vmem>> -> memref<64x128xf32, #tpu.memory_space<vmem>>
      %dma_start3A_519 = arith.constant 0 : i32
      %dma_start3A_520 = tpu.memref_slice %arg12[%add3A_77, %dma_start3A_519] : memref<10240x128xf32, #tpu.memory_space<vmem_shared>> -> memref<64x128xf32, #tpu.memory_space<vmem_shared>>
      %dma_start3A_521 = arith.constant 0 : i32
      %dma_start3A_522 = tpu.memref_slice %arg12[%add3A_77, %dma_start3A_521] : memref<10240x128xf32, #tpu.memory_space<vmem_shared>> -> memref<64x128xf32, #tpu.memory_space<vmem_shared>>
      %dma_start3A_523 = arith.constant 0 : i32
      %dma_start3A_524 = arith.constant 0 : i32
      %dma_start3A_525 = tpu.memref_slice %arg10[%run_scoped3A_78, %dma_start3A_523, %dma_start3A_524] : memref<4x64x128xf32, #tpu.memory_space<vmem>> -> memref<1x64x128xf32, #tpu.memory_space<vmem>>
      %dma_start3A_526 = tpu.memref_squeeze %dma_start3A_525 : memref<1x64x128xf32, #tpu.memory_space<vmem>> -> memref<64x128xf32, #tpu.memory_space<vmem>>
      tpu.enqueue_dma source(%dma_start3A_526 : memref<64x128xf32, #tpu.memory_space<vmem>>) target(%dma_start3A_522 : memref<64x128xf32, #tpu.memory_space<vmem_shared>>) target_semaphore(%run_scoped3A_514 : memref<!tpu.dma_semaphore, #tpu.memory_space<semaphore_mem>>)
      %dma_wait3A = arith.constant 0 : i32
      %dma_wait3A_527 = arith.constant 0 : i32
      %dma_wait3A_528 = tpu.memref_slice %arg10[%run_scoped3A_78, %dma_wait3A, %dma_wait3A_527] : memref<4x64x128xf32, #tpu.memory_space<vmem>> -> memref<1x64x128xf32, #tpu.memory_space<vmem>>
      %dma_wait3A_529 = tpu.memref_squeeze %dma_wait3A_528 : memref<1x64x128xf32, #tpu.memory_space<vmem>> -> memref<64x128xf32, #tpu.memory_space<vmem>>
      %dma_wait3A_530 = arith.constant 0 : i32
      %dma_wait3A_531 = tpu.memref_slice %arg12[%add3A_77, %dma_wait3A_530] : memref<10240x128xf32, #tpu.memory_space<vmem_shared>> -> memref<64x128xf32, #tpu.memory_space<vmem_shared>>
      %dma_wait3A_532 = arith.constant 0 : i32
      %dma_wait3A_533 = tpu.memref_slice %arg12[%add3A_77, %dma_wait3A_532] : memref<10240x128xf32, #tpu.memory_space<vmem_shared>> -> memref<64x128xf32, #tpu.memory_space<vmem_shared>>
      %dma_wait3A_534 = arith.constant 0 : i32
      %dma_wait3A_535 = arith.constant 0 : i32
      %dma_wait3A_536 = tpu.memref_slice %arg10[%run_scoped3A_78, %dma_wait3A_534, %dma_wait3A_535] : memref<4x64x128xf32, #tpu.memory_space<vmem>> -> memref<1x64x128xf32, #tpu.memory_space<vmem>>
      %dma_wait3A_537 = tpu.memref_squeeze %dma_wait3A_536 : memref<1x64x128xf32, #tpu.memory_space<vmem>> -> memref<64x128xf32, #tpu.memory_space<vmem>>
      tpu.wait_dma2 semaphore(%run_scoped3A_514 : memref<!tpu.dma_semaphore, #tpu.memory_space<semaphore_mem>>) src(%dma_wait3A_537 : memref<64x128xf32, #tpu.memory_space<vmem>>) dst(%dma_wait3A_533 : memref<64x128xf32, #tpu.memory_space<vmem_shared>>)
      tpu.yield
    }) : () -> ()
    %mul3A_79 = arith.constant 640 : i32
    %mul3A_80 = arith.muli %arg1, %mul3A_79 : i32
    %add3A_81 = arith.constant 256 : i32
    %add3A_82 = arith.addi %mul3A_80, %add3A_81 : i32
    %run_scoped3A_83 = arith.constant 0 : i32
    "tpu.region"() ({
      %run_scoped3A_514 = tpu.sem_alloc : memref<!tpu.dma_semaphore, #tpu.memory_space<semaphore_mem>>
      %dma_start3A_515 = arith.constant 0 : i32
      %dma_start3A_516 = tpu.memref_slice %arg11[%run_scoped3A_83, %dma_start3A_515] : memref<4x64xf32, #tpu.memory_space<vmem>> -> memref<1x64xf32, #tpu.memory_space<vmem>>
      %dma_start3A_517 = tpu.memref_squeeze %dma_start3A_516 : memref<1x64xf32, #tpu.memory_space<vmem>> -> memref<64xf32, #tpu.memory_space<vmem>>
      %dma_start3A_518 = tpu.memref_slice %arg13[%add3A_82] : memref<10240xf32, #tpu.memory_space<vmem_shared>> -> memref<64xf32, #tpu.memory_space<vmem_shared>>
      %dma_start3A_519 = tpu.memref_slice %arg13[%add3A_82] : memref<10240xf32, #tpu.memory_space<vmem_shared>> -> memref<64xf32, #tpu.memory_space<vmem_shared>>
      %dma_start3A_520 = arith.constant 0 : i32
      %dma_start3A_521 = tpu.memref_slice %arg11[%run_scoped3A_83, %dma_start3A_520] : memref<4x64xf32, #tpu.memory_space<vmem>> -> memref<1x64xf32, #tpu.memory_space<vmem>>
      %dma_start3A_522 = tpu.memref_squeeze %dma_start3A_521 : memref<1x64xf32, #tpu.memory_space<vmem>> -> memref<64xf32, #tpu.memory_space<vmem>>
      tpu.enqueue_dma source(%dma_start3A_522 : memref<64xf32, #tpu.memory_space<vmem>>) target(%dma_start3A_519 : memref<64xf32, #tpu.memory_space<vmem_shared>>) target_semaphore(%run_scoped3A_514 : memref<!tpu.dma_semaphore, #tpu.memory_space<semaphore_mem>>)
      %dma_wait3A = arith.constant 0 : i32
      %dma_wait3A_523 = tpu.memref_slice %arg11[%run_scoped3A_83, %dma_wait3A] : memref<4x64xf32, #tpu.memory_space<vmem>> -> memref<1x64xf32, #tpu.memory_space<vmem>>
      %dma_wait3A_524 = tpu.memref_squeeze %dma_wait3A_523 : memref<1x64xf32, #tpu.memory_space<vmem>> -> memref<64xf32, #tpu.memory_space<vmem>>
      %dma_wait3A_525 = tpu.memref_slice %arg13[%add3A_82] : memref<10240xf32, #tpu.memory_space<vmem_shared>> -> memref<64xf32, #tpu.memory_space<vmem_shared>>
      %dma_wait3A_526 = tpu.memref_slice %arg13[%add3A_82] : memref<10240xf32, #tpu.memory_space<vmem_shared>> -> memref<64xf32, #tpu.memory_space<vmem_shared>>
      %dma_wait3A_527 = arith.constant 0 : i32
      %dma_wait3A_528 = tpu.memref_slice %arg11[%run_scoped3A_83, %dma_wait3A_527] : memref<4x64xf32, #tpu.memory_space<vmem>> -> memref<1x64xf32, #tpu.memory_space<vmem>>
      %dma_wait3A_529 = tpu.memref_squeeze %dma_wait3A_528 : memref<1x64xf32, #tpu.memory_space<vmem>> -> memref<64xf32, #tpu.memory_space<vmem>>
      tpu.wait_dma2 semaphore(%run_scoped3A_514 : memref<!tpu.dma_semaphore, #tpu.memory_space<semaphore_mem>>) src(%dma_wait3A_529 : memref<64xf32, #tpu.memory_space<vmem>>) dst(%dma_wait3A_526 : memref<64xf32, #tpu.memory_space<vmem_shared>>)
      tpu.yield
    }) : () -> ()
    %mul3A_84 = arith.constant 640 : i32
    %mul3A_85 = arith.muli %arg1, %mul3A_84 : i32
    %add3A_86 = arith.constant 320 : i32
    %add3A_87 = arith.addi %mul3A_85, %add3A_86 : i32
    %run_scoped3A_88 = arith.constant 0 : i32
    "tpu.region"() ({
      %run_scoped3A_514 = tpu.sem_alloc : memref<!tpu.dma_semaphore, #tpu.memory_space<semaphore_mem>>
      %dma_start3A_515 = arith.constant 0 : i32
      %dma_start3A_516 = arith.constant 0 : i32
      %dma_start3A_517 = tpu.memref_slice %arg10[%run_scoped3A_88, %dma_start3A_515, %dma_start3A_516] : memref<4x64x128xf32, #tpu.memory_space<vmem>> -> memref<1x64x128xf32, #tpu.memory_space<vmem>>
      %dma_start3A_518 = tpu.memref_squeeze %dma_start3A_517 : memref<1x64x128xf32, #tpu.memory_space<vmem>> -> memref<64x128xf32, #tpu.memory_space<vmem>>
      %dma_start3A_519 = arith.constant 0 : i32
      %dma_start3A_520 = tpu.memref_slice %arg12[%add3A_87, %dma_start3A_519] : memref<10240x128xf32, #tpu.memory_space<vmem_shared>> -> memref<64x128xf32, #tpu.memory_space<vmem_shared>>
      %dma_start3A_521 = arith.constant 0 : i32
      %dma_start3A_522 = tpu.memref_slice %arg12[%add3A_87, %dma_start3A_521] : memref<10240x128xf32, #tpu.memory_space<vmem_shared>> -> memref<64x128xf32, #tpu.memory_space<vmem_shared>>
      %dma_start3A_523 = arith.constant 0 : i32
      %dma_start3A_524 = arith.constant 0 : i32
      %dma_start3A_525 = tpu.memref_slice %arg10[%run_scoped3A_88, %dma_start3A_523, %dma_start3A_524] : memref<4x64x128xf32, #tpu.memory_space<vmem>> -> memref<1x64x128xf32, #tpu.memory_space<vmem>>
      %dma_start3A_526 = tpu.memref_squeeze %dma_start3A_525 : memref<1x64x128xf32, #tpu.memory_space<vmem>> -> memref<64x128xf32, #tpu.memory_space<vmem>>
      tpu.enqueue_dma source(%dma_start3A_526 : memref<64x128xf32, #tpu.memory_space<vmem>>) target(%dma_start3A_522 : memref<64x128xf32, #tpu.memory_space<vmem_shared>>) target_semaphore(%run_scoped3A_514 : memref<!tpu.dma_semaphore, #tpu.memory_space<semaphore_mem>>)
      %dma_wait3A = arith.constant 0 : i32
      %dma_wait3A_527 = arith.constant 0 : i32
      %dma_wait3A_528 = tpu.memref_slice %arg10[%run_scoped3A_88, %dma_wait3A, %dma_wait3A_527] : memref<4x64x128xf32, #tpu.memory_space<vmem>> -> memref<1x64x128xf32, #tpu.memory_space<vmem>>
      %dma_wait3A_529 = tpu.memref_squeeze %dma_wait3A_528 : memref<1x64x128xf32, #tpu.memory_space<vmem>> -> memref<64x128xf32, #tpu.memory_space<vmem>>
      %dma_wait3A_530 = arith.constant 0 : i32
      %dma_wait3A_531 = tpu.memref_slice %arg12[%add3A_87, %dma_wait3A_530] : memref<10240x128xf32, #tpu.memory_space<vmem_shared>> -> memref<64x128xf32, #tpu.memory_space<vmem_shared>>
      %dma_wait3A_532 = arith.constant 0 : i32
      %dma_wait3A_533 = tpu.memref_slice %arg12[%add3A_87, %dma_wait3A_532] : memref<10240x128xf32, #tpu.memory_space<vmem_shared>> -> memref<64x128xf32, #tpu.memory_space<vmem_shared>>
      %dma_wait3A_534 = arith.constant 0 : i32
      %dma_wait3A_535 = arith.constant 0 : i32
      %dma_wait3A_536 = tpu.memref_slice %arg10[%run_scoped3A_88, %dma_wait3A_534, %dma_wait3A_535] : memref<4x64x128xf32, #tpu.memory_space<vmem>> -> memref<1x64x128xf32, #tpu.memory_space<vmem>>
      %dma_wait3A_537 = tpu.memref_squeeze %dma_wait3A_536 : memref<1x64x128xf32, #tpu.memory_space<vmem>> -> memref<64x128xf32, #tpu.memory_space<vmem>>
      tpu.wait_dma2 semaphore(%run_scoped3A_514 : memref<!tpu.dma_semaphore, #tpu.memory_space<semaphore_mem>>) src(%dma_wait3A_537 : memref<64x128xf32, #tpu.memory_space<vmem>>) dst(%dma_wait3A_533 : memref<64x128xf32, #tpu.memory_space<vmem_shared>>)
      tpu.yield
    }) : () -> ()
    %mul3A_89 = arith.constant 640 : i32
    %mul3A_90 = arith.muli %arg1, %mul3A_89 : i32
    %add3A_91 = arith.constant 320 : i32
    %add3A_92 = arith.addi %mul3A_90, %add3A_91 : i32
    %run_scoped3A_93 = arith.constant 0 : i32
    "tpu.region"() ({
      %run_scoped3A_514 = tpu.sem_alloc : memref<!tpu.dma_semaphore, #tpu.memory_space<semaphore_mem>>
      %dma_start3A_515 = arith.constant 0 : i32
      %dma_start3A_516 = tpu.memref_slice %arg11[%run_scoped3A_93, %dma_start3A_515] : memref<4x64xf32, #tpu.memory_space<vmem>> -> memref<1x64xf32, #tpu.memory_space<vmem>>
      %dma_start3A_517 = tpu.memref_squeeze %dma_start3A_516 : memref<1x64xf32, #tpu.memory_space<vmem>> -> memref<64xf32, #tpu.memory_space<vmem>>
      %dma_start3A_518 = tpu.memref_slice %arg13[%add3A_92] : memref<10240xf32, #tpu.memory_space<vmem_shared>> -> memref<64xf32, #tpu.memory_space<vmem_shared>>
      %dma_start3A_519 = tpu.memref_slice %arg13[%add3A_92] : memref<10240xf32, #tpu.memory_space<vmem_shared>> -> memref<64xf32, #tpu.memory_space<vmem_shared>>
      %dma_start3A_520 = arith.constant 0 : i32
      %dma_start3A_521 = tpu.memref_slice %arg11[%run_scoped3A_93, %dma_start3A_520] : memref<4x64xf32, #tpu.memory_space<vmem>> -> memref<1x64xf32, #tpu.memory_space<vmem>>
      %dma_start3A_522 = tpu.memref_squeeze %dma_start3A_521 : memref<1x64xf32, #tpu.memory_space<vmem>> -> memref<64xf32, #tpu.memory_space<vmem>>
      tpu.enqueue_dma source(%dma_start3A_522 : memref<64xf32, #tpu.memory_space<vmem>>) target(%dma_start3A_519 : memref<64xf32, #tpu.memory_space<vmem_shared>>) target_semaphore(%run_scoped3A_514 : memref<!tpu.dma_semaphore, #tpu.memory_space<semaphore_mem>>)
      %dma_wait3A = arith.constant 0 : i32
      %dma_wait3A_523 = tpu.memref_slice %arg11[%run_scoped3A_93, %dma_wait3A] : memref<4x64xf32, #tpu.memory_space<vmem>> -> memref<1x64xf32, #tpu.memory_space<vmem>>
      %dma_wait3A_524 = tpu.memref_squeeze %dma_wait3A_523 : memref<1x64xf32, #tpu.memory_space<vmem>> -> memref<64xf32, #tpu.memory_space<vmem>>
      %dma_wait3A_525 = tpu.memref_slice %arg13[%add3A_92] : memref<10240xf32, #tpu.memory_space<vmem_shared>> -> memref<64xf32, #tpu.memory_space<vmem_shared>>
      %dma_wait3A_526 = tpu.memref_slice %arg13[%add3A_92] : memref<10240xf32, #tpu.memory_space<vmem_shared>> -> memref<64xf32, #tpu.memory_space<vmem_shared>>
      %dma_wait3A_527 = arith.constant 0 : i32
      %dma_wait3A_528 = tpu.memref_slice %arg11[%run_scoped3A_93, %dma_wait3A_527] : memref<4x64xf32, #tpu.memory_space<vmem>> -> memref<1x64xf32, #tpu.memory_space<vmem>>
      %dma_wait3A_529 = tpu.memref_squeeze %dma_wait3A_528 : memref<1x64xf32, #tpu.memory_space<vmem>> -> memref<64xf32, #tpu.memory_space<vmem>>
      tpu.wait_dma2 semaphore(%run_scoped3A_514 : memref<!tpu.dma_semaphore, #tpu.memory_space<semaphore_mem>>) src(%dma_wait3A_529 : memref<64xf32, #tpu.memory_space<vmem>>) dst(%dma_wait3A_526 : memref<64xf32, #tpu.memory_space<vmem_shared>>)
      tpu.yield
    }) : () -> ()
    %mul3A_94 = arith.constant 640 : i32
    %mul3A_95 = arith.muli %arg1, %mul3A_94 : i32
    %add3A_96 = arith.constant 384 : i32
    %add3A_97 = arith.addi %mul3A_95, %add3A_96 : i32
    %run_scoped3A_98 = arith.constant 0 : i32
    "tpu.region"() ({
      %run_scoped3A_514 = tpu.sem_alloc : memref<!tpu.dma_semaphore, #tpu.memory_space<semaphore_mem>>
      %dma_start3A_515 = arith.constant 0 : i32
      %dma_start3A_516 = arith.constant 0 : i32
      %dma_start3A_517 = tpu.memref_slice %arg10[%run_scoped3A_98, %dma_start3A_515, %dma_start3A_516] : memref<4x64x128xf32, #tpu.memory_space<vmem>> -> memref<1x64x128xf32, #tpu.memory_space<vmem>>
      %dma_start3A_518 = tpu.memref_squeeze %dma_start3A_517 : memref<1x64x128xf32, #tpu.memory_space<vmem>> -> memref<64x128xf32, #tpu.memory_space<vmem>>
      %dma_start3A_519 = arith.constant 0 : i32
      %dma_start3A_520 = tpu.memref_slice %arg12[%add3A_97, %dma_start3A_519] : memref<10240x128xf32, #tpu.memory_space<vmem_shared>> -> memref<64x128xf32, #tpu.memory_space<vmem_shared>>
      %dma_start3A_521 = arith.constant 0 : i32
      %dma_start3A_522 = tpu.memref_slice %arg12[%add3A_97, %dma_start3A_521] : memref<10240x128xf32, #tpu.memory_space<vmem_shared>> -> memref<64x128xf32, #tpu.memory_space<vmem_shared>>
      %dma_start3A_523 = arith.constant 0 : i32
      %dma_start3A_524 = arith.constant 0 : i32
      %dma_start3A_525 = tpu.memref_slice %arg10[%run_scoped3A_98, %dma_start3A_523, %dma_start3A_524] : memref<4x64x128xf32, #tpu.memory_space<vmem>> -> memref<1x64x128xf32, #tpu.memory_space<vmem>>
      %dma_start3A_526 = tpu.memref_squeeze %dma_start3A_525 : memref<1x64x128xf32, #tpu.memory_space<vmem>> -> memref<64x128xf32, #tpu.memory_space<vmem>>
      tpu.enqueue_dma source(%dma_start3A_526 : memref<64x128xf32, #tpu.memory_space<vmem>>) target(%dma_start3A_522 : memref<64x128xf32, #tpu.memory_space<vmem_shared>>) target_semaphore(%run_scoped3A_514 : memref<!tpu.dma_semaphore, #tpu.memory_space<semaphore_mem>>)
      %dma_wait3A = arith.constant 0 : i32
      %dma_wait3A_527 = arith.constant 0 : i32
      %dma_wait3A_528 = tpu.memref_slice %arg10[%run_scoped3A_98, %dma_wait3A, %dma_wait3A_527] : memref<4x64x128xf32, #tpu.memory_space<vmem>> -> memref<1x64x128xf32, #tpu.memory_space<vmem>>
      %dma_wait3A_529 = tpu.memref_squeeze %dma_wait3A_528 : memref<1x64x128xf32, #tpu.memory_space<vmem>> -> memref<64x128xf32, #tpu.memory_space<vmem>>
      %dma_wait3A_530 = arith.constant 0 : i32
      %dma_wait3A_531 = tpu.memref_slice %arg12[%add3A_97, %dma_wait3A_530] : memref<10240x128xf32, #tpu.memory_space<vmem_shared>> -> memref<64x128xf32, #tpu.memory_space<vmem_shared>>
      %dma_wait3A_532 = arith.constant 0 : i32
      %dma_wait3A_533 = tpu.memref_slice %arg12[%add3A_97, %dma_wait3A_532] : memref<10240x128xf32, #tpu.memory_space<vmem_shared>> -> memref<64x128xf32, #tpu.memory_space<vmem_shared>>
      %dma_wait3A_534 = arith.constant 0 : i32
      %dma_wait3A_535 = arith.constant 0 : i32
      %dma_wait3A_536 = tpu.memref_slice %arg10[%run_scoped3A_98, %dma_wait3A_534, %dma_wait3A_535] : memref<4x64x128xf32, #tpu.memory_space<vmem>> -> memref<1x64x128xf32, #tpu.memory_space<vmem>>
      %dma_wait3A_537 = tpu.memref_squeeze %dma_wait3A_536 : memref<1x64x128xf32, #tpu.memory_space<vmem>> -> memref<64x128xf32, #tpu.memory_space<vmem>>
      tpu.wait_dma2 semaphore(%run_scoped3A_514 : memref<!tpu.dma_semaphore, #tpu.memory_space<semaphore_mem>>) src(%dma_wait3A_537 : memref<64x128xf32, #tpu.memory_space<vmem>>) dst(%dma_wait3A_533 : memref<64x128xf32, #tpu.memory_space<vmem_shared>>)
      tpu.yield
    }) : () -> ()
    %mul3A_99 = arith.constant 640 : i32
    %mul3A_100 = arith.muli %arg1, %mul3A_99 : i32
    %add3A_101 = arith.constant 384 : i32
    %add3A_102 = arith.addi %mul3A_100, %add3A_101 : i32
    %run_scoped3A_103 = arith.constant 0 : i32
    "tpu.region"() ({
      %run_scoped3A_514 = tpu.sem_alloc : memref<!tpu.dma_semaphore, #tpu.memory_space<semaphore_mem>>
      %dma_start3A_515 = arith.constant 0 : i32
      %dma_start3A_516 = tpu.memref_slice %arg11[%run_scoped3A_103, %dma_start3A_515] : memref<4x64xf32, #tpu.memory_space<vmem>> -> memref<1x64xf32, #tpu.memory_space<vmem>>
      %dma_start3A_517 = tpu.memref_squeeze %dma_start3A_516 : memref<1x64xf32, #tpu.memory_space<vmem>> -> memref<64xf32, #tpu.memory_space<vmem>>
      %dma_start3A_518 = tpu.memref_slice %arg13[%add3A_102] : memref<10240xf32, #tpu.memory_space<vmem_shared>> -> memref<64xf32, #tpu.memory_space<vmem_shared>>
      %dma_start3A_519 = tpu.memref_slice %arg13[%add3A_102] : memref<10240xf32, #tpu.memory_space<vmem_shared>> -> memref<64xf32, #tpu.memory_space<vmem_shared>>
      %dma_start3A_520 = arith.constant 0 : i32
      %dma_start3A_521 = tpu.memref_slice %arg11[%run_scoped3A_103, %dma_start3A_520] : memref<4x64xf32, #tpu.memory_space<vmem>> -> memref<1x64xf32, #tpu.memory_space<vmem>>
      %dma_start3A_522 = tpu.memref_squeeze %dma_start3A_521 : memref<1x64xf32, #tpu.memory_space<vmem>> -> memref<64xf32, #tpu.memory_space<vmem>>
      tpu.enqueue_dma source(%dma_start3A_522 : memref<64xf32, #tpu.memory_space<vmem>>) target(%dma_start3A_519 : memref<64xf32, #tpu.memory_space<vmem_shared>>) target_semaphore(%run_scoped3A_514 : memref<!tpu.dma_semaphore, #tpu.memory_space<semaphore_mem>>)
      %dma_wait3A = arith.constant 0 : i32
      %dma_wait3A_523 = tpu.memref_slice %arg11[%run_scoped3A_103, %dma_wait3A] : memref<4x64xf32, #tpu.memory_space<vmem>> -> memref<1x64xf32, #tpu.memory_space<vmem>>
      %dma_wait3A_524 = tpu.memref_squeeze %dma_wait3A_523 : memref<1x64xf32, #tpu.memory_space<vmem>> -> memref<64xf32, #tpu.memory_space<vmem>>
      %dma_wait3A_525 = tpu.memref_slice %arg13[%add3A_102] : memref<10240xf32, #tpu.memory_space<vmem_shared>> -> memref<64xf32, #tpu.memory_space<vmem_shared>>
      %dma_wait3A_526 = tpu.memref_slice %arg13[%add3A_102] : memref<10240xf32, #tpu.memory_space<vmem_shared>> -> memref<64xf32, #tpu.memory_space<vmem_shared>>
      %dma_wait3A_527 = arith.constant 0 : i32
      %dma_wait3A_528 = tpu.memref_slice %arg11[%run_scoped3A_103, %dma_wait3A_527] : memref<4x64xf32, #tpu.memory_space<vmem>> -> memref<1x64xf32, #tpu.memory_space<vmem>>
      %dma_wait3A_529 = tpu.memref_squeeze %dma_wait3A_528 : memref<1x64xf32, #tpu.memory_space<vmem>> -> memref<64xf32, #tpu.memory_space<vmem>>
      tpu.wait_dma2 semaphore(%run_scoped3A_514 : memref<!tpu.dma_semaphore, #tpu.memory_space<semaphore_mem>>) src(%dma_wait3A_529 : memref<64xf32, #tpu.memory_space<vmem>>) dst(%dma_wait3A_526 : memref<64xf32, #tpu.memory_space<vmem_shared>>)
      tpu.yield
    }) : () -> ()
    %mul3A_104 = arith.constant 640 : i32
    %mul3A_105 = arith.muli %arg1, %mul3A_104 : i32
    %add3A_106 = arith.constant 448 : i32
    %add3A_107 = arith.addi %mul3A_105, %add3A_106 : i32
    %run_scoped3A_108 = arith.constant 0 : i32
    "tpu.region"() ({
      %run_scoped3A_514 = tpu.sem_alloc : memref<!tpu.dma_semaphore, #tpu.memory_space<semaphore_mem>>
      %dma_start3A_515 = arith.constant 0 : i32
      %dma_start3A_516 = arith.constant 0 : i32
      %dma_start3A_517 = tpu.memref_slice %arg10[%run_scoped3A_108, %dma_start3A_515, %dma_start3A_516] : memref<4x64x128xf32, #tpu.memory_space<vmem>> -> memref<1x64x128xf32, #tpu.memory_space<vmem>>
      %dma_start3A_518 = tpu.memref_squeeze %dma_start3A_517 : memref<1x64x128xf32, #tpu.memory_space<vmem>> -> memref<64x128xf32, #tpu.memory_space<vmem>>
      %dma_start3A_519 = arith.constant 0 : i32
      %dma_start3A_520 = tpu.memref_slice %arg12[%add3A_107, %dma_start3A_519] : memref<10240x128xf32, #tpu.memory_space<vmem_shared>> -> memref<64x128xf32, #tpu.memory_space<vmem_shared>>
      %dma_start3A_521 = arith.constant 0 : i32
      %dma_start3A_522 = tpu.memref_slice %arg12[%add3A_107, %dma_start3A_521] : memref<10240x128xf32, #tpu.memory_space<vmem_shared>> -> memref<64x128xf32, #tpu.memory_space<vmem_shared>>
      %dma_start3A_523 = arith.constant 0 : i32
      %dma_start3A_524 = arith.constant 0 : i32
      %dma_start3A_525 = tpu.memref_slice %arg10[%run_scoped3A_108, %dma_start3A_523, %dma_start3A_524] : memref<4x64x128xf32, #tpu.memory_space<vmem>> -> memref<1x64x128xf32, #tpu.memory_space<vmem>>
      %dma_start3A_526 = tpu.memref_squeeze %dma_start3A_525 : memref<1x64x128xf32, #tpu.memory_space<vmem>> -> memref<64x128xf32, #tpu.memory_space<vmem>>
      tpu.enqueue_dma source(%dma_start3A_526 : memref<64x128xf32, #tpu.memory_space<vmem>>) target(%dma_start3A_522 : memref<64x128xf32, #tpu.memory_space<vmem_shared>>) target_semaphore(%run_scoped3A_514 : memref<!tpu.dma_semaphore, #tpu.memory_space<semaphore_mem>>)
      %dma_wait3A = arith.constant 0 : i32
      %dma_wait3A_527 = arith.constant 0 : i32
      %dma_wait3A_528 = tpu.memref_slice %arg10[%run_scoped3A_108, %dma_wait3A, %dma_wait3A_527] : memref<4x64x128xf32, #tpu.memory_space<vmem>> -> memref<1x64x128xf32, #tpu.memory_space<vmem>>
      %dma_wait3A_529 = tpu.memref_squeeze %dma_wait3A_528 : memref<1x64x128xf32, #tpu.memory_space<vmem>> -> memref<64x128xf32, #tpu.memory_space<vmem>>
      %dma_wait3A_530 = arith.constant 0 : i32
      %dma_wait3A_531 = tpu.memref_slice %arg12[%add3A_107, %dma_wait3A_530] : memref<10240x128xf32, #tpu.memory_space<vmem_shared>> -> memref<64x128xf32, #tpu.memory_space<vmem_shared>>
      %dma_wait3A_532 = arith.constant 0 : i32
      %dma_wait3A_533 = tpu.memref_slice %arg12[%add3A_107, %dma_wait3A_532] : memref<10240x128xf32, #tpu.memory_space<vmem_shared>> -> memref<64x128xf32, #tpu.memory_space<vmem_shared>>
      %dma_wait3A_534 = arith.constant 0 : i32
      %dma_wait3A_535 = arith.constant 0 : i32
      %dma_wait3A_536 = tpu.memref_slice %arg10[%run_scoped3A_108, %dma_wait3A_534, %dma_wait3A_535] : memref<4x64x128xf32, #tpu.memory_space<vmem>> -> memref<1x64x128xf32, #tpu.memory_space<vmem>>
      %dma_wait3A_537 = tpu.memref_squeeze %dma_wait3A_536 : memref<1x64x128xf32, #tpu.memory_space<vmem>> -> memref<64x128xf32, #tpu.memory_space<vmem>>
      tpu.wait_dma2 semaphore(%run_scoped3A_514 : memref<!tpu.dma_semaphore, #tpu.memory_space<semaphore_mem>>) src(%dma_wait3A_537 : memref<64x128xf32, #tpu.memory_space<vmem>>) dst(%dma_wait3A_533 : memref<64x128xf32, #tpu.memory_space<vmem_shared>>)
      tpu.yield
    }) : () -> ()
    %mul3A_109 = arith.constant 640 : i32
    %mul3A_110 = arith.muli %arg1, %mul3A_109 : i32
    %add3A_111 = arith.constant 448 : i32
    %add3A_112 = arith.addi %mul3A_110, %add3A_111 : i32
    %run_scoped3A_113 = arith.constant 0 : i32
    "tpu.region"() ({
      %run_scoped3A_514 = tpu.sem_alloc : memref<!tpu.dma_semaphore, #tpu.memory_space<semaphore_mem>>
      %dma_start3A_515 = arith.constant 0 : i32
      %dma_start3A_516 = tpu.memref_slice %arg11[%run_scoped3A_113, %dma_start3A_515] : memref<4x64xf32, #tpu.memory_space<vmem>> -> memref<1x64xf32, #tpu.memory_space<vmem>>
      %dma_start3A_517 = tpu.memref_squeeze %dma_start3A_516 : memref<1x64xf32, #tpu.memory_space<vmem>> -> memref<64xf32, #tpu.memory_space<vmem>>
      %dma_start3A_518 = tpu.memref_slice %arg13[%add3A_112] : memref<10240xf32, #tpu.memory_space<vmem_shared>> -> memref<64xf32, #tpu.memory_space<vmem_shared>>
      %dma_start3A_519 = tpu.memref_slice %arg13[%add3A_112] : memref<10240xf32, #tpu.memory_space<vmem_shared>> -> memref<64xf32, #tpu.memory_space<vmem_shared>>
      %dma_start3A_520 = arith.constant 0 : i32
      %dma_start3A_521 = tpu.memref_slice %arg11[%run_scoped3A_113, %dma_start3A_520] : memref<4x64xf32, #tpu.memory_space<vmem>> -> memref<1x64xf32, #tpu.memory_space<vmem>>
      %dma_start3A_522 = tpu.memref_squeeze %dma_start3A_521 : memref<1x64xf32, #tpu.memory_space<vmem>> -> memref<64xf32, #tpu.memory_space<vmem>>
      tpu.enqueue_dma source(%dma_start3A_522 : memref<64xf32, #tpu.memory_space<vmem>>) target(%dma_start3A_519 : memref<64xf32, #tpu.memory_space<vmem_shared>>) target_semaphore(%run_scoped3A_514 : memref<!tpu.dma_semaphore, #tpu.memory_space<semaphore_mem>>)
      %dma_wait3A = arith.constant 0 : i32
      %dma_wait3A_523 = tpu.memref_slice %arg11[%run_scoped3A_113, %dma_wait3A] : memref<4x64xf32, #tpu.memory_space<vmem>> -> memref<1x64xf32, #tpu.memory_space<vmem>>
      %dma_wait3A_524 = tpu.memref_squeeze %dma_wait3A_523 : memref<1x64xf32, #tpu.memory_space<vmem>> -> memref<64xf32, #tpu.memory_space<vmem>>
      %dma_wait3A_525 = tpu.memref_slice %arg13[%add3A_112] : memref<10240xf32, #tpu.memory_space<vmem_shared>> -> memref<64xf32, #tpu.memory_space<vmem_shared>>
      %dma_wait3A_526 = tpu.memref_slice %arg13[%add3A_112] : memref<10240xf32, #tpu.memory_space<vmem_shared>> -> memref<64xf32, #tpu.memory_space<vmem_shared>>
      %dma_wait3A_527 = arith.constant 0 : i32
      %dma_wait3A_528 = tpu.memref_slice %arg11[%run_scoped3A_113, %dma_wait3A_527] : memref<4x64xf32, #tpu.memory_space<vmem>> -> memref<1x64xf32, #tpu.memory_space<vmem>>
      %dma_wait3A_529 = tpu.memref_squeeze %dma_wait3A_528 : memref<1x64xf32, #tpu.memory_space<vmem>> -> memref<64xf32, #tpu.memory_space<vmem>>
      tpu.wait_dma2 semaphore(%run_scoped3A_514 : memref<!tpu.dma_semaphore, #tpu.memory_space<semaphore_mem>>) src(%dma_wait3A_529 : memref<64xf32, #tpu.memory_space<vmem>>) dst(%dma_wait3A_526 : memref<64xf32, #tpu.memory_space<vmem_shared>>)
      tpu.yield
    }) : () -> ()
    %mul3A_114 = arith.constant 640 : i32
    %mul3A_115 = arith.muli %arg1, %mul3A_114 : i32
    %add3A_116 = arith.constant 512 : i32
    %add3A_117 = arith.addi %mul3A_115, %add3A_116 : i32
    %run_scoped3A_118 = arith.constant 0 : i32
    "tpu.region"() ({
      %run_scoped3A_514 = tpu.sem_alloc : memref<!tpu.dma_semaphore, #tpu.memory_space<semaphore_mem>>
      %dma_start3A_515 = arith.constant 0 : i32
      %dma_start3A_516 = arith.constant 0 : i32
      %dma_start3A_517 = tpu.memref_slice %arg10[%run_scoped3A_118, %dma_start3A_515, %dma_start3A_516] : memref<4x64x128xf32, #tpu.memory_space<vmem>> -> memref<1x64x128xf32, #tpu.memory_space<vmem>>
      %dma_start3A_518 = tpu.memref_squeeze %dma_start3A_517 : memref<1x64x128xf32, #tpu.memory_space<vmem>> -> memref<64x128xf32, #tpu.memory_space<vmem>>
      %dma_start3A_519 = arith.constant 0 : i32
      %dma_start3A_520 = tpu.memref_slice %arg12[%add3A_117, %dma_start3A_519] : memref<10240x128xf32, #tpu.memory_space<vmem_shared>> -> memref<64x128xf32, #tpu.memory_space<vmem_shared>>
      %dma_start3A_521 = arith.constant 0 : i32
      %dma_start3A_522 = tpu.memref_slice %arg12[%add3A_117, %dma_start3A_521] : memref<10240x128xf32, #tpu.memory_space<vmem_shared>> -> memref<64x128xf32, #tpu.memory_space<vmem_shared>>
      %dma_start3A_523 = arith.constant 0 : i32
      %dma_start3A_524 = arith.constant 0 : i32
      %dma_start3A_525 = tpu.memref_slice %arg10[%run_scoped3A_118, %dma_start3A_523, %dma_start3A_524] : memref<4x64x128xf32, #tpu.memory_space<vmem>> -> memref<1x64x128xf32, #tpu.memory_space<vmem>>
      %dma_start3A_526 = tpu.memref_squeeze %dma_start3A_525 : memref<1x64x128xf32, #tpu.memory_space<vmem>> -> memref<64x128xf32, #tpu.memory_space<vmem>>
      tpu.enqueue_dma source(%dma_start3A_526 : memref<64x128xf32, #tpu.memory_space<vmem>>) target(%dma_start3A_522 : memref<64x128xf32, #tpu.memory_space<vmem_shared>>) target_semaphore(%run_scoped3A_514 : memref<!tpu.dma_semaphore, #tpu.memory_space<semaphore_mem>>)
      %dma_wait3A = arith.constant 0 : i32
      %dma_wait3A_527 = arith.constant 0 : i32
      %dma_wait3A_528 = tpu.memref_slice %arg10[%run_scoped3A_118, %dma_wait3A, %dma_wait3A_527] : memref<4x64x128xf32, #tpu.memory_space<vmem>> -> memref<1x64x128xf32, #tpu.memory_space<vmem>>
      %dma_wait3A_529 = tpu.memref_squeeze %dma_wait3A_528 : memref<1x64x128xf32, #tpu.memory_space<vmem>> -> memref<64x128xf32, #tpu.memory_space<vmem>>
      %dma_wait3A_530 = arith.constant 0 : i32
      %dma_wait3A_531 = tpu.memref_slice %arg12[%add3A_117, %dma_wait3A_530] : memref<10240x128xf32, #tpu.memory_space<vmem_shared>> -> memref<64x128xf32, #tpu.memory_space<vmem_shared>>
      %dma_wait3A_532 = arith.constant 0 : i32
      %dma_wait3A_533 = tpu.memref_slice %arg12[%add3A_117, %dma_wait3A_532] : memref<10240x128xf32, #tpu.memory_space<vmem_shared>> -> memref<64x128xf32, #tpu.memory_space<vmem_shared>>
      %dma_wait3A_534 = arith.constant 0 : i32
      %dma_wait3A_535 = arith.constant 0 : i32
      %dma_wait3A_536 = tpu.memref_slice %arg10[%run_scoped3A_118, %dma_wait3A_534, %dma_wait3A_535] : memref<4x64x128xf32, #tpu.memory_space<vmem>> -> memref<1x64x128xf32, #tpu.memory_space<vmem>>
      %dma_wait3A_537 = tpu.memref_squeeze %dma_wait3A_536 : memref<1x64x128xf32, #tpu.memory_space<vmem>> -> memref<64x128xf32, #tpu.memory_space<vmem>>
      tpu.wait_dma2 semaphore(%run_scoped3A_514 : memref<!tpu.dma_semaphore, #tpu.memory_space<semaphore_mem>>) src(%dma_wait3A_537 : memref<64x128xf32, #tpu.memory_space<vmem>>) dst(%dma_wait3A_533 : memref<64x128xf32, #tpu.memory_space<vmem_shared>>)
      tpu.yield
    }) : () -> ()
    %mul3A_119 = arith.constant 640 : i32
    %mul3A_120 = arith.muli %arg1, %mul3A_119 : i32
    %add3A_121 = arith.constant 512 : i32
    %add3A_122 = arith.addi %mul3A_120, %add3A_121 : i32
    %run_scoped3A_123 = arith.constant 0 : i32
    "tpu.region"() ({
      %run_scoped3A_514 = tpu.sem_alloc : memref<!tpu.dma_semaphore, #tpu.memory_space<semaphore_mem>>
      %dma_start3A_515 = arith.constant 0 : i32
      %dma_start3A_516 = tpu.memref_slice %arg11[%run_scoped3A_123, %dma_start3A_515] : memref<4x64xf32, #tpu.memory_space<vmem>> -> memref<1x64xf32, #tpu.memory_space<vmem>>
      %dma_start3A_517 = tpu.memref_squeeze %dma_start3A_516 : memref<1x64xf32, #tpu.memory_space<vmem>> -> memref<64xf32, #tpu.memory_space<vmem>>
      %dma_start3A_518 = tpu.memref_slice %arg13[%add3A_122] : memref<10240xf32, #tpu.memory_space<vmem_shared>> -> memref<64xf32, #tpu.memory_space<vmem_shared>>
      %dma_start3A_519 = tpu.memref_slice %arg13[%add3A_122] : memref<10240xf32, #tpu.memory_space<vmem_shared>> -> memref<64xf32, #tpu.memory_space<vmem_shared>>
      %dma_start3A_520 = arith.constant 0 : i32
      %dma_start3A_521 = tpu.memref_slice %arg11[%run_scoped3A_123, %dma_start3A_520] : memref<4x64xf32, #tpu.memory_space<vmem>> -> memref<1x64xf32, #tpu.memory_space<vmem>>
      %dma_start3A_522 = tpu.memref_squeeze %dma_start3A_521 : memref<1x64xf32, #tpu.memory_space<vmem>> -> memref<64xf32, #tpu.memory_space<vmem>>
      tpu.enqueue_dma source(%dma_start3A_522 : memref<64xf32, #tpu.memory_space<vmem>>) target(%dma_start3A_519 : memref<64xf32, #tpu.memory_space<vmem_shared>>) target_semaphore(%run_scoped3A_514 : memref<!tpu.dma_semaphore, #tpu.memory_space<semaphore_mem>>)
      %dma_wait3A = arith.constant 0 : i32
      %dma_wait3A_523 = tpu.memref_slice %arg11[%run_scoped3A_123, %dma_wait3A] : memref<4x64xf32, #tpu.memory_space<vmem>> -> memref<1x64xf32, #tpu.memory_space<vmem>>
      %dma_wait3A_524 = tpu.memref_squeeze %dma_wait3A_523 : memref<1x64xf32, #tpu.memory_space<vmem>> -> memref<64xf32, #tpu.memory_space<vmem>>
      %dma_wait3A_525 = tpu.memref_slice %arg13[%add3A_122] : memref<10240xf32, #tpu.memory_space<vmem_shared>> -> memref<64xf32, #tpu.memory_space<vmem_shared>>
      %dma_wait3A_526 = tpu.memref_slice %arg13[%add3A_122] : memref<10240xf32, #tpu.memory_space<vmem_shared>> -> memref<64xf32, #tpu.memory_space<vmem_shared>>
      %dma_wait3A_527 = arith.constant 0 : i32
      %dma_wait3A_528 = tpu.memref_slice %arg11[%run_scoped3A_123, %dma_wait3A_527] : memref<4x64xf32, #tpu.memory_space<vmem>> -> memref<1x64xf32, #tpu.memory_space<vmem>>
      %dma_wait3A_529 = tpu.memref_squeeze %dma_wait3A_528 : memref<1x64xf32, #tpu.memory_space<vmem>> -> memref<64xf32, #tpu.memory_space<vmem>>
      tpu.wait_dma2 semaphore(%run_scoped3A_514 : memref<!tpu.dma_semaphore, #tpu.memory_space<semaphore_mem>>) src(%dma_wait3A_529 : memref<64xf32, #tpu.memory_space<vmem>>) dst(%dma_wait3A_526 : memref<64xf32, #tpu.memory_space<vmem_shared>>)
      tpu.yield
    }) : () -> ()
    %mul3A_124 = arith.constant 640 : i32
    %mul3A_125 = arith.muli %arg1, %mul3A_124 : i32
    %add3A_126 = arith.constant 576 : i32
    %add3A_127 = arith.addi %mul3A_125, %add3A_126 : i32
    %run_scoped3A_128 = arith.constant 0 : i32
    "tpu.region"() ({
      %run_scoped3A_514 = tpu.sem_alloc : memref<!tpu.dma_semaphore, #tpu.memory_space<semaphore_mem>>
      %dma_start3A_515 = arith.constant 0 : i32
      %dma_start3A_516 = arith.constant 0 : i32
      %dma_start3A_517 = tpu.memref_slice %arg10[%run_scoped3A_128, %dma_start3A_515, %dma_start3A_516] : memref<4x64x128xf32, #tpu.memory_space<vmem>> -> memref<1x64x128xf32, #tpu.memory_space<vmem>>
      %dma_start3A_518 = tpu.memref_squeeze %dma_start3A_517 : memref<1x64x128xf32, #tpu.memory_space<vmem>> -> memref<64x128xf32, #tpu.memory_space<vmem>>
      %dma_start3A_519 = arith.constant 0 : i32
      %dma_start3A_520 = tpu.memref_slice %arg12[%add3A_127, %dma_start3A_519] : memref<10240x128xf32, #tpu.memory_space<vmem_shared>> -> memref<64x128xf32, #tpu.memory_space<vmem_shared>>
      %dma_start3A_521 = arith.constant 0 : i32
      %dma_start3A_522 = tpu.memref_slice %arg12[%add3A_127, %dma_start3A_521] : memref<10240x128xf32, #tpu.memory_space<vmem_shared>> -> memref<64x128xf32, #tpu.memory_space<vmem_shared>>
      %dma_start3A_523 = arith.constant 0 : i32
      %dma_start3A_524 = arith.constant 0 : i32
      %dma_start3A_525 = tpu.memref_slice %arg10[%run_scoped3A_128, %dma_start3A_523, %dma_start3A_524] : memref<4x64x128xf32, #tpu.memory_space<vmem>> -> memref<1x64x128xf32, #tpu.memory_space<vmem>>
      %dma_start3A_526 = tpu.memref_squeeze %dma_start3A_525 : memref<1x64x128xf32, #tpu.memory_space<vmem>> -> memref<64x128xf32, #tpu.memory_space<vmem>>
      tpu.enqueue_dma source(%dma_start3A_526 : memref<64x128xf32, #tpu.memory_space<vmem>>) target(%dma_start3A_522 : memref<64x128xf32, #tpu.memory_space<vmem_shared>>) target_semaphore(%run_scoped3A_514 : memref<!tpu.dma_semaphore, #tpu.memory_space<semaphore_mem>>)
      %dma_wait3A = arith.constant 0 : i32
      %dma_wait3A_527 = arith.constant 0 : i32
      %dma_wait3A_528 = tpu.memref_slice %arg10[%run_scoped3A_128, %dma_wait3A, %dma_wait3A_527] : memref<4x64x128xf32, #tpu.memory_space<vmem>> -> memref<1x64x128xf32, #tpu.memory_space<vmem>>
      %dma_wait3A_529 = tpu.memref_squeeze %dma_wait3A_528 : memref<1x64x128xf32, #tpu.memory_space<vmem>> -> memref<64x128xf32, #tpu.memory_space<vmem>>
      %dma_wait3A_530 = arith.constant 0 : i32
      %dma_wait3A_531 = tpu.memref_slice %arg12[%add3A_127, %dma_wait3A_530] : memref<10240x128xf32, #tpu.memory_space<vmem_shared>> -> memref<64x128xf32, #tpu.memory_space<vmem_shared>>
      %dma_wait3A_532 = arith.constant 0 : i32
      %dma_wait3A_533 = tpu.memref_slice %arg12[%add3A_127, %dma_wait3A_532] : memref<10240x128xf32, #tpu.memory_space<vmem_shared>> -> memref<64x128xf32, #tpu.memory_space<vmem_shared>>
      %dma_wait3A_534 = arith.constant 0 : i32
      %dma_wait3A_535 = arith.constant 0 : i32
      %dma_wait3A_536 = tpu.memref_slice %arg10[%run_scoped3A_128, %dma_wait3A_534, %dma_wait3A_535] : memref<4x64x128xf32, #tpu.memory_space<vmem>> -> memref<1x64x128xf32, #tpu.memory_space<vmem>>
      %dma_wait3A_537 = tpu.memref_squeeze %dma_wait3A_536 : memref<1x64x128xf32, #tpu.memory_space<vmem>> -> memref<64x128xf32, #tpu.memory_space<vmem>>
      tpu.wait_dma2 semaphore(%run_scoped3A_514 : memref<!tpu.dma_semaphore, #tpu.memory_space<semaphore_mem>>) src(%dma_wait3A_537 : memref<64x128xf32, #tpu.memory_space<vmem>>) dst(%dma_wait3A_533 : memref<64x128xf32, #tpu.memory_space<vmem_shared>>)
      tpu.yield
    }) : () -> ()
    %mul3A_129 = arith.constant 640 : i32
    %mul3A_130 = arith.muli %arg1, %mul3A_129 : i32
    %add3A_131 = arith.constant 576 : i32
    %add3A_132 = arith.addi %mul3A_130, %add3A_131 : i32
    %run_scoped3A_133 = arith.constant 0 : i32
    "tpu.region"() ({
      %run_scoped3A_514 = tpu.sem_alloc : memref<!tpu.dma_semaphore, #tpu.memory_space<semaphore_mem>>
      %dma_start3A_515 = arith.constant 0 : i32
      %dma_start3A_516 = tpu.memref_slice %arg11[%run_scoped3A_133, %dma_start3A_515] : memref<4x64xf32, #tpu.memory_space<vmem>> -> memref<1x64xf32, #tpu.memory_space<vmem>>
      %dma_start3A_517 = tpu.memref_squeeze %dma_start3A_516 : memref<1x64xf32, #tpu.memory_space<vmem>> -> memref<64xf32, #tpu.memory_space<vmem>>
      %dma_start3A_518 = tpu.memref_slice %arg13[%add3A_132] : memref<10240xf32, #tpu.memory_space<vmem_shared>> -> memref<64xf32, #tpu.memory_space<vmem_shared>>
      %dma_start3A_519 = tpu.memref_slice %arg13[%add3A_132] : memref<10240xf32, #tpu.memory_space<vmem_shared>> -> memref<64xf32, #tpu.memory_space<vmem_shared>>
      %dma_start3A_520 = arith.constant 0 : i32
      %dma_start3A_521 = tpu.memref_slice %arg11[%run_scoped3A_133, %dma_start3A_520] : memref<4x64xf32, #tpu.memory_space<vmem>> -> memref<1x64xf32, #tpu.memory_space<vmem>>
      %dma_start3A_522 = tpu.memref_squeeze %dma_start3A_521 : memref<1x64xf32, #tpu.memory_space<vmem>> -> memref<64xf32, #tpu.memory_space<vmem>>
      tpu.enqueue_dma source(%dma_start3A_522 : memref<64xf32, #tpu.memory_space<vmem>>) target(%dma_start3A_519 : memref<64xf32, #tpu.memory_space<vmem_shared>>) target_semaphore(%run_scoped3A_514 : memref<!tpu.dma_semaphore, #tpu.memory_space<semaphore_mem>>)
      %dma_wait3A = arith.constant 0 : i32
      %dma_wait3A_523 = tpu.memref_slice %arg11[%run_scoped3A_133, %dma_wait3A] : memref<4x64xf32, #tpu.memory_space<vmem>> -> memref<1x64xf32, #tpu.memory_space<vmem>>
      %dma_wait3A_524 = tpu.memref_squeeze %dma_wait3A_523 : memref<1x64xf32, #tpu.memory_space<vmem>> -> memref<64xf32, #tpu.memory_space<vmem>>
      %dma_wait3A_525 = tpu.memref_slice %arg13[%add3A_132] : memref<10240xf32, #tpu.memory_space<vmem_shared>> -> memref<64xf32, #tpu.memory_space<vmem_shared>>
      %dma_wait3A_526 = tpu.memref_slice %arg13[%add3A_132] : memref<10240xf32, #tpu.memory_space<vmem_shared>> -> memref<64xf32, #tpu.memory_space<vmem_shared>>
      %dma_wait3A_527 = arith.constant 0 : i32
      %dma_wait3A_528 = tpu.memref_slice %arg11[%run_scoped3A_133, %dma_wait3A_527] : memref<4x64xf32, #tpu.memory_space<vmem>> -> memref<1x64xf32, #tpu.memory_space<vmem>>
      %dma_wait3A_529 = tpu.memref_squeeze %dma_wait3A_528 : memref<1x64xf32, #tpu.memory_space<vmem>> -> memref<64xf32, #tpu.memory_space<vmem>>
      tpu.wait_dma2 semaphore(%run_scoped3A_514 : memref<!tpu.dma_semaphore, #tpu.memory_space<semaphore_mem>>) src(%dma_wait3A_529 : memref<64xf32, #tpu.memory_space<vmem>>) dst(%dma_wait3A_526 : memref<64xf32, #tpu.memory_space<vmem_shared>>)
      tpu.yield
    }) : () -> ()
    %barrier3A = arith.constant 0 : index
    tpu.barrier barrier_id(%barrier3A)
    "tpu.region"() ({
      %run_scoped3A_514 = tpu.sem_alloc : memref<!tpu.dma_semaphore, #tpu.memory_space<semaphore_mem>>
      %dma_start3A_515 = arith.constant 0 : i32
      %dma_start3A_516 = arith.constant 0 : i32
      %dma_start3A_517 = tpu.memref_slice %arg3[%add3A, %dma_start3A_515, %dma_start3A_516] : memref<32x160x64xi32, #tpu.memory_space<hbm>> -> memref<1x40x64xi32, #tpu.memory_space<hbm>>
      %dma_start3A_518 = tpu.memref_squeeze %dma_start3A_517 : memref<1x40x64xi32, #tpu.memory_space<hbm>> -> memref<40x64xi32, #tpu.memory_space<hbm>>
      %dma_start3A_519 = arith.constant 0 : i32
      %dma_start3A_520 = arith.constant 0 : i32
      %dma_start3A_521 = tpu.memref_slice %arg3[%add3A, %dma_start3A_519, %dma_start3A_520] : memref<32x160x64xi32, #tpu.memory_space<hbm>> -> memref<1x40x64xi32, #tpu.memory_space<hbm>>
      %dma_start3A_522 = tpu.memref_squeeze %dma_start3A_521 : memref<1x40x64xi32, #tpu.memory_space<hbm>> -> memref<40x64xi32, #tpu.memory_space<hbm>>
      tpu.enqueue_dma source(%dma_start3A_522 : memref<40x64xi32, #tpu.memory_space<hbm>>) target(%arg8 : memref<40x64xi32, #tpu.memory_space<vmem>>) target_semaphore(%run_scoped3A_514 : memref<!tpu.dma_semaphore, #tpu.memory_space<semaphore_mem>>)
      %dma_wait3A = arith.constant 0 : i32
      %dma_wait3A_523 = arith.constant 0 : i32
      %dma_wait3A_524 = tpu.memref_slice %arg3[%add3A, %dma_wait3A, %dma_wait3A_523] : memref<32x160x64xi32, #tpu.memory_space<hbm>> -> memref<1x40x64xi32, #tpu.memory_space<hbm>>
      %dma_wait3A_525 = tpu.memref_squeeze %dma_wait3A_524 : memref<1x40x64xi32, #tpu.memory_space<hbm>> -> memref<40x64xi32, #tpu.memory_space<hbm>>
      %dma_wait3A_526 = arith.constant 0 : i32
      %dma_wait3A_527 = arith.constant 0 : i32
      %dma_wait3A_528 = tpu.memref_slice %arg3[%add3A, %dma_wait3A_526, %dma_wait3A_527] : memref<32x160x64xi32, #tpu.memory_space<hbm>> -> memref<1x40x64xi32, #tpu.memory_space<hbm>>
      %dma_wait3A_529 = tpu.memref_squeeze %dma_wait3A_528 : memref<1x40x64xi32, #tpu.memory_space<hbm>> -> memref<40x64xi32, #tpu.memory_space<hbm>>
      tpu.wait_dma2 semaphore(%run_scoped3A_514 : memref<!tpu.dma_semaphore, #tpu.memory_space<semaphore_mem>>) src(%dma_wait3A_529 : memref<40x64xi32, #tpu.memory_space<hbm>>) dst(%arg8 : memref<40x64xi32, #tpu.memory_space<vmem>>)
      tpu.yield
    }) : () -> ()
    "tpu.region"() ({
      %run_scoped3A_514 = tpu.sem_alloc : memref<!tpu.dma_semaphore, #tpu.memory_space<semaphore_mem>>
      %dma_start3A_515 = arith.constant 0 : i32
      %dma_start3A_516 = arith.constant 0 : i32
      %dma_start3A_517 = tpu.memref_slice %arg4[%add3A, %dma_start3A_515, %dma_start3A_516] : memref<32x160x64xi32, #tpu.memory_space<hbm>> -> memref<1x40x64xi32, #tpu.memory_space<hbm>>
      %dma_start3A_518 = tpu.memref_squeeze %dma_start3A_517 : memref<1x40x64xi32, #tpu.memory_space<hbm>> -> memref<40x64xi32, #tpu.memory_space<hbm>>
      %dma_start3A_519 = arith.constant 0 : i32
      %dma_start3A_520 = arith.constant 0 : i32
      %dma_start3A_521 = tpu.memref_slice %arg4[%add3A, %dma_start3A_519, %dma_start3A_520] : memref<32x160x64xi32, #tpu.memory_space<hbm>> -> memref<1x40x64xi32, #tpu.memory_space<hbm>>
      %dma_start3A_522 = tpu.memref_squeeze %dma_start3A_521 : memref<1x40x64xi32, #tpu.memory_space<hbm>> -> memref<40x64xi32, #tpu.memory_space<hbm>>
      tpu.enqueue_dma source(%dma_start3A_522 : memref<40x64xi32, #tpu.memory_space<hbm>>) target(%arg9 : memref<40x64xi32, #tpu.memory_space<vmem>>) target_semaphore(%run_scoped3A_514 : memref<!tpu.dma_semaphore, #tpu.memory_space<semaphore_mem>>)
      %dma_wait3A = arith.constant 0 : i32
      %dma_wait3A_523 = arith.constant 0 : i32
      %dma_wait3A_524 = tpu.memref_slice %arg4[%add3A, %dma_wait3A, %dma_wait3A_523] : memref<32x160x64xi32, #tpu.memory_space<hbm>> -> memref<1x40x64xi32, #tpu.memory_space<hbm>>
      %dma_wait3A_525 = tpu.memref_squeeze %dma_wait3A_524 : memref<1x40x64xi32, #tpu.memory_space<hbm>> -> memref<40x64xi32, #tpu.memory_space<hbm>>
      %dma_wait3A_526 = arith.constant 0 : i32
      %dma_wait3A_527 = arith.constant 0 : i32
      %dma_wait3A_528 = tpu.memref_slice %arg4[%add3A, %dma_wait3A_526, %dma_wait3A_527] : memref<32x160x64xi32, #tpu.memory_space<hbm>> -> memref<1x40x64xi32, #tpu.memory_space<hbm>>
      %dma_wait3A_529 = tpu.memref_squeeze %dma_wait3A_528 : memref<1x40x64xi32, #tpu.memory_space<hbm>> -> memref<40x64xi32, #tpu.memory_space<hbm>>
      tpu.wait_dma2 semaphore(%run_scoped3A_514 : memref<!tpu.dma_semaphore, #tpu.memory_space<semaphore_mem>>) src(%dma_wait3A_529 : memref<40x64xi32, #tpu.memory_space<hbm>>) dst(%arg9 : memref<40x64xi32, #tpu.memory_space<vmem>>)
      tpu.yield
    }) : () -> ()
    %dma_start3A = arith.constant 0 : i32
    %dma_start3A_134 = arith.constant 0 : i32
    %dma_start3A_135 = arith.constant 0 : i32
    %dma_start3A_136 = arith.constant 0 : i32
    %dma_start3A_137 = tpu.memref_slice %arg10[%dma_start3A_134, %dma_start3A_135, %dma_start3A_136] : memref<4x64x128xf32, #tpu.memory_space<vmem>> -> memref<1x64x128xf32, #tpu.memory_space<vmem>>
    %dma_start3A_138 = tpu.memref_squeeze %dma_start3A_137 : memref<1x64x128xf32, #tpu.memory_space<vmem>> -> memref<64x128xf32, #tpu.memory_space<vmem>>
    %dma_start3A_139 = arith.constant 0 : i32
    %dma_start3A_140 = tpu.memref_slice %arg8[%dma_start3A, %dma_start3A_139] : memref<40x64xi32, #tpu.memory_space<vmem>> -> memref<1x64xi32, #tpu.memory_space<vmem>>
    %dma_start3A_141 = tpu.memref_squeeze %dma_start3A_140 : memref<1x64xi32, #tpu.memory_space<vmem>> -> memref<64xi32, #tpu.memory_space<vmem>>
    %dma_start3A_142 = arith.constant 0 : i32
    %dma_start3A_143 = arith.constant 0 : i32
    %dma_start3A_144 = tpu.memref_slice %arg2[%dma_start3A_142, %dma_start3A_143] : memref<10240x128xf32, #tpu.memory_space<hbm>> -> memref<10240x128xf32, #tpu.memory_space<hbm>>
    tpu.enqueue_indirect_dma source(%dma_start3A_144 : memref<10240x128xf32, #tpu.memory_space<hbm>>) target(%dma_start3A_138 : memref<64x128xf32, #tpu.memory_space<vmem>>) offsets(%dma_start3A_141 : memref<64xi32, #tpu.memory_space<vmem>>) semaphore(%arg14 : memref<!tpu.dma_semaphore, #tpu.memory_space<semaphore_mem>>)
    %dma_start3A_145 = arith.constant 0 : i32
    %dma_start3A_146 = arith.constant 0 : i32
    %dma_start3A_147 = arith.constant 0 : i32
    %dma_start3A_148 = tpu.memref_slice %arg11[%dma_start3A_146, %dma_start3A_147] : memref<4x64xf32, #tpu.memory_space<vmem>> -> memref<1x64xf32, #tpu.memory_space<vmem>>
    %dma_start3A_149 = tpu.memref_squeeze %dma_start3A_148 : memref<1x64xf32, #tpu.memory_space<vmem>> -> memref<64xf32, #tpu.memory_space<vmem>>
    %dma_start3A_150 = arith.constant 0 : i32
    %dma_start3A_151 = tpu.memref_slice %arg9[%dma_start3A_145, %dma_start3A_150] : memref<40x64xi32, #tpu.memory_space<vmem>> -> memref<1x64xi32, #tpu.memory_space<vmem>>
    %dma_start3A_152 = tpu.memref_squeeze %dma_start3A_151 : memref<1x64xi32, #tpu.memory_space<vmem>> -> memref<64xi32, #tpu.memory_space<vmem>>
    %dma_start3A_153 = arith.constant 0 : i32
    %dma_start3A_154 = tpu.memref_slice %arg5[%dma_start3A_153] : memref<10240xf32, #tpu.memory_space<hbm>> -> memref<10240xf32, #tpu.memory_space<hbm>>
    tpu.enqueue_indirect_dma source(%dma_start3A_154 : memref<10240xf32, #tpu.memory_space<hbm>>) target(%dma_start3A_149 : memref<64xf32, #tpu.memory_space<vmem>>) offsets(%dma_start3A_152 : memref<64xi32, #tpu.memory_space<vmem>>) semaphore(%arg14 : memref<!tpu.dma_semaphore, #tpu.memory_space<semaphore_mem>>)
    %dma_start3A_155 = arith.constant 1 : i32
    %dma_start3A_156 = arith.constant 1 : i32
    %dma_start3A_157 = arith.constant 0 : i32
    %dma_start3A_158 = arith.constant 0 : i32
    %dma_start3A_159 = tpu.memref_slice %arg10[%dma_start3A_156, %dma_start3A_157, %dma_start3A_158] : memref<4x64x128xf32, #tpu.memory_space<vmem>> -> memref<1x64x128xf32, #tpu.memory_space<vmem>>
    %dma_start3A_160 = tpu.memref_squeeze %dma_start3A_159 : memref<1x64x128xf32, #tpu.memory_space<vmem>> -> memref<64x128xf32, #tpu.memory_space<vmem>>
    %dma_start3A_161 = arith.constant 0 : i32
    %dma_start3A_162 = tpu.memref_slice %arg8[%dma_start3A_155, %dma_start3A_161] : memref<40x64xi32, #tpu.memory_space<vmem>> -> memref<1x64xi32, #tpu.memory_space<vmem>>
    %dma_start3A_163 = tpu.memref_squeeze %dma_start3A_162 : memref<1x64xi32, #tpu.memory_space<vmem>> -> memref<64xi32, #tpu.memory_space<vmem>>
    %dma_start3A_164 = arith.constant 0 : i32
    %dma_start3A_165 = arith.constant 0 : i32
    %dma_start3A_166 = tpu.memref_slice %arg2[%dma_start3A_164, %dma_start3A_165] : memref<10240x128xf32, #tpu.memory_space<hbm>> -> memref<10240x128xf32, #tpu.memory_space<hbm>>
    tpu.enqueue_indirect_dma source(%dma_start3A_166 : memref<10240x128xf32, #tpu.memory_space<hbm>>) target(%dma_start3A_160 : memref<64x128xf32, #tpu.memory_space<vmem>>) offsets(%dma_start3A_163 : memref<64xi32, #tpu.memory_space<vmem>>) semaphore(%arg15 : memref<!tpu.dma_semaphore, #tpu.memory_space<semaphore_mem>>)
    %dma_start3A_167 = arith.constant 1 : i32
    %dma_start3A_168 = arith.constant 1 : i32
    %dma_start3A_169 = arith.constant 0 : i32
    %dma_start3A_170 = tpu.memref_slice %arg11[%dma_start3A_168, %dma_start3A_169] : memref<4x64xf32, #tpu.memory_space<vmem>> -> memref<1x64xf32, #tpu.memory_space<vmem>>
    %dma_start3A_171 = tpu.memref_squeeze %dma_start3A_170 : memref<1x64xf32, #tpu.memory_space<vmem>> -> memref<64xf32, #tpu.memory_space<vmem>>
    %dma_start3A_172 = arith.constant 0 : i32
    %dma_start3A_173 = tpu.memref_slice %arg9[%dma_start3A_167, %dma_start3A_172] : memref<40x64xi32, #tpu.memory_space<vmem>> -> memref<1x64xi32, #tpu.memory_space<vmem>>
    %dma_start3A_174 = tpu.memref_squeeze %dma_start3A_173 : memref<1x64xi32, #tpu.memory_space<vmem>> -> memref<64xi32, #tpu.memory_space<vmem>>
    %dma_start3A_175 = arith.constant 0 : i32
    %dma_start3A_176 = tpu.memref_slice %arg5[%dma_start3A_175] : memref<10240xf32, #tpu.memory_space<hbm>> -> memref<10240xf32, #tpu.memory_space<hbm>>
    tpu.enqueue_indirect_dma source(%dma_start3A_176 : memref<10240xf32, #tpu.memory_space<hbm>>) target(%dma_start3A_171 : memref<64xf32, #tpu.memory_space<vmem>>) offsets(%dma_start3A_174 : memref<64xi32, #tpu.memory_space<vmem>>) semaphore(%arg15 : memref<!tpu.dma_semaphore, #tpu.memory_space<semaphore_mem>>)
    %dma_start3A_177 = arith.constant 2 : i32
    %dma_start3A_178 = arith.constant 2 : i32
    %dma_start3A_179 = arith.constant 0 : i32
    %dma_start3A_180 = arith.constant 0 : i32
    %dma_start3A_181 = tpu.memref_slice %arg10[%dma_start3A_178, %dma_start3A_179, %dma_start3A_180] : memref<4x64x128xf32, #tpu.memory_space<vmem>> -> memref<1x64x128xf32, #tpu.memory_space<vmem>>
    %dma_start3A_182 = tpu.memref_squeeze %dma_start3A_181 : memref<1x64x128xf32, #tpu.memory_space<vmem>> -> memref<64x128xf32, #tpu.memory_space<vmem>>
    %dma_start3A_183 = arith.constant 0 : i32
    %dma_start3A_184 = tpu.memref_slice %arg8[%dma_start3A_177, %dma_start3A_183] : memref<40x64xi32, #tpu.memory_space<vmem>> -> memref<1x64xi32, #tpu.memory_space<vmem>>
    %dma_start3A_185 = tpu.memref_squeeze %dma_start3A_184 : memref<1x64xi32, #tpu.memory_space<vmem>> -> memref<64xi32, #tpu.memory_space<vmem>>
    %dma_start3A_186 = arith.constant 0 : i32
    %dma_start3A_187 = arith.constant 0 : i32
    %dma_start3A_188 = tpu.memref_slice %arg2[%dma_start3A_186, %dma_start3A_187] : memref<10240x128xf32, #tpu.memory_space<hbm>> -> memref<10240x128xf32, #tpu.memory_space<hbm>>
    tpu.enqueue_indirect_dma source(%dma_start3A_188 : memref<10240x128xf32, #tpu.memory_space<hbm>>) target(%dma_start3A_182 : memref<64x128xf32, #tpu.memory_space<vmem>>) offsets(%dma_start3A_185 : memref<64xi32, #tpu.memory_space<vmem>>) semaphore(%arg16 : memref<!tpu.dma_semaphore, #tpu.memory_space<semaphore_mem>>)
    %dma_start3A_189 = arith.constant 2 : i32
    %dma_start3A_190 = arith.constant 2 : i32
    %dma_start3A_191 = arith.constant 0 : i32
    %dma_start3A_192 = tpu.memref_slice %arg11[%dma_start3A_190, %dma_start3A_191] : memref<4x64xf32, #tpu.memory_space<vmem>> -> memref<1x64xf32, #tpu.memory_space<vmem>>
    %dma_start3A_193 = tpu.memref_squeeze %dma_start3A_192 : memref<1x64xf32, #tpu.memory_space<vmem>> -> memref<64xf32, #tpu.memory_space<vmem>>
    %dma_start3A_194 = arith.constant 0 : i32
    %dma_start3A_195 = tpu.memref_slice %arg9[%dma_start3A_189, %dma_start3A_194] : memref<40x64xi32, #tpu.memory_space<vmem>> -> memref<1x64xi32, #tpu.memory_space<vmem>>
    %dma_start3A_196 = tpu.memref_squeeze %dma_start3A_195 : memref<1x64xi32, #tpu.memory_space<vmem>> -> memref<64xi32, #tpu.memory_space<vmem>>
    %dma_start3A_197 = arith.constant 0 : i32
    %dma_start3A_198 = tpu.memref_slice %arg5[%dma_start3A_197] : memref<10240xf32, #tpu.memory_space<hbm>> -> memref<10240xf32, #tpu.memory_space<hbm>>
    tpu.enqueue_indirect_dma source(%dma_start3A_198 : memref<10240xf32, #tpu.memory_space<hbm>>) target(%dma_start3A_193 : memref<64xf32, #tpu.memory_space<vmem>>) offsets(%dma_start3A_196 : memref<64xi32, #tpu.memory_space<vmem>>) semaphore(%arg16 : memref<!tpu.dma_semaphore, #tpu.memory_space<semaphore_mem>>)
    %dma_start3A_199 = arith.constant 3 : i32
    %dma_start3A_200 = arith.constant 3 : i32
    %dma_start3A_201 = arith.constant 0 : i32
    %dma_start3A_202 = arith.constant 0 : i32
    %dma_start3A_203 = tpu.memref_slice %arg10[%dma_start3A_200, %dma_start3A_201, %dma_start3A_202] : memref<4x64x128xf32, #tpu.memory_space<vmem>> -> memref<1x64x128xf32, #tpu.memory_space<vmem>>
    %dma_start3A_204 = tpu.memref_squeeze %dma_start3A_203 : memref<1x64x128xf32, #tpu.memory_space<vmem>> -> memref<64x128xf32, #tpu.memory_space<vmem>>
    %dma_start3A_205 = arith.constant 0 : i32
    %dma_start3A_206 = tpu.memref_slice %arg8[%dma_start3A_199, %dma_start3A_205] : memref<40x64xi32, #tpu.memory_space<vmem>> -> memref<1x64xi32, #tpu.memory_space<vmem>>
    %dma_start3A_207 = tpu.memref_squeeze %dma_start3A_206 : memref<1x64xi32, #tpu.memory_space<vmem>> -> memref<64xi32, #tpu.memory_space<vmem>>
    %dma_start3A_208 = arith.constant 0 : i32
    %dma_start3A_209 = arith.constant 0 : i32
    %dma_start3A_210 = tpu.memref_slice %arg2[%dma_start3A_208, %dma_start3A_209] : memref<10240x128xf32, #tpu.memory_space<hbm>> -> memref<10240x128xf32, #tpu.memory_space<hbm>>
    tpu.enqueue_indirect_dma source(%dma_start3A_210 : memref<10240x128xf32, #tpu.memory_space<hbm>>) target(%dma_start3A_204 : memref<64x128xf32, #tpu.memory_space<vmem>>) offsets(%dma_start3A_207 : memref<64xi32, #tpu.memory_space<vmem>>) semaphore(%arg17 : memref<!tpu.dma_semaphore, #tpu.memory_space<semaphore_mem>>)
    %dma_start3A_211 = arith.constant 3 : i32
    %dma_start3A_212 = arith.constant 3 : i32
    %dma_start3A_213 = arith.constant 0 : i32
    %dma_start3A_214 = tpu.memref_slice %arg11[%dma_start3A_212, %dma_start3A_213] : memref<4x64xf32, #tpu.memory_space<vmem>> -> memref<1x64xf32, #tpu.memory_space<vmem>>
    %dma_start3A_215 = tpu.memref_squeeze %dma_start3A_214 : memref<1x64xf32, #tpu.memory_space<vmem>> -> memref<64xf32, #tpu.memory_space<vmem>>
    %dma_start3A_216 = arith.constant 0 : i32
    %dma_start3A_217 = tpu.memref_slice %arg9[%dma_start3A_211, %dma_start3A_216] : memref<40x64xi32, #tpu.memory_space<vmem>> -> memref<1x64xi32, #tpu.memory_space<vmem>>
    %dma_start3A_218 = tpu.memref_squeeze %dma_start3A_217 : memref<1x64xi32, #tpu.memory_space<vmem>> -> memref<64xi32, #tpu.memory_space<vmem>>
    %dma_start3A_219 = arith.constant 0 : i32
    %dma_start3A_220 = tpu.memref_slice %arg5[%dma_start3A_219] : memref<10240xf32, #tpu.memory_space<hbm>> -> memref<10240xf32, #tpu.memory_space<hbm>>
    tpu.enqueue_indirect_dma source(%dma_start3A_220 : memref<10240xf32, #tpu.memory_space<hbm>>) target(%dma_start3A_215 : memref<64xf32, #tpu.memory_space<vmem>>) offsets(%dma_start3A_218 : memref<64xi32, #tpu.memory_space<vmem>>) semaphore(%arg17 : memref<!tpu.dma_semaphore, #tpu.memory_space<semaphore_mem>>)
    %scan3A_221 = arith.constant 0 : i32
    %scan3A_222 = arith.constant 10 : i32
    %scan3A_223 = arith.addi %scan3A_221, %scan3A_222 : i32
    %scan3A_224 = arith.constant 1 : i32
    scf.for %scan3A_514 = %scan3A_221 to %scan3A_223 step %scan3A_224  : i32 {
      %mul3A_515 = arith.constant 4 : i32
      %mul3A_516 = arith.muli %scan3A_514, %mul3A_515 : i32
      %add3A_517 = arith.constant 0 : i32
      %add3A_518 = arith.addi %add3A_517, %mul3A_516 : i32
      %add3A_519 = arith.constant 0 : i32
      %add3A_520 = arith.addi %add3A_518, %add3A_519 : i32
      %dma_wait3A = arith.constant 0 : i32
      %dma_wait3A_521 = arith.constant 0 : i32
      %dma_wait3A_522 = arith.constant 0 : i32
      %dma_wait3A_523 = arith.constant 0 : i32
      %dma_wait3A_524 = tpu.memref_slice %arg10[%dma_wait3A_521, %dma_wait3A_522, %dma_wait3A_523] : memref<4x64x128xf32, #tpu.memory_space<vmem>> -> memref<1x64x128xf32, #tpu.memory_space<vmem>>
      %dma_wait3A_525 = tpu.memref_squeeze %dma_wait3A_524 : memref<1x64x128xf32, #tpu.memory_space<vmem>> -> memref<64x128xf32, #tpu.memory_space<vmem>>
      %dma_wait3A_526 = arith.constant 0 : i32
      %dma_wait3A_527 = tpu.memref_slice %arg8[%dma_wait3A, %dma_wait3A_526] : memref<40x64xi32, #tpu.memory_space<vmem>> -> memref<1x64xi32, #tpu.memory_space<vmem>>
      %dma_wait3A_528 = tpu.memref_squeeze %dma_wait3A_527 : memref<1x64xi32, #tpu.memory_space<vmem>> -> memref<64xi32, #tpu.memory_space<vmem>>
      %dma_wait3A_529 = arith.constant 0 : i32
      %dma_wait3A_530 = arith.constant 0 : i32
      %dma_wait3A_531 = tpu.memref_slice %arg2[%dma_wait3A_529, %dma_wait3A_530] : memref<10240x128xf32, #tpu.memory_space<hbm>> -> memref<10240x128xf32, #tpu.memory_space<hbm>>
      tpu.wait_indirect_dma semaphore(%arg14 : memref<!tpu.dma_semaphore, #tpu.memory_space<semaphore_mem>>) src(%dma_wait3A_531 : memref<10240x128xf32, #tpu.memory_space<hbm>>) dst(%dma_wait3A_525 : memref<64x128xf32, #tpu.memory_space<vmem>>)
      %dma_wait3A_532 = arith.constant 0 : i32
      %dma_wait3A_533 = arith.constant 0 : i32
      %dma_wait3A_534 = arith.constant 0 : i32
      %dma_wait3A_535 = tpu.memref_slice %arg11[%dma_wait3A_533, %dma_wait3A_534] : memref<4x64xf32, #tpu.memory_space<vmem>> -> memref<1x64xf32, #tpu.memory_space<vmem>>
      %dma_wait3A_536 = tpu.memref_squeeze %dma_wait3A_535 : memref<1x64xf32, #tpu.memory_space<vmem>> -> memref<64xf32, #tpu.memory_space<vmem>>
      %dma_wait3A_537 = arith.constant 0 : i32
      %dma_wait3A_538 = tpu.memref_slice %arg9[%dma_wait3A_532, %dma_wait3A_537] : memref<40x64xi32, #tpu.memory_space<vmem>> -> memref<1x64xi32, #tpu.memory_space<vmem>>
      %dma_wait3A_539 = tpu.memref_squeeze %dma_wait3A_538 : memref<1x64xi32, #tpu.memory_space<vmem>> -> memref<64xi32, #tpu.memory_space<vmem>>
      %dma_wait3A_540 = arith.constant 0 : i32
      %dma_wait3A_541 = tpu.memref_slice %arg5[%dma_wait3A_540] : memref<10240xf32, #tpu.memory_space<hbm>> -> memref<10240xf32, #tpu.memory_space<hbm>>
      tpu.wait_indirect_dma semaphore(%arg14 : memref<!tpu.dma_semaphore, #tpu.memory_space<semaphore_mem>>) src(%dma_wait3A_541 : memref<10240xf32, #tpu.memory_space<hbm>>) dst(%dma_wait3A_536 : memref<64xf32, #tpu.memory_space<vmem>>)
      %dma_start3A_542 = arith.constant 0 : i32
      %dma_start3A_543 = arith.constant 0 : i32
      %dma_start3A_544 = arith.constant 0 : i32
      %dma_start3A_545 = tpu.memref_slice %arg10[%dma_start3A_542, %dma_start3A_543, %dma_start3A_544] : memref<4x64x128xf32, #tpu.memory_space<vmem>> -> memref<1x64x128xf32, #tpu.memory_space<vmem>>
      %dma_start3A_546 = tpu.memref_squeeze %dma_start3A_545 : memref<1x64x128xf32, #tpu.memory_space<vmem>> -> memref<64x128xf32, #tpu.memory_space<vmem>>
      %dma_start3A_547 = arith.constant 0 : i32
      %dma_start3A_548 = tpu.memref_slice %arg9[%add3A_520, %dma_start3A_547] : memref<40x64xi32, #tpu.memory_space<vmem>> -> memref<1x64xi32, #tpu.memory_space<vmem>>
      %dma_start3A_549 = tpu.memref_squeeze %dma_start3A_548 : memref<1x64xi32, #tpu.memory_space<vmem>> -> memref<64xi32, #tpu.memory_space<vmem>>
      %dma_start3A_550 = arith.constant 0 : i32
      %dma_start3A_551 = arith.constant 0 : i32
      %dma_start3A_552 = tpu.memref_slice %arg12[%dma_start3A_550, %dma_start3A_551] : memref<10240x128xf32, #tpu.memory_space<vmem_shared>> -> memref<10240x128xf32, #tpu.memory_space<vmem_shared>>
      tpu.enqueue_indirect_dma source(%dma_start3A_546 : memref<64x128xf32, #tpu.memory_space<vmem>>) target(%dma_start3A_552 : memref<10240x128xf32, #tpu.memory_space<vmem_shared>>) offsets(%dma_start3A_549 : memref<64xi32, #tpu.memory_space<vmem>>) semaphore(%arg18 : memref<!tpu.dma_semaphore, #tpu.memory_space<semaphore_mem>>) {add = true}
      %dma_start3A_553 = arith.constant 0 : i32
      %dma_start3A_554 = arith.constant 0 : i32
      %dma_start3A_555 = tpu.memref_slice %arg11[%dma_start3A_553, %dma_start3A_554] : memref<4x64xf32, #tpu.memory_space<vmem>> -> memref<1x64xf32, #tpu.memory_space<vmem>>
      %dma_start3A_556 = tpu.memref_squeeze %dma_start3A_555 : memref<1x64xf32, #tpu.memory_space<vmem>> -> memref<64xf32, #tpu.memory_space<vmem>>
      %dma_start3A_557 = arith.constant 0 : i32
      %dma_start3A_558 = tpu.memref_slice %arg8[%add3A_520, %dma_start3A_557] : memref<40x64xi32, #tpu.memory_space<vmem>> -> memref<1x64xi32, #tpu.memory_space<vmem>>
      %dma_start3A_559 = tpu.memref_squeeze %dma_start3A_558 : memref<1x64xi32, #tpu.memory_space<vmem>> -> memref<64xi32, #tpu.memory_space<vmem>>
      %dma_start3A_560 = arith.constant 0 : i32
      %dma_start3A_561 = tpu.memref_slice %arg13[%dma_start3A_560] : memref<10240xf32, #tpu.memory_space<vmem_shared>> -> memref<10240xf32, #tpu.memory_space<vmem_shared>>
      tpu.enqueue_indirect_dma source(%dma_start3A_556 : memref<64xf32, #tpu.memory_space<vmem>>) target(%dma_start3A_561 : memref<10240xf32, #tpu.memory_space<vmem_shared>>) offsets(%dma_start3A_559 : memref<64xi32, #tpu.memory_space<vmem>>) semaphore(%arg18 : memref<!tpu.dma_semaphore, #tpu.memory_space<semaphore_mem>>) {add = true}
      %dma_wait3A_562 = arith.constant 0 : i32
      %dma_wait3A_563 = arith.constant 0 : i32
      %dma_wait3A_564 = arith.constant 0 : i32
      %dma_wait3A_565 = tpu.memref_slice %arg10[%dma_wait3A_562, %dma_wait3A_563, %dma_wait3A_564] : memref<4x64x128xf32, #tpu.memory_space<vmem>> -> memref<1x64x128xf32, #tpu.memory_space<vmem>>
      %dma_wait3A_566 = tpu.memref_squeeze %dma_wait3A_565 : memref<1x64x128xf32, #tpu.memory_space<vmem>> -> memref<64x128xf32, #tpu.memory_space<vmem>>
      %dma_wait3A_567 = arith.constant 0 : i32
      %dma_wait3A_568 = tpu.memref_slice %arg9[%add3A_520, %dma_wait3A_567] : memref<40x64xi32, #tpu.memory_space<vmem>> -> memref<1x64xi32, #tpu.memory_space<vmem>>
      %dma_wait3A_569 = tpu.memref_squeeze %dma_wait3A_568 : memref<1x64xi32, #tpu.memory_space<vmem>> -> memref<64xi32, #tpu.memory_space<vmem>>
      %dma_wait3A_570 = arith.constant 0 : i32
      %dma_wait3A_571 = arith.constant 0 : i32
      %dma_wait3A_572 = tpu.memref_slice %arg12[%dma_wait3A_570, %dma_wait3A_571] : memref<10240x128xf32, #tpu.memory_space<vmem_shared>> -> memref<10240x128xf32, #tpu.memory_space<vmem_shared>>
      tpu.wait_indirect_dma semaphore(%arg18 : memref<!tpu.dma_semaphore, #tpu.memory_space<semaphore_mem>>) src(%dma_wait3A_566 : memref<64x128xf32, #tpu.memory_space<vmem>>) dst(%dma_wait3A_572 : memref<10240x128xf32, #tpu.memory_space<vmem_shared>>)
      %dma_wait3A_573 = arith.constant 0 : i32
      %dma_wait3A_574 = arith.constant 0 : i32
      %dma_wait3A_575 = tpu.memref_slice %arg11[%dma_wait3A_573, %dma_wait3A_574] : memref<4x64xf32, #tpu.memory_space<vmem>> -> memref<1x64xf32, #tpu.memory_space<vmem>>
      %dma_wait3A_576 = tpu.memref_squeeze %dma_wait3A_575 : memref<1x64xf32, #tpu.memory_space<vmem>> -> memref<64xf32, #tpu.memory_space<vmem>>
      %dma_wait3A_577 = arith.constant 0 : i32
      %dma_wait3A_578 = tpu.memref_slice %arg8[%add3A_520, %dma_wait3A_577] : memref<40x64xi32, #tpu.memory_space<vmem>> -> memref<1x64xi32, #tpu.memory_space<vmem>>
      %dma_wait3A_579 = tpu.memref_squeeze %dma_wait3A_578 : memref<1x64xi32, #tpu.memory_space<vmem>> -> memref<64xi32, #tpu.memory_space<vmem>>
      %dma_wait3A_580 = arith.constant 0 : i32
      %dma_wait3A_581 = tpu.memref_slice %arg13[%dma_wait3A_580] : memref<10240xf32, #tpu.memory_space<vmem_shared>> -> memref<10240xf32, #tpu.memory_space<vmem_shared>>
      tpu.wait_indirect_dma semaphore(%arg18 : memref<!tpu.dma_semaphore, #tpu.memory_space<semaphore_mem>>) src(%dma_wait3A_576 : memref<64xf32, #tpu.memory_space<vmem>>) dst(%dma_wait3A_581 : memref<10240xf32, #tpu.memory_space<vmem_shared>>)
      %add3A_582 = arith.constant 4 : i32
      %add3A_583 = arith.addi %add3A_520, %add3A_582 : i32
      %lt3A = arith.constant 40 : i32
      %lt3A_584 = arith.cmpi slt, %add3A_583, %lt3A : i32
      %convert_element_type3A = arith.extui %lt3A_584 : i1 to i32
      %cond3A = arith.constant 0 : i32
      %cond3A_585 = arith.cmpi ne, %convert_element_type3A, %cond3A : i32
      scf.if %cond3A_585 {
        %add3A_799 = arith.constant 4 : i32
        %add3A_800 = arith.addi %add3A_520, %add3A_799 : i32
        %dma_start3A_801 = arith.constant 0 : i32
        %dma_start3A_802 = arith.constant 0 : i32
        %dma_start3A_803 = arith.constant 0 : i32
        %dma_start3A_804 = tpu.memref_slice %arg10[%dma_start3A_801, %dma_start3A_802, %dma_start3A_803] : memref<4x64x128xf32, #tpu.memory_space<vmem>> -> memref<1x64x128xf32, #tpu.memory_space<vmem>>
        %dma_start3A_805 = tpu.memref_squeeze %dma_start3A_804 : memref<1x64x128xf32, #tpu.memory_space<vmem>> -> memref<64x128xf32, #tpu.memory_space<vmem>>
        %dma_start3A_806 = arith.constant 0 : i32
        %dma_start3A_807 = tpu.memref_slice %arg8[%add3A_800, %dma_start3A_806] : memref<40x64xi32, #tpu.memory_space<vmem>> -> memref<1x64xi32, #tpu.memory_space<vmem>>
        %dma_start3A_808 = tpu.memref_squeeze %dma_start3A_807 : memref<1x64xi32, #tpu.memory_space<vmem>> -> memref<64xi32, #tpu.memory_space<vmem>>
        %dma_start3A_809 = arith.constant 0 : i32
        %dma_start3A_810 = arith.constant 0 : i32
        %dma_start3A_811 = tpu.memref_slice %arg2[%dma_start3A_809, %dma_start3A_810] : memref<10240x128xf32, #tpu.memory_space<hbm>> -> memref<10240x128xf32, #tpu.memory_space<hbm>>
        tpu.enqueue_indirect_dma source(%dma_start3A_811 : memref<10240x128xf32, #tpu.memory_space<hbm>>) target(%dma_start3A_805 : memref<64x128xf32, #tpu.memory_space<vmem>>) offsets(%dma_start3A_808 : memref<64xi32, #tpu.memory_space<vmem>>) semaphore(%arg14 : memref<!tpu.dma_semaphore, #tpu.memory_space<semaphore_mem>>)
        %add3A_812 = arith.constant 4 : i32
        %add3A_813 = arith.addi %add3A_520, %add3A_812 : i32
        %dma_start3A_814 = arith.constant 0 : i32
        %dma_start3A_815 = arith.constant 0 : i32
        %dma_start3A_816 = tpu.memref_slice %arg11[%dma_start3A_814, %dma_start3A_815] : memref<4x64xf32, #tpu.memory_space<vmem>> -> memref<1x64xf32, #tpu.memory_space<vmem>>
        %dma_start3A_817 = tpu.memref_squeeze %dma_start3A_816 : memref<1x64xf32, #tpu.memory_space<vmem>> -> memref<64xf32, #tpu.memory_space<vmem>>
        %dma_start3A_818 = arith.constant 0 : i32
        %dma_start3A_819 = tpu.memref_slice %arg9[%add3A_813, %dma_start3A_818] : memref<40x64xi32, #tpu.memory_space<vmem>> -> memref<1x64xi32, #tpu.memory_space<vmem>>
        %dma_start3A_820 = tpu.memref_squeeze %dma_start3A_819 : memref<1x64xi32, #tpu.memory_space<vmem>> -> memref<64xi32, #tpu.memory_space<vmem>>
        %dma_start3A_821 = arith.constant 0 : i32
        %dma_start3A_822 = tpu.memref_slice %arg5[%dma_start3A_821] : memref<10240xf32, #tpu.memory_space<hbm>> -> memref<10240xf32, #tpu.memory_space<hbm>>
        tpu.enqueue_indirect_dma source(%dma_start3A_822 : memref<10240xf32, #tpu.memory_space<hbm>>) target(%dma_start3A_817 : memref<64xf32, #tpu.memory_space<vmem>>) offsets(%dma_start3A_820 : memref<64xi32, #tpu.memory_space<vmem>>) semaphore(%arg14 : memref<!tpu.dma_semaphore, #tpu.memory_space<semaphore_mem>>)
      } else {
      }
      %add3A_586 = arith.constant 1 : i32
      %add3A_587 = arith.addi %add3A_518, %add3A_586 : i32
      %dma_wait3A_588 = arith.constant 1 : i32
      %dma_wait3A_589 = arith.constant 1 : i32
      %dma_wait3A_590 = arith.constant 0 : i32
      %dma_wait3A_591 = arith.constant 0 : i32
      %dma_wait3A_592 = tpu.memref_slice %arg10[%dma_wait3A_589, %dma_wait3A_590, %dma_wait3A_591] : memref<4x64x128xf32, #tpu.memory_space<vmem>> -> memref<1x64x128xf32, #tpu.memory_space<vmem>>
      %dma_wait3A_593 = tpu.memref_squeeze %dma_wait3A_592 : memref<1x64x128xf32, #tpu.memory_space<vmem>> -> memref<64x128xf32, #tpu.memory_space<vmem>>
      %dma_wait3A_594 = arith.constant 0 : i32
      %dma_wait3A_595 = tpu.memref_slice %arg8[%dma_wait3A_588, %dma_wait3A_594] : memref<40x64xi32, #tpu.memory_space<vmem>> -> memref<1x64xi32, #tpu.memory_space<vmem>>
      %dma_wait3A_596 = tpu.memref_squeeze %dma_wait3A_595 : memref<1x64xi32, #tpu.memory_space<vmem>> -> memref<64xi32, #tpu.memory_space<vmem>>
      %dma_wait3A_597 = arith.constant 0 : i32
      %dma_wait3A_598 = arith.constant 0 : i32
      %dma_wait3A_599 = tpu.memref_slice %arg2[%dma_wait3A_597, %dma_wait3A_598] : memref<10240x128xf32, #tpu.memory_space<hbm>> -> memref<10240x128xf32, #tpu.memory_space<hbm>>
      tpu.wait_indirect_dma semaphore(%arg15 : memref<!tpu.dma_semaphore, #tpu.memory_space<semaphore_mem>>) src(%dma_wait3A_599 : memref<10240x128xf32, #tpu.memory_space<hbm>>) dst(%dma_wait3A_593 : memref<64x128xf32, #tpu.memory_space<vmem>>)
      %dma_wait3A_600 = arith.constant 1 : i32
      %dma_wait3A_601 = arith.constant 1 : i32
      %dma_wait3A_602 = arith.constant 0 : i32
      %dma_wait3A_603 = tpu.memref_slice %arg11[%dma_wait3A_601, %dma_wait3A_602] : memref<4x64xf32, #tpu.memory_space<vmem>> -> memref<1x64xf32, #tpu.memory_space<vmem>>
      %dma_wait3A_604 = tpu.memref_squeeze %dma_wait3A_603 : memref<1x64xf32, #tpu.memory_space<vmem>> -> memref<64xf32, #tpu.memory_space<vmem>>
      %dma_wait3A_605 = arith.constant 0 : i32
      %dma_wait3A_606 = tpu.memref_slice %arg9[%dma_wait3A_600, %dma_wait3A_605] : memref<40x64xi32, #tpu.memory_space<vmem>> -> memref<1x64xi32, #tpu.memory_space<vmem>>
      %dma_wait3A_607 = tpu.memref_squeeze %dma_wait3A_606 : memref<1x64xi32, #tpu.memory_space<vmem>> -> memref<64xi32, #tpu.memory_space<vmem>>
      %dma_wait3A_608 = arith.constant 0 : i32
      %dma_wait3A_609 = tpu.memref_slice %arg5[%dma_wait3A_608] : memref<10240xf32, #tpu.memory_space<hbm>> -> memref<10240xf32, #tpu.memory_space<hbm>>
      tpu.wait_indirect_dma semaphore(%arg15 : memref<!tpu.dma_semaphore, #tpu.memory_space<semaphore_mem>>) src(%dma_wait3A_609 : memref<10240xf32, #tpu.memory_space<hbm>>) dst(%dma_wait3A_604 : memref<64xf32, #tpu.memory_space<vmem>>)
      %dma_start3A_610 = arith.constant 1 : i32
      %dma_start3A_611 = arith.constant 0 : i32
      %dma_start3A_612 = arith.constant 0 : i32
      %dma_start3A_613 = tpu.memref_slice %arg10[%dma_start3A_610, %dma_start3A_611, %dma_start3A_612] : memref<4x64x128xf32, #tpu.memory_space<vmem>> -> memref<1x64x128xf32, #tpu.memory_space<vmem>>
      %dma_start3A_614 = tpu.memref_squeeze %dma_start3A_613 : memref<1x64x128xf32, #tpu.memory_space<vmem>> -> memref<64x128xf32, #tpu.memory_space<vmem>>
      %dma_start3A_615 = arith.constant 0 : i32
      %dma_start3A_616 = tpu.memref_slice %arg9[%add3A_587, %dma_start3A_615] : memref<40x64xi32, #tpu.memory_space<vmem>> -> memref<1x64xi32, #tpu.memory_space<vmem>>
      %dma_start3A_617 = tpu.memref_squeeze %dma_start3A_616 : memref<1x64xi32, #tpu.memory_space<vmem>> -> memref<64xi32, #tpu.memory_space<vmem>>
      %dma_start3A_618 = arith.constant 0 : i32
      %dma_start3A_619 = arith.constant 0 : i32
      %dma_start3A_620 = tpu.memref_slice %arg12[%dma_start3A_618, %dma_start3A_619] : memref<10240x128xf32, #tpu.memory_space<vmem_shared>> -> memref<10240x128xf32, #tpu.memory_space<vmem_shared>>
      tpu.enqueue_indirect_dma source(%dma_start3A_614 : memref<64x128xf32, #tpu.memory_space<vmem>>) target(%dma_start3A_620 : memref<10240x128xf32, #tpu.memory_space<vmem_shared>>) offsets(%dma_start3A_617 : memref<64xi32, #tpu.memory_space<vmem>>) semaphore(%arg19 : memref<!tpu.dma_semaphore, #tpu.memory_space<semaphore_mem>>) {add = true}
      %dma_start3A_621 = arith.constant 1 : i32
      %dma_start3A_622 = arith.constant 0 : i32
      %dma_start3A_623 = tpu.memref_slice %arg11[%dma_start3A_621, %dma_start3A_622] : memref<4x64xf32, #tpu.memory_space<vmem>> -> memref<1x64xf32, #tpu.memory_space<vmem>>
      %dma_start3A_624 = tpu.memref_squeeze %dma_start3A_623 : memref<1x64xf32, #tpu.memory_space<vmem>> -> memref<64xf32, #tpu.memory_space<vmem>>
      %dma_start3A_625 = arith.constant 0 : i32
      %dma_start3A_626 = tpu.memref_slice %arg8[%add3A_587, %dma_start3A_625] : memref<40x64xi32, #tpu.memory_space<vmem>> -> memref<1x64xi32, #tpu.memory_space<vmem>>
      %dma_start3A_627 = tpu.memref_squeeze %dma_start3A_626 : memref<1x64xi32, #tpu.memory_space<vmem>> -> memref<64xi32, #tpu.memory_space<vmem>>
      %dma_start3A_628 = arith.constant 0 : i32
      %dma_start3A_629 = tpu.memref_slice %arg13[%dma_start3A_628] : memref<10240xf32, #tpu.memory_space<vmem_shared>> -> memref<10240xf32, #tpu.memory_space<vmem_shared>>
      tpu.enqueue_indirect_dma source(%dma_start3A_624 : memref<64xf32, #tpu.memory_space<vmem>>) target(%dma_start3A_629 : memref<10240xf32, #tpu.memory_space<vmem_shared>>) offsets(%dma_start3A_627 : memref<64xi32, #tpu.memory_space<vmem>>) semaphore(%arg19 : memref<!tpu.dma_semaphore, #tpu.memory_space<semaphore_mem>>) {add = true}
      %dma_wait3A_630 = arith.constant 1 : i32
      %dma_wait3A_631 = arith.constant 0 : i32
      %dma_wait3A_632 = arith.constant 0 : i32
      %dma_wait3A_633 = tpu.memref_slice %arg10[%dma_wait3A_630, %dma_wait3A_631, %dma_wait3A_632] : memref<4x64x128xf32, #tpu.memory_space<vmem>> -> memref<1x64x128xf32, #tpu.memory_space<vmem>>
      %dma_wait3A_634 = tpu.memref_squeeze %dma_wait3A_633 : memref<1x64x128xf32, #tpu.memory_space<vmem>> -> memref<64x128xf32, #tpu.memory_space<vmem>>
      %dma_wait3A_635 = arith.constant 0 : i32
      %dma_wait3A_636 = tpu.memref_slice %arg9[%add3A_587, %dma_wait3A_635] : memref<40x64xi32, #tpu.memory_space<vmem>> -> memref<1x64xi32, #tpu.memory_space<vmem>>
      %dma_wait3A_637 = tpu.memref_squeeze %dma_wait3A_636 : memref<1x64xi32, #tpu.memory_space<vmem>> -> memref<64xi32, #tpu.memory_space<vmem>>
      %dma_wait3A_638 = arith.constant 0 : i32
      %dma_wait3A_639 = arith.constant 0 : i32
      %dma_wait3A_640 = tpu.memref_slice %arg12[%dma_wait3A_638, %dma_wait3A_639] : memref<10240x128xf32, #tpu.memory_space<vmem_shared>> -> memref<10240x128xf32, #tpu.memory_space<vmem_shared>>
      tpu.wait_indirect_dma semaphore(%arg19 : memref<!tpu.dma_semaphore, #tpu.memory_space<semaphore_mem>>) src(%dma_wait3A_634 : memref<64x128xf32, #tpu.memory_space<vmem>>) dst(%dma_wait3A_640 : memref<10240x128xf32, #tpu.memory_space<vmem_shared>>)
      %dma_wait3A_641 = arith.constant 1 : i32
      %dma_wait3A_642 = arith.constant 0 : i32
      %dma_wait3A_643 = tpu.memref_slice %arg11[%dma_wait3A_641, %dma_wait3A_642] : memref<4x64xf32, #tpu.memory_space<vmem>> -> memref<1x64xf32, #tpu.memory_space<vmem>>
      %dma_wait3A_644 = tpu.memref_squeeze %dma_wait3A_643 : memref<1x64xf32, #tpu.memory_space<vmem>> -> memref<64xf32, #tpu.memory_space<vmem>>
      %dma_wait3A_645 = arith.constant 0 : i32
      %dma_wait3A_646 = tpu.memref_slice %arg8[%add3A_587, %dma_wait3A_645] : memref<40x64xi32, #tpu.memory_space<vmem>> -> memref<1x64xi32, #tpu.memory_space<vmem>>
      %dma_wait3A_647 = tpu.memref_squeeze %dma_wait3A_646 : memref<1x64xi32, #tpu.memory_space<vmem>> -> memref<64xi32, #tpu.memory_space<vmem>>
      %dma_wait3A_648 = arith.constant 0 : i32
      %dma_wait3A_649 = tpu.memref_slice %arg13[%dma_wait3A_648] : memref<10240xf32, #tpu.memory_space<vmem_shared>> -> memref<10240xf32, #tpu.memory_space<vmem_shared>>
      tpu.wait_indirect_dma semaphore(%arg19 : memref<!tpu.dma_semaphore, #tpu.memory_space<semaphore_mem>>) src(%dma_wait3A_644 : memref<64xf32, #tpu.memory_space<vmem>>) dst(%dma_wait3A_649 : memref<10240xf32, #tpu.memory_space<vmem_shared>>)
      %add3A_650 = arith.constant 4 : i32
      %add3A_651 = arith.addi %add3A_587, %add3A_650 : i32
      %lt3A_652 = arith.constant 40 : i32
      %lt3A_653 = arith.cmpi slt, %add3A_651, %lt3A_652 : i32
      %convert_element_type3A_654 = arith.extui %lt3A_653 : i1 to i32
      %cond3A_655 = arith.constant 0 : i32
      %cond3A_656 = arith.cmpi ne, %convert_element_type3A_654, %cond3A_655 : i32
      scf.if %cond3A_656 {
        %add3A_799 = arith.constant 4 : i32
        %add3A_800 = arith.addi %add3A_587, %add3A_799 : i32
        %dma_start3A_801 = arith.constant 1 : i32
        %dma_start3A_802 = arith.constant 0 : i32
        %dma_start3A_803 = arith.constant 0 : i32
        %dma_start3A_804 = tpu.memref_slice %arg10[%dma_start3A_801, %dma_start3A_802, %dma_start3A_803] : memref<4x64x128xf32, #tpu.memory_space<vmem>> -> memref<1x64x128xf32, #tpu.memory_space<vmem>>
        %dma_start3A_805 = tpu.memref_squeeze %dma_start3A_804 : memref<1x64x128xf32, #tpu.memory_space<vmem>> -> memref<64x128xf32, #tpu.memory_space<vmem>>
        %dma_start3A_806 = arith.constant 0 : i32
        %dma_start3A_807 = tpu.memref_slice %arg8[%add3A_800, %dma_start3A_806] : memref<40x64xi32, #tpu.memory_space<vmem>> -> memref<1x64xi32, #tpu.memory_space<vmem>>
        %dma_start3A_808 = tpu.memref_squeeze %dma_start3A_807 : memref<1x64xi32, #tpu.memory_space<vmem>> -> memref<64xi32, #tpu.memory_space<vmem>>
        %dma_start3A_809 = arith.constant 0 : i32
        %dma_start3A_810 = arith.constant 0 : i32
        %dma_start3A_811 = tpu.memref_slice %arg2[%dma_start3A_809, %dma_start3A_810] : memref<10240x128xf32, #tpu.memory_space<hbm>> -> memref<10240x128xf32, #tpu.memory_space<hbm>>
        tpu.enqueue_indirect_dma source(%dma_start3A_811 : memref<10240x128xf32, #tpu.memory_space<hbm>>) target(%dma_start3A_805 : memref<64x128xf32, #tpu.memory_space<vmem>>) offsets(%dma_start3A_808 : memref<64xi32, #tpu.memory_space<vmem>>) semaphore(%arg15 : memref<!tpu.dma_semaphore, #tpu.memory_space<semaphore_mem>>)
        %add3A_812 = arith.constant 4 : i32
        %add3A_813 = arith.addi %add3A_587, %add3A_812 : i32
        %dma_start3A_814 = arith.constant 1 : i32
        %dma_start3A_815 = arith.constant 0 : i32
        %dma_start3A_816 = tpu.memref_slice %arg11[%dma_start3A_814, %dma_start3A_815] : memref<4x64xf32, #tpu.memory_space<vmem>> -> memref<1x64xf32, #tpu.memory_space<vmem>>
        %dma_start3A_817 = tpu.memref_squeeze %dma_start3A_816 : memref<1x64xf32, #tpu.memory_space<vmem>> -> memref<64xf32, #tpu.memory_space<vmem>>
        %dma_start3A_818 = arith.constant 0 : i32
        %dma_start3A_819 = tpu.memref_slice %arg9[%add3A_813, %dma_start3A_818] : memref<40x64xi32, #tpu.memory_space<vmem>> -> memref<1x64xi32, #tpu.memory_space<vmem>>
        %dma_start3A_820 = tpu.memref_squeeze %dma_start3A_819 : memref<1x64xi32, #tpu.memory_space<vmem>> -> memref<64xi32, #tpu.memory_space<vmem>>
        %dma_start3A_821 = arith.constant 0 : i32
        %dma_start3A_822 = tpu.memref_slice %arg5[%dma_start3A_821] : memref<10240xf32, #tpu.memory_space<hbm>> -> memref<10240xf32, #tpu.memory_space<hbm>>
        tpu.enqueue_indirect_dma source(%dma_start3A_822 : memref<10240xf32, #tpu.memory_space<hbm>>) target(%dma_start3A_817 : memref<64xf32, #tpu.memory_space<vmem>>) offsets(%dma_start3A_820 : memref<64xi32, #tpu.memory_space<vmem>>) semaphore(%arg15 : memref<!tpu.dma_semaphore, #tpu.memory_space<semaphore_mem>>)
      } else {
      }
      %add3A_657 = arith.constant 2 : i32
      %add3A_658 = arith.addi %add3A_518, %add3A_657 : i32
      %dma_wait3A_659 = arith.constant 2 : i32
      %dma_wait3A_660 = arith.constant 2 : i32
      %dma_wait3A_661 = arith.constant 0 : i32
      %dma_wait3A_662 = arith.constant 0 : i32
      %dma_wait3A_663 = tpu.memref_slice %arg10[%dma_wait3A_660, %dma_wait3A_661, %dma_wait3A_662] : memref<4x64x128xf32, #tpu.memory_space<vmem>> -> memref<1x64x128xf32, #tpu.memory_space<vmem>>
      %dma_wait3A_664 = tpu.memref_squeeze %dma_wait3A_663 : memref<1x64x128xf32, #tpu.memory_space<vmem>> -> memref<64x128xf32, #tpu.memory_space<vmem>>
      %dma_wait3A_665 = arith.constant 0 : i32
      %dma_wait3A_666 = tpu.memref_slice %arg8[%dma_wait3A_659, %dma_wait3A_665] : memref<40x64xi32, #tpu.memory_space<vmem>> -> memref<1x64xi32, #tpu.memory_space<vmem>>
      %dma_wait3A_667 = tpu.memref_squeeze %dma_wait3A_666 : memref<1x64xi32, #tpu.memory_space<vmem>> -> memref<64xi32, #tpu.memory_space<vmem>>
      %dma_wait3A_668 = arith.constant 0 : i32
      %dma_wait3A_669 = arith.constant 0 : i32
      %dma_wait3A_670 = tpu.memref_slice %arg2[%dma_wait3A_668, %dma_wait3A_669] : memref<10240x128xf32, #tpu.memory_space<hbm>> -> memref<10240x128xf32, #tpu.memory_space<hbm>>
      tpu.wait_indirect_dma semaphore(%arg16 : memref<!tpu.dma_semaphore, #tpu.memory_space<semaphore_mem>>) src(%dma_wait3A_670 : memref<10240x128xf32, #tpu.memory_space<hbm>>) dst(%dma_wait3A_664 : memref<64x128xf32, #tpu.memory_space<vmem>>)
      %dma_wait3A_671 = arith.constant 2 : i32
      %dma_wait3A_672 = arith.constant 2 : i32
      %dma_wait3A_673 = arith.constant 0 : i32
      %dma_wait3A_674 = tpu.memref_slice %arg11[%dma_wait3A_672, %dma_wait3A_673] : memref<4x64xf32, #tpu.memory_space<vmem>> -> memref<1x64xf32, #tpu.memory_space<vmem>>
      %dma_wait3A_675 = tpu.memref_squeeze %dma_wait3A_674 : memref<1x64xf32, #tpu.memory_space<vmem>> -> memref<64xf32, #tpu.memory_space<vmem>>
      %dma_wait3A_676 = arith.constant 0 : i32
      %dma_wait3A_677 = tpu.memref_slice %arg9[%dma_wait3A_671, %dma_wait3A_676] : memref<40x64xi32, #tpu.memory_space<vmem>> -> memref<1x64xi32, #tpu.memory_space<vmem>>
      %dma_wait3A_678 = tpu.memref_squeeze %dma_wait3A_677 : memref<1x64xi32, #tpu.memory_space<vmem>> -> memref<64xi32, #tpu.memory_space<vmem>>
      %dma_wait3A_679 = arith.constant 0 : i32
      %dma_wait3A_680 = tpu.memref_slice %arg5[%dma_wait3A_679] : memref<10240xf32, #tpu.memory_space<hbm>> -> memref<10240xf32, #tpu.memory_space<hbm>>
      tpu.wait_indirect_dma semaphore(%arg16 : memref<!tpu.dma_semaphore, #tpu.memory_space<semaphore_mem>>) src(%dma_wait3A_680 : memref<10240xf32, #tpu.memory_space<hbm>>) dst(%dma_wait3A_675 : memref<64xf32, #tpu.memory_space<vmem>>)
      %dma_start3A_681 = arith.constant 2 : i32
      %dma_start3A_682 = arith.constant 0 : i32
      %dma_start3A_683 = arith.constant 0 : i32
      %dma_start3A_684 = tpu.memref_slice %arg10[%dma_start3A_681, %dma_start3A_682, %dma_start3A_683] : memref<4x64x128xf32, #tpu.memory_space<vmem>> -> memref<1x64x128xf32, #tpu.memory_space<vmem>>
      %dma_start3A_685 = tpu.memref_squeeze %dma_start3A_684 : memref<1x64x128xf32, #tpu.memory_space<vmem>> -> memref<64x128xf32, #tpu.memory_space<vmem>>
      %dma_start3A_686 = arith.constant 0 : i32
      %dma_start3A_687 = tpu.memref_slice %arg9[%add3A_658, %dma_start3A_686] : memref<40x64xi32, #tpu.memory_space<vmem>> -> memref<1x64xi32, #tpu.memory_space<vmem>>
      %dma_start3A_688 = tpu.memref_squeeze %dma_start3A_687 : memref<1x64xi32, #tpu.memory_space<vmem>> -> memref<64xi32, #tpu.memory_space<vmem>>
      %dma_start3A_689 = arith.constant 0 : i32
      %dma_start3A_690 = arith.constant 0 : i32
      %dma_start3A_691 = tpu.memref_slice %arg12[%dma_start3A_689, %dma_start3A_690] : memref<10240x128xf32, #tpu.memory_space<vmem_shared>> -> memref<10240x128xf32, #tpu.memory_space<vmem_shared>>
      tpu.enqueue_indirect_dma source(%dma_start3A_685 : memref<64x128xf32, #tpu.memory_space<vmem>>) target(%dma_start3A_691 : memref<10240x128xf32, #tpu.memory_space<vmem_shared>>) offsets(%dma_start3A_688 : memref<64xi32, #tpu.memory_space<vmem>>) semaphore(%arg20 : memref<!tpu.dma_semaphore, #tpu.memory_space<semaphore_mem>>) {add = true}
      %dma_start3A_692 = arith.constant 2 : i32
      %dma_start3A_693 = arith.constant 0 : i32
      %dma_start3A_694 = tpu.memref_slice %arg11[%dma_start3A_692, %dma_start3A_693] : memref<4x64xf32, #tpu.memory_space<vmem>> -> memref<1x64xf32, #tpu.memory_space<vmem>>
      %dma_start3A_695 = tpu.memref_squeeze %dma_start3A_694 : memref<1x64xf32, #tpu.memory_space<vmem>> -> memref<64xf32, #tpu.memory_space<vmem>>
      %dma_start3A_696 = arith.constant 0 : i32
      %dma_start3A_697 = tpu.memref_slice %arg8[%add3A_658, %dma_start3A_696] : memref<40x64xi32, #tpu.memory_space<vmem>> -> memref<1x64xi32, #tpu.memory_space<vmem>>
      %dma_start3A_698 = tpu.memref_squeeze %dma_start3A_697 : memref<1x64xi32, #tpu.memory_space<vmem>> -> memref<64xi32, #tpu.memory_space<vmem>>
      %dma_start3A_699 = arith.constant 0 : i32
      %dma_start3A_700 = tpu.memref_slice %arg13[%dma_start3A_699] : memref<10240xf32, #tpu.memory_space<vmem_shared>> -> memref<10240xf32, #tpu.memory_space<vmem_shared>>
      tpu.enqueue_indirect_dma source(%dma_start3A_695 : memref<64xf32, #tpu.memory_space<vmem>>) target(%dma_start3A_700 : memref<10240xf32, #tpu.memory_space<vmem_shared>>) offsets(%dma_start3A_698 : memref<64xi32, #tpu.memory_space<vmem>>) semaphore(%arg20 : memref<!tpu.dma_semaphore, #tpu.memory_space<semaphore_mem>>) {add = true}
      %dma_wait3A_701 = arith.constant 2 : i32
      %dma_wait3A_702 = arith.constant 0 : i32
      %dma_wait3A_703 = arith.constant 0 : i32
      %dma_wait3A_704 = tpu.memref_slice %arg10[%dma_wait3A_701, %dma_wait3A_702, %dma_wait3A_703] : memref<4x64x128xf32, #tpu.memory_space<vmem>> -> memref<1x64x128xf32, #tpu.memory_space<vmem>>
      %dma_wait3A_705 = tpu.memref_squeeze %dma_wait3A_704 : memref<1x64x128xf32, #tpu.memory_space<vmem>> -> memref<64x128xf32, #tpu.memory_space<vmem>>
      %dma_wait3A_706 = arith.constant 0 : i32
      %dma_wait3A_707 = tpu.memref_slice %arg9[%add3A_658, %dma_wait3A_706] : memref<40x64xi32, #tpu.memory_space<vmem>> -> memref<1x64xi32, #tpu.memory_space<vmem>>
      %dma_wait3A_708 = tpu.memref_squeeze %dma_wait3A_707 : memref<1x64xi32, #tpu.memory_space<vmem>> -> memref<64xi32, #tpu.memory_space<vmem>>
      %dma_wait3A_709 = arith.constant 0 : i32
      %dma_wait3A_710 = arith.constant 0 : i32
      %dma_wait3A_711 = tpu.memref_slice %arg12[%dma_wait3A_709, %dma_wait3A_710] : memref<10240x128xf32, #tpu.memory_space<vmem_shared>> -> memref<10240x128xf32, #tpu.memory_space<vmem_shared>>
      tpu.wait_indirect_dma semaphore(%arg20 : memref<!tpu.dma_semaphore, #tpu.memory_space<semaphore_mem>>) src(%dma_wait3A_705 : memref<64x128xf32, #tpu.memory_space<vmem>>) dst(%dma_wait3A_711 : memref<10240x128xf32, #tpu.memory_space<vmem_shared>>)
      %dma_wait3A_712 = arith.constant 2 : i32
      %dma_wait3A_713 = arith.constant 0 : i32
      %dma_wait3A_714 = tpu.memref_slice %arg11[%dma_wait3A_712, %dma_wait3A_713] : memref<4x64xf32, #tpu.memory_space<vmem>> -> memref<1x64xf32, #tpu.memory_space<vmem>>
      %dma_wait3A_715 = tpu.memref_squeeze %dma_wait3A_714 : memref<1x64xf32, #tpu.memory_space<vmem>> -> memref<64xf32, #tpu.memory_space<vmem>>
      %dma_wait3A_716 = arith.constant 0 : i32
      %dma_wait3A_717 = tpu.memref_slice %arg8[%add3A_658, %dma_wait3A_716] : memref<40x64xi32, #tpu.memory_space<vmem>> -> memref<1x64xi32, #tpu.memory_space<vmem>>
      %dma_wait3A_718 = tpu.memref_squeeze %dma_wait3A_717 : memref<1x64xi32, #tpu.memory_space<vmem>> -> memref<64xi32, #tpu.memory_space<vmem>>
      %dma_wait3A_719 = arith.constant 0 : i32
      %dma_wait3A_720 = tpu.memref_slice %arg13[%dma_wait3A_719] : memref<10240xf32, #tpu.memory_space<vmem_shared>> -> memref<10240xf32, #tpu.memory_space<vmem_shared>>
      tpu.wait_indirect_dma semaphore(%arg20 : memref<!tpu.dma_semaphore, #tpu.memory_space<semaphore_mem>>) src(%dma_wait3A_715 : memref<64xf32, #tpu.memory_space<vmem>>) dst(%dma_wait3A_720 : memref<10240xf32, #tpu.memory_space<vmem_shared>>)
      %add3A_721 = arith.constant 4 : i32
      %add3A_722 = arith.addi %add3A_658, %add3A_721 : i32
      %lt3A_723 = arith.constant 40 : i32
      %lt3A_724 = arith.cmpi slt, %add3A_722, %lt3A_723 : i32
      %convert_element_type3A_725 = arith.extui %lt3A_724 : i1 to i32
      %cond3A_726 = arith.constant 0 : i32
      %cond3A_727 = arith.cmpi ne, %convert_element_type3A_725, %cond3A_726 : i32
      scf.if %cond3A_727 {
        %add3A_799 = arith.constant 4 : i32
        %add3A_800 = arith.addi %add3A_658, %add3A_799 : i32
        %dma_start3A_801 = arith.constant 2 : i32
        %dma_start3A_802 = arith.constant 0 : i32
        %dma_start3A_803 = arith.constant 0 : i32
        %dma_start3A_804 = tpu.memref_slice %arg10[%dma_start3A_801, %dma_start3A_802, %dma_start3A_803] : memref<4x64x128xf32, #tpu.memory_space<vmem>> -> memref<1x64x128xf32, #tpu.memory_space<vmem>>
        %dma_start3A_805 = tpu.memref_squeeze %dma_start3A_804 : memref<1x64x128xf32, #tpu.memory_space<vmem>> -> memref<64x128xf32, #tpu.memory_space<vmem>>
        %dma_start3A_806 = arith.constant 0 : i32
        %dma_start3A_807 = tpu.memref_slice %arg8[%add3A_800, %dma_start3A_806] : memref<40x64xi32, #tpu.memory_space<vmem>> -> memref<1x64xi32, #tpu.memory_space<vmem>>
        %dma_start3A_808 = tpu.memref_squeeze %dma_start3A_807 : memref<1x64xi32, #tpu.memory_space<vmem>> -> memref<64xi32, #tpu.memory_space<vmem>>
        %dma_start3A_809 = arith.constant 0 : i32
        %dma_start3A_810 = arith.constant 0 : i32
        %dma_start3A_811 = tpu.memref_slice %arg2[%dma_start3A_809, %dma_start3A_810] : memref<10240x128xf32, #tpu.memory_space<hbm>> -> memref<10240x128xf32, #tpu.memory_space<hbm>>
        tpu.enqueue_indirect_dma source(%dma_start3A_811 : memref<10240x128xf32, #tpu.memory_space<hbm>>) target(%dma_start3A_805 : memref<64x128xf32, #tpu.memory_space<vmem>>) offsets(%dma_start3A_808 : memref<64xi32, #tpu.memory_space<vmem>>) semaphore(%arg16 : memref<!tpu.dma_semaphore, #tpu.memory_space<semaphore_mem>>)
        %add3A_812 = arith.constant 4 : i32
        %add3A_813 = arith.addi %add3A_658, %add3A_812 : i32
        %dma_start3A_814 = arith.constant 2 : i32
        %dma_start3A_815 = arith.constant 0 : i32
        %dma_start3A_816 = tpu.memref_slice %arg11[%dma_start3A_814, %dma_start3A_815] : memref<4x64xf32, #tpu.memory_space<vmem>> -> memref<1x64xf32, #tpu.memory_space<vmem>>
        %dma_start3A_817 = tpu.memref_squeeze %dma_start3A_816 : memref<1x64xf32, #tpu.memory_space<vmem>> -> memref<64xf32, #tpu.memory_space<vmem>>
        %dma_start3A_818 = arith.constant 0 : i32
        %dma_start3A_819 = tpu.memref_slice %arg9[%add3A_813, %dma_start3A_818] : memref<40x64xi32, #tpu.memory_space<vmem>> -> memref<1x64xi32, #tpu.memory_space<vmem>>
        %dma_start3A_820 = tpu.memref_squeeze %dma_start3A_819 : memref<1x64xi32, #tpu.memory_space<vmem>> -> memref<64xi32, #tpu.memory_space<vmem>>
        %dma_start3A_821 = arith.constant 0 : i32
        %dma_start3A_822 = tpu.memref_slice %arg5[%dma_start3A_821] : memref<10240xf32, #tpu.memory_space<hbm>> -> memref<10240xf32, #tpu.memory_space<hbm>>
        tpu.enqueue_indirect_dma source(%dma_start3A_822 : memref<10240xf32, #tpu.memory_space<hbm>>) target(%dma_start3A_817 : memref<64xf32, #tpu.memory_space<vmem>>) offsets(%dma_start3A_820 : memref<64xi32, #tpu.memory_space<vmem>>) semaphore(%arg16 : memref<!tpu.dma_semaphore, #tpu.memory_space<semaphore_mem>>)
      } else {
      }
      %add3A_728 = arith.constant 3 : i32
      %add3A_729 = arith.addi %add3A_518, %add3A_728 : i32
      %dma_wait3A_730 = arith.constant 3 : i32
      %dma_wait3A_731 = arith.constant 3 : i32
      %dma_wait3A_732 = arith.constant 0 : i32
      %dma_wait3A_733 = arith.constant 0 : i32
      %dma_wait3A_734 = tpu.memref_slice %arg10[%dma_wait3A_731, %dma_wait3A_732, %dma_wait3A_733] : memref<4x64x128xf32, #tpu.memory_space<vmem>> -> memref<1x64x128xf32, #tpu.memory_space<vmem>>
      %dma_wait3A_735 = tpu.memref_squeeze %dma_wait3A_734 : memref<1x64x128xf32, #tpu.memory_space<vmem>> -> memref<64x128xf32, #tpu.memory_space<vmem>>
      %dma_wait3A_736 = arith.constant 0 : i32
      %dma_wait3A_737 = tpu.memref_slice %arg8[%dma_wait3A_730, %dma_wait3A_736] : memref<40x64xi32, #tpu.memory_space<vmem>> -> memref<1x64xi32, #tpu.memory_space<vmem>>
      %dma_wait3A_738 = tpu.memref_squeeze %dma_wait3A_737 : memref<1x64xi32, #tpu.memory_space<vmem>> -> memref<64xi32, #tpu.memory_space<vmem>>
      %dma_wait3A_739 = arith.constant 0 : i32
      %dma_wait3A_740 = arith.constant 0 : i32
      %dma_wait3A_741 = tpu.memref_slice %arg2[%dma_wait3A_739, %dma_wait3A_740] : memref<10240x128xf32, #tpu.memory_space<hbm>> -> memref<10240x128xf32, #tpu.memory_space<hbm>>
      tpu.wait_indirect_dma semaphore(%arg17 : memref<!tpu.dma_semaphore, #tpu.memory_space<semaphore_mem>>) src(%dma_wait3A_741 : memref<10240x128xf32, #tpu.memory_space<hbm>>) dst(%dma_wait3A_735 : memref<64x128xf32, #tpu.memory_space<vmem>>)
      %dma_wait3A_742 = arith.constant 3 : i32
      %dma_wait3A_743 = arith.constant 3 : i32
      %dma_wait3A_744 = arith.constant 0 : i32
      %dma_wait3A_745 = tpu.memref_slice %arg11[%dma_wait3A_743, %dma_wait3A_744] : memref<4x64xf32, #tpu.memory_space<vmem>> -> memref<1x64xf32, #tpu.memory_space<vmem>>
      %dma_wait3A_746 = tpu.memref_squeeze %dma_wait3A_745 : memref<1x64xf32, #tpu.memory_space<vmem>> -> memref<64xf32, #tpu.memory_space<vmem>>
      %dma_wait3A_747 = arith.constant 0 : i32
      %dma_wait3A_748 = tpu.memref_slice %arg9[%dma_wait3A_742, %dma_wait3A_747] : memref<40x64xi32, #tpu.memory_space<vmem>> -> memref<1x64xi32, #tpu.memory_space<vmem>>
      %dma_wait3A_749 = tpu.memref_squeeze %dma_wait3A_748 : memref<1x64xi32, #tpu.memory_space<vmem>> -> memref<64xi32, #tpu.memory_space<vmem>>
      %dma_wait3A_750 = arith.constant 0 : i32
      %dma_wait3A_751 = tpu.memref_slice %arg5[%dma_wait3A_750] : memref<10240xf32, #tpu.memory_space<hbm>> -> memref<10240xf32, #tpu.memory_space<hbm>>
      tpu.wait_indirect_dma semaphore(%arg17 : memref<!tpu.dma_semaphore, #tpu.memory_space<semaphore_mem>>) src(%dma_wait3A_751 : memref<10240xf32, #tpu.memory_space<hbm>>) dst(%dma_wait3A_746 : memref<64xf32, #tpu.memory_space<vmem>>)
      %dma_start3A_752 = arith.constant 3 : i32
      %dma_start3A_753 = arith.constant 0 : i32
      %dma_start3A_754 = arith.constant 0 : i32
      %dma_start3A_755 = tpu.memref_slice %arg10[%dma_start3A_752, %dma_start3A_753, %dma_start3A_754] : memref<4x64x128xf32, #tpu.memory_space<vmem>> -> memref<1x64x128xf32, #tpu.memory_space<vmem>>
      %dma_start3A_756 = tpu.memref_squeeze %dma_start3A_755 : memref<1x64x128xf32, #tpu.memory_space<vmem>> -> memref<64x128xf32, #tpu.memory_space<vmem>>
      %dma_start3A_757 = arith.constant 0 : i32
      %dma_start3A_758 = tpu.memref_slice %arg9[%add3A_729, %dma_start3A_757] : memref<40x64xi32, #tpu.memory_space<vmem>> -> memref<1x64xi32, #tpu.memory_space<vmem>>
      %dma_start3A_759 = tpu.memref_squeeze %dma_start3A_758 : memref<1x64xi32, #tpu.memory_space<vmem>> -> memref<64xi32, #tpu.memory_space<vmem>>
      %dma_start3A_760 = arith.constant 0 : i32
      %dma_start3A_761 = arith.constant 0 : i32
      %dma_start3A_762 = tpu.memref_slice %arg12[%dma_start3A_760, %dma_start3A_761] : memref<10240x128xf32, #tpu.memory_space<vmem_shared>> -> memref<10240x128xf32, #tpu.memory_space<vmem_shared>>
      tpu.enqueue_indirect_dma source(%dma_start3A_756 : memref<64x128xf32, #tpu.memory_space<vmem>>) target(%dma_start3A_762 : memref<10240x128xf32, #tpu.memory_space<vmem_shared>>) offsets(%dma_start3A_759 : memref<64xi32, #tpu.memory_space<vmem>>) semaphore(%arg21 : memref<!tpu.dma_semaphore, #tpu.memory_space<semaphore_mem>>) {add = true}
      %dma_start3A_763 = arith.constant 3 : i32
      %dma_start3A_764 = arith.constant 0 : i32
      %dma_start3A_765 = tpu.memref_slice %arg11[%dma_start3A_763, %dma_start3A_764] : memref<4x64xf32, #tpu.memory_space<vmem>> -> memref<1x64xf32, #tpu.memory_space<vmem>>
      %dma_start3A_766 = tpu.memref_squeeze %dma_start3A_765 : memref<1x64xf32, #tpu.memory_space<vmem>> -> memref<64xf32, #tpu.memory_space<vmem>>
      %dma_start3A_767 = arith.constant 0 : i32
      %dma_start3A_768 = tpu.memref_slice %arg8[%add3A_729, %dma_start3A_767] : memref<40x64xi32, #tpu.memory_space<vmem>> -> memref<1x64xi32, #tpu.memory_space<vmem>>
      %dma_start3A_769 = tpu.memref_squeeze %dma_start3A_768 : memref<1x64xi32, #tpu.memory_space<vmem>> -> memref<64xi32, #tpu.memory_space<vmem>>
      %dma_start3A_770 = arith.constant 0 : i32
      %dma_start3A_771 = tpu.memref_slice %arg13[%dma_start3A_770] : memref<10240xf32, #tpu.memory_space<vmem_shared>> -> memref<10240xf32, #tpu.memory_space<vmem_shared>>
      tpu.enqueue_indirect_dma source(%dma_start3A_766 : memref<64xf32, #tpu.memory_space<vmem>>) target(%dma_start3A_771 : memref<10240xf32, #tpu.memory_space<vmem_shared>>) offsets(%dma_start3A_769 : memref<64xi32, #tpu.memory_space<vmem>>) semaphore(%arg21 : memref<!tpu.dma_semaphore, #tpu.memory_space<semaphore_mem>>) {add = true}
      %dma_wait3A_772 = arith.constant 3 : i32
      %dma_wait3A_773 = arith.constant 0 : i32
      %dma_wait3A_774 = arith.constant 0 : i32
      %dma_wait3A_775 = tpu.memref_slice %arg10[%dma_wait3A_772, %dma_wait3A_773, %dma_wait3A_774] : memref<4x64x128xf32, #tpu.memory_space<vmem>> -> memref<1x64x128xf32, #tpu.memory_space<vmem>>
      %dma_wait3A_776 = tpu.memref_squeeze %dma_wait3A_775 : memref<1x64x128xf32, #tpu.memory_space<vmem>> -> memref<64x128xf32, #tpu.memory_space<vmem>>
      %dma_wait3A_777 = arith.constant 0 : i32
      %dma_wait3A_778 = tpu.memref_slice %arg9[%add3A_729, %dma_wait3A_777] : memref<40x64xi32, #tpu.memory_space<vmem>> -> memref<1x64xi32, #tpu.memory_space<vmem>>
      %dma_wait3A_779 = tpu.memref_squeeze %dma_wait3A_778 : memref<1x64xi32, #tpu.memory_space<vmem>> -> memref<64xi32, #tpu.memory_space<vmem>>
      %dma_wait3A_780 = arith.constant 0 : i32
      %dma_wait3A_781 = arith.constant 0 : i32
      %dma_wait3A_782 = tpu.memref_slice %arg12[%dma_wait3A_780, %dma_wait3A_781] : memref<10240x128xf32, #tpu.memory_space<vmem_shared>> -> memref<10240x128xf32, #tpu.memory_space<vmem_shared>>
      tpu.wait_indirect_dma semaphore(%arg21 : memref<!tpu.dma_semaphore, #tpu.memory_space<semaphore_mem>>) src(%dma_wait3A_776 : memref<64x128xf32, #tpu.memory_space<vmem>>) dst(%dma_wait3A_782 : memref<10240x128xf32, #tpu.memory_space<vmem_shared>>)
      %dma_wait3A_783 = arith.constant 3 : i32
      %dma_wait3A_784 = arith.constant 0 : i32
      %dma_wait3A_785 = tpu.memref_slice %arg11[%dma_wait3A_783, %dma_wait3A_784] : memref<4x64xf32, #tpu.memory_space<vmem>> -> memref<1x64xf32, #tpu.memory_space<vmem>>
      %dma_wait3A_786 = tpu.memref_squeeze %dma_wait3A_785 : memref<1x64xf32, #tpu.memory_space<vmem>> -> memref<64xf32, #tpu.memory_space<vmem>>
      %dma_wait3A_787 = arith.constant 0 : i32
      %dma_wait3A_788 = tpu.memref_slice %arg8[%add3A_729, %dma_wait3A_787] : memref<40x64xi32, #tpu.memory_space<vmem>> -> memref<1x64xi32, #tpu.memory_space<vmem>>
      %dma_wait3A_789 = tpu.memref_squeeze %dma_wait3A_788 : memref<1x64xi32, #tpu.memory_space<vmem>> -> memref<64xi32, #tpu.memory_space<vmem>>
      %dma_wait3A_790 = arith.constant 0 : i32
      %dma_wait3A_791 = tpu.memref_slice %arg13[%dma_wait3A_790] : memref<10240xf32, #tpu.memory_space<vmem_shared>> -> memref<10240xf32, #tpu.memory_space<vmem_shared>>
      tpu.wait_indirect_dma semaphore(%arg21 : memref<!tpu.dma_semaphore, #tpu.memory_space<semaphore_mem>>) src(%dma_wait3A_786 : memref<64xf32, #tpu.memory_space<vmem>>) dst(%dma_wait3A_791 : memref<10240xf32, #tpu.memory_space<vmem_shared>>)
      %add3A_792 = arith.constant 4 : i32
      %add3A_793 = arith.addi %add3A_729, %add3A_792 : i32
      %lt3A_794 = arith.constant 40 : i32
      %lt3A_795 = arith.cmpi slt, %add3A_793, %lt3A_794 : i32
      %convert_element_type3A_796 = arith.extui %lt3A_795 : i1 to i32
      %cond3A_797 = arith.constant 0 : i32
      %cond3A_798 = arith.cmpi ne, %convert_element_type3A_796, %cond3A_797 : i32
      scf.if %cond3A_798 {
        %add3A_799 = arith.constant 4 : i32
        %add3A_800 = arith.addi %add3A_729, %add3A_799 : i32
        %dma_start3A_801 = arith.constant 3 : i32
        %dma_start3A_802 = arith.constant 0 : i32
        %dma_start3A_803 = arith.constant 0 : i32
        %dma_start3A_804 = tpu.memref_slice %arg10[%dma_start3A_801, %dma_start3A_802, %dma_start3A_803] : memref<4x64x128xf32, #tpu.memory_space<vmem>> -> memref<1x64x128xf32, #tpu.memory_space<vmem>>
        %dma_start3A_805 = tpu.memref_squeeze %dma_start3A_804 : memref<1x64x128xf32, #tpu.memory_space<vmem>> -> memref<64x128xf32, #tpu.memory_space<vmem>>
        %dma_start3A_806 = arith.constant 0 : i32
        %dma_start3A_807 = tpu.memref_slice %arg8[%add3A_800, %dma_start3A_806] : memref<40x64xi32, #tpu.memory_space<vmem>> -> memref<1x64xi32, #tpu.memory_space<vmem>>
        %dma_start3A_808 = tpu.memref_squeeze %dma_start3A_807 : memref<1x64xi32, #tpu.memory_space<vmem>> -> memref<64xi32, #tpu.memory_space<vmem>>
        %dma_start3A_809 = arith.constant 0 : i32
        %dma_start3A_810 = arith.constant 0 : i32
        %dma_start3A_811 = tpu.memref_slice %arg2[%dma_start3A_809, %dma_start3A_810] : memref<10240x128xf32, #tpu.memory_space<hbm>> -> memref<10240x128xf32, #tpu.memory_space<hbm>>
        tpu.enqueue_indirect_dma source(%dma_start3A_811 : memref<10240x128xf32, #tpu.memory_space<hbm>>) target(%dma_start3A_805 : memref<64x128xf32, #tpu.memory_space<vmem>>) offsets(%dma_start3A_808 : memref<64xi32, #tpu.memory_space<vmem>>) semaphore(%arg17 : memref<!tpu.dma_semaphore, #tpu.memory_space<semaphore_mem>>)
        %add3A_812 = arith.constant 4 : i32
        %add3A_813 = arith.addi %add3A_729, %add3A_812 : i32
        %dma_start3A_814 = arith.constant 3 : i32
        %dma_start3A_815 = arith.constant 0 : i32
        %dma_start3A_816 = tpu.memref_slice %arg11[%dma_start3A_814, %dma_start3A_815] : memref<4x64xf32, #tpu.memory_space<vmem>> -> memref<1x64xf32, #tpu.memory_space<vmem>>
        %dma_start3A_817 = tpu.memref_squeeze %dma_start3A_816 : memref<1x64xf32, #tpu.memory_space<vmem>> -> memref<64xf32, #tpu.memory_space<vmem>>
        %dma_start3A_818 = arith.constant 0 : i32
        %dma_start3A_819 = tpu.memref_slice %arg9[%add3A_813, %dma_start3A_818] : memref<40x64xi32, #tpu.memory_space<vmem>> -> memref<1x64xi32, #tpu.memory_space<vmem>>
        %dma_start3A_820 = tpu.memref_squeeze %dma_start3A_819 : memref<1x64xi32, #tpu.memory_space<vmem>> -> memref<64xi32, #tpu.memory_space<vmem>>
        %dma_start3A_821 = arith.constant 0 : i32
        %dma_start3A_822 = tpu.memref_slice %arg5[%dma_start3A_821] : memref<10240xf32, #tpu.memory_space<hbm>> -> memref<10240xf32, #tpu.memory_space<hbm>>
        tpu.enqueue_indirect_dma source(%dma_start3A_822 : memref<10240xf32, #tpu.memory_space<hbm>>) target(%dma_start3A_817 : memref<64xf32, #tpu.memory_space<vmem>>) offsets(%dma_start3A_820 : memref<64xi32, #tpu.memory_space<vmem>>) semaphore(%arg17 : memref<!tpu.dma_semaphore, #tpu.memory_space<semaphore_mem>>)
      } else {
      }
    }
    %scan3A_225 = arith.constant 10 : i32
    "tpu.region"() ({
      %run_scoped3A_514 = tpu.sem_alloc : memref<!tpu.dma_semaphore, #tpu.memory_space<semaphore_mem>>
      %dma_start3A_515 = arith.constant 40 : i32
      %dma_start3A_516 = arith.constant 0 : i32
      %dma_start3A_517 = tpu.memref_slice %arg3[%add3A, %dma_start3A_515, %dma_start3A_516] : memref<32x160x64xi32, #tpu.memory_space<hbm>> -> memref<1x40x64xi32, #tpu.memory_space<hbm>>
      %dma_start3A_518 = tpu.memref_squeeze %dma_start3A_517 : memref<1x40x64xi32, #tpu.memory_space<hbm>> -> memref<40x64xi32, #tpu.memory_space<hbm>>
      %dma_start3A_519 = arith.constant 40 : i32
      %dma_start3A_520 = arith.constant 0 : i32
      %dma_start3A_521 = tpu.memref_slice %arg3[%add3A, %dma_start3A_519, %dma_start3A_520] : memref<32x160x64xi32, #tpu.memory_space<hbm>> -> memref<1x40x64xi32, #tpu.memory_space<hbm>>
      %dma_start3A_522 = tpu.memref_squeeze %dma_start3A_521 : memref<1x40x64xi32, #tpu.memory_space<hbm>> -> memref<40x64xi32, #tpu.memory_space<hbm>>
      tpu.enqueue_dma source(%dma_start3A_522 : memref<40x64xi32, #tpu.memory_space<hbm>>) target(%arg8 : memref<40x64xi32, #tpu.memory_space<vmem>>) target_semaphore(%run_scoped3A_514 : memref<!tpu.dma_semaphore, #tpu.memory_space<semaphore_mem>>)
      %dma_wait3A = arith.constant 40 : i32
      %dma_wait3A_523 = arith.constant 0 : i32
      %dma_wait3A_524 = tpu.memref_slice %arg3[%add3A, %dma_wait3A, %dma_wait3A_523] : memref<32x160x64xi32, #tpu.memory_space<hbm>> -> memref<1x40x64xi32, #tpu.memory_space<hbm>>
      %dma_wait3A_525 = tpu.memref_squeeze %dma_wait3A_524 : memref<1x40x64xi32, #tpu.memory_space<hbm>> -> memref<40x64xi32, #tpu.memory_space<hbm>>
      %dma_wait3A_526 = arith.constant 40 : i32
      %dma_wait3A_527 = arith.constant 0 : i32
      %dma_wait3A_528 = tpu.memref_slice %arg3[%add3A, %dma_wait3A_526, %dma_wait3A_527] : memref<32x160x64xi32, #tpu.memory_space<hbm>> -> memref<1x40x64xi32, #tpu.memory_space<hbm>>
      %dma_wait3A_529 = tpu.memref_squeeze %dma_wait3A_528 : memref<1x40x64xi32, #tpu.memory_space<hbm>> -> memref<40x64xi32, #tpu.memory_space<hbm>>
      tpu.wait_dma2 semaphore(%run_scoped3A_514 : memref<!tpu.dma_semaphore, #tpu.memory_space<semaphore_mem>>) src(%dma_wait3A_529 : memref<40x64xi32, #tpu.memory_space<hbm>>) dst(%arg8 : memref<40x64xi32, #tpu.memory_space<vmem>>)
      tpu.yield
    }) : () -> ()
    "tpu.region"() ({
      %run_scoped3A_514 = tpu.sem_alloc : memref<!tpu.dma_semaphore, #tpu.memory_space<semaphore_mem>>
      %dma_start3A_515 = arith.constant 40 : i32
      %dma_start3A_516 = arith.constant 0 : i32
      %dma_start3A_517 = tpu.memref_slice %arg4[%add3A, %dma_start3A_515, %dma_start3A_516] : memref<32x160x64xi32, #tpu.memory_space<hbm>> -> memref<1x40x64xi32, #tpu.memory_space<hbm>>
      %dma_start3A_518 = tpu.memref_squeeze %dma_start3A_517 : memref<1x40x64xi32, #tpu.memory_space<hbm>> -> memref<40x64xi32, #tpu.memory_space<hbm>>
      %dma_start3A_519 = arith.constant 40 : i32
      %dma_start3A_520 = arith.constant 0 : i32
      %dma_start3A_521 = tpu.memref_slice %arg4[%add3A, %dma_start3A_519, %dma_start3A_520] : memref<32x160x64xi32, #tpu.memory_space<hbm>> -> memref<1x40x64xi32, #tpu.memory_space<hbm>>
      %dma_start3A_522 = tpu.memref_squeeze %dma_start3A_521 : memref<1x40x64xi32, #tpu.memory_space<hbm>> -> memref<40x64xi32, #tpu.memory_space<hbm>>
      tpu.enqueue_dma source(%dma_start3A_522 : memref<40x64xi32, #tpu.memory_space<hbm>>) target(%arg9 : memref<40x64xi32, #tpu.memory_space<vmem>>) target_semaphore(%run_scoped3A_514 : memref<!tpu.dma_semaphore, #tpu.memory_space<semaphore_mem>>)
      %dma_wait3A = arith.constant 40 : i32
      %dma_wait3A_523 = arith.constant 0 : i32
      %dma_wait3A_524 = tpu.memref_slice %arg4[%add3A, %dma_wait3A, %dma_wait3A_523] : memref<32x160x64xi32, #tpu.memory_space<hbm>> -> memref<1x40x64xi32, #tpu.memory_space<hbm>>
      %dma_wait3A_525 = tpu.memref_squeeze %dma_wait3A_524 : memref<1x40x64xi32, #tpu.memory_space<hbm>> -> memref<40x64xi32, #tpu.memory_space<hbm>>
      %dma_wait3A_526 = arith.constant 40 : i32
      %dma_wait3A_527 = arith.constant 0 : i32
      %dma_wait3A_528 = tpu.memref_slice %arg4[%add3A, %dma_wait3A_526, %dma_wait3A_527] : memref<32x160x64xi32, #tpu.memory_space<hbm>> -> memref<1x40x64xi32, #tpu.memory_space<hbm>>
      %dma_wait3A_529 = tpu.memref_squeeze %dma_wait3A_528 : memref<1x40x64xi32, #tpu.memory_space<hbm>> -> memref<40x64xi32, #tpu.memory_space<hbm>>
      tpu.wait_dma2 semaphore(%run_scoped3A_514 : memref<!tpu.dma_semaphore, #tpu.memory_space<semaphore_mem>>) src(%dma_wait3A_529 : memref<40x64xi32, #tpu.memory_space<hbm>>) dst(%arg9 : memref<40x64xi32, #tpu.memory_space<vmem>>)
      tpu.yield
    }) : () -> ()
    %dma_start3A_226 = arith.constant 0 : i32
    %dma_start3A_227 = arith.constant 0 : i32
    %dma_start3A_228 = arith.constant 0 : i32
    %dma_start3A_229 = arith.constant 0 : i32
    %dma_start3A_230 = tpu.memref_slice %arg10[%dma_start3A_227, %dma_start3A_228, %dma_start3A_229] : memref<4x64x128xf32, #tpu.memory_space<vmem>> -> memref<1x64x128xf32, #tpu.memory_space<vmem>>
    %dma_start3A_231 = tpu.memref_squeeze %dma_start3A_230 : memref<1x64x128xf32, #tpu.memory_space<vmem>> -> memref<64x128xf32, #tpu.memory_space<vmem>>
    %dma_start3A_232 = arith.constant 0 : i32
    %dma_start3A_233 = tpu.memref_slice %arg8[%dma_start3A_226, %dma_start3A_232] : memref<40x64xi32, #tpu.memory_space<vmem>> -> memref<1x64xi32, #tpu.memory_space<vmem>>
    %dma_start3A_234 = tpu.memref_squeeze %dma_start3A_233 : memref<1x64xi32, #tpu.memory_space<vmem>> -> memref<64xi32, #tpu.memory_space<vmem>>
    %dma_start3A_235 = arith.constant 0 : i32
    %dma_start3A_236 = arith.constant 0 : i32
    %dma_start3A_237 = tpu.memref_slice %arg2[%dma_start3A_235, %dma_start3A_236] : memref<10240x128xf32, #tpu.memory_space<hbm>> -> memref<10240x128xf32, #tpu.memory_space<hbm>>
    tpu.enqueue_indirect_dma source(%dma_start3A_237 : memref<10240x128xf32, #tpu.memory_space<hbm>>) target(%dma_start3A_231 : memref<64x128xf32, #tpu.memory_space<vmem>>) offsets(%dma_start3A_234 : memref<64xi32, #tpu.memory_space<vmem>>) semaphore(%arg14 : memref<!tpu.dma_semaphore, #tpu.memory_space<semaphore_mem>>)
    %dma_start3A_238 = arith.constant 0 : i32
    %dma_start3A_239 = arith.constant 0 : i32
    %dma_start3A_240 = arith.constant 0 : i32
    %dma_start3A_241 = tpu.memref_slice %arg11[%dma_start3A_239, %dma_start3A_240] : memref<4x64xf32, #tpu.memory_space<vmem>> -> memref<1x64xf32, #tpu.memory_space<vmem>>
    %dma_start3A_242 = tpu.memref_squeeze %dma_start3A_241 : memref<1x64xf32, #tpu.memory_space<vmem>> -> memref<64xf32, #tpu.memory_space<vmem>>
    %dma_start3A_243 = arith.constant 0 : i32
    %dma_start3A_244 = tpu.memref_slice %arg9[%dma_start3A_238, %dma_start3A_243] : memref<40x64xi32, #tpu.memory_space<vmem>> -> memref<1x64xi32, #tpu.memory_space<vmem>>
    %dma_start3A_245 = tpu.memref_squeeze %dma_start3A_244 : memref<1x64xi32, #tpu.memory_space<vmem>> -> memref<64xi32, #tpu.memory_space<vmem>>
    %dma_start3A_246 = arith.constant 0 : i32
    %dma_start3A_247 = tpu.memref_slice %arg5[%dma_start3A_246] : memref<10240xf32, #tpu.memory_space<hbm>> -> memref<10240xf32, #tpu.memory_space<hbm>>
    tpu.enqueue_indirect_dma source(%dma_start3A_247 : memref<10240xf32, #tpu.memory_space<hbm>>) target(%dma_start3A_242 : memref<64xf32, #tpu.memory_space<vmem>>) offsets(%dma_start3A_245 : memref<64xi32, #tpu.memory_space<vmem>>) semaphore(%arg14 : memref<!tpu.dma_semaphore, #tpu.memory_space<semaphore_mem>>)
    %dma_start3A_248 = arith.constant 1 : i32
    %dma_start3A_249 = arith.constant 1 : i32
    %dma_start3A_250 = arith.constant 0 : i32
    %dma_start3A_251 = arith.constant 0 : i32
    %dma_start3A_252 = tpu.memref_slice %arg10[%dma_start3A_249, %dma_start3A_250, %dma_start3A_251] : memref<4x64x128xf32, #tpu.memory_space<vmem>> -> memref<1x64x128xf32, #tpu.memory_space<vmem>>
    %dma_start3A_253 = tpu.memref_squeeze %dma_start3A_252 : memref<1x64x128xf32, #tpu.memory_space<vmem>> -> memref<64x128xf32, #tpu.memory_space<vmem>>
    %dma_start3A_254 = arith.constant 0 : i32
    %dma_start3A_255 = tpu.memref_slice %arg8[%dma_start3A_248, %dma_start3A_254] : memref<40x64xi32, #tpu.memory_space<vmem>> -> memref<1x64xi32, #tpu.memory_space<vmem>>
    %dma_start3A_256 = tpu.memref_squeeze %dma_start3A_255 : memref<1x64xi32, #tpu.memory_space<vmem>> -> memref<64xi32, #tpu.memory_space<vmem>>
    %dma_start3A_257 = arith.constant 0 : i32
    %dma_start3A_258 = arith.constant 0 : i32
    %dma_start3A_259 = tpu.memref_slice %arg2[%dma_start3A_257, %dma_start3A_258] : memref<10240x128xf32, #tpu.memory_space<hbm>> -> memref<10240x128xf32, #tpu.memory_space<hbm>>
    tpu.enqueue_indirect_dma source(%dma_start3A_259 : memref<10240x128xf32, #tpu.memory_space<hbm>>) target(%dma_start3A_253 : memref<64x128xf32, #tpu.memory_space<vmem>>) offsets(%dma_start3A_256 : memref<64xi32, #tpu.memory_space<vmem>>) semaphore(%arg15 : memref<!tpu.dma_semaphore, #tpu.memory_space<semaphore_mem>>)
    %dma_start3A_260 = arith.constant 1 : i32
    %dma_start3A_261 = arith.constant 1 : i32
    %dma_start3A_262 = arith.constant 0 : i32
    %dma_start3A_263 = tpu.memref_slice %arg11[%dma_start3A_261, %dma_start3A_262] : memref<4x64xf32, #tpu.memory_space<vmem>> -> memref<1x64xf32, #tpu.memory_space<vmem>>
    %dma_start3A_264 = tpu.memref_squeeze %dma_start3A_263 : memref<1x64xf32, #tpu.memory_space<vmem>> -> memref<64xf32, #tpu.memory_space<vmem>>
    %dma_start3A_265 = arith.constant 0 : i32
    %dma_start3A_266 = tpu.memref_slice %arg9[%dma_start3A_260, %dma_start3A_265] : memref<40x64xi32, #tpu.memory_space<vmem>> -> memref<1x64xi32, #tpu.memory_space<vmem>>
    %dma_start3A_267 = tpu.memref_squeeze %dma_start3A_266 : memref<1x64xi32, #tpu.memory_space<vmem>> -> memref<64xi32, #tpu.memory_space<vmem>>
    %dma_start3A_268 = arith.constant 0 : i32
    %dma_start3A_269 = tpu.memref_slice %arg5[%dma_start3A_268] : memref<10240xf32, #tpu.memory_space<hbm>> -> memref<10240xf32, #tpu.memory_space<hbm>>
    tpu.enqueue_indirect_dma source(%dma_start3A_269 : memref<10240xf32, #tpu.memory_space<hbm>>) target(%dma_start3A_264 : memref<64xf32, #tpu.memory_space<vmem>>) offsets(%dma_start3A_267 : memref<64xi32, #tpu.memory_space<vmem>>) semaphore(%arg15 : memref<!tpu.dma_semaphore, #tpu.memory_space<semaphore_mem>>)
    %dma_start3A_270 = arith.constant 2 : i32
    %dma_start3A_271 = arith.constant 2 : i32
    %dma_start3A_272 = arith.constant 0 : i32
    %dma_start3A_273 = arith.constant 0 : i32
    %dma_start3A_274 = tpu.memref_slice %arg10[%dma_start3A_271, %dma_start3A_272, %dma_start3A_273] : memref<4x64x128xf32, #tpu.memory_space<vmem>> -> memref<1x64x128xf32, #tpu.memory_space<vmem>>
    %dma_start3A_275 = tpu.memref_squeeze %dma_start3A_274 : memref<1x64x128xf32, #tpu.memory_space<vmem>> -> memref<64x128xf32, #tpu.memory_space<vmem>>
    %dma_start3A_276 = arith.constant 0 : i32
    %dma_start3A_277 = tpu.memref_slice %arg8[%dma_start3A_270, %dma_start3A_276] : memref<40x64xi32, #tpu.memory_space<vmem>> -> memref<1x64xi32, #tpu.memory_space<vmem>>
    %dma_start3A_278 = tpu.memref_squeeze %dma_start3A_277 : memref<1x64xi32, #tpu.memory_space<vmem>> -> memref<64xi32, #tpu.memory_space<vmem>>
    %dma_start3A_279 = arith.constant 0 : i32
    %dma_start3A_280 = arith.constant 0 : i32
    %dma_start3A_281 = tpu.memref_slice %arg2[%dma_start3A_279, %dma_start3A_280] : memref<10240x128xf32, #tpu.memory_space<hbm>> -> memref<10240x128xf32, #tpu.memory_space<hbm>>
    tpu.enqueue_indirect_dma source(%dma_start3A_281 : memref<10240x128xf32, #tpu.memory_space<hbm>>) target(%dma_start3A_275 : memref<64x128xf32, #tpu.memory_space<vmem>>) offsets(%dma_start3A_278 : memref<64xi32, #tpu.memory_space<vmem>>) semaphore(%arg16 : memref<!tpu.dma_semaphore, #tpu.memory_space<semaphore_mem>>)
    %dma_start3A_282 = arith.constant 2 : i32
    %dma_start3A_283 = arith.constant 2 : i32
    %dma_start3A_284 = arith.constant 0 : i32
    %dma_start3A_285 = tpu.memref_slice %arg11[%dma_start3A_283, %dma_start3A_284] : memref<4x64xf32, #tpu.memory_space<vmem>> -> memref<1x64xf32, #tpu.memory_space<vmem>>
    %dma_start3A_286 = tpu.memref_squeeze %dma_start3A_285 : memref<1x64xf32, #tpu.memory_space<vmem>> -> memref<64xf32, #tpu.memory_space<vmem>>
    %dma_start3A_287 = arith.constant 0 : i32
    %dma_start3A_288 = tpu.memref_slice %arg9[%dma_start3A_282, %dma_start3A_287] : memref<40x64xi32, #tpu.memory_space<vmem>> -> memref<1x64xi32, #tpu.memory_space<vmem>>
    %dma_start3A_289 = tpu.memref_squeeze %dma_start3A_288 : memref<1x64xi32, #tpu.memory_space<vmem>> -> memref<64xi32, #tpu.memory_space<vmem>>
    %dma_start3A_290 = arith.constant 0 : i32
    %dma_start3A_291 = tpu.memref_slice %arg5[%dma_start3A_290] : memref<10240xf32, #tpu.memory_space<hbm>> -> memref<10240xf32, #tpu.memory_space<hbm>>
    tpu.enqueue_indirect_dma source(%dma_start3A_291 : memref<10240xf32, #tpu.memory_space<hbm>>) target(%dma_start3A_286 : memref<64xf32, #tpu.memory_space<vmem>>) offsets(%dma_start3A_289 : memref<64xi32, #tpu.memory_space<vmem>>) semaphore(%arg16 : memref<!tpu.dma_semaphore, #tpu.memory_space<semaphore_mem>>)
    %dma_start3A_292 = arith.constant 3 : i32
    %dma_start3A_293 = arith.constant 3 : i32
    %dma_start3A_294 = arith.constant 0 : i32
    %dma_start3A_295 = arith.constant 0 : i32
    %dma_start3A_296 = tpu.memref_slice %arg10[%dma_start3A_293, %dma_start3A_294, %dma_start3A_295] : memref<4x64x128xf32, #tpu.memory_space<vmem>> -> memref<1x64x128xf32, #tpu.memory_space<vmem>>
    %dma_start3A_297 = tpu.memref_squeeze %dma_start3A_296 : memref<1x64x128xf32, #tpu.memory_space<vmem>> -> memref<64x128xf32, #tpu.memory_space<vmem>>
    %dma_start3A_298 = arith.constant 0 : i32
    %dma_start3A_299 = tpu.memref_slice %arg8[%dma_start3A_292, %dma_start3A_298] : memref<40x64xi32, #tpu.memory_space<vmem>> -> memref<1x64xi32, #tpu.memory_space<vmem>>
    %dma_start3A_300 = tpu.memref_squeeze %dma_start3A_299 : memref<1x64xi32, #tpu.memory_space<vmem>> -> memref<64xi32, #tpu.memory_space<vmem>>
    %dma_start3A_301 = arith.constant 0 : i32
    %dma_start3A_302 = arith.constant 0 : i32
    %dma_start3A_303 = tpu.memref_slice %arg2[%dma_start3A_301, %dma_start3A_302] : memref<10240x128xf32, #tpu.memory_space<hbm>> -> memref<10240x128xf32, #tpu.memory_space<hbm>>
    tpu.enqueue_indirect_dma source(%dma_start3A_303 : memref<10240x128xf32, #tpu.memory_space<hbm>>) target(%dma_start3A_297 : memref<64x128xf32, #tpu.memory_space<vmem>>) offsets(%dma_start3A_300 : memref<64xi32, #tpu.memory_space<vmem>>) semaphore(%arg17 : memref<!tpu.dma_semaphore, #tpu.memory_space<semaphore_mem>>)
    %dma_start3A_304 = arith.constant 3 : i32
    %dma_start3A_305 = arith.constant 3 : i32
    %dma_start3A_306 = arith.constant 0 : i32
    %dma_start3A_307 = tpu.memref_slice %arg11[%dma_start3A_305, %dma_start3A_306] : memref<4x64xf32, #tpu.memory_space<vmem>> -> memref<1x64xf32, #tpu.memory_space<vmem>>
    %dma_start3A_308 = tpu.memref_squeeze %dma_start3A_307 : memref<1x64xf32, #tpu.memory_space<vmem>> -> memref<64xf32, #tpu.memory_space<vmem>>
    %dma_start3A_309 = arith.constant 0 : i32
    %dma_start3A_310 = tpu.memref_slice %arg9[%dma_start3A_304, %dma_start3A_309] : memref<40x64xi32, #tpu.memory_space<vmem>> -> memref<1x64xi32, #tpu.memory_space<vmem>>
    %dma_start3A_311 = tpu.memref_squeeze %dma_start3A_310 : memref<1x64xi32, #tpu.memory_space<vmem>> -> memref<64xi32, #tpu.memory_space<vmem>>
    %dma_start3A_312 = arith.constant 0 : i32
    %dma_start3A_313 = tpu.memref_slice %arg5[%dma_start3A_312] : memref<10240xf32, #tpu.memory_space<hbm>> -> memref<10240xf32, #tpu.memory_space<hbm>>
    tpu.enqueue_indirect_dma source(%dma_start3A_313 : memref<10240xf32, #tpu.memory_space<hbm>>) target(%dma_start3A_308 : memref<64xf32, #tpu.memory_space<vmem>>) offsets(%dma_start3A_311 : memref<64xi32, #tpu.memory_space<vmem>>) semaphore(%arg17 : memref<!tpu.dma_semaphore, #tpu.memory_space<semaphore_mem>>)
    %scan3A_314 = arith.constant 0 : i32
    %scan3A_315 = arith.constant 10 : i32
    %scan3A_316 = arith.addi %scan3A_314, %scan3A_315 : i32
    %scan3A_317 = arith.constant 1 : i32
    scf.for %scan3A_514 = %scan3A_314 to %scan3A_316 step %scan3A_317  : i32 {
      %mul3A_515 = arith.constant 4 : i32
      %mul3A_516 = arith.muli %scan3A_514, %mul3A_515 : i32
      %add3A_517 = arith.constant 0 : i32
      %add3A_518 = arith.addi %add3A_517, %mul3A_516 : i32
      %add3A_519 = arith.constant 0 : i32
      %add3A_520 = arith.addi %add3A_518, %add3A_519 : i32
      %dma_wait3A = arith.constant 0 : i32
      %dma_wait3A_521 = arith.constant 0 : i32
      %dma_wait3A_522 = arith.constant 0 : i32
      %dma_wait3A_523 = arith.constant 0 : i32
      %dma_wait3A_524 = tpu.memref_slice %arg10[%dma_wait3A_521, %dma_wait3A_522, %dma_wait3A_523] : memref<4x64x128xf32, #tpu.memory_space<vmem>> -> memref<1x64x128xf32, #tpu.memory_space<vmem>>
      %dma_wait3A_525 = tpu.memref_squeeze %dma_wait3A_524 : memref<1x64x128xf32, #tpu.memory_space<vmem>> -> memref<64x128xf32, #tpu.memory_space<vmem>>
      %dma_wait3A_526 = arith.constant 0 : i32
      %dma_wait3A_527 = tpu.memref_slice %arg8[%dma_wait3A, %dma_wait3A_526] : memref<40x64xi32, #tpu.memory_space<vmem>> -> memref<1x64xi32, #tpu.memory_space<vmem>>
      %dma_wait3A_528 = tpu.memref_squeeze %dma_wait3A_527 : memref<1x64xi32, #tpu.memory_space<vmem>> -> memref<64xi32, #tpu.memory_space<vmem>>
      %dma_wait3A_529 = arith.constant 0 : i32
      %dma_wait3A_530 = arith.constant 0 : i32
      %dma_wait3A_531 = tpu.memref_slice %arg2[%dma_wait3A_529, %dma_wait3A_530] : memref<10240x128xf32, #tpu.memory_space<hbm>> -> memref<10240x128xf32, #tpu.memory_space<hbm>>
      tpu.wait_indirect_dma semaphore(%arg14 : memref<!tpu.dma_semaphore, #tpu.memory_space<semaphore_mem>>) src(%dma_wait3A_531 : memref<10240x128xf32, #tpu.memory_space<hbm>>) dst(%dma_wait3A_525 : memref<64x128xf32, #tpu.memory_space<vmem>>)
      %dma_wait3A_532 = arith.constant 0 : i32
      %dma_wait3A_533 = arith.constant 0 : i32
      %dma_wait3A_534 = arith.constant 0 : i32
      %dma_wait3A_535 = tpu.memref_slice %arg11[%dma_wait3A_533, %dma_wait3A_534] : memref<4x64xf32, #tpu.memory_space<vmem>> -> memref<1x64xf32, #tpu.memory_space<vmem>>
      %dma_wait3A_536 = tpu.memref_squeeze %dma_wait3A_535 : memref<1x64xf32, #tpu.memory_space<vmem>> -> memref<64xf32, #tpu.memory_space<vmem>>
      %dma_wait3A_537 = arith.constant 0 : i32
      %dma_wait3A_538 = tpu.memref_slice %arg9[%dma_wait3A_532, %dma_wait3A_537] : memref<40x64xi32, #tpu.memory_space<vmem>> -> memref<1x64xi32, #tpu.memory_space<vmem>>
      %dma_wait3A_539 = tpu.memref_squeeze %dma_wait3A_538 : memref<1x64xi32, #tpu.memory_space<vmem>> -> memref<64xi32, #tpu.memory_space<vmem>>
      %dma_wait3A_540 = arith.constant 0 : i32
      %dma_wait3A_541 = tpu.memref_slice %arg5[%dma_wait3A_540] : memref<10240xf32, #tpu.memory_space<hbm>> -> memref<10240xf32, #tpu.memory_space<hbm>>
      tpu.wait_indirect_dma semaphore(%arg14 : memref<!tpu.dma_semaphore, #tpu.memory_space<semaphore_mem>>) src(%dma_wait3A_541 : memref<10240xf32, #tpu.memory_space<hbm>>) dst(%dma_wait3A_536 : memref<64xf32, #tpu.memory_space<vmem>>)
      %dma_start3A_542 = arith.constant 0 : i32
      %dma_start3A_543 = arith.constant 0 : i32
      %dma_start3A_544 = arith.constant 0 : i32
      %dma_start3A_545 = tpu.memref_slice %arg10[%dma_start3A_542, %dma_start3A_543, %dma_start3A_544] : memref<4x64x128xf32, #tpu.memory_space<vmem>> -> memref<1x64x128xf32, #tpu.memory_space<vmem>>
      %dma_start3A_546 = tpu.memref_squeeze %dma_start3A_545 : memref<1x64x128xf32, #tpu.memory_space<vmem>> -> memref<64x128xf32, #tpu.memory_space<vmem>>
      %dma_start3A_547 = arith.constant 0 : i32
      %dma_start3A_548 = tpu.memref_slice %arg9[%add3A_520, %dma_start3A_547] : memref<40x64xi32, #tpu.memory_space<vmem>> -> memref<1x64xi32, #tpu.memory_space<vmem>>
      %dma_start3A_549 = tpu.memref_squeeze %dma_start3A_548 : memref<1x64xi32, #tpu.memory_space<vmem>> -> memref<64xi32, #tpu.memory_space<vmem>>
      %dma_start3A_550 = arith.constant 0 : i32
      %dma_start3A_551 = arith.constant 0 : i32
      %dma_start3A_552 = tpu.memref_slice %arg12[%dma_start3A_550, %dma_start3A_551] : memref<10240x128xf32, #tpu.memory_space<vmem_shared>> -> memref<10240x128xf32, #tpu.memory_space<vmem_shared>>
      tpu.enqueue_indirect_dma source(%dma_start3A_546 : memref<64x128xf32, #tpu.memory_space<vmem>>) target(%dma_start3A_552 : memref<10240x128xf32, #tpu.memory_space<vmem_shared>>) offsets(%dma_start3A_549 : memref<64xi32, #tpu.memory_space<vmem>>) semaphore(%arg18 : memref<!tpu.dma_semaphore, #tpu.memory_space<semaphore_mem>>) {add = true}
      %dma_start3A_553 = arith.constant 0 : i32
      %dma_start3A_554 = arith.constant 0 : i32
      %dma_start3A_555 = tpu.memref_slice %arg11[%dma_start3A_553, %dma_start3A_554] : memref<4x64xf32, #tpu.memory_space<vmem>> -> memref<1x64xf32, #tpu.memory_space<vmem>>
      %dma_start3A_556 = tpu.memref_squeeze %dma_start3A_555 : memref<1x64xf32, #tpu.memory_space<vmem>> -> memref<64xf32, #tpu.memory_space<vmem>>
      %dma_start3A_557 = arith.constant 0 : i32
      %dma_start3A_558 = tpu.memref_slice %arg8[%add3A_520, %dma_start3A_557] : memref<40x64xi32, #tpu.memory_space<vmem>> -> memref<1x64xi32, #tpu.memory_space<vmem>>
      %dma_start3A_559 = tpu.memref_squeeze %dma_start3A_558 : memref<1x64xi32, #tpu.memory_space<vmem>> -> memref<64xi32, #tpu.memory_space<vmem>>
      %dma_start3A_560 = arith.constant 0 : i32
      %dma_start3A_561 = tpu.memref_slice %arg13[%dma_start3A_560] : memref<10240xf32, #tpu.memory_space<vmem_shared>> -> memref<10240xf32, #tpu.memory_space<vmem_shared>>
      tpu.enqueue_indirect_dma source(%dma_start3A_556 : memref<64xf32, #tpu.memory_space<vmem>>) target(%dma_start3A_561 : memref<10240xf32, #tpu.memory_space<vmem_shared>>) offsets(%dma_start3A_559 : memref<64xi32, #tpu.memory_space<vmem>>) semaphore(%arg18 : memref<!tpu.dma_semaphore, #tpu.memory_space<semaphore_mem>>) {add = true}
      %dma_wait3A_562 = arith.constant 0 : i32
      %dma_wait3A_563 = arith.constant 0 : i32
      %dma_wait3A_564 = arith.constant 0 : i32
      %dma_wait3A_565 = tpu.memref_slice %arg10[%dma_wait3A_562, %dma_wait3A_563, %dma_wait3A_564] : memref<4x64x128xf32, #tpu.memory_space<vmem>> -> memref<1x64x128xf32, #tpu.memory_space<vmem>>
      %dma_wait3A_566 = tpu.memref_squeeze %dma_wait3A_565 : memref<1x64x128xf32, #tpu.memory_space<vmem>> -> memref<64x128xf32, #tpu.memory_space<vmem>>
      %dma_wait3A_567 = arith.constant 0 : i32
      %dma_wait3A_568 = tpu.memref_slice %arg9[%add3A_520, %dma_wait3A_567] : memref<40x64xi32, #tpu.memory_space<vmem>> -> memref<1x64xi32, #tpu.memory_space<vmem>>
      %dma_wait3A_569 = tpu.memref_squeeze %dma_wait3A_568 : memref<1x64xi32, #tpu.memory_space<vmem>> -> memref<64xi32, #tpu.memory_space<vmem>>
      %dma_wait3A_570 = arith.constant 0 : i32
      %dma_wait3A_571 = arith.constant 0 : i32
      %dma_wait3A_572 = tpu.memref_slice %arg12[%dma_wait3A_570, %dma_wait3A_571] : memref<10240x128xf32, #tpu.memory_space<vmem_shared>> -> memref<10240x128xf32, #tpu.memory_space<vmem_shared>>
      tpu.wait_indirect_dma semaphore(%arg18 : memref<!tpu.dma_semaphore, #tpu.memory_space<semaphore_mem>>) src(%dma_wait3A_566 : memref<64x128xf32, #tpu.memory_space<vmem>>) dst(%dma_wait3A_572 : memref<10240x128xf32, #tpu.memory_space<vmem_shared>>)
      %dma_wait3A_573 = arith.constant 0 : i32
      %dma_wait3A_574 = arith.constant 0 : i32
      %dma_wait3A_575 = tpu.memref_slice %arg11[%dma_wait3A_573, %dma_wait3A_574] : memref<4x64xf32, #tpu.memory_space<vmem>> -> memref<1x64xf32, #tpu.memory_space<vmem>>
      %dma_wait3A_576 = tpu.memref_squeeze %dma_wait3A_575 : memref<1x64xf32, #tpu.memory_space<vmem>> -> memref<64xf32, #tpu.memory_space<vmem>>
      %dma_wait3A_577 = arith.constant 0 : i32
      %dma_wait3A_578 = tpu.memref_slice %arg8[%add3A_520, %dma_wait3A_577] : memref<40x64xi32, #tpu.memory_space<vmem>> -> memref<1x64xi32, #tpu.memory_space<vmem>>
      %dma_wait3A_579 = tpu.memref_squeeze %dma_wait3A_578 : memref<1x64xi32, #tpu.memory_space<vmem>> -> memref<64xi32, #tpu.memory_space<vmem>>
      %dma_wait3A_580 = arith.constant 0 : i32
      %dma_wait3A_581 = tpu.memref_slice %arg13[%dma_wait3A_580] : memref<10240xf32, #tpu.memory_space<vmem_shared>> -> memref<10240xf32, #tpu.memory_space<vmem_shared>>
      tpu.wait_indirect_dma semaphore(%arg18 : memref<!tpu.dma_semaphore, #tpu.memory_space<semaphore_mem>>) src(%dma_wait3A_576 : memref<64xf32, #tpu.memory_space<vmem>>) dst(%dma_wait3A_581 : memref<10240xf32, #tpu.memory_space<vmem_shared>>)
      %add3A_582 = arith.constant 4 : i32
      %add3A_583 = arith.addi %add3A_520, %add3A_582 : i32
      %lt3A = arith.constant 40 : i32
      %lt3A_584 = arith.cmpi slt, %add3A_583, %lt3A : i32
      %convert_element_type3A = arith.extui %lt3A_584 : i1 to i32
      %cond3A = arith.constant 0 : i32
      %cond3A_585 = arith.cmpi ne, %convert_element_type3A, %cond3A : i32
      scf.if %cond3A_585 {
        %add3A_799 = arith.constant 4 : i32
        %add3A_800 = arith.addi %add3A_520, %add3A_799 : i32
        %dma_start3A_801 = arith.constant 0 : i32
        %dma_start3A_802 = arith.constant 0 : i32
        %dma_start3A_803 = arith.constant 0 : i32
        %dma_start3A_804 = tpu.memref_slice %arg10[%dma_start3A_801, %dma_start3A_802, %dma_start3A_803] : memref<4x64x128xf32, #tpu.memory_space<vmem>> -> memref<1x64x128xf32, #tpu.memory_space<vmem>>
        %dma_start3A_805 = tpu.memref_squeeze %dma_start3A_804 : memref<1x64x128xf32, #tpu.memory_space<vmem>> -> memref<64x128xf32, #tpu.memory_space<vmem>>
        %dma_start3A_806 = arith.constant 0 : i32
        %dma_start3A_807 = tpu.memref_slice %arg8[%add3A_800, %dma_start3A_806] : memref<40x64xi32, #tpu.memory_space<vmem>> -> memref<1x64xi32, #tpu.memory_space<vmem>>
        %dma_start3A_808 = tpu.memref_squeeze %dma_start3A_807 : memref<1x64xi32, #tpu.memory_space<vmem>> -> memref<64xi32, #tpu.memory_space<vmem>>
        %dma_start3A_809 = arith.constant 0 : i32
        %dma_start3A_810 = arith.constant 0 : i32
        %dma_start3A_811 = tpu.memref_slice %arg2[%dma_start3A_809, %dma_start3A_810] : memref<10240x128xf32, #tpu.memory_space<hbm>> -> memref<10240x128xf32, #tpu.memory_space<hbm>>
        tpu.enqueue_indirect_dma source(%dma_start3A_811 : memref<10240x128xf32, #tpu.memory_space<hbm>>) target(%dma_start3A_805 : memref<64x128xf32, #tpu.memory_space<vmem>>) offsets(%dma_start3A_808 : memref<64xi32, #tpu.memory_space<vmem>>) semaphore(%arg14 : memref<!tpu.dma_semaphore, #tpu.memory_space<semaphore_mem>>)
        %add3A_812 = arith.constant 4 : i32
        %add3A_813 = arith.addi %add3A_520, %add3A_812 : i32
        %dma_start3A_814 = arith.constant 0 : i32
        %dma_start3A_815 = arith.constant 0 : i32
        %dma_start3A_816 = tpu.memref_slice %arg11[%dma_start3A_814, %dma_start3A_815] : memref<4x64xf32, #tpu.memory_space<vmem>> -> memref<1x64xf32, #tpu.memory_space<vmem>>
        %dma_start3A_817 = tpu.memref_squeeze %dma_start3A_816 : memref<1x64xf32, #tpu.memory_space<vmem>> -> memref<64xf32, #tpu.memory_space<vmem>>
        %dma_start3A_818 = arith.constant 0 : i32
        %dma_start3A_819 = tpu.memref_slice %arg9[%add3A_813, %dma_start3A_818] : memref<40x64xi32, #tpu.memory_space<vmem>> -> memref<1x64xi32, #tpu.memory_space<vmem>>
        %dma_start3A_820 = tpu.memref_squeeze %dma_start3A_819 : memref<1x64xi32, #tpu.memory_space<vmem>> -> memref<64xi32, #tpu.memory_space<vmem>>
        %dma_start3A_821 = arith.constant 0 : i32
        %dma_start3A_822 = tpu.memref_slice %arg5[%dma_start3A_821] : memref<10240xf32, #tpu.memory_space<hbm>> -> memref<10240xf32, #tpu.memory_space<hbm>>
        tpu.enqueue_indirect_dma source(%dma_start3A_822 : memref<10240xf32, #tpu.memory_space<hbm>>) target(%dma_start3A_817 : memref<64xf32, #tpu.memory_space<vmem>>) offsets(%dma_start3A_820 : memref<64xi32, #tpu.memory_space<vmem>>) semaphore(%arg14 : memref<!tpu.dma_semaphore, #tpu.memory_space<semaphore_mem>>)
      } else {
      }
      %add3A_586 = arith.constant 1 : i32
      %add3A_587 = arith.addi %add3A_518, %add3A_586 : i32
      %dma_wait3A_588 = arith.constant 1 : i32
      %dma_wait3A_589 = arith.constant 1 : i32
      %dma_wait3A_590 = arith.constant 0 : i32
      %dma_wait3A_591 = arith.constant 0 : i32
      %dma_wait3A_592 = tpu.memref_slice %arg10[%dma_wait3A_589, %dma_wait3A_590, %dma_wait3A_591] : memref<4x64x128xf32, #tpu.memory_space<vmem>> -> memref<1x64x128xf32, #tpu.memory_space<vmem>>
      %dma_wait3A_593 = tpu.memref_squeeze %dma_wait3A_592 : memref<1x64x128xf32, #tpu.memory_space<vmem>> -> memref<64x128xf32, #tpu.memory_space<vmem>>
      %dma_wait3A_594 = arith.constant 0 : i32
      %dma_wait3A_595 = tpu.memref_slice %arg8[%dma_wait3A_588, %dma_wait3A_594] : memref<40x64xi32, #tpu.memory_space<vmem>> -> memref<1x64xi32, #tpu.memory_space<vmem>>
      %dma_wait3A_596 = tpu.memref_squeeze %dma_wait3A_595 : memref<1x64xi32, #tpu.memory_space<vmem>> -> memref<64xi32, #tpu.memory_space<vmem>>
      %dma_wait3A_597 = arith.constant 0 : i32
      %dma_wait3A_598 = arith.constant 0 : i32
      %dma_wait3A_599 = tpu.memref_slice %arg2[%dma_wait3A_597, %dma_wait3A_598] : memref<10240x128xf32, #tpu.memory_space<hbm>> -> memref<10240x128xf32, #tpu.memory_space<hbm>>
      tpu.wait_indirect_dma semaphore(%arg15 : memref<!tpu.dma_semaphore, #tpu.memory_space<semaphore_mem>>) src(%dma_wait3A_599 : memref<10240x128xf32, #tpu.memory_space<hbm>>) dst(%dma_wait3A_593 : memref<64x128xf32, #tpu.memory_space<vmem>>)
      %dma_wait3A_600 = arith.constant 1 : i32
      %dma_wait3A_601 = arith.constant 1 : i32
      %dma_wait3A_602 = arith.constant 0 : i32
      %dma_wait3A_603 = tpu.memref_slice %arg11[%dma_wait3A_601, %dma_wait3A_602] : memref<4x64xf32, #tpu.memory_space<vmem>> -> memref<1x64xf32, #tpu.memory_space<vmem>>
      %dma_wait3A_604 = tpu.memref_squeeze %dma_wait3A_603 : memref<1x64xf32, #tpu.memory_space<vmem>> -> memref<64xf32, #tpu.memory_space<vmem>>
      %dma_wait3A_605 = arith.constant 0 : i32
      %dma_wait3A_606 = tpu.memref_slice %arg9[%dma_wait3A_600, %dma_wait3A_605] : memref<40x64xi32, #tpu.memory_space<vmem>> -> memref<1x64xi32, #tpu.memory_space<vmem>>
      %dma_wait3A_607 = tpu.memref_squeeze %dma_wait3A_606 : memref<1x64xi32, #tpu.memory_space<vmem>> -> memref<64xi32, #tpu.memory_space<vmem>>
      %dma_wait3A_608 = arith.constant 0 : i32
      %dma_wait3A_609 = tpu.memref_slice %arg5[%dma_wait3A_608] : memref<10240xf32, #tpu.memory_space<hbm>> -> memref<10240xf32, #tpu.memory_space<hbm>>
      tpu.wait_indirect_dma semaphore(%arg15 : memref<!tpu.dma_semaphore, #tpu.memory_space<semaphore_mem>>) src(%dma_wait3A_609 : memref<10240xf32, #tpu.memory_space<hbm>>) dst(%dma_wait3A_604 : memref<64xf32, #tpu.memory_space<vmem>>)
      %dma_start3A_610 = arith.constant 1 : i32
      %dma_start3A_611 = arith.constant 0 : i32
      %dma_start3A_612 = arith.constant 0 : i32
      %dma_start3A_613 = tpu.memref_slice %arg10[%dma_start3A_610, %dma_start3A_611, %dma_start3A_612] : memref<4x64x128xf32, #tpu.memory_space<vmem>> -> memref<1x64x128xf32, #tpu.memory_space<vmem>>
      %dma_start3A_614 = tpu.memref_squeeze %dma_start3A_613 : memref<1x64x128xf32, #tpu.memory_space<vmem>> -> memref<64x128xf32, #tpu.memory_space<vmem>>
      %dma_start3A_615 = arith.constant 0 : i32
      %dma_start3A_616 = tpu.memref_slice %arg9[%add3A_587, %dma_start3A_615] : memref<40x64xi32, #tpu.memory_space<vmem>> -> memref<1x64xi32, #tpu.memory_space<vmem>>
      %dma_start3A_617 = tpu.memref_squeeze %dma_start3A_616 : memref<1x64xi32, #tpu.memory_space<vmem>> -> memref<64xi32, #tpu.memory_space<vmem>>
      %dma_start3A_618 = arith.constant 0 : i32
      %dma_start3A_619 = arith.constant 0 : i32
      %dma_start3A_620 = tpu.memref_slice %arg12[%dma_start3A_618, %dma_start3A_619] : memref<10240x128xf32, #tpu.memory_space<vmem_shared>> -> memref<10240x128xf32, #tpu.memory_space<vmem_shared>>
      tpu.enqueue_indirect_dma source(%dma_start3A_614 : memref<64x128xf32, #tpu.memory_space<vmem>>) target(%dma_start3A_620 : memref<10240x128xf32, #tpu.memory_space<vmem_shared>>) offsets(%dma_start3A_617 : memref<64xi32, #tpu.memory_space<vmem>>) semaphore(%arg19 : memref<!tpu.dma_semaphore, #tpu.memory_space<semaphore_mem>>) {add = true}
      %dma_start3A_621 = arith.constant 1 : i32
      %dma_start3A_622 = arith.constant 0 : i32
      %dma_start3A_623 = tpu.memref_slice %arg11[%dma_start3A_621, %dma_start3A_622] : memref<4x64xf32, #tpu.memory_space<vmem>> -> memref<1x64xf32, #tpu.memory_space<vmem>>
      %dma_start3A_624 = tpu.memref_squeeze %dma_start3A_623 : memref<1x64xf32, #tpu.memory_space<vmem>> -> memref<64xf32, #tpu.memory_space<vmem>>
      %dma_start3A_625 = arith.constant 0 : i32
      %dma_start3A_626 = tpu.memref_slice %arg8[%add3A_587, %dma_start3A_625] : memref<40x64xi32, #tpu.memory_space<vmem>> -> memref<1x64xi32, #tpu.memory_space<vmem>>
      %dma_start3A_627 = tpu.memref_squeeze %dma_start3A_626 : memref<1x64xi32, #tpu.memory_space<vmem>> -> memref<64xi32, #tpu.memory_space<vmem>>
      %dma_start3A_628 = arith.constant 0 : i32
      %dma_start3A_629 = tpu.memref_slice %arg13[%dma_start3A_628] : memref<10240xf32, #tpu.memory_space<vmem_shared>> -> memref<10240xf32, #tpu.memory_space<vmem_shared>>
      tpu.enqueue_indirect_dma source(%dma_start3A_624 : memref<64xf32, #tpu.memory_space<vmem>>) target(%dma_start3A_629 : memref<10240xf32, #tpu.memory_space<vmem_shared>>) offsets(%dma_start3A_627 : memref<64xi32, #tpu.memory_space<vmem>>) semaphore(%arg19 : memref<!tpu.dma_semaphore, #tpu.memory_space<semaphore_mem>>) {add = true}
      %dma_wait3A_630 = arith.constant 1 : i32
      %dma_wait3A_631 = arith.constant 0 : i32
      %dma_wait3A_632 = arith.constant 0 : i32
      %dma_wait3A_633 = tpu.memref_slice %arg10[%dma_wait3A_630, %dma_wait3A_631, %dma_wait3A_632] : memref<4x64x128xf32, #tpu.memory_space<vmem>> -> memref<1x64x128xf32, #tpu.memory_space<vmem>>
      %dma_wait3A_634 = tpu.memref_squeeze %dma_wait3A_633 : memref<1x64x128xf32, #tpu.memory_space<vmem>> -> memref<64x128xf32, #tpu.memory_space<vmem>>
      %dma_wait3A_635 = arith.constant 0 : i32
      %dma_wait3A_636 = tpu.memref_slice %arg9[%add3A_587, %dma_wait3A_635] : memref<40x64xi32, #tpu.memory_space<vmem>> -> memref<1x64xi32, #tpu.memory_space<vmem>>
      %dma_wait3A_637 = tpu.memref_squeeze %dma_wait3A_636 : memref<1x64xi32, #tpu.memory_space<vmem>> -> memref<64xi32, #tpu.memory_space<vmem>>
      %dma_wait3A_638 = arith.constant 0 : i32
      %dma_wait3A_639 = arith.constant 0 : i32
      %dma_wait3A_640 = tpu.memref_slice %arg12[%dma_wait3A_638, %dma_wait3A_639] : memref<10240x128xf32, #tpu.memory_space<vmem_shared>> -> memref<10240x128xf32, #tpu.memory_space<vmem_shared>>
      tpu.wait_indirect_dma semaphore(%arg19 : memref<!tpu.dma_semaphore, #tpu.memory_space<semaphore_mem>>) src(%dma_wait3A_634 : memref<64x128xf32, #tpu.memory_space<vmem>>) dst(%dma_wait3A_640 : memref<10240x128xf32, #tpu.memory_space<vmem_shared>>)
      %dma_wait3A_641 = arith.constant 1 : i32
      %dma_wait3A_642 = arith.constant 0 : i32
      %dma_wait3A_643 = tpu.memref_slice %arg11[%dma_wait3A_641, %dma_wait3A_642] : memref<4x64xf32, #tpu.memory_space<vmem>> -> memref<1x64xf32, #tpu.memory_space<vmem>>
      %dma_wait3A_644 = tpu.memref_squeeze %dma_wait3A_643 : memref<1x64xf32, #tpu.memory_space<vmem>> -> memref<64xf32, #tpu.memory_space<vmem>>
      %dma_wait3A_645 = arith.constant 0 : i32
      %dma_wait3A_646 = tpu.memref_slice %arg8[%add3A_587, %dma_wait3A_645] : memref<40x64xi32, #tpu.memory_space<vmem>> -> memref<1x64xi32, #tpu.memory_space<vmem>>
      %dma_wait3A_647 = tpu.memref_squeeze %dma_wait3A_646 : memref<1x64xi32, #tpu.memory_space<vmem>> -> memref<64xi32, #tpu.memory_space<vmem>>
      %dma_wait3A_648 = arith.constant 0 : i32
      %dma_wait3A_649 = tpu.memref_slice %arg13[%dma_wait3A_648] : memref<10240xf32, #tpu.memory_space<vmem_shared>> -> memref<10240xf32, #tpu.memory_space<vmem_shared>>
      tpu.wait_indirect_dma semaphore(%arg19 : memref<!tpu.dma_semaphore, #tpu.memory_space<semaphore_mem>>) src(%dma_wait3A_644 : memref<64xf32, #tpu.memory_space<vmem>>) dst(%dma_wait3A_649 : memref<10240xf32, #tpu.memory_space<vmem_shared>>)
      %add3A_650 = arith.constant 4 : i32
      %add3A_651 = arith.addi %add3A_587, %add3A_650 : i32
      %lt3A_652 = arith.constant 40 : i32
      %lt3A_653 = arith.cmpi slt, %add3A_651, %lt3A_652 : i32
      %convert_element_type3A_654 = arith.extui %lt3A_653 : i1 to i32
      %cond3A_655 = arith.constant 0 : i32
      %cond3A_656 = arith.cmpi ne, %convert_element_type3A_654, %cond3A_655 : i32
      scf.if %cond3A_656 {
        %add3A_799 = arith.constant 4 : i32
        %add3A_800 = arith.addi %add3A_587, %add3A_799 : i32
        %dma_start3A_801 = arith.constant 1 : i32
        %dma_start3A_802 = arith.constant 0 : i32
        %dma_start3A_803 = arith.constant 0 : i32
        %dma_start3A_804 = tpu.memref_slice %arg10[%dma_start3A_801, %dma_start3A_802, %dma_start3A_803] : memref<4x64x128xf32, #tpu.memory_space<vmem>> -> memref<1x64x128xf32, #tpu.memory_space<vmem>>
        %dma_start3A_805 = tpu.memref_squeeze %dma_start3A_804 : memref<1x64x128xf32, #tpu.memory_space<vmem>> -> memref<64x128xf32, #tpu.memory_space<vmem>>
        %dma_start3A_806 = arith.constant 0 : i32
        %dma_start3A_807 = tpu.memref_slice %arg8[%add3A_800, %dma_start3A_806] : memref<40x64xi32, #tpu.memory_space<vmem>> -> memref<1x64xi32, #tpu.memory_space<vmem>>
        %dma_start3A_808 = tpu.memref_squeeze %dma_start3A_807 : memref<1x64xi32, #tpu.memory_space<vmem>> -> memref<64xi32, #tpu.memory_space<vmem>>
        %dma_start3A_809 = arith.constant 0 : i32
        %dma_start3A_810 = arith.constant 0 : i32
        %dma_start3A_811 = tpu.memref_slice %arg2[%dma_start3A_809, %dma_start3A_810] : memref<10240x128xf32, #tpu.memory_space<hbm>> -> memref<10240x128xf32, #tpu.memory_space<hbm>>
        tpu.enqueue_indirect_dma source(%dma_start3A_811 : memref<10240x128xf32, #tpu.memory_space<hbm>>) target(%dma_start3A_805 : memref<64x128xf32, #tpu.memory_space<vmem>>) offsets(%dma_start3A_808 : memref<64xi32, #tpu.memory_space<vmem>>) semaphore(%arg15 : memref<!tpu.dma_semaphore, #tpu.memory_space<semaphore_mem>>)
        %add3A_812 = arith.constant 4 : i32
        %add3A_813 = arith.addi %add3A_587, %add3A_812 : i32
        %dma_start3A_814 = arith.constant 1 : i32
        %dma_start3A_815 = arith.constant 0 : i32
        %dma_start3A_816 = tpu.memref_slice %arg11[%dma_start3A_814, %dma_start3A_815] : memref<4x64xf32, #tpu.memory_space<vmem>> -> memref<1x64xf32, #tpu.memory_space<vmem>>
        %dma_start3A_817 = tpu.memref_squeeze %dma_start3A_816 : memref<1x64xf32, #tpu.memory_space<vmem>> -> memref<64xf32, #tpu.memory_space<vmem>>
        %dma_start3A_818 = arith.constant 0 : i32
        %dma_start3A_819 = tpu.memref_slice %arg9[%add3A_813, %dma_start3A_818] : memref<40x64xi32, #tpu.memory_space<vmem>> -> memref<1x64xi32, #tpu.memory_space<vmem>>
        %dma_start3A_820 = tpu.memref_squeeze %dma_start3A_819 : memref<1x64xi32, #tpu.memory_space<vmem>> -> memref<64xi32, #tpu.memory_space<vmem>>
        %dma_start3A_821 = arith.constant 0 : i32
        %dma_start3A_822 = tpu.memref_slice %arg5[%dma_start3A_821] : memref<10240xf32, #tpu.memory_space<hbm>> -> memref<10240xf32, #tpu.memory_space<hbm>>
        tpu.enqueue_indirect_dma source(%dma_start3A_822 : memref<10240xf32, #tpu.memory_space<hbm>>) target(%dma_start3A_817 : memref<64xf32, #tpu.memory_space<vmem>>) offsets(%dma_start3A_820 : memref<64xi32, #tpu.memory_space<vmem>>) semaphore(%arg15 : memref<!tpu.dma_semaphore, #tpu.memory_space<semaphore_mem>>)
      } else {
      }
      %add3A_657 = arith.constant 2 : i32
      %add3A_658 = arith.addi %add3A_518, %add3A_657 : i32
      %dma_wait3A_659 = arith.constant 2 : i32
      %dma_wait3A_660 = arith.constant 2 : i32
      %dma_wait3A_661 = arith.constant 0 : i32
      %dma_wait3A_662 = arith.constant 0 : i32
      %dma_wait3A_663 = tpu.memref_slice %arg10[%dma_wait3A_660, %dma_wait3A_661, %dma_wait3A_662] : memref<4x64x128xf32, #tpu.memory_space<vmem>> -> memref<1x64x128xf32, #tpu.memory_space<vmem>>
      %dma_wait3A_664 = tpu.memref_squeeze %dma_wait3A_663 : memref<1x64x128xf32, #tpu.memory_space<vmem>> -> memref<64x128xf32, #tpu.memory_space<vmem>>
      %dma_wait3A_665 = arith.constant 0 : i32
      %dma_wait3A_666 = tpu.memref_slice %arg8[%dma_wait3A_659, %dma_wait3A_665] : memref<40x64xi32, #tpu.memory_space<vmem>> -> memref<1x64xi32, #tpu.memory_space<vmem>>
      %dma_wait3A_667 = tpu.memref_squeeze %dma_wait3A_666 : memref<1x64xi32, #tpu.memory_space<vmem>> -> memref<64xi32, #tpu.memory_space<vmem>>
      %dma_wait3A_668 = arith.constant 0 : i32
      %dma_wait3A_669 = arith.constant 0 : i32
      %dma_wait3A_670 = tpu.memref_slice %arg2[%dma_wait3A_668, %dma_wait3A_669] : memref<10240x128xf32, #tpu.memory_space<hbm>> -> memref<10240x128xf32, #tpu.memory_space<hbm>>
      tpu.wait_indirect_dma semaphore(%arg16 : memref<!tpu.dma_semaphore, #tpu.memory_space<semaphore_mem>>) src(%dma_wait3A_670 : memref<10240x128xf32, #tpu.memory_space<hbm>>) dst(%dma_wait3A_664 : memref<64x128xf32, #tpu.memory_space<vmem>>)
      %dma_wait3A_671 = arith.constant 2 : i32
      %dma_wait3A_672 = arith.constant 2 : i32
      %dma_wait3A_673 = arith.constant 0 : i32
      %dma_wait3A_674 = tpu.memref_slice %arg11[%dma_wait3A_672, %dma_wait3A_673] : memref<4x64xf32, #tpu.memory_space<vmem>> -> memref<1x64xf32, #tpu.memory_space<vmem>>
      %dma_wait3A_675 = tpu.memref_squeeze %dma_wait3A_674 : memref<1x64xf32, #tpu.memory_space<vmem>> -> memref<64xf32, #tpu.memory_space<vmem>>
      %dma_wait3A_676 = arith.constant 0 : i32
      %dma_wait3A_677 = tpu.memref_slice %arg9[%dma_wait3A_671, %dma_wait3A_676] : memref<40x64xi32, #tpu.memory_space<vmem>> -> memref<1x64xi32, #tpu.memory_space<vmem>>
      %dma_wait3A_678 = tpu.memref_squeeze %dma_wait3A_677 : memref<1x64xi32, #tpu.memory_space<vmem>> -> memref<64xi32, #tpu.memory_space<vmem>>
      %dma_wait3A_679 = arith.constant 0 : i32
      %dma_wait3A_680 = tpu.memref_slice %arg5[%dma_wait3A_679] : memref<10240xf32, #tpu.memory_space<hbm>> -> memref<10240xf32, #tpu.memory_space<hbm>>
      tpu.wait_indirect_dma semaphore(%arg16 : memref<!tpu.dma_semaphore, #tpu.memory_space<semaphore_mem>>) src(%dma_wait3A_680 : memref<10240xf32, #tpu.memory_space<hbm>>) dst(%dma_wait3A_675 : memref<64xf32, #tpu.memory_space<vmem>>)
      %dma_start3A_681 = arith.constant 2 : i32
      %dma_start3A_682 = arith.constant 0 : i32
      %dma_start3A_683 = arith.constant 0 : i32
      %dma_start3A_684 = tpu.memref_slice %arg10[%dma_start3A_681, %dma_start3A_682, %dma_start3A_683] : memref<4x64x128xf32, #tpu.memory_space<vmem>> -> memref<1x64x128xf32, #tpu.memory_space<vmem>>
      %dma_start3A_685 = tpu.memref_squeeze %dma_start3A_684 : memref<1x64x128xf32, #tpu.memory_space<vmem>> -> memref<64x128xf32, #tpu.memory_space<vmem>>
      %dma_start3A_686 = arith.constant 0 : i32
      %dma_start3A_687 = tpu.memref_slice %arg9[%add3A_658, %dma_start3A_686] : memref<40x64xi32, #tpu.memory_space<vmem>> -> memref<1x64xi32, #tpu.memory_space<vmem>>
      %dma_start3A_688 = tpu.memref_squeeze %dma_start3A_687 : memref<1x64xi32, #tpu.memory_space<vmem>> -> memref<64xi32, #tpu.memory_space<vmem>>
      %dma_start3A_689 = arith.constant 0 : i32
      %dma_start3A_690 = arith.constant 0 : i32
      %dma_start3A_691 = tpu.memref_slice %arg12[%dma_start3A_689, %dma_start3A_690] : memref<10240x128xf32, #tpu.memory_space<vmem_shared>> -> memref<10240x128xf32, #tpu.memory_space<vmem_shared>>
      tpu.enqueue_indirect_dma source(%dma_start3A_685 : memref<64x128xf32, #tpu.memory_space<vmem>>) target(%dma_start3A_691 : memref<10240x128xf32, #tpu.memory_space<vmem_shared>>) offsets(%dma_start3A_688 : memref<64xi32, #tpu.memory_space<vmem>>) semaphore(%arg20 : memref<!tpu.dma_semaphore, #tpu.memory_space<semaphore_mem>>) {add = true}
      %dma_start3A_692 = arith.constant 2 : i32
      %dma_start3A_693 = arith.constant 0 : i32
      %dma_start3A_694 = tpu.memref_slice %arg11[%dma_start3A_692, %dma_start3A_693] : memref<4x64xf32, #tpu.memory_space<vmem>> -> memref<1x64xf32, #tpu.memory_space<vmem>>
      %dma_start3A_695 = tpu.memref_squeeze %dma_start3A_694 : memref<1x64xf32, #tpu.memory_space<vmem>> -> memref<64xf32, #tpu.memory_space<vmem>>
      %dma_start3A_696 = arith.constant 0 : i32
      %dma_start3A_697 = tpu.memref_slice %arg8[%add3A_658, %dma_start3A_696] : memref<40x64xi32, #tpu.memory_space<vmem>> -> memref<1x64xi32, #tpu.memory_space<vmem>>
      %dma_start3A_698 = tpu.memref_squeeze %dma_start3A_697 : memref<1x64xi32, #tpu.memory_space<vmem>> -> memref<64xi32, #tpu.memory_space<vmem>>
      %dma_start3A_699 = arith.constant 0 : i32
      %dma_start3A_700 = tpu.memref_slice %arg13[%dma_start3A_699] : memref<10240xf32, #tpu.memory_space<vmem_shared>> -> memref<10240xf32, #tpu.memory_space<vmem_shared>>
      tpu.enqueue_indirect_dma source(%dma_start3A_695 : memref<64xf32, #tpu.memory_space<vmem>>) target(%dma_start3A_700 : memref<10240xf32, #tpu.memory_space<vmem_shared>>) offsets(%dma_start3A_698 : memref<64xi32, #tpu.memory_space<vmem>>) semaphore(%arg20 : memref<!tpu.dma_semaphore, #tpu.memory_space<semaphore_mem>>) {add = true}
      %dma_wait3A_701 = arith.constant 2 : i32
      %dma_wait3A_702 = arith.constant 0 : i32
      %dma_wait3A_703 = arith.constant 0 : i32
      %dma_wait3A_704 = tpu.memref_slice %arg10[%dma_wait3A_701, %dma_wait3A_702, %dma_wait3A_703] : memref<4x64x128xf32, #tpu.memory_space<vmem>> -> memref<1x64x128xf32, #tpu.memory_space<vmem>>
      %dma_wait3A_705 = tpu.memref_squeeze %dma_wait3A_704 : memref<1x64x128xf32, #tpu.memory_space<vmem>> -> memref<64x128xf32, #tpu.memory_space<vmem>>
      %dma_wait3A_706 = arith.constant 0 : i32
      %dma_wait3A_707 = tpu.memref_slice %arg9[%add3A_658, %dma_wait3A_706] : memref<40x64xi32, #tpu.memory_space<vmem>> -> memref<1x64xi32, #tpu.memory_space<vmem>>
      %dma_wait3A_708 = tpu.memref_squeeze %dma_wait3A_707 : memref<1x64xi32, #tpu.memory_space<vmem>> -> memref<64xi32, #tpu.memory_space<vmem>>
      %dma_wait3A_709 = arith.constant 0 : i32
      %dma_wait3A_710 = arith.constant 0 : i32
      %dma_wait3A_711 = tpu.memref_slice %arg12[%dma_wait3A_709, %dma_wait3A_710] : memref<10240x128xf32, #tpu.memory_space<vmem_shared>> -> memref<10240x128xf32, #tpu.memory_space<vmem_shared>>
      tpu.wait_indirect_dma semaphore(%arg20 : memref<!tpu.dma_semaphore, #tpu.memory_space<semaphore_mem>>) src(%dma_wait3A_705 : memref<64x128xf32, #tpu.memory_space<vmem>>) dst(%dma_wait3A_711 : memref<10240x128xf32, #tpu.memory_space<vmem_shared>>)
      %dma_wait3A_712 = arith.constant 2 : i32
      %dma_wait3A_713 = arith.constant 0 : i32
      %dma_wait3A_714 = tpu.memref_slice %arg11[%dma_wait3A_712, %dma_wait3A_713] : memref<4x64xf32, #tpu.memory_space<vmem>> -> memref<1x64xf32, #tpu.memory_space<vmem>>
      %dma_wait3A_715 = tpu.memref_squeeze %dma_wait3A_714 : memref<1x64xf32, #tpu.memory_space<vmem>> -> memref<64xf32, #tpu.memory_space<vmem>>
      %dma_wait3A_716 = arith.constant 0 : i32
      %dma_wait3A_717 = tpu.memref_slice %arg8[%add3A_658, %dma_wait3A_716] : memref<40x64xi32, #tpu.memory_space<vmem>> -> memref<1x64xi32, #tpu.memory_space<vmem>>
      %dma_wait3A_718 = tpu.memref_squeeze %dma_wait3A_717 : memref<1x64xi32, #tpu.memory_space<vmem>> -> memref<64xi32, #tpu.memory_space<vmem>>
      %dma_wait3A_719 = arith.constant 0 : i32
      %dma_wait3A_720 = tpu.memref_slice %arg13[%dma_wait3A_719] : memref<10240xf32, #tpu.memory_space<vmem_shared>> -> memref<10240xf32, #tpu.memory_space<vmem_shared>>
      tpu.wait_indirect_dma semaphore(%arg20 : memref<!tpu.dma_semaphore, #tpu.memory_space<semaphore_mem>>) src(%dma_wait3A_715 : memref<64xf32, #tpu.memory_space<vmem>>) dst(%dma_wait3A_720 : memref<10240xf32, #tpu.memory_space<vmem_shared>>)
      %add3A_721 = arith.constant 4 : i32
      %add3A_722 = arith.addi %add3A_658, %add3A_721 : i32
      %lt3A_723 = arith.constant 40 : i32
      %lt3A_724 = arith.cmpi slt, %add3A_722, %lt3A_723 : i32
      %convert_element_type3A_725 = arith.extui %lt3A_724 : i1 to i32
      %cond3A_726 = arith.constant 0 : i32
      %cond3A_727 = arith.cmpi ne, %convert_element_type3A_725, %cond3A_726 : i32
      scf.if %cond3A_727 {
        %add3A_799 = arith.constant 4 : i32
        %add3A_800 = arith.addi %add3A_658, %add3A_799 : i32
        %dma_start3A_801 = arith.constant 2 : i32
        %dma_start3A_802 = arith.constant 0 : i32
        %dma_start3A_803 = arith.constant 0 : i32
        %dma_start3A_804 = tpu.memref_slice %arg10[%dma_start3A_801, %dma_start3A_802, %dma_start3A_803] : memref<4x64x128xf32, #tpu.memory_space<vmem>> -> memref<1x64x128xf32, #tpu.memory_space<vmem>>
        %dma_start3A_805 = tpu.memref_squeeze %dma_start3A_804 : memref<1x64x128xf32, #tpu.memory_space<vmem>> -> memref<64x128xf32, #tpu.memory_space<vmem>>
        %dma_start3A_806 = arith.constant 0 : i32
        %dma_start3A_807 = tpu.memref_slice %arg8[%add3A_800, %dma_start3A_806] : memref<40x64xi32, #tpu.memory_space<vmem>> -> memref<1x64xi32, #tpu.memory_space<vmem>>
        %dma_start3A_808 = tpu.memref_squeeze %dma_start3A_807 : memref<1x64xi32, #tpu.memory_space<vmem>> -> memref<64xi32, #tpu.memory_space<vmem>>
        %dma_start3A_809 = arith.constant 0 : i32
        %dma_start3A_810 = arith.constant 0 : i32
        %dma_start3A_811 = tpu.memref_slice %arg2[%dma_start3A_809, %dma_start3A_810] : memref<10240x128xf32, #tpu.memory_space<hbm>> -> memref<10240x128xf32, #tpu.memory_space<hbm>>
        tpu.enqueue_indirect_dma source(%dma_start3A_811 : memref<10240x128xf32, #tpu.memory_space<hbm>>) target(%dma_start3A_805 : memref<64x128xf32, #tpu.memory_space<vmem>>) offsets(%dma_start3A_808 : memref<64xi32, #tpu.memory_space<vmem>>) semaphore(%arg16 : memref<!tpu.dma_semaphore, #tpu.memory_space<semaphore_mem>>)
        %add3A_812 = arith.constant 4 : i32
        %add3A_813 = arith.addi %add3A_658, %add3A_812 : i32
        %dma_start3A_814 = arith.constant 2 : i32
        %dma_start3A_815 = arith.constant 0 : i32
        %dma_start3A_816 = tpu.memref_slice %arg11[%dma_start3A_814, %dma_start3A_815] : memref<4x64xf32, #tpu.memory_space<vmem>> -> memref<1x64xf32, #tpu.memory_space<vmem>>
        %dma_start3A_817 = tpu.memref_squeeze %dma_start3A_816 : memref<1x64xf32, #tpu.memory_space<vmem>> -> memref<64xf32, #tpu.memory_space<vmem>>
        %dma_start3A_818 = arith.constant 0 : i32
        %dma_start3A_819 = tpu.memref_slice %arg9[%add3A_813, %dma_start3A_818] : memref<40x64xi32, #tpu.memory_space<vmem>> -> memref<1x64xi32, #tpu.memory_space<vmem>>
        %dma_start3A_820 = tpu.memref_squeeze %dma_start3A_819 : memref<1x64xi32, #tpu.memory_space<vmem>> -> memref<64xi32, #tpu.memory_space<vmem>>
        %dma_start3A_821 = arith.constant 0 : i32
        %dma_start3A_822 = tpu.memref_slice %arg5[%dma_start3A_821] : memref<10240xf32, #tpu.memory_space<hbm>> -> memref<10240xf32, #tpu.memory_space<hbm>>
        tpu.enqueue_indirect_dma source(%dma_start3A_822 : memref<10240xf32, #tpu.memory_space<hbm>>) target(%dma_start3A_817 : memref<64xf32, #tpu.memory_space<vmem>>) offsets(%dma_start3A_820 : memref<64xi32, #tpu.memory_space<vmem>>) semaphore(%arg16 : memref<!tpu.dma_semaphore, #tpu.memory_space<semaphore_mem>>)
      } else {
      }
      %add3A_728 = arith.constant 3 : i32
      %add3A_729 = arith.addi %add3A_518, %add3A_728 : i32
      %dma_wait3A_730 = arith.constant 3 : i32
      %dma_wait3A_731 = arith.constant 3 : i32
      %dma_wait3A_732 = arith.constant 0 : i32
      %dma_wait3A_733 = arith.constant 0 : i32
      %dma_wait3A_734 = tpu.memref_slice %arg10[%dma_wait3A_731, %dma_wait3A_732, %dma_wait3A_733] : memref<4x64x128xf32, #tpu.memory_space<vmem>> -> memref<1x64x128xf32, #tpu.memory_space<vmem>>
      %dma_wait3A_735 = tpu.memref_squeeze %dma_wait3A_734 : memref<1x64x128xf32, #tpu.memory_space<vmem>> -> memref<64x128xf32, #tpu.memory_space<vmem>>
      %dma_wait3A_736 = arith.constant 0 : i32
      %dma_wait3A_737 = tpu.memref_slice %arg8[%dma_wait3A_730, %dma_wait3A_736] : memref<40x64xi32, #tpu.memory_space<vmem>> -> memref<1x64xi32, #tpu.memory_space<vmem>>
      %dma_wait3A_738 = tpu.memref_squeeze %dma_wait3A_737 : memref<1x64xi32, #tpu.memory_space<vmem>> -> memref<64xi32, #tpu.memory_space<vmem>>
      %dma_wait3A_739 = arith.constant 0 : i32
      %dma_wait3A_740 = arith.constant 0 : i32
      %dma_wait3A_741 = tpu.memref_slice %arg2[%dma_wait3A_739, %dma_wait3A_740] : memref<10240x128xf32, #tpu.memory_space<hbm>> -> memref<10240x128xf32, #tpu.memory_space<hbm>>
      tpu.wait_indirect_dma semaphore(%arg17 : memref<!tpu.dma_semaphore, #tpu.memory_space<semaphore_mem>>) src(%dma_wait3A_741 : memref<10240x128xf32, #tpu.memory_space<hbm>>) dst(%dma_wait3A_735 : memref<64x128xf32, #tpu.memory_space<vmem>>)
      %dma_wait3A_742 = arith.constant 3 : i32
      %dma_wait3A_743 = arith.constant 3 : i32
      %dma_wait3A_744 = arith.constant 0 : i32
      %dma_wait3A_745 = tpu.memref_slice %arg11[%dma_wait3A_743, %dma_wait3A_744] : memref<4x64xf32, #tpu.memory_space<vmem>> -> memref<1x64xf32, #tpu.memory_space<vmem>>
      %dma_wait3A_746 = tpu.memref_squeeze %dma_wait3A_745 : memref<1x64xf32, #tpu.memory_space<vmem>> -> memref<64xf32, #tpu.memory_space<vmem>>
      %dma_wait3A_747 = arith.constant 0 : i32
      %dma_wait3A_748 = tpu.memref_slice %arg9[%dma_wait3A_742, %dma_wait3A_747] : memref<40x64xi32, #tpu.memory_space<vmem>> -> memref<1x64xi32, #tpu.memory_space<vmem>>
      %dma_wait3A_749 = tpu.memref_squeeze %dma_wait3A_748 : memref<1x64xi32, #tpu.memory_space<vmem>> -> memref<64xi32, #tpu.memory_space<vmem>>
      %dma_wait3A_750 = arith.constant 0 : i32
      %dma_wait3A_751 = tpu.memref_slice %arg5[%dma_wait3A_750] : memref<10240xf32, #tpu.memory_space<hbm>> -> memref<10240xf32, #tpu.memory_space<hbm>>
      tpu.wait_indirect_dma semaphore(%arg17 : memref<!tpu.dma_semaphore, #tpu.memory_space<semaphore_mem>>) src(%dma_wait3A_751 : memref<10240xf32, #tpu.memory_space<hbm>>) dst(%dma_wait3A_746 : memref<64xf32, #tpu.memory_space<vmem>>)
      %dma_start3A_752 = arith.constant 3 : i32
      %dma_start3A_753 = arith.constant 0 : i32
      %dma_start3A_754 = arith.constant 0 : i32
      %dma_start3A_755 = tpu.memref_slice %arg10[%dma_start3A_752, %dma_start3A_753, %dma_start3A_754] : memref<4x64x128xf32, #tpu.memory_space<vmem>> -> memref<1x64x128xf32, #tpu.memory_space<vmem>>
      %dma_start3A_756 = tpu.memref_squeeze %dma_start3A_755 : memref<1x64x128xf32, #tpu.memory_space<vmem>> -> memref<64x128xf32, #tpu.memory_space<vmem>>
      %dma_start3A_757 = arith.constant 0 : i32
      %dma_start3A_758 = tpu.memref_slice %arg9[%add3A_729, %dma_start3A_757] : memref<40x64xi32, #tpu.memory_space<vmem>> -> memref<1x64xi32, #tpu.memory_space<vmem>>
      %dma_start3A_759 = tpu.memref_squeeze %dma_start3A_758 : memref<1x64xi32, #tpu.memory_space<vmem>> -> memref<64xi32, #tpu.memory_space<vmem>>
      %dma_start3A_760 = arith.constant 0 : i32
      %dma_start3A_761 = arith.constant 0 : i32
      %dma_start3A_762 = tpu.memref_slice %arg12[%dma_start3A_760, %dma_start3A_761] : memref<10240x128xf32, #tpu.memory_space<vmem_shared>> -> memref<10240x128xf32, #tpu.memory_space<vmem_shared>>
      tpu.enqueue_indirect_dma source(%dma_start3A_756 : memref<64x128xf32, #tpu.memory_space<vmem>>) target(%dma_start3A_762 : memref<10240x128xf32, #tpu.memory_space<vmem_shared>>) offsets(%dma_start3A_759 : memref<64xi32, #tpu.memory_space<vmem>>) semaphore(%arg21 : memref<!tpu.dma_semaphore, #tpu.memory_space<semaphore_mem>>) {add = true}
      %dma_start3A_763 = arith.constant 3 : i32
      %dma_start3A_764 = arith.constant 0 : i32
      %dma_start3A_765 = tpu.memref_slice %arg11[%dma_start3A_763, %dma_start3A_764] : memref<4x64xf32, #tpu.memory_space<vmem>> -> memref<1x64xf32, #tpu.memory_space<vmem>>
      %dma_start3A_766 = tpu.memref_squeeze %dma_start3A_765 : memref<1x64xf32, #tpu.memory_space<vmem>> -> memref<64xf32, #tpu.memory_space<vmem>>
      %dma_start3A_767 = arith.constant 0 : i32
      %dma_start3A_768 = tpu.memref_slice %arg8[%add3A_729, %dma_start3A_767] : memref<40x64xi32, #tpu.memory_space<vmem>> -> memref<1x64xi32, #tpu.memory_space<vmem>>
      %dma_start3A_769 = tpu.memref_squeeze %dma_start3A_768 : memref<1x64xi32, #tpu.memory_space<vmem>> -> memref<64xi32, #tpu.memory_space<vmem>>
      %dma_start3A_770 = arith.constant 0 : i32
      %dma_start3A_771 = tpu.memref_slice %arg13[%dma_start3A_770] : memref<10240xf32, #tpu.memory_space<vmem_shared>> -> memref<10240xf32, #tpu.memory_space<vmem_shared>>
      tpu.enqueue_indirect_dma source(%dma_start3A_766 : memref<64xf32, #tpu.memory_space<vmem>>) target(%dma_start3A_771 : memref<10240xf32, #tpu.memory_space<vmem_shared>>) offsets(%dma_start3A_769 : memref<64xi32, #tpu.memory_space<vmem>>) semaphore(%arg21 : memref<!tpu.dma_semaphore, #tpu.memory_space<semaphore_mem>>) {add = true}
      %dma_wait3A_772 = arith.constant 3 : i32
      %dma_wait3A_773 = arith.constant 0 : i32
      %dma_wait3A_774 = arith.constant 0 : i32
      %dma_wait3A_775 = tpu.memref_slice %arg10[%dma_wait3A_772, %dma_wait3A_773, %dma_wait3A_774] : memref<4x64x128xf32, #tpu.memory_space<vmem>> -> memref<1x64x128xf32, #tpu.memory_space<vmem>>
      %dma_wait3A_776 = tpu.memref_squeeze %dma_wait3A_775 : memref<1x64x128xf32, #tpu.memory_space<vmem>> -> memref<64x128xf32, #tpu.memory_space<vmem>>
      %dma_wait3A_777 = arith.constant 0 : i32
      %dma_wait3A_778 = tpu.memref_slice %arg9[%add3A_729, %dma_wait3A_777] : memref<40x64xi32, #tpu.memory_space<vmem>> -> memref<1x64xi32, #tpu.memory_space<vmem>>
      %dma_wait3A_779 = tpu.memref_squeeze %dma_wait3A_778 : memref<1x64xi32, #tpu.memory_space<vmem>> -> memref<64xi32, #tpu.memory_space<vmem>>
      %dma_wait3A_780 = arith.constant 0 : i32
      %dma_wait3A_781 = arith.constant 0 : i32
      %dma_wait3A_782 = tpu.memref_slice %arg12[%dma_wait3A_780, %dma_wait3A_781] : memref<10240x128xf32, #tpu.memory_space<vmem_shared>> -> memref<10240x128xf32, #tpu.memory_space<vmem_shared>>
      tpu.wait_indirect_dma semaphore(%arg21 : memref<!tpu.dma_semaphore, #tpu.memory_space<semaphore_mem>>) src(%dma_wait3A_776 : memref<64x128xf32, #tpu.memory_space<vmem>>) dst(%dma_wait3A_782 : memref<10240x128xf32, #tpu.memory_space<vmem_shared>>)
      %dma_wait3A_783 = arith.constant 3 : i32
      %dma_wait3A_784 = arith.constant 0 : i32
      %dma_wait3A_785 = tpu.memref_slice %arg11[%dma_wait3A_783, %dma_wait3A_784] : memref<4x64xf32, #tpu.memory_space<vmem>> -> memref<1x64xf32, #tpu.memory_space<vmem>>
      %dma_wait3A_786 = tpu.memref_squeeze %dma_wait3A_785 : memref<1x64xf32, #tpu.memory_space<vmem>> -> memref<64xf32, #tpu.memory_space<vmem>>
      %dma_wait3A_787 = arith.constant 0 : i32
      %dma_wait3A_788 = tpu.memref_slice %arg8[%add3A_729, %dma_wait3A_787] : memref<40x64xi32, #tpu.memory_space<vmem>> -> memref<1x64xi32, #tpu.memory_space<vmem>>
      %dma_wait3A_789 = tpu.memref_squeeze %dma_wait3A_788 : memref<1x64xi32, #tpu.memory_space<vmem>> -> memref<64xi32, #tpu.memory_space<vmem>>
      %dma_wait3A_790 = arith.constant 0 : i32
      %dma_wait3A_791 = tpu.memref_slice %arg13[%dma_wait3A_790] : memref<10240xf32, #tpu.memory_space<vmem_shared>> -> memref<10240xf32, #tpu.memory_space<vmem_shared>>
      tpu.wait_indirect_dma semaphore(%arg21 : memref<!tpu.dma_semaphore, #tpu.memory_space<semaphore_mem>>) src(%dma_wait3A_786 : memref<64xf32, #tpu.memory_space<vmem>>) dst(%dma_wait3A_791 : memref<10240xf32, #tpu.memory_space<vmem_shared>>)
      %add3A_792 = arith.constant 4 : i32
      %add3A_793 = arith.addi %add3A_729, %add3A_792 : i32
      %lt3A_794 = arith.constant 40 : i32
      %lt3A_795 = arith.cmpi slt, %add3A_793, %lt3A_794 : i32
      %convert_element_type3A_796 = arith.extui %lt3A_795 : i1 to i32
      %cond3A_797 = arith.constant 0 : i32
      %cond3A_798 = arith.cmpi ne, %convert_element_type3A_796, %cond3A_797 : i32
      scf.if %cond3A_798 {
        %add3A_799 = arith.constant 4 : i32
        %add3A_800 = arith.addi %add3A_729, %add3A_799 : i32
        %dma_start3A_801 = arith.constant 3 : i32
        %dma_start3A_802 = arith.constant 0 : i32
        %dma_start3A_803 = arith.constant 0 : i32
        %dma_start3A_804 = tpu.memref_slice %arg10[%dma_start3A_801, %dma_start3A_802, %dma_start3A_803] : memref<4x64x128xf32, #tpu.memory_space<vmem>> -> memref<1x64x128xf32, #tpu.memory_space<vmem>>
        %dma_start3A_805 = tpu.memref_squeeze %dma_start3A_804 : memref<1x64x128xf32, #tpu.memory_space<vmem>> -> memref<64x128xf32, #tpu.memory_space<vmem>>
        %dma_start3A_806 = arith.constant 0 : i32
        %dma_start3A_807 = tpu.memref_slice %arg8[%add3A_800, %dma_start3A_806] : memref<40x64xi32, #tpu.memory_space<vmem>> -> memref<1x64xi32, #tpu.memory_space<vmem>>
        %dma_start3A_808 = tpu.memref_squeeze %dma_start3A_807 : memref<1x64xi32, #tpu.memory_space<vmem>> -> memref<64xi32, #tpu.memory_space<vmem>>
        %dma_start3A_809 = arith.constant 0 : i32
        %dma_start3A_810 = arith.constant 0 : i32
        %dma_start3A_811 = tpu.memref_slice %arg2[%dma_start3A_809, %dma_start3A_810] : memref<10240x128xf32, #tpu.memory_space<hbm>> -> memref<10240x128xf32, #tpu.memory_space<hbm>>
        tpu.enqueue_indirect_dma source(%dma_start3A_811 : memref<10240x128xf32, #tpu.memory_space<hbm>>) target(%dma_start3A_805 : memref<64x128xf32, #tpu.memory_space<vmem>>) offsets(%dma_start3A_808 : memref<64xi32, #tpu.memory_space<vmem>>) semaphore(%arg17 : memref<!tpu.dma_semaphore, #tpu.memory_space<semaphore_mem>>)
        %add3A_812 = arith.constant 4 : i32
        %add3A_813 = arith.addi %add3A_729, %add3A_812 : i32
        %dma_start3A_814 = arith.constant 3 : i32
        %dma_start3A_815 = arith.constant 0 : i32
        %dma_start3A_816 = tpu.memref_slice %arg11[%dma_start3A_814, %dma_start3A_815] : memref<4x64xf32, #tpu.memory_space<vmem>> -> memref<1x64xf32, #tpu.memory_space<vmem>>
        %dma_start3A_817 = tpu.memref_squeeze %dma_start3A_816 : memref<1x64xf32, #tpu.memory_space<vmem>> -> memref<64xf32, #tpu.memory_space<vmem>>
        %dma_start3A_818 = arith.constant 0 : i32
        %dma_start3A_819 = tpu.memref_slice %arg9[%add3A_813, %dma_start3A_818] : memref<40x64xi32, #tpu.memory_space<vmem>> -> memref<1x64xi32, #tpu.memory_space<vmem>>
        %dma_start3A_820 = tpu.memref_squeeze %dma_start3A_819 : memref<1x64xi32, #tpu.memory_space<vmem>> -> memref<64xi32, #tpu.memory_space<vmem>>
        %dma_start3A_821 = arith.constant 0 : i32
        %dma_start3A_822 = tpu.memref_slice %arg5[%dma_start3A_821] : memref<10240xf32, #tpu.memory_space<hbm>> -> memref<10240xf32, #tpu.memory_space<hbm>>
        tpu.enqueue_indirect_dma source(%dma_start3A_822 : memref<10240xf32, #tpu.memory_space<hbm>>) target(%dma_start3A_817 : memref<64xf32, #tpu.memory_space<vmem>>) offsets(%dma_start3A_820 : memref<64xi32, #tpu.memory_space<vmem>>) semaphore(%arg17 : memref<!tpu.dma_semaphore, #tpu.memory_space<semaphore_mem>>)
      } else {
      }
    }
    %scan3A_318 = arith.constant 10 : i32
    "tpu.region"() ({
      %run_scoped3A_514 = tpu.sem_alloc : memref<!tpu.dma_semaphore, #tpu.memory_space<semaphore_mem>>
      %dma_start3A_515 = arith.constant 80 : i32
      %dma_start3A_516 = arith.constant 0 : i32
      %dma_start3A_517 = tpu.memref_slice %arg3[%add3A, %dma_start3A_515, %dma_start3A_516] : memref<32x160x64xi32, #tpu.memory_space<hbm>> -> memref<1x40x64xi32, #tpu.memory_space<hbm>>
      %dma_start3A_518 = tpu.memref_squeeze %dma_start3A_517 : memref<1x40x64xi32, #tpu.memory_space<hbm>> -> memref<40x64xi32, #tpu.memory_space<hbm>>
      %dma_start3A_519 = arith.constant 80 : i32
      %dma_start3A_520 = arith.constant 0 : i32
      %dma_start3A_521 = tpu.memref_slice %arg3[%add3A, %dma_start3A_519, %dma_start3A_520] : memref<32x160x64xi32, #tpu.memory_space<hbm>> -> memref<1x40x64xi32, #tpu.memory_space<hbm>>
      %dma_start3A_522 = tpu.memref_squeeze %dma_start3A_521 : memref<1x40x64xi32, #tpu.memory_space<hbm>> -> memref<40x64xi32, #tpu.memory_space<hbm>>
      tpu.enqueue_dma source(%dma_start3A_522 : memref<40x64xi32, #tpu.memory_space<hbm>>) target(%arg8 : memref<40x64xi32, #tpu.memory_space<vmem>>) target_semaphore(%run_scoped3A_514 : memref<!tpu.dma_semaphore, #tpu.memory_space<semaphore_mem>>)
      %dma_wait3A = arith.constant 80 : i32
      %dma_wait3A_523 = arith.constant 0 : i32
      %dma_wait3A_524 = tpu.memref_slice %arg3[%add3A, %dma_wait3A, %dma_wait3A_523] : memref<32x160x64xi32, #tpu.memory_space<hbm>> -> memref<1x40x64xi32, #tpu.memory_space<hbm>>
      %dma_wait3A_525 = tpu.memref_squeeze %dma_wait3A_524 : memref<1x40x64xi32, #tpu.memory_space<hbm>> -> memref<40x64xi32, #tpu.memory_space<hbm>>
      %dma_wait3A_526 = arith.constant 80 : i32
      %dma_wait3A_527 = arith.constant 0 : i32
      %dma_wait3A_528 = tpu.memref_slice %arg3[%add3A, %dma_wait3A_526, %dma_wait3A_527] : memref<32x160x64xi32, #tpu.memory_space<hbm>> -> memref<1x40x64xi32, #tpu.memory_space<hbm>>
      %dma_wait3A_529 = tpu.memref_squeeze %dma_wait3A_528 : memref<1x40x64xi32, #tpu.memory_space<hbm>> -> memref<40x64xi32, #tpu.memory_space<hbm>>
      tpu.wait_dma2 semaphore(%run_scoped3A_514 : memref<!tpu.dma_semaphore, #tpu.memory_space<semaphore_mem>>) src(%dma_wait3A_529 : memref<40x64xi32, #tpu.memory_space<hbm>>) dst(%arg8 : memref<40x64xi32, #tpu.memory_space<vmem>>)
      tpu.yield
    }) : () -> ()
    "tpu.region"() ({
      %run_scoped3A_514 = tpu.sem_alloc : memref<!tpu.dma_semaphore, #tpu.memory_space<semaphore_mem>>
      %dma_start3A_515 = arith.constant 80 : i32
      %dma_start3A_516 = arith.constant 0 : i32
      %dma_start3A_517 = tpu.memref_slice %arg4[%add3A, %dma_start3A_515, %dma_start3A_516] : memref<32x160x64xi32, #tpu.memory_space<hbm>> -> memref<1x40x64xi32, #tpu.memory_space<hbm>>
      %dma_start3A_518 = tpu.memref_squeeze %dma_start3A_517 : memref<1x40x64xi32, #tpu.memory_space<hbm>> -> memref<40x64xi32, #tpu.memory_space<hbm>>
      %dma_start3A_519 = arith.constant 80 : i32
      %dma_start3A_520 = arith.constant 0 : i32
      %dma_start3A_521 = tpu.memref_slice %arg4[%add3A, %dma_start3A_519, %dma_start3A_520] : memref<32x160x64xi32, #tpu.memory_space<hbm>> -> memref<1x40x64xi32, #tpu.memory_space<hbm>>
      %dma_start3A_522 = tpu.memref_squeeze %dma_start3A_521 : memref<1x40x64xi32, #tpu.memory_space<hbm>> -> memref<40x64xi32, #tpu.memory_space<hbm>>
      tpu.enqueue_dma source(%dma_start3A_522 : memref<40x64xi32, #tpu.memory_space<hbm>>) target(%arg9 : memref<40x64xi32, #tpu.memory_space<vmem>>) target_semaphore(%run_scoped3A_514 : memref<!tpu.dma_semaphore, #tpu.memory_space<semaphore_mem>>)
      %dma_wait3A = arith.constant 80 : i32
      %dma_wait3A_523 = arith.constant 0 : i32
      %dma_wait3A_524 = tpu.memref_slice %arg4[%add3A, %dma_wait3A, %dma_wait3A_523] : memref<32x160x64xi32, #tpu.memory_space<hbm>> -> memref<1x40x64xi32, #tpu.memory_space<hbm>>
      %dma_wait3A_525 = tpu.memref_squeeze %dma_wait3A_524 : memref<1x40x64xi32, #tpu.memory_space<hbm>> -> memref<40x64xi32, #tpu.memory_space<hbm>>
      %dma_wait3A_526 = arith.constant 80 : i32
      %dma_wait3A_527 = arith.constant 0 : i32
      %dma_wait3A_528 = tpu.memref_slice %arg4[%add3A, %dma_wait3A_526, %dma_wait3A_527] : memref<32x160x64xi32, #tpu.memory_space<hbm>> -> memref<1x40x64xi32, #tpu.memory_space<hbm>>
      %dma_wait3A_529 = tpu.memref_squeeze %dma_wait3A_528 : memref<1x40x64xi32, #tpu.memory_space<hbm>> -> memref<40x64xi32, #tpu.memory_space<hbm>>
      tpu.wait_dma2 semaphore(%run_scoped3A_514 : memref<!tpu.dma_semaphore, #tpu.memory_space<semaphore_mem>>) src(%dma_wait3A_529 : memref<40x64xi32, #tpu.memory_space<hbm>>) dst(%arg9 : memref<40x64xi32, #tpu.memory_space<vmem>>)
      tpu.yield
    }) : () -> ()
    %dma_start3A_319 = arith.constant 0 : i32
    %dma_start3A_320 = arith.constant 0 : i32
    %dma_start3A_321 = arith.constant 0 : i32
    %dma_start3A_322 = arith.constant 0 : i32
    %dma_start3A_323 = tpu.memref_slice %arg10[%dma_start3A_320, %dma_start3A_321, %dma_start3A_322] : memref<4x64x128xf32, #tpu.memory_space<vmem>> -> memref<1x64x128xf32, #tpu.memory_space<vmem>>
    %dma_start3A_324 = tpu.memref_squeeze %dma_start3A_323 : memref<1x64x128xf32, #tpu.memory_space<vmem>> -> memref<64x128xf32, #tpu.memory_space<vmem>>
    %dma_start3A_325 = arith.constant 0 : i32
    %dma_start3A_326 = tpu.memref_slice %arg8[%dma_start3A_319, %dma_start3A_325] : memref<40x64xi32, #tpu.memory_space<vmem>> -> memref<1x64xi32, #tpu.memory_space<vmem>>
    %dma_start3A_327 = tpu.memref_squeeze %dma_start3A_326 : memref<1x64xi32, #tpu.memory_space<vmem>> -> memref<64xi32, #tpu.memory_space<vmem>>
    %dma_start3A_328 = arith.constant 0 : i32
    %dma_start3A_329 = arith.constant 0 : i32
    %dma_start3A_330 = tpu.memref_slice %arg2[%dma_start3A_328, %dma_start3A_329] : memref<10240x128xf32, #tpu.memory_space<hbm>> -> memref<10240x128xf32, #tpu.memory_space<hbm>>
    tpu.enqueue_indirect_dma source(%dma_start3A_330 : memref<10240x128xf32, #tpu.memory_space<hbm>>) target(%dma_start3A_324 : memref<64x128xf32, #tpu.memory_space<vmem>>) offsets(%dma_start3A_327 : memref<64xi32, #tpu.memory_space<vmem>>) semaphore(%arg14 : memref<!tpu.dma_semaphore, #tpu.memory_space<semaphore_mem>>)
    %dma_start3A_331 = arith.constant 0 : i32
    %dma_start3A_332 = arith.constant 0 : i32
    %dma_start3A_333 = arith.constant 0 : i32
    %dma_start3A_334 = tpu.memref_slice %arg11[%dma_start3A_332, %dma_start3A_333] : memref<4x64xf32, #tpu.memory_space<vmem>> -> memref<1x64xf32, #tpu.memory_space<vmem>>
    %dma_start3A_335 = tpu.memref_squeeze %dma_start3A_334 : memref<1x64xf32, #tpu.memory_space<vmem>> -> memref<64xf32, #tpu.memory_space<vmem>>
    %dma_start3A_336 = arith.constant 0 : i32
    %dma_start3A_337 = tpu.memref_slice %arg9[%dma_start3A_331, %dma_start3A_336] : memref<40x64xi32, #tpu.memory_space<vmem>> -> memref<1x64xi32, #tpu.memory_space<vmem>>
    %dma_start3A_338 = tpu.memref_squeeze %dma_start3A_337 : memref<1x64xi32, #tpu.memory_space<vmem>> -> memref<64xi32, #tpu.memory_space<vmem>>
    %dma_start3A_339 = arith.constant 0 : i32
    %dma_start3A_340 = tpu.memref_slice %arg5[%dma_start3A_339] : memref<10240xf32, #tpu.memory_space<hbm>> -> memref<10240xf32, #tpu.memory_space<hbm>>
    tpu.enqueue_indirect_dma source(%dma_start3A_340 : memref<10240xf32, #tpu.memory_space<hbm>>) target(%dma_start3A_335 : memref<64xf32, #tpu.memory_space<vmem>>) offsets(%dma_start3A_338 : memref<64xi32, #tpu.memory_space<vmem>>) semaphore(%arg14 : memref<!tpu.dma_semaphore, #tpu.memory_space<semaphore_mem>>)
    %dma_start3A_341 = arith.constant 1 : i32
    %dma_start3A_342 = arith.constant 1 : i32
    %dma_start3A_343 = arith.constant 0 : i32
    %dma_start3A_344 = arith.constant 0 : i32
    %dma_start3A_345 = tpu.memref_slice %arg10[%dma_start3A_342, %dma_start3A_343, %dma_start3A_344] : memref<4x64x128xf32, #tpu.memory_space<vmem>> -> memref<1x64x128xf32, #tpu.memory_space<vmem>>
    %dma_start3A_346 = tpu.memref_squeeze %dma_start3A_345 : memref<1x64x128xf32, #tpu.memory_space<vmem>> -> memref<64x128xf32, #tpu.memory_space<vmem>>
    %dma_start3A_347 = arith.constant 0 : i32
    %dma_start3A_348 = tpu.memref_slice %arg8[%dma_start3A_341, %dma_start3A_347] : memref<40x64xi32, #tpu.memory_space<vmem>> -> memref<1x64xi32, #tpu.memory_space<vmem>>
    %dma_start3A_349 = tpu.memref_squeeze %dma_start3A_348 : memref<1x64xi32, #tpu.memory_space<vmem>> -> memref<64xi32, #tpu.memory_space<vmem>>
    %dma_start3A_350 = arith.constant 0 : i32
    %dma_start3A_351 = arith.constant 0 : i32
    %dma_start3A_352 = tpu.memref_slice %arg2[%dma_start3A_350, %dma_start3A_351] : memref<10240x128xf32, #tpu.memory_space<hbm>> -> memref<10240x128xf32, #tpu.memory_space<hbm>>
    tpu.enqueue_indirect_dma source(%dma_start3A_352 : memref<10240x128xf32, #tpu.memory_space<hbm>>) target(%dma_start3A_346 : memref<64x128xf32, #tpu.memory_space<vmem>>) offsets(%dma_start3A_349 : memref<64xi32, #tpu.memory_space<vmem>>) semaphore(%arg15 : memref<!tpu.dma_semaphore, #tpu.memory_space<semaphore_mem>>)
    %dma_start3A_353 = arith.constant 1 : i32
    %dma_start3A_354 = arith.constant 1 : i32
    %dma_start3A_355 = arith.constant 0 : i32
    %dma_start3A_356 = tpu.memref_slice %arg11[%dma_start3A_354, %dma_start3A_355] : memref<4x64xf32, #tpu.memory_space<vmem>> -> memref<1x64xf32, #tpu.memory_space<vmem>>
    %dma_start3A_357 = tpu.memref_squeeze %dma_start3A_356 : memref<1x64xf32, #tpu.memory_space<vmem>> -> memref<64xf32, #tpu.memory_space<vmem>>
    %dma_start3A_358 = arith.constant 0 : i32
    %dma_start3A_359 = tpu.memref_slice %arg9[%dma_start3A_353, %dma_start3A_358] : memref<40x64xi32, #tpu.memory_space<vmem>> -> memref<1x64xi32, #tpu.memory_space<vmem>>
    %dma_start3A_360 = tpu.memref_squeeze %dma_start3A_359 : memref<1x64xi32, #tpu.memory_space<vmem>> -> memref<64xi32, #tpu.memory_space<vmem>>
    %dma_start3A_361 = arith.constant 0 : i32
    %dma_start3A_362 = tpu.memref_slice %arg5[%dma_start3A_361] : memref<10240xf32, #tpu.memory_space<hbm>> -> memref<10240xf32, #tpu.memory_space<hbm>>
    tpu.enqueue_indirect_dma source(%dma_start3A_362 : memref<10240xf32, #tpu.memory_space<hbm>>) target(%dma_start3A_357 : memref<64xf32, #tpu.memory_space<vmem>>) offsets(%dma_start3A_360 : memref<64xi32, #tpu.memory_space<vmem>>) semaphore(%arg15 : memref<!tpu.dma_semaphore, #tpu.memory_space<semaphore_mem>>)
    %dma_start3A_363 = arith.constant 2 : i32
    %dma_start3A_364 = arith.constant 2 : i32
    %dma_start3A_365 = arith.constant 0 : i32
    %dma_start3A_366 = arith.constant 0 : i32
    %dma_start3A_367 = tpu.memref_slice %arg10[%dma_start3A_364, %dma_start3A_365, %dma_start3A_366] : memref<4x64x128xf32, #tpu.memory_space<vmem>> -> memref<1x64x128xf32, #tpu.memory_space<vmem>>
    %dma_start3A_368 = tpu.memref_squeeze %dma_start3A_367 : memref<1x64x128xf32, #tpu.memory_space<vmem>> -> memref<64x128xf32, #tpu.memory_space<vmem>>
    %dma_start3A_369 = arith.constant 0 : i32
    %dma_start3A_370 = tpu.memref_slice %arg8[%dma_start3A_363, %dma_start3A_369] : memref<40x64xi32, #tpu.memory_space<vmem>> -> memref<1x64xi32, #tpu.memory_space<vmem>>
    %dma_start3A_371 = tpu.memref_squeeze %dma_start3A_370 : memref<1x64xi32, #tpu.memory_space<vmem>> -> memref<64xi32, #tpu.memory_space<vmem>>
    %dma_start3A_372 = arith.constant 0 : i32
    %dma_start3A_373 = arith.constant 0 : i32
    %dma_start3A_374 = tpu.memref_slice %arg2[%dma_start3A_372, %dma_start3A_373] : memref<10240x128xf32, #tpu.memory_space<hbm>> -> memref<10240x128xf32, #tpu.memory_space<hbm>>
    tpu.enqueue_indirect_dma source(%dma_start3A_374 : memref<10240x128xf32, #tpu.memory_space<hbm>>) target(%dma_start3A_368 : memref<64x128xf32, #tpu.memory_space<vmem>>) offsets(%dma_start3A_371 : memref<64xi32, #tpu.memory_space<vmem>>) semaphore(%arg16 : memref<!tpu.dma_semaphore, #tpu.memory_space<semaphore_mem>>)
    %dma_start3A_375 = arith.constant 2 : i32
    %dma_start3A_376 = arith.constant 2 : i32
    %dma_start3A_377 = arith.constant 0 : i32
    %dma_start3A_378 = tpu.memref_slice %arg11[%dma_start3A_376, %dma_start3A_377] : memref<4x64xf32, #tpu.memory_space<vmem>> -> memref<1x64xf32, #tpu.memory_space<vmem>>
    %dma_start3A_379 = tpu.memref_squeeze %dma_start3A_378 : memref<1x64xf32, #tpu.memory_space<vmem>> -> memref<64xf32, #tpu.memory_space<vmem>>
    %dma_start3A_380 = arith.constant 0 : i32
    %dma_start3A_381 = tpu.memref_slice %arg9[%dma_start3A_375, %dma_start3A_380] : memref<40x64xi32, #tpu.memory_space<vmem>> -> memref<1x64xi32, #tpu.memory_space<vmem>>
    %dma_start3A_382 = tpu.memref_squeeze %dma_start3A_381 : memref<1x64xi32, #tpu.memory_space<vmem>> -> memref<64xi32, #tpu.memory_space<vmem>>
    %dma_start3A_383 = arith.constant 0 : i32
    %dma_start3A_384 = tpu.memref_slice %arg5[%dma_start3A_383] : memref<10240xf32, #tpu.memory_space<hbm>> -> memref<10240xf32, #tpu.memory_space<hbm>>
    tpu.enqueue_indirect_dma source(%dma_start3A_384 : memref<10240xf32, #tpu.memory_space<hbm>>) target(%dma_start3A_379 : memref<64xf32, #tpu.memory_space<vmem>>) offsets(%dma_start3A_382 : memref<64xi32, #tpu.memory_space<vmem>>) semaphore(%arg16 : memref<!tpu.dma_semaphore, #tpu.memory_space<semaphore_mem>>)
    %dma_start3A_385 = arith.constant 3 : i32
    %dma_start3A_386 = arith.constant 3 : i32
    %dma_start3A_387 = arith.constant 0 : i32
    %dma_start3A_388 = arith.constant 0 : i32
    %dma_start3A_389 = tpu.memref_slice %arg10[%dma_start3A_386, %dma_start3A_387, %dma_start3A_388] : memref<4x64x128xf32, #tpu.memory_space<vmem>> -> memref<1x64x128xf32, #tpu.memory_space<vmem>>
    %dma_start3A_390 = tpu.memref_squeeze %dma_start3A_389 : memref<1x64x128xf32, #tpu.memory_space<vmem>> -> memref<64x128xf32, #tpu.memory_space<vmem>>
    %dma_start3A_391 = arith.constant 0 : i32
    %dma_start3A_392 = tpu.memref_slice %arg8[%dma_start3A_385, %dma_start3A_391] : memref<40x64xi32, #tpu.memory_space<vmem>> -> memref<1x64xi32, #tpu.memory_space<vmem>>
    %dma_start3A_393 = tpu.memref_squeeze %dma_start3A_392 : memref<1x64xi32, #tpu.memory_space<vmem>> -> memref<64xi32, #tpu.memory_space<vmem>>
    %dma_start3A_394 = arith.constant 0 : i32
    %dma_start3A_395 = arith.constant 0 : i32
    %dma_start3A_396 = tpu.memref_slice %arg2[%dma_start3A_394, %dma_start3A_395] : memref<10240x128xf32, #tpu.memory_space<hbm>> -> memref<10240x128xf32, #tpu.memory_space<hbm>>
    tpu.enqueue_indirect_dma source(%dma_start3A_396 : memref<10240x128xf32, #tpu.memory_space<hbm>>) target(%dma_start3A_390 : memref<64x128xf32, #tpu.memory_space<vmem>>) offsets(%dma_start3A_393 : memref<64xi32, #tpu.memory_space<vmem>>) semaphore(%arg17 : memref<!tpu.dma_semaphore, #tpu.memory_space<semaphore_mem>>)
    %dma_start3A_397 = arith.constant 3 : i32
    %dma_start3A_398 = arith.constant 3 : i32
    %dma_start3A_399 = arith.constant 0 : i32
    %dma_start3A_400 = tpu.memref_slice %arg11[%dma_start3A_398, %dma_start3A_399] : memref<4x64xf32, #tpu.memory_space<vmem>> -> memref<1x64xf32, #tpu.memory_space<vmem>>
    %dma_start3A_401 = tpu.memref_squeeze %dma_start3A_400 : memref<1x64xf32, #tpu.memory_space<vmem>> -> memref<64xf32, #tpu.memory_space<vmem>>
    %dma_start3A_402 = arith.constant 0 : i32
    %dma_start3A_403 = tpu.memref_slice %arg9[%dma_start3A_397, %dma_start3A_402] : memref<40x64xi32, #tpu.memory_space<vmem>> -> memref<1x64xi32, #tpu.memory_space<vmem>>
    %dma_start3A_404 = tpu.memref_squeeze %dma_start3A_403 : memref<1x64xi32, #tpu.memory_space<vmem>> -> memref<64xi32, #tpu.memory_space<vmem>>
    %dma_start3A_405 = arith.constant 0 : i32
    %dma_start3A_406 = tpu.memref_slice %arg5[%dma_start3A_405] : memref<10240xf32, #tpu.memory_space<hbm>> -> memref<10240xf32, #tpu.memory_space<hbm>>
    tpu.enqueue_indirect_dma source(%dma_start3A_406 : memref<10240xf32, #tpu.memory_space<hbm>>) target(%dma_start3A_401 : memref<64xf32, #tpu.memory_space<vmem>>) offsets(%dma_start3A_404 : memref<64xi32, #tpu.memory_space<vmem>>) semaphore(%arg17 : memref<!tpu.dma_semaphore, #tpu.memory_space<semaphore_mem>>)
    %scan3A_407 = arith.constant 0 : i32
    %scan3A_408 = arith.constant 10 : i32
    %scan3A_409 = arith.addi %scan3A_407, %scan3A_408 : i32
    %scan3A_410 = arith.constant 1 : i32
    scf.for %scan3A_514 = %scan3A_407 to %scan3A_409 step %scan3A_410  : i32 {
      %mul3A_515 = arith.constant 4 : i32
      %mul3A_516 = arith.muli %scan3A_514, %mul3A_515 : i32
      %add3A_517 = arith.constant 0 : i32
      %add3A_518 = arith.addi %add3A_517, %mul3A_516 : i32
      %add3A_519 = arith.constant 0 : i32
      %add3A_520 = arith.addi %add3A_518, %add3A_519 : i32
      %dma_wait3A = arith.constant 0 : i32
      %dma_wait3A_521 = arith.constant 0 : i32
      %dma_wait3A_522 = arith.constant 0 : i32
      %dma_wait3A_523 = arith.constant 0 : i32
      %dma_wait3A_524 = tpu.memref_slice %arg10[%dma_wait3A_521, %dma_wait3A_522, %dma_wait3A_523] : memref<4x64x128xf32, #tpu.memory_space<vmem>> -> memref<1x64x128xf32, #tpu.memory_space<vmem>>
      %dma_wait3A_525 = tpu.memref_squeeze %dma_wait3A_524 : memref<1x64x128xf32, #tpu.memory_space<vmem>> -> memref<64x128xf32, #tpu.memory_space<vmem>>
      %dma_wait3A_526 = arith.constant 0 : i32
      %dma_wait3A_527 = tpu.memref_slice %arg8[%dma_wait3A, %dma_wait3A_526] : memref<40x64xi32, #tpu.memory_space<vmem>> -> memref<1x64xi32, #tpu.memory_space<vmem>>
      %dma_wait3A_528 = tpu.memref_squeeze %dma_wait3A_527 : memref<1x64xi32, #tpu.memory_space<vmem>> -> memref<64xi32, #tpu.memory_space<vmem>>
      %dma_wait3A_529 = arith.constant 0 : i32
      %dma_wait3A_530 = arith.constant 0 : i32
      %dma_wait3A_531 = tpu.memref_slice %arg2[%dma_wait3A_529, %dma_wait3A_530] : memref<10240x128xf32, #tpu.memory_space<hbm>> -> memref<10240x128xf32, #tpu.memory_space<hbm>>
      tpu.wait_indirect_dma semaphore(%arg14 : memref<!tpu.dma_semaphore, #tpu.memory_space<semaphore_mem>>) src(%dma_wait3A_531 : memref<10240x128xf32, #tpu.memory_space<hbm>>) dst(%dma_wait3A_525 : memref<64x128xf32, #tpu.memory_space<vmem>>)
      %dma_wait3A_532 = arith.constant 0 : i32
      %dma_wait3A_533 = arith.constant 0 : i32
      %dma_wait3A_534 = arith.constant 0 : i32
      %dma_wait3A_535 = tpu.memref_slice %arg11[%dma_wait3A_533, %dma_wait3A_534] : memref<4x64xf32, #tpu.memory_space<vmem>> -> memref<1x64xf32, #tpu.memory_space<vmem>>
      %dma_wait3A_536 = tpu.memref_squeeze %dma_wait3A_535 : memref<1x64xf32, #tpu.memory_space<vmem>> -> memref<64xf32, #tpu.memory_space<vmem>>
      %dma_wait3A_537 = arith.constant 0 : i32
      %dma_wait3A_538 = tpu.memref_slice %arg9[%dma_wait3A_532, %dma_wait3A_537] : memref<40x64xi32, #tpu.memory_space<vmem>> -> memref<1x64xi32, #tpu.memory_space<vmem>>
      %dma_wait3A_539 = tpu.memref_squeeze %dma_wait3A_538 : memref<1x64xi32, #tpu.memory_space<vmem>> -> memref<64xi32, #tpu.memory_space<vmem>>
      %dma_wait3A_540 = arith.constant 0 : i32
      %dma_wait3A_541 = tpu.memref_slice %arg5[%dma_wait3A_540] : memref<10240xf32, #tpu.memory_space<hbm>> -> memref<10240xf32, #tpu.memory_space<hbm>>
      tpu.wait_indirect_dma semaphore(%arg14 : memref<!tpu.dma_semaphore, #tpu.memory_space<semaphore_mem>>) src(%dma_wait3A_541 : memref<10240xf32, #tpu.memory_space<hbm>>) dst(%dma_wait3A_536 : memref<64xf32, #tpu.memory_space<vmem>>)
      %dma_start3A_542 = arith.constant 0 : i32
      %dma_start3A_543 = arith.constant 0 : i32
      %dma_start3A_544 = arith.constant 0 : i32
      %dma_start3A_545 = tpu.memref_slice %arg10[%dma_start3A_542, %dma_start3A_543, %dma_start3A_544] : memref<4x64x128xf32, #tpu.memory_space<vmem>> -> memref<1x64x128xf32, #tpu.memory_space<vmem>>
      %dma_start3A_546 = tpu.memref_squeeze %dma_start3A_545 : memref<1x64x128xf32, #tpu.memory_space<vmem>> -> memref<64x128xf32, #tpu.memory_space<vmem>>
      %dma_start3A_547 = arith.constant 0 : i32
      %dma_start3A_548 = tpu.memref_slice %arg9[%add3A_520, %dma_start3A_547] : memref<40x64xi32, #tpu.memory_space<vmem>> -> memref<1x64xi32, #tpu.memory_space<vmem>>
      %dma_start3A_549 = tpu.memref_squeeze %dma_start3A_548 : memref<1x64xi32, #tpu.memory_space<vmem>> -> memref<64xi32, #tpu.memory_space<vmem>>
      %dma_start3A_550 = arith.constant 0 : i32
      %dma_start3A_551 = arith.constant 0 : i32
      %dma_start3A_552 = tpu.memref_slice %arg12[%dma_start3A_550, %dma_start3A_551] : memref<10240x128xf32, #tpu.memory_space<vmem_shared>> -> memref<10240x128xf32, #tpu.memory_space<vmem_shared>>
      tpu.enqueue_indirect_dma source(%dma_start3A_546 : memref<64x128xf32, #tpu.memory_space<vmem>>) target(%dma_start3A_552 : memref<10240x128xf32, #tpu.memory_space<vmem_shared>>) offsets(%dma_start3A_549 : memref<64xi32, #tpu.memory_space<vmem>>) semaphore(%arg18 : memref<!tpu.dma_semaphore, #tpu.memory_space<semaphore_mem>>) {add = true}
      %dma_start3A_553 = arith.constant 0 : i32
      %dma_start3A_554 = arith.constant 0 : i32
      %dma_start3A_555 = tpu.memref_slice %arg11[%dma_start3A_553, %dma_start3A_554] : memref<4x64xf32, #tpu.memory_space<vmem>> -> memref<1x64xf32, #tpu.memory_space<vmem>>
      %dma_start3A_556 = tpu.memref_squeeze %dma_start3A_555 : memref<1x64xf32, #tpu.memory_space<vmem>> -> memref<64xf32, #tpu.memory_space<vmem>>
      %dma_start3A_557 = arith.constant 0 : i32
      %dma_start3A_558 = tpu.memref_slice %arg8[%add3A_520, %dma_start3A_557] : memref<40x64xi32, #tpu.memory_space<vmem>> -> memref<1x64xi32, #tpu.memory_space<vmem>>
      %dma_start3A_559 = tpu.memref_squeeze %dma_start3A_558 : memref<1x64xi32, #tpu.memory_space<vmem>> -> memref<64xi32, #tpu.memory_space<vmem>>
      %dma_start3A_560 = arith.constant 0 : i32
      %dma_start3A_561 = tpu.memref_slice %arg13[%dma_start3A_560] : memref<10240xf32, #tpu.memory_space<vmem_shared>> -> memref<10240xf32, #tpu.memory_space<vmem_shared>>
      tpu.enqueue_indirect_dma source(%dma_start3A_556 : memref<64xf32, #tpu.memory_space<vmem>>) target(%dma_start3A_561 : memref<10240xf32, #tpu.memory_space<vmem_shared>>) offsets(%dma_start3A_559 : memref<64xi32, #tpu.memory_space<vmem>>) semaphore(%arg18 : memref<!tpu.dma_semaphore, #tpu.memory_space<semaphore_mem>>) {add = true}
      %dma_wait3A_562 = arith.constant 0 : i32
      %dma_wait3A_563 = arith.constant 0 : i32
      %dma_wait3A_564 = arith.constant 0 : i32
      %dma_wait3A_565 = tpu.memref_slice %arg10[%dma_wait3A_562, %dma_wait3A_563, %dma_wait3A_564] : memref<4x64x128xf32, #tpu.memory_space<vmem>> -> memref<1x64x128xf32, #tpu.memory_space<vmem>>
      %dma_wait3A_566 = tpu.memref_squeeze %dma_wait3A_565 : memref<1x64x128xf32, #tpu.memory_space<vmem>> -> memref<64x128xf32, #tpu.memory_space<vmem>>
      %dma_wait3A_567 = arith.constant 0 : i32
      %dma_wait3A_568 = tpu.memref_slice %arg9[%add3A_520, %dma_wait3A_567] : memref<40x64xi32, #tpu.memory_space<vmem>> -> memref<1x64xi32, #tpu.memory_space<vmem>>
      %dma_wait3A_569 = tpu.memref_squeeze %dma_wait3A_568 : memref<1x64xi32, #tpu.memory_space<vmem>> -> memref<64xi32, #tpu.memory_space<vmem>>
      %dma_wait3A_570 = arith.constant 0 : i32
      %dma_wait3A_571 = arith.constant 0 : i32
      %dma_wait3A_572 = tpu.memref_slice %arg12[%dma_wait3A_570, %dma_wait3A_571] : memref<10240x128xf32, #tpu.memory_space<vmem_shared>> -> memref<10240x128xf32, #tpu.memory_space<vmem_shared>>
      tpu.wait_indirect_dma semaphore(%arg18 : memref<!tpu.dma_semaphore, #tpu.memory_space<semaphore_mem>>) src(%dma_wait3A_566 : memref<64x128xf32, #tpu.memory_space<vmem>>) dst(%dma_wait3A_572 : memref<10240x128xf32, #tpu.memory_space<vmem_shared>>)
      %dma_wait3A_573 = arith.constant 0 : i32
      %dma_wait3A_574 = arith.constant 0 : i32
      %dma_wait3A_575 = tpu.memref_slice %arg11[%dma_wait3A_573, %dma_wait3A_574] : memref<4x64xf32, #tpu.memory_space<vmem>> -> memref<1x64xf32, #tpu.memory_space<vmem>>
      %dma_wait3A_576 = tpu.memref_squeeze %dma_wait3A_575 : memref<1x64xf32, #tpu.memory_space<vmem>> -> memref<64xf32, #tpu.memory_space<vmem>>
      %dma_wait3A_577 = arith.constant 0 : i32
      %dma_wait3A_578 = tpu.memref_slice %arg8[%add3A_520, %dma_wait3A_577] : memref<40x64xi32, #tpu.memory_space<vmem>> -> memref<1x64xi32, #tpu.memory_space<vmem>>
      %dma_wait3A_579 = tpu.memref_squeeze %dma_wait3A_578 : memref<1x64xi32, #tpu.memory_space<vmem>> -> memref<64xi32, #tpu.memory_space<vmem>>
      %dma_wait3A_580 = arith.constant 0 : i32
      %dma_wait3A_581 = tpu.memref_slice %arg13[%dma_wait3A_580] : memref<10240xf32, #tpu.memory_space<vmem_shared>> -> memref<10240xf32, #tpu.memory_space<vmem_shared>>
      tpu.wait_indirect_dma semaphore(%arg18 : memref<!tpu.dma_semaphore, #tpu.memory_space<semaphore_mem>>) src(%dma_wait3A_576 : memref<64xf32, #tpu.memory_space<vmem>>) dst(%dma_wait3A_581 : memref<10240xf32, #tpu.memory_space<vmem_shared>>)
      %add3A_582 = arith.constant 4 : i32
      %add3A_583 = arith.addi %add3A_520, %add3A_582 : i32
      %lt3A = arith.constant 40 : i32
      %lt3A_584 = arith.cmpi slt, %add3A_583, %lt3A : i32
      %convert_element_type3A = arith.extui %lt3A_584 : i1 to i32
      %cond3A = arith.constant 0 : i32
      %cond3A_585 = arith.cmpi ne, %convert_element_type3A, %cond3A : i32
      scf.if %cond3A_585 {
        %add3A_799 = arith.constant 4 : i32
        %add3A_800 = arith.addi %add3A_520, %add3A_799 : i32
        %dma_start3A_801 = arith.constant 0 : i32
        %dma_start3A_802 = arith.constant 0 : i32
        %dma_start3A_803 = arith.constant 0 : i32
        %dma_start3A_804 = tpu.memref_slice %arg10[%dma_start3A_801, %dma_start3A_802, %dma_start3A_803] : memref<4x64x128xf32, #tpu.memory_space<vmem>> -> memref<1x64x128xf32, #tpu.memory_space<vmem>>
        %dma_start3A_805 = tpu.memref_squeeze %dma_start3A_804 : memref<1x64x128xf32, #tpu.memory_space<vmem>> -> memref<64x128xf32, #tpu.memory_space<vmem>>
        %dma_start3A_806 = arith.constant 0 : i32
        %dma_start3A_807 = tpu.memref_slice %arg8[%add3A_800, %dma_start3A_806] : memref<40x64xi32, #tpu.memory_space<vmem>> -> memref<1x64xi32, #tpu.memory_space<vmem>>
        %dma_start3A_808 = tpu.memref_squeeze %dma_start3A_807 : memref<1x64xi32, #tpu.memory_space<vmem>> -> memref<64xi32, #tpu.memory_space<vmem>>
        %dma_start3A_809 = arith.constant 0 : i32
        %dma_start3A_810 = arith.constant 0 : i32
        %dma_start3A_811 = tpu.memref_slice %arg2[%dma_start3A_809, %dma_start3A_810] : memref<10240x128xf32, #tpu.memory_space<hbm>> -> memref<10240x128xf32, #tpu.memory_space<hbm>>
        tpu.enqueue_indirect_dma source(%dma_start3A_811 : memref<10240x128xf32, #tpu.memory_space<hbm>>) target(%dma_start3A_805 : memref<64x128xf32, #tpu.memory_space<vmem>>) offsets(%dma_start3A_808 : memref<64xi32, #tpu.memory_space<vmem>>) semaphore(%arg14 : memref<!tpu.dma_semaphore, #tpu.memory_space<semaphore_mem>>)
        %add3A_812 = arith.constant 4 : i32
        %add3A_813 = arith.addi %add3A_520, %add3A_812 : i32
        %dma_start3A_814 = arith.constant 0 : i32
        %dma_start3A_815 = arith.constant 0 : i32
        %dma_start3A_816 = tpu.memref_slice %arg11[%dma_start3A_814, %dma_start3A_815] : memref<4x64xf32, #tpu.memory_space<vmem>> -> memref<1x64xf32, #tpu.memory_space<vmem>>
        %dma_start3A_817 = tpu.memref_squeeze %dma_start3A_816 : memref<1x64xf32, #tpu.memory_space<vmem>> -> memref<64xf32, #tpu.memory_space<vmem>>
        %dma_start3A_818 = arith.constant 0 : i32
        %dma_start3A_819 = tpu.memref_slice %arg9[%add3A_813, %dma_start3A_818] : memref<40x64xi32, #tpu.memory_space<vmem>> -> memref<1x64xi32, #tpu.memory_space<vmem>>
        %dma_start3A_820 = tpu.memref_squeeze %dma_start3A_819 : memref<1x64xi32, #tpu.memory_space<vmem>> -> memref<64xi32, #tpu.memory_space<vmem>>
        %dma_start3A_821 = arith.constant 0 : i32
        %dma_start3A_822 = tpu.memref_slice %arg5[%dma_start3A_821] : memref<10240xf32, #tpu.memory_space<hbm>> -> memref<10240xf32, #tpu.memory_space<hbm>>
        tpu.enqueue_indirect_dma source(%dma_start3A_822 : memref<10240xf32, #tpu.memory_space<hbm>>) target(%dma_start3A_817 : memref<64xf32, #tpu.memory_space<vmem>>) offsets(%dma_start3A_820 : memref<64xi32, #tpu.memory_space<vmem>>) semaphore(%arg14 : memref<!tpu.dma_semaphore, #tpu.memory_space<semaphore_mem>>)
      } else {
      }
      %add3A_586 = arith.constant 1 : i32
      %add3A_587 = arith.addi %add3A_518, %add3A_586 : i32
      %dma_wait3A_588 = arith.constant 1 : i32
      %dma_wait3A_589 = arith.constant 1 : i32
      %dma_wait3A_590 = arith.constant 0 : i32
      %dma_wait3A_591 = arith.constant 0 : i32
      %dma_wait3A_592 = tpu.memref_slice %arg10[%dma_wait3A_589, %dma_wait3A_590, %dma_wait3A_591] : memref<4x64x128xf32, #tpu.memory_space<vmem>> -> memref<1x64x128xf32, #tpu.memory_space<vmem>>
      %dma_wait3A_593 = tpu.memref_squeeze %dma_wait3A_592 : memref<1x64x128xf32, #tpu.memory_space<vmem>> -> memref<64x128xf32, #tpu.memory_space<vmem>>
      %dma_wait3A_594 = arith.constant 0 : i32
      %dma_wait3A_595 = tpu.memref_slice %arg8[%dma_wait3A_588, %dma_wait3A_594] : memref<40x64xi32, #tpu.memory_space<vmem>> -> memref<1x64xi32, #tpu.memory_space<vmem>>
      %dma_wait3A_596 = tpu.memref_squeeze %dma_wait3A_595 : memref<1x64xi32, #tpu.memory_space<vmem>> -> memref<64xi32, #tpu.memory_space<vmem>>
      %dma_wait3A_597 = arith.constant 0 : i32
      %dma_wait3A_598 = arith.constant 0 : i32
      %dma_wait3A_599 = tpu.memref_slice %arg2[%dma_wait3A_597, %dma_wait3A_598] : memref<10240x128xf32, #tpu.memory_space<hbm>> -> memref<10240x128xf32, #tpu.memory_space<hbm>>
      tpu.wait_indirect_dma semaphore(%arg15 : memref<!tpu.dma_semaphore, #tpu.memory_space<semaphore_mem>>) src(%dma_wait3A_599 : memref<10240x128xf32, #tpu.memory_space<hbm>>) dst(%dma_wait3A_593 : memref<64x128xf32, #tpu.memory_space<vmem>>)
      %dma_wait3A_600 = arith.constant 1 : i32
      %dma_wait3A_601 = arith.constant 1 : i32
      %dma_wait3A_602 = arith.constant 0 : i32
      %dma_wait3A_603 = tpu.memref_slice %arg11[%dma_wait3A_601, %dma_wait3A_602] : memref<4x64xf32, #tpu.memory_space<vmem>> -> memref<1x64xf32, #tpu.memory_space<vmem>>
      %dma_wait3A_604 = tpu.memref_squeeze %dma_wait3A_603 : memref<1x64xf32, #tpu.memory_space<vmem>> -> memref<64xf32, #tpu.memory_space<vmem>>
      %dma_wait3A_605 = arith.constant 0 : i32
      %dma_wait3A_606 = tpu.memref_slice %arg9[%dma_wait3A_600, %dma_wait3A_605] : memref<40x64xi32, #tpu.memory_space<vmem>> -> memref<1x64xi32, #tpu.memory_space<vmem>>
      %dma_wait3A_607 = tpu.memref_squeeze %dma_wait3A_606 : memref<1x64xi32, #tpu.memory_space<vmem>> -> memref<64xi32, #tpu.memory_space<vmem>>
      %dma_wait3A_608 = arith.constant 0 : i32
      %dma_wait3A_609 = tpu.memref_slice %arg5[%dma_wait3A_608] : memref<10240xf32, #tpu.memory_space<hbm>> -> memref<10240xf32, #tpu.memory_space<hbm>>
      tpu.wait_indirect_dma semaphore(%arg15 : memref<!tpu.dma_semaphore, #tpu.memory_space<semaphore_mem>>) src(%dma_wait3A_609 : memref<10240xf32, #tpu.memory_space<hbm>>) dst(%dma_wait3A_604 : memref<64xf32, #tpu.memory_space<vmem>>)
      %dma_start3A_610 = arith.constant 1 : i32
      %dma_start3A_611 = arith.constant 0 : i32
      %dma_start3A_612 = arith.constant 0 : i32
      %dma_start3A_613 = tpu.memref_slice %arg10[%dma_start3A_610, %dma_start3A_611, %dma_start3A_612] : memref<4x64x128xf32, #tpu.memory_space<vmem>> -> memref<1x64x128xf32, #tpu.memory_space<vmem>>
      %dma_start3A_614 = tpu.memref_squeeze %dma_start3A_613 : memref<1x64x128xf32, #tpu.memory_space<vmem>> -> memref<64x128xf32, #tpu.memory_space<vmem>>
      %dma_start3A_615 = arith.constant 0 : i32
      %dma_start3A_616 = tpu.memref_slice %arg9[%add3A_587, %dma_start3A_615] : memref<40x64xi32, #tpu.memory_space<vmem>> -> memref<1x64xi32, #tpu.memory_space<vmem>>
      %dma_start3A_617 = tpu.memref_squeeze %dma_start3A_616 : memref<1x64xi32, #tpu.memory_space<vmem>> -> memref<64xi32, #tpu.memory_space<vmem>>
      %dma_start3A_618 = arith.constant 0 : i32
      %dma_start3A_619 = arith.constant 0 : i32
      %dma_start3A_620 = tpu.memref_slice %arg12[%dma_start3A_618, %dma_start3A_619] : memref<10240x128xf32, #tpu.memory_space<vmem_shared>> -> memref<10240x128xf32, #tpu.memory_space<vmem_shared>>
      tpu.enqueue_indirect_dma source(%dma_start3A_614 : memref<64x128xf32, #tpu.memory_space<vmem>>) target(%dma_start3A_620 : memref<10240x128xf32, #tpu.memory_space<vmem_shared>>) offsets(%dma_start3A_617 : memref<64xi32, #tpu.memory_space<vmem>>) semaphore(%arg19 : memref<!tpu.dma_semaphore, #tpu.memory_space<semaphore_mem>>) {add = true}
      %dma_start3A_621 = arith.constant 1 : i32
      %dma_start3A_622 = arith.constant 0 : i32
      %dma_start3A_623 = tpu.memref_slice %arg11[%dma_start3A_621, %dma_start3A_622] : memref<4x64xf32, #tpu.memory_space<vmem>> -> memref<1x64xf32, #tpu.memory_space<vmem>>
      %dma_start3A_624 = tpu.memref_squeeze %dma_start3A_623 : memref<1x64xf32, #tpu.memory_space<vmem>> -> memref<64xf32, #tpu.memory_space<vmem>>
      %dma_start3A_625 = arith.constant 0 : i32
      %dma_start3A_626 = tpu.memref_slice %arg8[%add3A_587, %dma_start3A_625] : memref<40x64xi32, #tpu.memory_space<vmem>> -> memref<1x64xi32, #tpu.memory_space<vmem>>
      %dma_start3A_627 = tpu.memref_squeeze %dma_start3A_626 : memref<1x64xi32, #tpu.memory_space<vmem>> -> memref<64xi32, #tpu.memory_space<vmem>>
      %dma_start3A_628 = arith.constant 0 : i32
      %dma_start3A_629 = tpu.memref_slice %arg13[%dma_start3A_628] : memref<10240xf32, #tpu.memory_space<vmem_shared>> -> memref<10240xf32, #tpu.memory_space<vmem_shared>>
      tpu.enqueue_indirect_dma source(%dma_start3A_624 : memref<64xf32, #tpu.memory_space<vmem>>) target(%dma_start3A_629 : memref<10240xf32, #tpu.memory_space<vmem_shared>>) offsets(%dma_start3A_627 : memref<64xi32, #tpu.memory_space<vmem>>) semaphore(%arg19 : memref<!tpu.dma_semaphore, #tpu.memory_space<semaphore_mem>>) {add = true}
      %dma_wait3A_630 = arith.constant 1 : i32
      %dma_wait3A_631 = arith.constant 0 : i32
      %dma_wait3A_632 = arith.constant 0 : i32
      %dma_wait3A_633 = tpu.memref_slice %arg10[%dma_wait3A_630, %dma_wait3A_631, %dma_wait3A_632] : memref<4x64x128xf32, #tpu.memory_space<vmem>> -> memref<1x64x128xf32, #tpu.memory_space<vmem>>
      %dma_wait3A_634 = tpu.memref_squeeze %dma_wait3A_633 : memref<1x64x128xf32, #tpu.memory_space<vmem>> -> memref<64x128xf32, #tpu.memory_space<vmem>>
      %dma_wait3A_635 = arith.constant 0 : i32
      %dma_wait3A_636 = tpu.memref_slice %arg9[%add3A_587, %dma_wait3A_635] : memref<40x64xi32, #tpu.memory_space<vmem>> -> memref<1x64xi32, #tpu.memory_space<vmem>>
      %dma_wait3A_637 = tpu.memref_squeeze %dma_wait3A_636 : memref<1x64xi32, #tpu.memory_space<vmem>> -> memref<64xi32, #tpu.memory_space<vmem>>
      %dma_wait3A_638 = arith.constant 0 : i32
      %dma_wait3A_639 = arith.constant 0 : i32
      %dma_wait3A_640 = tpu.memref_slice %arg12[%dma_wait3A_638, %dma_wait3A_639] : memref<10240x128xf32, #tpu.memory_space<vmem_shared>> -> memref<10240x128xf32, #tpu.memory_space<vmem_shared>>
      tpu.wait_indirect_dma semaphore(%arg19 : memref<!tpu.dma_semaphore, #tpu.memory_space<semaphore_mem>>) src(%dma_wait3A_634 : memref<64x128xf32, #tpu.memory_space<vmem>>) dst(%dma_wait3A_640 : memref<10240x128xf32, #tpu.memory_space<vmem_shared>>)
      %dma_wait3A_641 = arith.constant 1 : i32
      %dma_wait3A_642 = arith.constant 0 : i32
      %dma_wait3A_643 = tpu.memref_slice %arg11[%dma_wait3A_641, %dma_wait3A_642] : memref<4x64xf32, #tpu.memory_space<vmem>> -> memref<1x64xf32, #tpu.memory_space<vmem>>
      %dma_wait3A_644 = tpu.memref_squeeze %dma_wait3A_643 : memref<1x64xf32, #tpu.memory_space<vmem>> -> memref<64xf32, #tpu.memory_space<vmem>>
      %dma_wait3A_645 = arith.constant 0 : i32
      %dma_wait3A_646 = tpu.memref_slice %arg8[%add3A_587, %dma_wait3A_645] : memref<40x64xi32, #tpu.memory_space<vmem>> -> memref<1x64xi32, #tpu.memory_space<vmem>>
      %dma_wait3A_647 = tpu.memref_squeeze %dma_wait3A_646 : memref<1x64xi32, #tpu.memory_space<vmem>> -> memref<64xi32, #tpu.memory_space<vmem>>
      %dma_wait3A_648 = arith.constant 0 : i32
      %dma_wait3A_649 = tpu.memref_slice %arg13[%dma_wait3A_648] : memref<10240xf32, #tpu.memory_space<vmem_shared>> -> memref<10240xf32, #tpu.memory_space<vmem_shared>>
      tpu.wait_indirect_dma semaphore(%arg19 : memref<!tpu.dma_semaphore, #tpu.memory_space<semaphore_mem>>) src(%dma_wait3A_644 : memref<64xf32, #tpu.memory_space<vmem>>) dst(%dma_wait3A_649 : memref<10240xf32, #tpu.memory_space<vmem_shared>>)
      %add3A_650 = arith.constant 4 : i32
      %add3A_651 = arith.addi %add3A_587, %add3A_650 : i32
      %lt3A_652 = arith.constant 40 : i32
      %lt3A_653 = arith.cmpi slt, %add3A_651, %lt3A_652 : i32
      %convert_element_type3A_654 = arith.extui %lt3A_653 : i1 to i32
      %cond3A_655 = arith.constant 0 : i32
      %cond3A_656 = arith.cmpi ne, %convert_element_type3A_654, %cond3A_655 : i32
      scf.if %cond3A_656 {
        %add3A_799 = arith.constant 4 : i32
        %add3A_800 = arith.addi %add3A_587, %add3A_799 : i32
        %dma_start3A_801 = arith.constant 1 : i32
        %dma_start3A_802 = arith.constant 0 : i32
        %dma_start3A_803 = arith.constant 0 : i32
        %dma_start3A_804 = tpu.memref_slice %arg10[%dma_start3A_801, %dma_start3A_802, %dma_start3A_803] : memref<4x64x128xf32, #tpu.memory_space<vmem>> -> memref<1x64x128xf32, #tpu.memory_space<vmem>>
        %dma_start3A_805 = tpu.memref_squeeze %dma_start3A_804 : memref<1x64x128xf32, #tpu.memory_space<vmem>> -> memref<64x128xf32, #tpu.memory_space<vmem>>
        %dma_start3A_806 = arith.constant 0 : i32
        %dma_start3A_807 = tpu.memref_slice %arg8[%add3A_800, %dma_start3A_806] : memref<40x64xi32, #tpu.memory_space<vmem>> -> memref<1x64xi32, #tpu.memory_space<vmem>>
        %dma_start3A_808 = tpu.memref_squeeze %dma_start3A_807 : memref<1x64xi32, #tpu.memory_space<vmem>> -> memref<64xi32, #tpu.memory_space<vmem>>
        %dma_start3A_809 = arith.constant 0 : i32
        %dma_start3A_810 = arith.constant 0 : i32
        %dma_start3A_811 = tpu.memref_slice %arg2[%dma_start3A_809, %dma_start3A_810] : memref<10240x128xf32, #tpu.memory_space<hbm>> -> memref<10240x128xf32, #tpu.memory_space<hbm>>
        tpu.enqueue_indirect_dma source(%dma_start3A_811 : memref<10240x128xf32, #tpu.memory_space<hbm>>) target(%dma_start3A_805 : memref<64x128xf32, #tpu.memory_space<vmem>>) offsets(%dma_start3A_808 : memref<64xi32, #tpu.memory_space<vmem>>) semaphore(%arg15 : memref<!tpu.dma_semaphore, #tpu.memory_space<semaphore_mem>>)
        %add3A_812 = arith.constant 4 : i32
        %add3A_813 = arith.addi %add3A_587, %add3A_812 : i32
        %dma_start3A_814 = arith.constant 1 : i32
        %dma_start3A_815 = arith.constant 0 : i32
        %dma_start3A_816 = tpu.memref_slice %arg11[%dma_start3A_814, %dma_start3A_815] : memref<4x64xf32, #tpu.memory_space<vmem>> -> memref<1x64xf32, #tpu.memory_space<vmem>>
        %dma_start3A_817 = tpu.memref_squeeze %dma_start3A_816 : memref<1x64xf32, #tpu.memory_space<vmem>> -> memref<64xf32, #tpu.memory_space<vmem>>
        %dma_start3A_818 = arith.constant 0 : i32
        %dma_start3A_819 = tpu.memref_slice %arg9[%add3A_813, %dma_start3A_818] : memref<40x64xi32, #tpu.memory_space<vmem>> -> memref<1x64xi32, #tpu.memory_space<vmem>>
        %dma_start3A_820 = tpu.memref_squeeze %dma_start3A_819 : memref<1x64xi32, #tpu.memory_space<vmem>> -> memref<64xi32, #tpu.memory_space<vmem>>
        %dma_start3A_821 = arith.constant 0 : i32
        %dma_start3A_822 = tpu.memref_slice %arg5[%dma_start3A_821] : memref<10240xf32, #tpu.memory_space<hbm>> -> memref<10240xf32, #tpu.memory_space<hbm>>
        tpu.enqueue_indirect_dma source(%dma_start3A_822 : memref<10240xf32, #tpu.memory_space<hbm>>) target(%dma_start3A_817 : memref<64xf32, #tpu.memory_space<vmem>>) offsets(%dma_start3A_820 : memref<64xi32, #tpu.memory_space<vmem>>) semaphore(%arg15 : memref<!tpu.dma_semaphore, #tpu.memory_space<semaphore_mem>>)
      } else {
      }
      %add3A_657 = arith.constant 2 : i32
      %add3A_658 = arith.addi %add3A_518, %add3A_657 : i32
      %dma_wait3A_659 = arith.constant 2 : i32
      %dma_wait3A_660 = arith.constant 2 : i32
      %dma_wait3A_661 = arith.constant 0 : i32
      %dma_wait3A_662 = arith.constant 0 : i32
      %dma_wait3A_663 = tpu.memref_slice %arg10[%dma_wait3A_660, %dma_wait3A_661, %dma_wait3A_662] : memref<4x64x128xf32, #tpu.memory_space<vmem>> -> memref<1x64x128xf32, #tpu.memory_space<vmem>>
      %dma_wait3A_664 = tpu.memref_squeeze %dma_wait3A_663 : memref<1x64x128xf32, #tpu.memory_space<vmem>> -> memref<64x128xf32, #tpu.memory_space<vmem>>
      %dma_wait3A_665 = arith.constant 0 : i32
      %dma_wait3A_666 = tpu.memref_slice %arg8[%dma_wait3A_659, %dma_wait3A_665] : memref<40x64xi32, #tpu.memory_space<vmem>> -> memref<1x64xi32, #tpu.memory_space<vmem>>
      %dma_wait3A_667 = tpu.memref_squeeze %dma_wait3A_666 : memref<1x64xi32, #tpu.memory_space<vmem>> -> memref<64xi32, #tpu.memory_space<vmem>>
      %dma_wait3A_668 = arith.constant 0 : i32
      %dma_wait3A_669 = arith.constant 0 : i32
      %dma_wait3A_670 = tpu.memref_slice %arg2[%dma_wait3A_668, %dma_wait3A_669] : memref<10240x128xf32, #tpu.memory_space<hbm>> -> memref<10240x128xf32, #tpu.memory_space<hbm>>
      tpu.wait_indirect_dma semaphore(%arg16 : memref<!tpu.dma_semaphore, #tpu.memory_space<semaphore_mem>>) src(%dma_wait3A_670 : memref<10240x128xf32, #tpu.memory_space<hbm>>) dst(%dma_wait3A_664 : memref<64x128xf32, #tpu.memory_space<vmem>>)
      %dma_wait3A_671 = arith.constant 2 : i32
      %dma_wait3A_672 = arith.constant 2 : i32
      %dma_wait3A_673 = arith.constant 0 : i32
      %dma_wait3A_674 = tpu.memref_slice %arg11[%dma_wait3A_672, %dma_wait3A_673] : memref<4x64xf32, #tpu.memory_space<vmem>> -> memref<1x64xf32, #tpu.memory_space<vmem>>
      %dma_wait3A_675 = tpu.memref_squeeze %dma_wait3A_674 : memref<1x64xf32, #tpu.memory_space<vmem>> -> memref<64xf32, #tpu.memory_space<vmem>>
      %dma_wait3A_676 = arith.constant 0 : i32
      %dma_wait3A_677 = tpu.memref_slice %arg9[%dma_wait3A_671, %dma_wait3A_676] : memref<40x64xi32, #tpu.memory_space<vmem>> -> memref<1x64xi32, #tpu.memory_space<vmem>>
      %dma_wait3A_678 = tpu.memref_squeeze %dma_wait3A_677 : memref<1x64xi32, #tpu.memory_space<vmem>> -> memref<64xi32, #tpu.memory_space<vmem>>
      %dma_wait3A_679 = arith.constant 0 : i32
      %dma_wait3A_680 = tpu.memref_slice %arg5[%dma_wait3A_679] : memref<10240xf32, #tpu.memory_space<hbm>> -> memref<10240xf32, #tpu.memory_space<hbm>>
      tpu.wait_indirect_dma semaphore(%arg16 : memref<!tpu.dma_semaphore, #tpu.memory_space<semaphore_mem>>) src(%dma_wait3A_680 : memref<10240xf32, #tpu.memory_space<hbm>>) dst(%dma_wait3A_675 : memref<64xf32, #tpu.memory_space<vmem>>)
      %dma_start3A_681 = arith.constant 2 : i32
      %dma_start3A_682 = arith.constant 0 : i32
      %dma_start3A_683 = arith.constant 0 : i32
      %dma_start3A_684 = tpu.memref_slice %arg10[%dma_start3A_681, %dma_start3A_682, %dma_start3A_683] : memref<4x64x128xf32, #tpu.memory_space<vmem>> -> memref<1x64x128xf32, #tpu.memory_space<vmem>>
      %dma_start3A_685 = tpu.memref_squeeze %dma_start3A_684 : memref<1x64x128xf32, #tpu.memory_space<vmem>> -> memref<64x128xf32, #tpu.memory_space<vmem>>
      %dma_start3A_686 = arith.constant 0 : i32
      %dma_start3A_687 = tpu.memref_slice %arg9[%add3A_658, %dma_start3A_686] : memref<40x64xi32, #tpu.memory_space<vmem>> -> memref<1x64xi32, #tpu.memory_space<vmem>>
      %dma_start3A_688 = tpu.memref_squeeze %dma_start3A_687 : memref<1x64xi32, #tpu.memory_space<vmem>> -> memref<64xi32, #tpu.memory_space<vmem>>
      %dma_start3A_689 = arith.constant 0 : i32
      %dma_start3A_690 = arith.constant 0 : i32
      %dma_start3A_691 = tpu.memref_slice %arg12[%dma_start3A_689, %dma_start3A_690] : memref<10240x128xf32, #tpu.memory_space<vmem_shared>> -> memref<10240x128xf32, #tpu.memory_space<vmem_shared>>
      tpu.enqueue_indirect_dma source(%dma_start3A_685 : memref<64x128xf32, #tpu.memory_space<vmem>>) target(%dma_start3A_691 : memref<10240x128xf32, #tpu.memory_space<vmem_shared>>) offsets(%dma_start3A_688 : memref<64xi32, #tpu.memory_space<vmem>>) semaphore(%arg20 : memref<!tpu.dma_semaphore, #tpu.memory_space<semaphore_mem>>) {add = true}
      %dma_start3A_692 = arith.constant 2 : i32
      %dma_start3A_693 = arith.constant 0 : i32
      %dma_start3A_694 = tpu.memref_slice %arg11[%dma_start3A_692, %dma_start3A_693] : memref<4x64xf32, #tpu.memory_space<vmem>> -> memref<1x64xf32, #tpu.memory_space<vmem>>
      %dma_start3A_695 = tpu.memref_squeeze %dma_start3A_694 : memref<1x64xf32, #tpu.memory_space<vmem>> -> memref<64xf32, #tpu.memory_space<vmem>>
      %dma_start3A_696 = arith.constant 0 : i32
      %dma_start3A_697 = tpu.memref_slice %arg8[%add3A_658, %dma_start3A_696] : memref<40x64xi32, #tpu.memory_space<vmem>> -> memref<1x64xi32, #tpu.memory_space<vmem>>
      %dma_start3A_698 = tpu.memref_squeeze %dma_start3A_697 : memref<1x64xi32, #tpu.memory_space<vmem>> -> memref<64xi32, #tpu.memory_space<vmem>>
      %dma_start3A_699 = arith.constant 0 : i32
      %dma_start3A_700 = tpu.memref_slice %arg13[%dma_start3A_699] : memref<10240xf32, #tpu.memory_space<vmem_shared>> -> memref<10240xf32, #tpu.memory_space<vmem_shared>>
      tpu.enqueue_indirect_dma source(%dma_start3A_695 : memref<64xf32, #tpu.memory_space<vmem>>) target(%dma_start3A_700 : memref<10240xf32, #tpu.memory_space<vmem_shared>>) offsets(%dma_start3A_698 : memref<64xi32, #tpu.memory_space<vmem>>) semaphore(%arg20 : memref<!tpu.dma_semaphore, #tpu.memory_space<semaphore_mem>>) {add = true}
      %dma_wait3A_701 = arith.constant 2 : i32
      %dma_wait3A_702 = arith.constant 0 : i32
      %dma_wait3A_703 = arith.constant 0 : i32
      %dma_wait3A_704 = tpu.memref_slice %arg10[%dma_wait3A_701, %dma_wait3A_702, %dma_wait3A_703] : memref<4x64x128xf32, #tpu.memory_space<vmem>> -> memref<1x64x128xf32, #tpu.memory_space<vmem>>
      %dma_wait3A_705 = tpu.memref_squeeze %dma_wait3A_704 : memref<1x64x128xf32, #tpu.memory_space<vmem>> -> memref<64x128xf32, #tpu.memory_space<vmem>>
      %dma_wait3A_706 = arith.constant 0 : i32
      %dma_wait3A_707 = tpu.memref_slice %arg9[%add3A_658, %dma_wait3A_706] : memref<40x64xi32, #tpu.memory_space<vmem>> -> memref<1x64xi32, #tpu.memory_space<vmem>>
      %dma_wait3A_708 = tpu.memref_squeeze %dma_wait3A_707 : memref<1x64xi32, #tpu.memory_space<vmem>> -> memref<64xi32, #tpu.memory_space<vmem>>
      %dma_wait3A_709 = arith.constant 0 : i32
      %dma_wait3A_710 = arith.constant 0 : i32
      %dma_wait3A_711 = tpu.memref_slice %arg12[%dma_wait3A_709, %dma_wait3A_710] : memref<10240x128xf32, #tpu.memory_space<vmem_shared>> -> memref<10240x128xf32, #tpu.memory_space<vmem_shared>>
      tpu.wait_indirect_dma semaphore(%arg20 : memref<!tpu.dma_semaphore, #tpu.memory_space<semaphore_mem>>) src(%dma_wait3A_705 : memref<64x128xf32, #tpu.memory_space<vmem>>) dst(%dma_wait3A_711 : memref<10240x128xf32, #tpu.memory_space<vmem_shared>>)
      %dma_wait3A_712 = arith.constant 2 : i32
      %dma_wait3A_713 = arith.constant 0 : i32
      %dma_wait3A_714 = tpu.memref_slice %arg11[%dma_wait3A_712, %dma_wait3A_713] : memref<4x64xf32, #tpu.memory_space<vmem>> -> memref<1x64xf32, #tpu.memory_space<vmem>>
      %dma_wait3A_715 = tpu.memref_squeeze %dma_wait3A_714 : memref<1x64xf32, #tpu.memory_space<vmem>> -> memref<64xf32, #tpu.memory_space<vmem>>
      %dma_wait3A_716 = arith.constant 0 : i32
      %dma_wait3A_717 = tpu.memref_slice %arg8[%add3A_658, %dma_wait3A_716] : memref<40x64xi32, #tpu.memory_space<vmem>> -> memref<1x64xi32, #tpu.memory_space<vmem>>
      %dma_wait3A_718 = tpu.memref_squeeze %dma_wait3A_717 : memref<1x64xi32, #tpu.memory_space<vmem>> -> memref<64xi32, #tpu.memory_space<vmem>>
      %dma_wait3A_719 = arith.constant 0 : i32
      %dma_wait3A_720 = tpu.memref_slice %arg13[%dma_wait3A_719] : memref<10240xf32, #tpu.memory_space<vmem_shared>> -> memref<10240xf32, #tpu.memory_space<vmem_shared>>
      tpu.wait_indirect_dma semaphore(%arg20 : memref<!tpu.dma_semaphore, #tpu.memory_space<semaphore_mem>>) src(%dma_wait3A_715 : memref<64xf32, #tpu.memory_space<vmem>>) dst(%dma_wait3A_720 : memref<10240xf32, #tpu.memory_space<vmem_shared>>)
      %add3A_721 = arith.constant 4 : i32
      %add3A_722 = arith.addi %add3A_658, %add3A_721 : i32
      %lt3A_723 = arith.constant 40 : i32
      %lt3A_724 = arith.cmpi slt, %add3A_722, %lt3A_723 : i32
      %convert_element_type3A_725 = arith.extui %lt3A_724 : i1 to i32
      %cond3A_726 = arith.constant 0 : i32
      %cond3A_727 = arith.cmpi ne, %convert_element_type3A_725, %cond3A_726 : i32
      scf.if %cond3A_727 {
        %add3A_799 = arith.constant 4 : i32
        %add3A_800 = arith.addi %add3A_658, %add3A_799 : i32
        %dma_start3A_801 = arith.constant 2 : i32
        %dma_start3A_802 = arith.constant 0 : i32
        %dma_start3A_803 = arith.constant 0 : i32
        %dma_start3A_804 = tpu.memref_slice %arg10[%dma_start3A_801, %dma_start3A_802, %dma_start3A_803] : memref<4x64x128xf32, #tpu.memory_space<vmem>> -> memref<1x64x128xf32, #tpu.memory_space<vmem>>
        %dma_start3A_805 = tpu.memref_squeeze %dma_start3A_804 : memref<1x64x128xf32, #tpu.memory_space<vmem>> -> memref<64x128xf32, #tpu.memory_space<vmem>>
        %dma_start3A_806 = arith.constant 0 : i32
        %dma_start3A_807 = tpu.memref_slice %arg8[%add3A_800, %dma_start3A_806] : memref<40x64xi32, #tpu.memory_space<vmem>> -> memref<1x64xi32, #tpu.memory_space<vmem>>
        %dma_start3A_808 = tpu.memref_squeeze %dma_start3A_807 : memref<1x64xi32, #tpu.memory_space<vmem>> -> memref<64xi32, #tpu.memory_space<vmem>>
        %dma_start3A_809 = arith.constant 0 : i32
        %dma_start3A_810 = arith.constant 0 : i32
        %dma_start3A_811 = tpu.memref_slice %arg2[%dma_start3A_809, %dma_start3A_810] : memref<10240x128xf32, #tpu.memory_space<hbm>> -> memref<10240x128xf32, #tpu.memory_space<hbm>>
        tpu.enqueue_indirect_dma source(%dma_start3A_811 : memref<10240x128xf32, #tpu.memory_space<hbm>>) target(%dma_start3A_805 : memref<64x128xf32, #tpu.memory_space<vmem>>) offsets(%dma_start3A_808 : memref<64xi32, #tpu.memory_space<vmem>>) semaphore(%arg16 : memref<!tpu.dma_semaphore, #tpu.memory_space<semaphore_mem>>)
        %add3A_812 = arith.constant 4 : i32
        %add3A_813 = arith.addi %add3A_658, %add3A_812 : i32
        %dma_start3A_814 = arith.constant 2 : i32
        %dma_start3A_815 = arith.constant 0 : i32
        %dma_start3A_816 = tpu.memref_slice %arg11[%dma_start3A_814, %dma_start3A_815] : memref<4x64xf32, #tpu.memory_space<vmem>> -> memref<1x64xf32, #tpu.memory_space<vmem>>
        %dma_start3A_817 = tpu.memref_squeeze %dma_start3A_816 : memref<1x64xf32, #tpu.memory_space<vmem>> -> memref<64xf32, #tpu.memory_space<vmem>>
        %dma_start3A_818 = arith.constant 0 : i32
        %dma_start3A_819 = tpu.memref_slice %arg9[%add3A_813, %dma_start3A_818] : memref<40x64xi32, #tpu.memory_space<vmem>> -> memref<1x64xi32, #tpu.memory_space<vmem>>
        %dma_start3A_820 = tpu.memref_squeeze %dma_start3A_819 : memref<1x64xi32, #tpu.memory_space<vmem>> -> memref<64xi32, #tpu.memory_space<vmem>>
        %dma_start3A_821 = arith.constant 0 : i32
        %dma_start3A_822 = tpu.memref_slice %arg5[%dma_start3A_821] : memref<10240xf32, #tpu.memory_space<hbm>> -> memref<10240xf32, #tpu.memory_space<hbm>>
        tpu.enqueue_indirect_dma source(%dma_start3A_822 : memref<10240xf32, #tpu.memory_space<hbm>>) target(%dma_start3A_817 : memref<64xf32, #tpu.memory_space<vmem>>) offsets(%dma_start3A_820 : memref<64xi32, #tpu.memory_space<vmem>>) semaphore(%arg16 : memref<!tpu.dma_semaphore, #tpu.memory_space<semaphore_mem>>)
      } else {
      }
      %add3A_728 = arith.constant 3 : i32
      %add3A_729 = arith.addi %add3A_518, %add3A_728 : i32
      %dma_wait3A_730 = arith.constant 3 : i32
      %dma_wait3A_731 = arith.constant 3 : i32
      %dma_wait3A_732 = arith.constant 0 : i32
      %dma_wait3A_733 = arith.constant 0 : i32
      %dma_wait3A_734 = tpu.memref_slice %arg10[%dma_wait3A_731, %dma_wait3A_732, %dma_wait3A_733] : memref<4x64x128xf32, #tpu.memory_space<vmem>> -> memref<1x64x128xf32, #tpu.memory_space<vmem>>
      %dma_wait3A_735 = tpu.memref_squeeze %dma_wait3A_734 : memref<1x64x128xf32, #tpu.memory_space<vmem>> -> memref<64x128xf32, #tpu.memory_space<vmem>>
      %dma_wait3A_736 = arith.constant 0 : i32
      %dma_wait3A_737 = tpu.memref_slice %arg8[%dma_wait3A_730, %dma_wait3A_736] : memref<40x64xi32, #tpu.memory_space<vmem>> -> memref<1x64xi32, #tpu.memory_space<vmem>>
      %dma_wait3A_738 = tpu.memref_squeeze %dma_wait3A_737 : memref<1x64xi32, #tpu.memory_space<vmem>> -> memref<64xi32, #tpu.memory_space<vmem>>
      %dma_wait3A_739 = arith.constant 0 : i32
      %dma_wait3A_740 = arith.constant 0 : i32
      %dma_wait3A_741 = tpu.memref_slice %arg2[%dma_wait3A_739, %dma_wait3A_740] : memref<10240x128xf32, #tpu.memory_space<hbm>> -> memref<10240x128xf32, #tpu.memory_space<hbm>>
      tpu.wait_indirect_dma semaphore(%arg17 : memref<!tpu.dma_semaphore, #tpu.memory_space<semaphore_mem>>) src(%dma_wait3A_741 : memref<10240x128xf32, #tpu.memory_space<hbm>>) dst(%dma_wait3A_735 : memref<64x128xf32, #tpu.memory_space<vmem>>)
      %dma_wait3A_742 = arith.constant 3 : i32
      %dma_wait3A_743 = arith.constant 3 : i32
      %dma_wait3A_744 = arith.constant 0 : i32
      %dma_wait3A_745 = tpu.memref_slice %arg11[%dma_wait3A_743, %dma_wait3A_744] : memref<4x64xf32, #tpu.memory_space<vmem>> -> memref<1x64xf32, #tpu.memory_space<vmem>>
      %dma_wait3A_746 = tpu.memref_squeeze %dma_wait3A_745 : memref<1x64xf32, #tpu.memory_space<vmem>> -> memref<64xf32, #tpu.memory_space<vmem>>
      %dma_wait3A_747 = arith.constant 0 : i32
      %dma_wait3A_748 = tpu.memref_slice %arg9[%dma_wait3A_742, %dma_wait3A_747] : memref<40x64xi32, #tpu.memory_space<vmem>> -> memref<1x64xi32, #tpu.memory_space<vmem>>
      %dma_wait3A_749 = tpu.memref_squeeze %dma_wait3A_748 : memref<1x64xi32, #tpu.memory_space<vmem>> -> memref<64xi32, #tpu.memory_space<vmem>>
      %dma_wait3A_750 = arith.constant 0 : i32
      %dma_wait3A_751 = tpu.memref_slice %arg5[%dma_wait3A_750] : memref<10240xf32, #tpu.memory_space<hbm>> -> memref<10240xf32, #tpu.memory_space<hbm>>
      tpu.wait_indirect_dma semaphore(%arg17 : memref<!tpu.dma_semaphore, #tpu.memory_space<semaphore_mem>>) src(%dma_wait3A_751 : memref<10240xf32, #tpu.memory_space<hbm>>) dst(%dma_wait3A_746 : memref<64xf32, #tpu.memory_space<vmem>>)
      %dma_start3A_752 = arith.constant 3 : i32
      %dma_start3A_753 = arith.constant 0 : i32
      %dma_start3A_754 = arith.constant 0 : i32
      %dma_start3A_755 = tpu.memref_slice %arg10[%dma_start3A_752, %dma_start3A_753, %dma_start3A_754] : memref<4x64x128xf32, #tpu.memory_space<vmem>> -> memref<1x64x128xf32, #tpu.memory_space<vmem>>
      %dma_start3A_756 = tpu.memref_squeeze %dma_start3A_755 : memref<1x64x128xf32, #tpu.memory_space<vmem>> -> memref<64x128xf32, #tpu.memory_space<vmem>>
      %dma_start3A_757 = arith.constant 0 : i32
      %dma_start3A_758 = tpu.memref_slice %arg9[%add3A_729, %dma_start3A_757] : memref<40x64xi32, #tpu.memory_space<vmem>> -> memref<1x64xi32, #tpu.memory_space<vmem>>
      %dma_start3A_759 = tpu.memref_squeeze %dma_start3A_758 : memref<1x64xi32, #tpu.memory_space<vmem>> -> memref<64xi32, #tpu.memory_space<vmem>>
      %dma_start3A_760 = arith.constant 0 : i32
      %dma_start3A_761 = arith.constant 0 : i32
      %dma_start3A_762 = tpu.memref_slice %arg12[%dma_start3A_760, %dma_start3A_761] : memref<10240x128xf32, #tpu.memory_space<vmem_shared>> -> memref<10240x128xf32, #tpu.memory_space<vmem_shared>>
      tpu.enqueue_indirect_dma source(%dma_start3A_756 : memref<64x128xf32, #tpu.memory_space<vmem>>) target(%dma_start3A_762 : memref<10240x128xf32, #tpu.memory_space<vmem_shared>>) offsets(%dma_start3A_759 : memref<64xi32, #tpu.memory_space<vmem>>) semaphore(%arg21 : memref<!tpu.dma_semaphore, #tpu.memory_space<semaphore_mem>>) {add = true}
      %dma_start3A_763 = arith.constant 3 : i32
      %dma_start3A_764 = arith.constant 0 : i32
      %dma_start3A_765 = tpu.memref_slice %arg11[%dma_start3A_763, %dma_start3A_764] : memref<4x64xf32, #tpu.memory_space<vmem>> -> memref<1x64xf32, #tpu.memory_space<vmem>>
      %dma_start3A_766 = tpu.memref_squeeze %dma_start3A_765 : memref<1x64xf32, #tpu.memory_space<vmem>> -> memref<64xf32, #tpu.memory_space<vmem>>
      %dma_start3A_767 = arith.constant 0 : i32
      %dma_start3A_768 = tpu.memref_slice %arg8[%add3A_729, %dma_start3A_767] : memref<40x64xi32, #tpu.memory_space<vmem>> -> memref<1x64xi32, #tpu.memory_space<vmem>>
      %dma_start3A_769 = tpu.memref_squeeze %dma_start3A_768 : memref<1x64xi32, #tpu.memory_space<vmem>> -> memref<64xi32, #tpu.memory_space<vmem>>
      %dma_start3A_770 = arith.constant 0 : i32
      %dma_start3A_771 = tpu.memref_slice %arg13[%dma_start3A_770] : memref<10240xf32, #tpu.memory_space<vmem_shared>> -> memref<10240xf32, #tpu.memory_space<vmem_shared>>
      tpu.enqueue_indirect_dma source(%dma_start3A_766 : memref<64xf32, #tpu.memory_space<vmem>>) target(%dma_start3A_771 : memref<10240xf32, #tpu.memory_space<vmem_shared>>) offsets(%dma_start3A_769 : memref<64xi32, #tpu.memory_space<vmem>>) semaphore(%arg21 : memref<!tpu.dma_semaphore, #tpu.memory_space<semaphore_mem>>) {add = true}
      %dma_wait3A_772 = arith.constant 3 : i32
      %dma_wait3A_773 = arith.constant 0 : i32
      %dma_wait3A_774 = arith.constant 0 : i32
      %dma_wait3A_775 = tpu.memref_slice %arg10[%dma_wait3A_772, %dma_wait3A_773, %dma_wait3A_774] : memref<4x64x128xf32, #tpu.memory_space<vmem>> -> memref<1x64x128xf32, #tpu.memory_space<vmem>>
      %dma_wait3A_776 = tpu.memref_squeeze %dma_wait3A_775 : memref<1x64x128xf32, #tpu.memory_space<vmem>> -> memref<64x128xf32, #tpu.memory_space<vmem>>
      %dma_wait3A_777 = arith.constant 0 : i32
      %dma_wait3A_778 = tpu.memref_slice %arg9[%add3A_729, %dma_wait3A_777] : memref<40x64xi32, #tpu.memory_space<vmem>> -> memref<1x64xi32, #tpu.memory_space<vmem>>
      %dma_wait3A_779 = tpu.memref_squeeze %dma_wait3A_778 : memref<1x64xi32, #tpu.memory_space<vmem>> -> memref<64xi32, #tpu.memory_space<vmem>>
      %dma_wait3A_780 = arith.constant 0 : i32
      %dma_wait3A_781 = arith.constant 0 : i32
      %dma_wait3A_782 = tpu.memref_slice %arg12[%dma_wait3A_780, %dma_wait3A_781] : memref<10240x128xf32, #tpu.memory_space<vmem_shared>> -> memref<10240x128xf32, #tpu.memory_space<vmem_shared>>
      tpu.wait_indirect_dma semaphore(%arg21 : memref<!tpu.dma_semaphore, #tpu.memory_space<semaphore_mem>>) src(%dma_wait3A_776 : memref<64x128xf32, #tpu.memory_space<vmem>>) dst(%dma_wait3A_782 : memref<10240x128xf32, #tpu.memory_space<vmem_shared>>)
      %dma_wait3A_783 = arith.constant 3 : i32
      %dma_wait3A_784 = arith.constant 0 : i32
      %dma_wait3A_785 = tpu.memref_slice %arg11[%dma_wait3A_783, %dma_wait3A_784] : memref<4x64xf32, #tpu.memory_space<vmem>> -> memref<1x64xf32, #tpu.memory_space<vmem>>
      %dma_wait3A_786 = tpu.memref_squeeze %dma_wait3A_785 : memref<1x64xf32, #tpu.memory_space<vmem>> -> memref<64xf32, #tpu.memory_space<vmem>>
      %dma_wait3A_787 = arith.constant 0 : i32
      %dma_wait3A_788 = tpu.memref_slice %arg8[%add3A_729, %dma_wait3A_787] : memref<40x64xi32, #tpu.memory_space<vmem>> -> memref<1x64xi32, #tpu.memory_space<vmem>>
      %dma_wait3A_789 = tpu.memref_squeeze %dma_wait3A_788 : memref<1x64xi32, #tpu.memory_space<vmem>> -> memref<64xi32, #tpu.memory_space<vmem>>
      %dma_wait3A_790 = arith.constant 0 : i32
      %dma_wait3A_791 = tpu.memref_slice %arg13[%dma_wait3A_790] : memref<10240xf32, #tpu.memory_space<vmem_shared>> -> memref<10240xf32, #tpu.memory_space<vmem_shared>>
      tpu.wait_indirect_dma semaphore(%arg21 : memref<!tpu.dma_semaphore, #tpu.memory_space<semaphore_mem>>) src(%dma_wait3A_786 : memref<64xf32, #tpu.memory_space<vmem>>) dst(%dma_wait3A_791 : memref<10240xf32, #tpu.memory_space<vmem_shared>>)
      %add3A_792 = arith.constant 4 : i32
      %add3A_793 = arith.addi %add3A_729, %add3A_792 : i32
      %lt3A_794 = arith.constant 40 : i32
      %lt3A_795 = arith.cmpi slt, %add3A_793, %lt3A_794 : i32
      %convert_element_type3A_796 = arith.extui %lt3A_795 : i1 to i32
      %cond3A_797 = arith.constant 0 : i32
      %cond3A_798 = arith.cmpi ne, %convert_element_type3A_796, %cond3A_797 : i32
      scf.if %cond3A_798 {
        %add3A_799 = arith.constant 4 : i32
        %add3A_800 = arith.addi %add3A_729, %add3A_799 : i32
        %dma_start3A_801 = arith.constant 3 : i32
        %dma_start3A_802 = arith.constant 0 : i32
        %dma_start3A_803 = arith.constant 0 : i32
        %dma_start3A_804 = tpu.memref_slice %arg10[%dma_start3A_801, %dma_start3A_802, %dma_start3A_803] : memref<4x64x128xf32, #tpu.memory_space<vmem>> -> memref<1x64x128xf32, #tpu.memory_space<vmem>>
        %dma_start3A_805 = tpu.memref_squeeze %dma_start3A_804 : memref<1x64x128xf32, #tpu.memory_space<vmem>> -> memref<64x128xf32, #tpu.memory_space<vmem>>
        %dma_start3A_806 = arith.constant 0 : i32
        %dma_start3A_807 = tpu.memref_slice %arg8[%add3A_800, %dma_start3A_806] : memref<40x64xi32, #tpu.memory_space<vmem>> -> memref<1x64xi32, #tpu.memory_space<vmem>>
        %dma_start3A_808 = tpu.memref_squeeze %dma_start3A_807 : memref<1x64xi32, #tpu.memory_space<vmem>> -> memref<64xi32, #tpu.memory_space<vmem>>
        %dma_start3A_809 = arith.constant 0 : i32
        %dma_start3A_810 = arith.constant 0 : i32
        %dma_start3A_811 = tpu.memref_slice %arg2[%dma_start3A_809, %dma_start3A_810] : memref<10240x128xf32, #tpu.memory_space<hbm>> -> memref<10240x128xf32, #tpu.memory_space<hbm>>
        tpu.enqueue_indirect_dma source(%dma_start3A_811 : memref<10240x128xf32, #tpu.memory_space<hbm>>) target(%dma_start3A_805 : memref<64x128xf32, #tpu.memory_space<vmem>>) offsets(%dma_start3A_808 : memref<64xi32, #tpu.memory_space<vmem>>) semaphore(%arg17 : memref<!tpu.dma_semaphore, #tpu.memory_space<semaphore_mem>>)
        %add3A_812 = arith.constant 4 : i32
        %add3A_813 = arith.addi %add3A_729, %add3A_812 : i32
        %dma_start3A_814 = arith.constant 3 : i32
        %dma_start3A_815 = arith.constant 0 : i32
        %dma_start3A_816 = tpu.memref_slice %arg11[%dma_start3A_814, %dma_start3A_815] : memref<4x64xf32, #tpu.memory_space<vmem>> -> memref<1x64xf32, #tpu.memory_space<vmem>>
        %dma_start3A_817 = tpu.memref_squeeze %dma_start3A_816 : memref<1x64xf32, #tpu.memory_space<vmem>> -> memref<64xf32, #tpu.memory_space<vmem>>
        %dma_start3A_818 = arith.constant 0 : i32
        %dma_start3A_819 = tpu.memref_slice %arg9[%add3A_813, %dma_start3A_818] : memref<40x64xi32, #tpu.memory_space<vmem>> -> memref<1x64xi32, #tpu.memory_space<vmem>>
        %dma_start3A_820 = tpu.memref_squeeze %dma_start3A_819 : memref<1x64xi32, #tpu.memory_space<vmem>> -> memref<64xi32, #tpu.memory_space<vmem>>
        %dma_start3A_821 = arith.constant 0 : i32
        %dma_start3A_822 = tpu.memref_slice %arg5[%dma_start3A_821] : memref<10240xf32, #tpu.memory_space<hbm>> -> memref<10240xf32, #tpu.memory_space<hbm>>
        tpu.enqueue_indirect_dma source(%dma_start3A_822 : memref<10240xf32, #tpu.memory_space<hbm>>) target(%dma_start3A_817 : memref<64xf32, #tpu.memory_space<vmem>>) offsets(%dma_start3A_820 : memref<64xi32, #tpu.memory_space<vmem>>) semaphore(%arg17 : memref<!tpu.dma_semaphore, #tpu.memory_space<semaphore_mem>>)
      } else {
      }
    }
    %scan3A_411 = arith.constant 10 : i32
    "tpu.region"() ({
      %run_scoped3A_514 = tpu.sem_alloc : memref<!tpu.dma_semaphore, #tpu.memory_space<semaphore_mem>>
      %dma_start3A_515 = arith.constant 120 : i32
      %dma_start3A_516 = arith.constant 0 : i32
      %dma_start3A_517 = tpu.memref_slice %arg3[%add3A, %dma_start3A_515, %dma_start3A_516] : memref<32x160x64xi32, #tpu.memory_space<hbm>> -> memref<1x40x64xi32, #tpu.memory_space<hbm>>
      %dma_start3A_518 = tpu.memref_squeeze %dma_start3A_517 : memref<1x40x64xi32, #tpu.memory_space<hbm>> -> memref<40x64xi32, #tpu.memory_space<hbm>>
      %dma_start3A_519 = arith.constant 120 : i32
      %dma_start3A_520 = arith.constant 0 : i32
      %dma_start3A_521 = tpu.memref_slice %arg3[%add3A, %dma_start3A_519, %dma_start3A_520] : memref<32x160x64xi32, #tpu.memory_space<hbm>> -> memref<1x40x64xi32, #tpu.memory_space<hbm>>
      %dma_start3A_522 = tpu.memref_squeeze %dma_start3A_521 : memref<1x40x64xi32, #tpu.memory_space<hbm>> -> memref<40x64xi32, #tpu.memory_space<hbm>>
      tpu.enqueue_dma source(%dma_start3A_522 : memref<40x64xi32, #tpu.memory_space<hbm>>) target(%arg8 : memref<40x64xi32, #tpu.memory_space<vmem>>) target_semaphore(%run_scoped3A_514 : memref<!tpu.dma_semaphore, #tpu.memory_space<semaphore_mem>>)
      %dma_wait3A = arith.constant 120 : i32
      %dma_wait3A_523 = arith.constant 0 : i32
      %dma_wait3A_524 = tpu.memref_slice %arg3[%add3A, %dma_wait3A, %dma_wait3A_523] : memref<32x160x64xi32, #tpu.memory_space<hbm>> -> memref<1x40x64xi32, #tpu.memory_space<hbm>>
      %dma_wait3A_525 = tpu.memref_squeeze %dma_wait3A_524 : memref<1x40x64xi32, #tpu.memory_space<hbm>> -> memref<40x64xi32, #tpu.memory_space<hbm>>
      %dma_wait3A_526 = arith.constant 120 : i32
      %dma_wait3A_527 = arith.constant 0 : i32
      %dma_wait3A_528 = tpu.memref_slice %arg3[%add3A, %dma_wait3A_526, %dma_wait3A_527] : memref<32x160x64xi32, #tpu.memory_space<hbm>> -> memref<1x40x64xi32, #tpu.memory_space<hbm>>
      %dma_wait3A_529 = tpu.memref_squeeze %dma_wait3A_528 : memref<1x40x64xi32, #tpu.memory_space<hbm>> -> memref<40x64xi32, #tpu.memory_space<hbm>>
      tpu.wait_dma2 semaphore(%run_scoped3A_514 : memref<!tpu.dma_semaphore, #tpu.memory_space<semaphore_mem>>) src(%dma_wait3A_529 : memref<40x64xi32, #tpu.memory_space<hbm>>) dst(%arg8 : memref<40x64xi32, #tpu.memory_space<vmem>>)
      tpu.yield
    }) : () -> ()
    "tpu.region"() ({
      %run_scoped3A_514 = tpu.sem_alloc : memref<!tpu.dma_semaphore, #tpu.memory_space<semaphore_mem>>
      %dma_start3A_515 = arith.constant 120 : i32
      %dma_start3A_516 = arith.constant 0 : i32
      %dma_start3A_517 = tpu.memref_slice %arg4[%add3A, %dma_start3A_515, %dma_start3A_516] : memref<32x160x64xi32, #tpu.memory_space<hbm>> -> memref<1x40x64xi32, #tpu.memory_space<hbm>>
      %dma_start3A_518 = tpu.memref_squeeze %dma_start3A_517 : memref<1x40x64xi32, #tpu.memory_space<hbm>> -> memref<40x64xi32, #tpu.memory_space<hbm>>
      %dma_start3A_519 = arith.constant 120 : i32
      %dma_start3A_520 = arith.constant 0 : i32
      %dma_start3A_521 = tpu.memref_slice %arg4[%add3A, %dma_start3A_519, %dma_start3A_520] : memref<32x160x64xi32, #tpu.memory_space<hbm>> -> memref<1x40x64xi32, #tpu.memory_space<hbm>>
      %dma_start3A_522 = tpu.memref_squeeze %dma_start3A_521 : memref<1x40x64xi32, #tpu.memory_space<hbm>> -> memref<40x64xi32, #tpu.memory_space<hbm>>
      tpu.enqueue_dma source(%dma_start3A_522 : memref<40x64xi32, #tpu.memory_space<hbm>>) target(%arg9 : memref<40x64xi32, #tpu.memory_space<vmem>>) target_semaphore(%run_scoped3A_514 : memref<!tpu.dma_semaphore, #tpu.memory_space<semaphore_mem>>)
      %dma_wait3A = arith.constant 120 : i32
      %dma_wait3A_523 = arith.constant 0 : i32
      %dma_wait3A_524 = tpu.memref_slice %arg4[%add3A, %dma_wait3A, %dma_wait3A_523] : memref<32x160x64xi32, #tpu.memory_space<hbm>> -> memref<1x40x64xi32, #tpu.memory_space<hbm>>
      %dma_wait3A_525 = tpu.memref_squeeze %dma_wait3A_524 : memref<1x40x64xi32, #tpu.memory_space<hbm>> -> memref<40x64xi32, #tpu.memory_space<hbm>>
      %dma_wait3A_526 = arith.constant 120 : i32
      %dma_wait3A_527 = arith.constant 0 : i32
      %dma_wait3A_528 = tpu.memref_slice %arg4[%add3A, %dma_wait3A_526, %dma_wait3A_527] : memref<32x160x64xi32, #tpu.memory_space<hbm>> -> memref<1x40x64xi32, #tpu.memory_space<hbm>>
      %dma_wait3A_529 = tpu.memref_squeeze %dma_wait3A_528 : memref<1x40x64xi32, #tpu.memory_space<hbm>> -> memref<40x64xi32, #tpu.memory_space<hbm>>
      tpu.wait_dma2 semaphore(%run_scoped3A_514 : memref<!tpu.dma_semaphore, #tpu.memory_space<semaphore_mem>>) src(%dma_wait3A_529 : memref<40x64xi32, #tpu.memory_space<hbm>>) dst(%arg9 : memref<40x64xi32, #tpu.memory_space<vmem>>)
      tpu.yield
    }) : () -> ()
    %dma_start3A_412 = arith.constant 0 : i32
    %dma_start3A_413 = arith.constant 0 : i32
    %dma_start3A_414 = arith.constant 0 : i32
    %dma_start3A_415 = arith.constant 0 : i32
    %dma_start3A_416 = tpu.memref_slice %arg10[%dma_start3A_413, %dma_start3A_414, %dma_start3A_415] : memref<4x64x128xf32, #tpu.memory_space<vmem>> -> memref<1x64x128xf32, #tpu.memory_space<vmem>>
    %dma_start3A_417 = tpu.memref_squeeze %dma_start3A_416 : memref<1x64x128xf32, #tpu.memory_space<vmem>> -> memref<64x128xf32, #tpu.memory_space<vmem>>
    %dma_start3A_418 = arith.constant 0 : i32
    %dma_start3A_419 = tpu.memref_slice %arg8[%dma_start3A_412, %dma_start3A_418] : memref<40x64xi32, #tpu.memory_space<vmem>> -> memref<1x64xi32, #tpu.memory_space<vmem>>
    %dma_start3A_420 = tpu.memref_squeeze %dma_start3A_419 : memref<1x64xi32, #tpu.memory_space<vmem>> -> memref<64xi32, #tpu.memory_space<vmem>>
    %dma_start3A_421 = arith.constant 0 : i32
    %dma_start3A_422 = arith.constant 0 : i32
    %dma_start3A_423 = tpu.memref_slice %arg2[%dma_start3A_421, %dma_start3A_422] : memref<10240x128xf32, #tpu.memory_space<hbm>> -> memref<10240x128xf32, #tpu.memory_space<hbm>>
    tpu.enqueue_indirect_dma source(%dma_start3A_423 : memref<10240x128xf32, #tpu.memory_space<hbm>>) target(%dma_start3A_417 : memref<64x128xf32, #tpu.memory_space<vmem>>) offsets(%dma_start3A_420 : memref<64xi32, #tpu.memory_space<vmem>>) semaphore(%arg14 : memref<!tpu.dma_semaphore, #tpu.memory_space<semaphore_mem>>)
    %dma_start3A_424 = arith.constant 0 : i32
    %dma_start3A_425 = arith.constant 0 : i32
    %dma_start3A_426 = arith.constant 0 : i32
    %dma_start3A_427 = tpu.memref_slice %arg11[%dma_start3A_425, %dma_start3A_426] : memref<4x64xf32, #tpu.memory_space<vmem>> -> memref<1x64xf32, #tpu.memory_space<vmem>>
    %dma_start3A_428 = tpu.memref_squeeze %dma_start3A_427 : memref<1x64xf32, #tpu.memory_space<vmem>> -> memref<64xf32, #tpu.memory_space<vmem>>
    %dma_start3A_429 = arith.constant 0 : i32
    %dma_start3A_430 = tpu.memref_slice %arg9[%dma_start3A_424, %dma_start3A_429] : memref<40x64xi32, #tpu.memory_space<vmem>> -> memref<1x64xi32, #tpu.memory_space<vmem>>
    %dma_start3A_431 = tpu.memref_squeeze %dma_start3A_430 : memref<1x64xi32, #tpu.memory_space<vmem>> -> memref<64xi32, #tpu.memory_space<vmem>>
    %dma_start3A_432 = arith.constant 0 : i32
    %dma_start3A_433 = tpu.memref_slice %arg5[%dma_start3A_432] : memref<10240xf32, #tpu.memory_space<hbm>> -> memref<10240xf32, #tpu.memory_space<hbm>>
    tpu.enqueue_indirect_dma source(%dma_start3A_433 : memref<10240xf32, #tpu.memory_space<hbm>>) target(%dma_start3A_428 : memref<64xf32, #tpu.memory_space<vmem>>) offsets(%dma_start3A_431 : memref<64xi32, #tpu.memory_space<vmem>>) semaphore(%arg14 : memref<!tpu.dma_semaphore, #tpu.memory_space<semaphore_mem>>)
    %dma_start3A_434 = arith.constant 1 : i32
    %dma_start3A_435 = arith.constant 1 : i32
    %dma_start3A_436 = arith.constant 0 : i32
    %dma_start3A_437 = arith.constant 0 : i32
    %dma_start3A_438 = tpu.memref_slice %arg10[%dma_start3A_435, %dma_start3A_436, %dma_start3A_437] : memref<4x64x128xf32, #tpu.memory_space<vmem>> -> memref<1x64x128xf32, #tpu.memory_space<vmem>>
    %dma_start3A_439 = tpu.memref_squeeze %dma_start3A_438 : memref<1x64x128xf32, #tpu.memory_space<vmem>> -> memref<64x128xf32, #tpu.memory_space<vmem>>
    %dma_start3A_440 = arith.constant 0 : i32
    %dma_start3A_441 = tpu.memref_slice %arg8[%dma_start3A_434, %dma_start3A_440] : memref<40x64xi32, #tpu.memory_space<vmem>> -> memref<1x64xi32, #tpu.memory_space<vmem>>
    %dma_start3A_442 = tpu.memref_squeeze %dma_start3A_441 : memref<1x64xi32, #tpu.memory_space<vmem>> -> memref<64xi32, #tpu.memory_space<vmem>>
    %dma_start3A_443 = arith.constant 0 : i32
    %dma_start3A_444 = arith.constant 0 : i32
    %dma_start3A_445 = tpu.memref_slice %arg2[%dma_start3A_443, %dma_start3A_444] : memref<10240x128xf32, #tpu.memory_space<hbm>> -> memref<10240x128xf32, #tpu.memory_space<hbm>>
    tpu.enqueue_indirect_dma source(%dma_start3A_445 : memref<10240x128xf32, #tpu.memory_space<hbm>>) target(%dma_start3A_439 : memref<64x128xf32, #tpu.memory_space<vmem>>) offsets(%dma_start3A_442 : memref<64xi32, #tpu.memory_space<vmem>>) semaphore(%arg15 : memref<!tpu.dma_semaphore, #tpu.memory_space<semaphore_mem>>)
    %dma_start3A_446 = arith.constant 1 : i32
    %dma_start3A_447 = arith.constant 1 : i32
    %dma_start3A_448 = arith.constant 0 : i32
    %dma_start3A_449 = tpu.memref_slice %arg11[%dma_start3A_447, %dma_start3A_448] : memref<4x64xf32, #tpu.memory_space<vmem>> -> memref<1x64xf32, #tpu.memory_space<vmem>>
    %dma_start3A_450 = tpu.memref_squeeze %dma_start3A_449 : memref<1x64xf32, #tpu.memory_space<vmem>> -> memref<64xf32, #tpu.memory_space<vmem>>
    %dma_start3A_451 = arith.constant 0 : i32
    %dma_start3A_452 = tpu.memref_slice %arg9[%dma_start3A_446, %dma_start3A_451] : memref<40x64xi32, #tpu.memory_space<vmem>> -> memref<1x64xi32, #tpu.memory_space<vmem>>
    %dma_start3A_453 = tpu.memref_squeeze %dma_start3A_452 : memref<1x64xi32, #tpu.memory_space<vmem>> -> memref<64xi32, #tpu.memory_space<vmem>>
    %dma_start3A_454 = arith.constant 0 : i32
    %dma_start3A_455 = tpu.memref_slice %arg5[%dma_start3A_454] : memref<10240xf32, #tpu.memory_space<hbm>> -> memref<10240xf32, #tpu.memory_space<hbm>>
    tpu.enqueue_indirect_dma source(%dma_start3A_455 : memref<10240xf32, #tpu.memory_space<hbm>>) target(%dma_start3A_450 : memref<64xf32, #tpu.memory_space<vmem>>) offsets(%dma_start3A_453 : memref<64xi32, #tpu.memory_space<vmem>>) semaphore(%arg15 : memref<!tpu.dma_semaphore, #tpu.memory_space<semaphore_mem>>)
    %dma_start3A_456 = arith.constant 2 : i32
    %dma_start3A_457 = arith.constant 2 : i32
    %dma_start3A_458 = arith.constant 0 : i32
    %dma_start3A_459 = arith.constant 0 : i32
    %dma_start3A_460 = tpu.memref_slice %arg10[%dma_start3A_457, %dma_start3A_458, %dma_start3A_459] : memref<4x64x128xf32, #tpu.memory_space<vmem>> -> memref<1x64x128xf32, #tpu.memory_space<vmem>>
    %dma_start3A_461 = tpu.memref_squeeze %dma_start3A_460 : memref<1x64x128xf32, #tpu.memory_space<vmem>> -> memref<64x128xf32, #tpu.memory_space<vmem>>
    %dma_start3A_462 = arith.constant 0 : i32
    %dma_start3A_463 = tpu.memref_slice %arg8[%dma_start3A_456, %dma_start3A_462] : memref<40x64xi32, #tpu.memory_space<vmem>> -> memref<1x64xi32, #tpu.memory_space<vmem>>
    %dma_start3A_464 = tpu.memref_squeeze %dma_start3A_463 : memref<1x64xi32, #tpu.memory_space<vmem>> -> memref<64xi32, #tpu.memory_space<vmem>>
    %dma_start3A_465 = arith.constant 0 : i32
    %dma_start3A_466 = arith.constant 0 : i32
    %dma_start3A_467 = tpu.memref_slice %arg2[%dma_start3A_465, %dma_start3A_466] : memref<10240x128xf32, #tpu.memory_space<hbm>> -> memref<10240x128xf32, #tpu.memory_space<hbm>>
    tpu.enqueue_indirect_dma source(%dma_start3A_467 : memref<10240x128xf32, #tpu.memory_space<hbm>>) target(%dma_start3A_461 : memref<64x128xf32, #tpu.memory_space<vmem>>) offsets(%dma_start3A_464 : memref<64xi32, #tpu.memory_space<vmem>>) semaphore(%arg16 : memref<!tpu.dma_semaphore, #tpu.memory_space<semaphore_mem>>)
    %dma_start3A_468 = arith.constant 2 : i32
    %dma_start3A_469 = arith.constant 2 : i32
    %dma_start3A_470 = arith.constant 0 : i32
    %dma_start3A_471 = tpu.memref_slice %arg11[%dma_start3A_469, %dma_start3A_470] : memref<4x64xf32, #tpu.memory_space<vmem>> -> memref<1x64xf32, #tpu.memory_space<vmem>>
    %dma_start3A_472 = tpu.memref_squeeze %dma_start3A_471 : memref<1x64xf32, #tpu.memory_space<vmem>> -> memref<64xf32, #tpu.memory_space<vmem>>
    %dma_start3A_473 = arith.constant 0 : i32
    %dma_start3A_474 = tpu.memref_slice %arg9[%dma_start3A_468, %dma_start3A_473] : memref<40x64xi32, #tpu.memory_space<vmem>> -> memref<1x64xi32, #tpu.memory_space<vmem>>
    %dma_start3A_475 = tpu.memref_squeeze %dma_start3A_474 : memref<1x64xi32, #tpu.memory_space<vmem>> -> memref<64xi32, #tpu.memory_space<vmem>>
    %dma_start3A_476 = arith.constant 0 : i32
    %dma_start3A_477 = tpu.memref_slice %arg5[%dma_start3A_476] : memref<10240xf32, #tpu.memory_space<hbm>> -> memref<10240xf32, #tpu.memory_space<hbm>>
    tpu.enqueue_indirect_dma source(%dma_start3A_477 : memref<10240xf32, #tpu.memory_space<hbm>>) target(%dma_start3A_472 : memref<64xf32, #tpu.memory_space<vmem>>) offsets(%dma_start3A_475 : memref<64xi32, #tpu.memory_space<vmem>>) semaphore(%arg16 : memref<!tpu.dma_semaphore, #tpu.memory_space<semaphore_mem>>)
    %dma_start3A_478 = arith.constant 3 : i32
    %dma_start3A_479 = arith.constant 3 : i32
    %dma_start3A_480 = arith.constant 0 : i32
    %dma_start3A_481 = arith.constant 0 : i32
    %dma_start3A_482 = tpu.memref_slice %arg10[%dma_start3A_479, %dma_start3A_480, %dma_start3A_481] : memref<4x64x128xf32, #tpu.memory_space<vmem>> -> memref<1x64x128xf32, #tpu.memory_space<vmem>>
    %dma_start3A_483 = tpu.memref_squeeze %dma_start3A_482 : memref<1x64x128xf32, #tpu.memory_space<vmem>> -> memref<64x128xf32, #tpu.memory_space<vmem>>
    %dma_start3A_484 = arith.constant 0 : i32
    %dma_start3A_485 = tpu.memref_slice %arg8[%dma_start3A_478, %dma_start3A_484] : memref<40x64xi32, #tpu.memory_space<vmem>> -> memref<1x64xi32, #tpu.memory_space<vmem>>
    %dma_start3A_486 = tpu.memref_squeeze %dma_start3A_485 : memref<1x64xi32, #tpu.memory_space<vmem>> -> memref<64xi32, #tpu.memory_space<vmem>>
    %dma_start3A_487 = arith.constant 0 : i32
    %dma_start3A_488 = arith.constant 0 : i32
    %dma_start3A_489 = tpu.memref_slice %arg2[%dma_start3A_487, %dma_start3A_488] : memref<10240x128xf32, #tpu.memory_space<hbm>> -> memref<10240x128xf32, #tpu.memory_space<hbm>>
    tpu.enqueue_indirect_dma source(%dma_start3A_489 : memref<10240x128xf32, #tpu.memory_space<hbm>>) target(%dma_start3A_483 : memref<64x128xf32, #tpu.memory_space<vmem>>) offsets(%dma_start3A_486 : memref<64xi32, #tpu.memory_space<vmem>>) semaphore(%arg17 : memref<!tpu.dma_semaphore, #tpu.memory_space<semaphore_mem>>)
    %dma_start3A_490 = arith.constant 3 : i32
    %dma_start3A_491 = arith.constant 3 : i32
    %dma_start3A_492 = arith.constant 0 : i32
    %dma_start3A_493 = tpu.memref_slice %arg11[%dma_start3A_491, %dma_start3A_492] : memref<4x64xf32, #tpu.memory_space<vmem>> -> memref<1x64xf32, #tpu.memory_space<vmem>>
    %dma_start3A_494 = tpu.memref_squeeze %dma_start3A_493 : memref<1x64xf32, #tpu.memory_space<vmem>> -> memref<64xf32, #tpu.memory_space<vmem>>
    %dma_start3A_495 = arith.constant 0 : i32
    %dma_start3A_496 = tpu.memref_slice %arg9[%dma_start3A_490, %dma_start3A_495] : memref<40x64xi32, #tpu.memory_space<vmem>> -> memref<1x64xi32, #tpu.memory_space<vmem>>
    %dma_start3A_497 = tpu.memref_squeeze %dma_start3A_496 : memref<1x64xi32, #tpu.memory_space<vmem>> -> memref<64xi32, #tpu.memory_space<vmem>>
    %dma_start3A_498 = arith.constant 0 : i32
    %dma_start3A_499 = tpu.memref_slice %arg5[%dma_start3A_498] : memref<10240xf32, #tpu.memory_space<hbm>> -> memref<10240xf32, #tpu.memory_space<hbm>>
    tpu.enqueue_indirect_dma source(%dma_start3A_499 : memref<10240xf32, #tpu.memory_space<hbm>>) target(%dma_start3A_494 : memref<64xf32, #tpu.memory_space<vmem>>) offsets(%dma_start3A_497 : memref<64xi32, #tpu.memory_space<vmem>>) semaphore(%arg17 : memref<!tpu.dma_semaphore, #tpu.memory_space<semaphore_mem>>)
    %scan3A_500 = arith.constant 0 : i32
    %scan3A_501 = arith.constant 10 : i32
    %scan3A_502 = arith.addi %scan3A_500, %scan3A_501 : i32
    %scan3A_503 = arith.constant 1 : i32
    scf.for %scan3A_514 = %scan3A_500 to %scan3A_502 step %scan3A_503  : i32 {
      %mul3A_515 = arith.constant 4 : i32
      %mul3A_516 = arith.muli %scan3A_514, %mul3A_515 : i32
      %add3A_517 = arith.constant 0 : i32
      %add3A_518 = arith.addi %add3A_517, %mul3A_516 : i32
      %add3A_519 = arith.constant 0 : i32
      %add3A_520 = arith.addi %add3A_518, %add3A_519 : i32
      %dma_wait3A = arith.constant 0 : i32
      %dma_wait3A_521 = arith.constant 0 : i32
      %dma_wait3A_522 = arith.constant 0 : i32
      %dma_wait3A_523 = arith.constant 0 : i32
      %dma_wait3A_524 = tpu.memref_slice %arg10[%dma_wait3A_521, %dma_wait3A_522, %dma_wait3A_523] : memref<4x64x128xf32, #tpu.memory_space<vmem>> -> memref<1x64x128xf32, #tpu.memory_space<vmem>>
      %dma_wait3A_525 = tpu.memref_squeeze %dma_wait3A_524 : memref<1x64x128xf32, #tpu.memory_space<vmem>> -> memref<64x128xf32, #tpu.memory_space<vmem>>
      %dma_wait3A_526 = arith.constant 0 : i32
      %dma_wait3A_527 = tpu.memref_slice %arg8[%dma_wait3A, %dma_wait3A_526] : memref<40x64xi32, #tpu.memory_space<vmem>> -> memref<1x64xi32, #tpu.memory_space<vmem>>
      %dma_wait3A_528 = tpu.memref_squeeze %dma_wait3A_527 : memref<1x64xi32, #tpu.memory_space<vmem>> -> memref<64xi32, #tpu.memory_space<vmem>>
      %dma_wait3A_529 = arith.constant 0 : i32
      %dma_wait3A_530 = arith.constant 0 : i32
      %dma_wait3A_531 = tpu.memref_slice %arg2[%dma_wait3A_529, %dma_wait3A_530] : memref<10240x128xf32, #tpu.memory_space<hbm>> -> memref<10240x128xf32, #tpu.memory_space<hbm>>
      tpu.wait_indirect_dma semaphore(%arg14 : memref<!tpu.dma_semaphore, #tpu.memory_space<semaphore_mem>>) src(%dma_wait3A_531 : memref<10240x128xf32, #tpu.memory_space<hbm>>) dst(%dma_wait3A_525 : memref<64x128xf32, #tpu.memory_space<vmem>>)
      %dma_wait3A_532 = arith.constant 0 : i32
      %dma_wait3A_533 = arith.constant 0 : i32
      %dma_wait3A_534 = arith.constant 0 : i32
      %dma_wait3A_535 = tpu.memref_slice %arg11[%dma_wait3A_533, %dma_wait3A_534] : memref<4x64xf32, #tpu.memory_space<vmem>> -> memref<1x64xf32, #tpu.memory_space<vmem>>
      %dma_wait3A_536 = tpu.memref_squeeze %dma_wait3A_535 : memref<1x64xf32, #tpu.memory_space<vmem>> -> memref<64xf32, #tpu.memory_space<vmem>>
      %dma_wait3A_537 = arith.constant 0 : i32
      %dma_wait3A_538 = tpu.memref_slice %arg9[%dma_wait3A_532, %dma_wait3A_537] : memref<40x64xi32, #tpu.memory_space<vmem>> -> memref<1x64xi32, #tpu.memory_space<vmem>>
      %dma_wait3A_539 = tpu.memref_squeeze %dma_wait3A_538 : memref<1x64xi32, #tpu.memory_space<vmem>> -> memref<64xi32, #tpu.memory_space<vmem>>
      %dma_wait3A_540 = arith.constant 0 : i32
      %dma_wait3A_541 = tpu.memref_slice %arg5[%dma_wait3A_540] : memref<10240xf32, #tpu.memory_space<hbm>> -> memref<10240xf32, #tpu.memory_space<hbm>>
      tpu.wait_indirect_dma semaphore(%arg14 : memref<!tpu.dma_semaphore, #tpu.memory_space<semaphore_mem>>) src(%dma_wait3A_541 : memref<10240xf32, #tpu.memory_space<hbm>>) dst(%dma_wait3A_536 : memref<64xf32, #tpu.memory_space<vmem>>)
      %dma_start3A_542 = arith.constant 0 : i32
      %dma_start3A_543 = arith.constant 0 : i32
      %dma_start3A_544 = arith.constant 0 : i32
      %dma_start3A_545 = tpu.memref_slice %arg10[%dma_start3A_542, %dma_start3A_543, %dma_start3A_544] : memref<4x64x128xf32, #tpu.memory_space<vmem>> -> memref<1x64x128xf32, #tpu.memory_space<vmem>>
      %dma_start3A_546 = tpu.memref_squeeze %dma_start3A_545 : memref<1x64x128xf32, #tpu.memory_space<vmem>> -> memref<64x128xf32, #tpu.memory_space<vmem>>
      %dma_start3A_547 = arith.constant 0 : i32
      %dma_start3A_548 = tpu.memref_slice %arg9[%add3A_520, %dma_start3A_547] : memref<40x64xi32, #tpu.memory_space<vmem>> -> memref<1x64xi32, #tpu.memory_space<vmem>>
      %dma_start3A_549 = tpu.memref_squeeze %dma_start3A_548 : memref<1x64xi32, #tpu.memory_space<vmem>> -> memref<64xi32, #tpu.memory_space<vmem>>
      %dma_start3A_550 = arith.constant 0 : i32
      %dma_start3A_551 = arith.constant 0 : i32
      %dma_start3A_552 = tpu.memref_slice %arg12[%dma_start3A_550, %dma_start3A_551] : memref<10240x128xf32, #tpu.memory_space<vmem_shared>> -> memref<10240x128xf32, #tpu.memory_space<vmem_shared>>
      tpu.enqueue_indirect_dma source(%dma_start3A_546 : memref<64x128xf32, #tpu.memory_space<vmem>>) target(%dma_start3A_552 : memref<10240x128xf32, #tpu.memory_space<vmem_shared>>) offsets(%dma_start3A_549 : memref<64xi32, #tpu.memory_space<vmem>>) semaphore(%arg18 : memref<!tpu.dma_semaphore, #tpu.memory_space<semaphore_mem>>) {add = true}
      %dma_start3A_553 = arith.constant 0 : i32
      %dma_start3A_554 = arith.constant 0 : i32
      %dma_start3A_555 = tpu.memref_slice %arg11[%dma_start3A_553, %dma_start3A_554] : memref<4x64xf32, #tpu.memory_space<vmem>> -> memref<1x64xf32, #tpu.memory_space<vmem>>
      %dma_start3A_556 = tpu.memref_squeeze %dma_start3A_555 : memref<1x64xf32, #tpu.memory_space<vmem>> -> memref<64xf32, #tpu.memory_space<vmem>>
      %dma_start3A_557 = arith.constant 0 : i32
      %dma_start3A_558 = tpu.memref_slice %arg8[%add3A_520, %dma_start3A_557] : memref<40x64xi32, #tpu.memory_space<vmem>> -> memref<1x64xi32, #tpu.memory_space<vmem>>
      %dma_start3A_559 = tpu.memref_squeeze %dma_start3A_558 : memref<1x64xi32, #tpu.memory_space<vmem>> -> memref<64xi32, #tpu.memory_space<vmem>>
      %dma_start3A_560 = arith.constant 0 : i32
      %dma_start3A_561 = tpu.memref_slice %arg13[%dma_start3A_560] : memref<10240xf32, #tpu.memory_space<vmem_shared>> -> memref<10240xf32, #tpu.memory_space<vmem_shared>>
      tpu.enqueue_indirect_dma source(%dma_start3A_556 : memref<64xf32, #tpu.memory_space<vmem>>) target(%dma_start3A_561 : memref<10240xf32, #tpu.memory_space<vmem_shared>>) offsets(%dma_start3A_559 : memref<64xi32, #tpu.memory_space<vmem>>) semaphore(%arg18 : memref<!tpu.dma_semaphore, #tpu.memory_space<semaphore_mem>>) {add = true}
      %dma_wait3A_562 = arith.constant 0 : i32
      %dma_wait3A_563 = arith.constant 0 : i32
      %dma_wait3A_564 = arith.constant 0 : i32
      %dma_wait3A_565 = tpu.memref_slice %arg10[%dma_wait3A_562, %dma_wait3A_563, %dma_wait3A_564] : memref<4x64x128xf32, #tpu.memory_space<vmem>> -> memref<1x64x128xf32, #tpu.memory_space<vmem>>
      %dma_wait3A_566 = tpu.memref_squeeze %dma_wait3A_565 : memref<1x64x128xf32, #tpu.memory_space<vmem>> -> memref<64x128xf32, #tpu.memory_space<vmem>>
      %dma_wait3A_567 = arith.constant 0 : i32
      %dma_wait3A_568 = tpu.memref_slice %arg9[%add3A_520, %dma_wait3A_567] : memref<40x64xi32, #tpu.memory_space<vmem>> -> memref<1x64xi32, #tpu.memory_space<vmem>>
      %dma_wait3A_569 = tpu.memref_squeeze %dma_wait3A_568 : memref<1x64xi32, #tpu.memory_space<vmem>> -> memref<64xi32, #tpu.memory_space<vmem>>
      %dma_wait3A_570 = arith.constant 0 : i32
      %dma_wait3A_571 = arith.constant 0 : i32
      %dma_wait3A_572 = tpu.memref_slice %arg12[%dma_wait3A_570, %dma_wait3A_571] : memref<10240x128xf32, #tpu.memory_space<vmem_shared>> -> memref<10240x128xf32, #tpu.memory_space<vmem_shared>>
      tpu.wait_indirect_dma semaphore(%arg18 : memref<!tpu.dma_semaphore, #tpu.memory_space<semaphore_mem>>) src(%dma_wait3A_566 : memref<64x128xf32, #tpu.memory_space<vmem>>) dst(%dma_wait3A_572 : memref<10240x128xf32, #tpu.memory_space<vmem_shared>>)
      %dma_wait3A_573 = arith.constant 0 : i32
      %dma_wait3A_574 = arith.constant 0 : i32
      %dma_wait3A_575 = tpu.memref_slice %arg11[%dma_wait3A_573, %dma_wait3A_574] : memref<4x64xf32, #tpu.memory_space<vmem>> -> memref<1x64xf32, #tpu.memory_space<vmem>>
      %dma_wait3A_576 = tpu.memref_squeeze %dma_wait3A_575 : memref<1x64xf32, #tpu.memory_space<vmem>> -> memref<64xf32, #tpu.memory_space<vmem>>
      %dma_wait3A_577 = arith.constant 0 : i32
      %dma_wait3A_578 = tpu.memref_slice %arg8[%add3A_520, %dma_wait3A_577] : memref<40x64xi32, #tpu.memory_space<vmem>> -> memref<1x64xi32, #tpu.memory_space<vmem>>
      %dma_wait3A_579 = tpu.memref_squeeze %dma_wait3A_578 : memref<1x64xi32, #tpu.memory_space<vmem>> -> memref<64xi32, #tpu.memory_space<vmem>>
      %dma_wait3A_580 = arith.constant 0 : i32
      %dma_wait3A_581 = tpu.memref_slice %arg13[%dma_wait3A_580] : memref<10240xf32, #tpu.memory_space<vmem_shared>> -> memref<10240xf32, #tpu.memory_space<vmem_shared>>
      tpu.wait_indirect_dma semaphore(%arg18 : memref<!tpu.dma_semaphore, #tpu.memory_space<semaphore_mem>>) src(%dma_wait3A_576 : memref<64xf32, #tpu.memory_space<vmem>>) dst(%dma_wait3A_581 : memref<10240xf32, #tpu.memory_space<vmem_shared>>)
      %add3A_582 = arith.constant 4 : i32
      %add3A_583 = arith.addi %add3A_520, %add3A_582 : i32
      %lt3A = arith.constant 40 : i32
      %lt3A_584 = arith.cmpi slt, %add3A_583, %lt3A : i32
      %convert_element_type3A = arith.extui %lt3A_584 : i1 to i32
      %cond3A = arith.constant 0 : i32
      %cond3A_585 = arith.cmpi ne, %convert_element_type3A, %cond3A : i32
      scf.if %cond3A_585 {
        %add3A_799 = arith.constant 4 : i32
        %add3A_800 = arith.addi %add3A_520, %add3A_799 : i32
        %dma_start3A_801 = arith.constant 0 : i32
        %dma_start3A_802 = arith.constant 0 : i32
        %dma_start3A_803 = arith.constant 0 : i32
        %dma_start3A_804 = tpu.memref_slice %arg10[%dma_start3A_801, %dma_start3A_802, %dma_start3A_803] : memref<4x64x128xf32, #tpu.memory_space<vmem>> -> memref<1x64x128xf32, #tpu.memory_space<vmem>>
        %dma_start3A_805 = tpu.memref_squeeze %dma_start3A_804 : memref<1x64x128xf32, #tpu.memory_space<vmem>> -> memref<64x128xf32, #tpu.memory_space<vmem>>
        %dma_start3A_806 = arith.constant 0 : i32
        %dma_start3A_807 = tpu.memref_slice %arg8[%add3A_800, %dma_start3A_806] : memref<40x64xi32, #tpu.memory_space<vmem>> -> memref<1x64xi32, #tpu.memory_space<vmem>>
        %dma_start3A_808 = tpu.memref_squeeze %dma_start3A_807 : memref<1x64xi32, #tpu.memory_space<vmem>> -> memref<64xi32, #tpu.memory_space<vmem>>
        %dma_start3A_809 = arith.constant 0 : i32
        %dma_start3A_810 = arith.constant 0 : i32
        %dma_start3A_811 = tpu.memref_slice %arg2[%dma_start3A_809, %dma_start3A_810] : memref<10240x128xf32, #tpu.memory_space<hbm>> -> memref<10240x128xf32, #tpu.memory_space<hbm>>
        tpu.enqueue_indirect_dma source(%dma_start3A_811 : memref<10240x128xf32, #tpu.memory_space<hbm>>) target(%dma_start3A_805 : memref<64x128xf32, #tpu.memory_space<vmem>>) offsets(%dma_start3A_808 : memref<64xi32, #tpu.memory_space<vmem>>) semaphore(%arg14 : memref<!tpu.dma_semaphore, #tpu.memory_space<semaphore_mem>>)
        %add3A_812 = arith.constant 4 : i32
        %add3A_813 = arith.addi %add3A_520, %add3A_812 : i32
        %dma_start3A_814 = arith.constant 0 : i32
        %dma_start3A_815 = arith.constant 0 : i32
        %dma_start3A_816 = tpu.memref_slice %arg11[%dma_start3A_814, %dma_start3A_815] : memref<4x64xf32, #tpu.memory_space<vmem>> -> memref<1x64xf32, #tpu.memory_space<vmem>>
        %dma_start3A_817 = tpu.memref_squeeze %dma_start3A_816 : memref<1x64xf32, #tpu.memory_space<vmem>> -> memref<64xf32, #tpu.memory_space<vmem>>
        %dma_start3A_818 = arith.constant 0 : i32
        %dma_start3A_819 = tpu.memref_slice %arg9[%add3A_813, %dma_start3A_818] : memref<40x64xi32, #tpu.memory_space<vmem>> -> memref<1x64xi32, #tpu.memory_space<vmem>>
        %dma_start3A_820 = tpu.memref_squeeze %dma_start3A_819 : memref<1x64xi32, #tpu.memory_space<vmem>> -> memref<64xi32, #tpu.memory_space<vmem>>
        %dma_start3A_821 = arith.constant 0 : i32
        %dma_start3A_822 = tpu.memref_slice %arg5[%dma_start3A_821] : memref<10240xf32, #tpu.memory_space<hbm>> -> memref<10240xf32, #tpu.memory_space<hbm>>
        tpu.enqueue_indirect_dma source(%dma_start3A_822 : memref<10240xf32, #tpu.memory_space<hbm>>) target(%dma_start3A_817 : memref<64xf32, #tpu.memory_space<vmem>>) offsets(%dma_start3A_820 : memref<64xi32, #tpu.memory_space<vmem>>) semaphore(%arg14 : memref<!tpu.dma_semaphore, #tpu.memory_space<semaphore_mem>>)
      } else {
      }
      %add3A_586 = arith.constant 1 : i32
      %add3A_587 = arith.addi %add3A_518, %add3A_586 : i32
      %dma_wait3A_588 = arith.constant 1 : i32
      %dma_wait3A_589 = arith.constant 1 : i32
      %dma_wait3A_590 = arith.constant 0 : i32
      %dma_wait3A_591 = arith.constant 0 : i32
      %dma_wait3A_592 = tpu.memref_slice %arg10[%dma_wait3A_589, %dma_wait3A_590, %dma_wait3A_591] : memref<4x64x128xf32, #tpu.memory_space<vmem>> -> memref<1x64x128xf32, #tpu.memory_space<vmem>>
      %dma_wait3A_593 = tpu.memref_squeeze %dma_wait3A_592 : memref<1x64x128xf32, #tpu.memory_space<vmem>> -> memref<64x128xf32, #tpu.memory_space<vmem>>
      %dma_wait3A_594 = arith.constant 0 : i32
      %dma_wait3A_595 = tpu.memref_slice %arg8[%dma_wait3A_588, %dma_wait3A_594] : memref<40x64xi32, #tpu.memory_space<vmem>> -> memref<1x64xi32, #tpu.memory_space<vmem>>
      %dma_wait3A_596 = tpu.memref_squeeze %dma_wait3A_595 : memref<1x64xi32, #tpu.memory_space<vmem>> -> memref<64xi32, #tpu.memory_space<vmem>>
      %dma_wait3A_597 = arith.constant 0 : i32
      %dma_wait3A_598 = arith.constant 0 : i32
      %dma_wait3A_599 = tpu.memref_slice %arg2[%dma_wait3A_597, %dma_wait3A_598] : memref<10240x128xf32, #tpu.memory_space<hbm>> -> memref<10240x128xf32, #tpu.memory_space<hbm>>
      tpu.wait_indirect_dma semaphore(%arg15 : memref<!tpu.dma_semaphore, #tpu.memory_space<semaphore_mem>>) src(%dma_wait3A_599 : memref<10240x128xf32, #tpu.memory_space<hbm>>) dst(%dma_wait3A_593 : memref<64x128xf32, #tpu.memory_space<vmem>>)
      %dma_wait3A_600 = arith.constant 1 : i32
      %dma_wait3A_601 = arith.constant 1 : i32
      %dma_wait3A_602 = arith.constant 0 : i32
      %dma_wait3A_603 = tpu.memref_slice %arg11[%dma_wait3A_601, %dma_wait3A_602] : memref<4x64xf32, #tpu.memory_space<vmem>> -> memref<1x64xf32, #tpu.memory_space<vmem>>
      %dma_wait3A_604 = tpu.memref_squeeze %dma_wait3A_603 : memref<1x64xf32, #tpu.memory_space<vmem>> -> memref<64xf32, #tpu.memory_space<vmem>>
      %dma_wait3A_605 = arith.constant 0 : i32
      %dma_wait3A_606 = tpu.memref_slice %arg9[%dma_wait3A_600, %dma_wait3A_605] : memref<40x64xi32, #tpu.memory_space<vmem>> -> memref<1x64xi32, #tpu.memory_space<vmem>>
      %dma_wait3A_607 = tpu.memref_squeeze %dma_wait3A_606 : memref<1x64xi32, #tpu.memory_space<vmem>> -> memref<64xi32, #tpu.memory_space<vmem>>
      %dma_wait3A_608 = arith.constant 0 : i32
      %dma_wait3A_609 = tpu.memref_slice %arg5[%dma_wait3A_608] : memref<10240xf32, #tpu.memory_space<hbm>> -> memref<10240xf32, #tpu.memory_space<hbm>>
      tpu.wait_indirect_dma semaphore(%arg15 : memref<!tpu.dma_semaphore, #tpu.memory_space<semaphore_mem>>) src(%dma_wait3A_609 : memref<10240xf32, #tpu.memory_space<hbm>>) dst(%dma_wait3A_604 : memref<64xf32, #tpu.memory_space<vmem>>)
      %dma_start3A_610 = arith.constant 1 : i32
      %dma_start3A_611 = arith.constant 0 : i32
      %dma_start3A_612 = arith.constant 0 : i32
      %dma_start3A_613 = tpu.memref_slice %arg10[%dma_start3A_610, %dma_start3A_611, %dma_start3A_612] : memref<4x64x128xf32, #tpu.memory_space<vmem>> -> memref<1x64x128xf32, #tpu.memory_space<vmem>>
      %dma_start3A_614 = tpu.memref_squeeze %dma_start3A_613 : memref<1x64x128xf32, #tpu.memory_space<vmem>> -> memref<64x128xf32, #tpu.memory_space<vmem>>
      %dma_start3A_615 = arith.constant 0 : i32
      %dma_start3A_616 = tpu.memref_slice %arg9[%add3A_587, %dma_start3A_615] : memref<40x64xi32, #tpu.memory_space<vmem>> -> memref<1x64xi32, #tpu.memory_space<vmem>>
      %dma_start3A_617 = tpu.memref_squeeze %dma_start3A_616 : memref<1x64xi32, #tpu.memory_space<vmem>> -> memref<64xi32, #tpu.memory_space<vmem>>
      %dma_start3A_618 = arith.constant 0 : i32
      %dma_start3A_619 = arith.constant 0 : i32
      %dma_start3A_620 = tpu.memref_slice %arg12[%dma_start3A_618, %dma_start3A_619] : memref<10240x128xf32, #tpu.memory_space<vmem_shared>> -> memref<10240x128xf32, #tpu.memory_space<vmem_shared>>
      tpu.enqueue_indirect_dma source(%dma_start3A_614 : memref<64x128xf32, #tpu.memory_space<vmem>>) target(%dma_start3A_620 : memref<10240x128xf32, #tpu.memory_space<vmem_shared>>) offsets(%dma_start3A_617 : memref<64xi32, #tpu.memory_space<vmem>>) semaphore(%arg19 : memref<!tpu.dma_semaphore, #tpu.memory_space<semaphore_mem>>) {add = true}
      %dma_start3A_621 = arith.constant 1 : i32
      %dma_start3A_622 = arith.constant 0 : i32
      %dma_start3A_623 = tpu.memref_slice %arg11[%dma_start3A_621, %dma_start3A_622] : memref<4x64xf32, #tpu.memory_space<vmem>> -> memref<1x64xf32, #tpu.memory_space<vmem>>
      %dma_start3A_624 = tpu.memref_squeeze %dma_start3A_623 : memref<1x64xf32, #tpu.memory_space<vmem>> -> memref<64xf32, #tpu.memory_space<vmem>>
      %dma_start3A_625 = arith.constant 0 : i32
      %dma_start3A_626 = tpu.memref_slice %arg8[%add3A_587, %dma_start3A_625] : memref<40x64xi32, #tpu.memory_space<vmem>> -> memref<1x64xi32, #tpu.memory_space<vmem>>
      %dma_start3A_627 = tpu.memref_squeeze %dma_start3A_626 : memref<1x64xi32, #tpu.memory_space<vmem>> -> memref<64xi32, #tpu.memory_space<vmem>>
      %dma_start3A_628 = arith.constant 0 : i32
      %dma_start3A_629 = tpu.memref_slice %arg13[%dma_start3A_628] : memref<10240xf32, #tpu.memory_space<vmem_shared>> -> memref<10240xf32, #tpu.memory_space<vmem_shared>>
      tpu.enqueue_indirect_dma source(%dma_start3A_624 : memref<64xf32, #tpu.memory_space<vmem>>) target(%dma_start3A_629 : memref<10240xf32, #tpu.memory_space<vmem_shared>>) offsets(%dma_start3A_627 : memref<64xi32, #tpu.memory_space<vmem>>) semaphore(%arg19 : memref<!tpu.dma_semaphore, #tpu.memory_space<semaphore_mem>>) {add = true}
      %dma_wait3A_630 = arith.constant 1 : i32
      %dma_wait3A_631 = arith.constant 0 : i32
      %dma_wait3A_632 = arith.constant 0 : i32
      %dma_wait3A_633 = tpu.memref_slice %arg10[%dma_wait3A_630, %dma_wait3A_631, %dma_wait3A_632] : memref<4x64x128xf32, #tpu.memory_space<vmem>> -> memref<1x64x128xf32, #tpu.memory_space<vmem>>
      %dma_wait3A_634 = tpu.memref_squeeze %dma_wait3A_633 : memref<1x64x128xf32, #tpu.memory_space<vmem>> -> memref<64x128xf32, #tpu.memory_space<vmem>>
      %dma_wait3A_635 = arith.constant 0 : i32
      %dma_wait3A_636 = tpu.memref_slice %arg9[%add3A_587, %dma_wait3A_635] : memref<40x64xi32, #tpu.memory_space<vmem>> -> memref<1x64xi32, #tpu.memory_space<vmem>>
      %dma_wait3A_637 = tpu.memref_squeeze %dma_wait3A_636 : memref<1x64xi32, #tpu.memory_space<vmem>> -> memref<64xi32, #tpu.memory_space<vmem>>
      %dma_wait3A_638 = arith.constant 0 : i32
      %dma_wait3A_639 = arith.constant 0 : i32
      %dma_wait3A_640 = tpu.memref_slice %arg12[%dma_wait3A_638, %dma_wait3A_639] : memref<10240x128xf32, #tpu.memory_space<vmem_shared>> -> memref<10240x128xf32, #tpu.memory_space<vmem_shared>>
      tpu.wait_indirect_dma semaphore(%arg19 : memref<!tpu.dma_semaphore, #tpu.memory_space<semaphore_mem>>) src(%dma_wait3A_634 : memref<64x128xf32, #tpu.memory_space<vmem>>) dst(%dma_wait3A_640 : memref<10240x128xf32, #tpu.memory_space<vmem_shared>>)
      %dma_wait3A_641 = arith.constant 1 : i32
      %dma_wait3A_642 = arith.constant 0 : i32
      %dma_wait3A_643 = tpu.memref_slice %arg11[%dma_wait3A_641, %dma_wait3A_642] : memref<4x64xf32, #tpu.memory_space<vmem>> -> memref<1x64xf32, #tpu.memory_space<vmem>>
      %dma_wait3A_644 = tpu.memref_squeeze %dma_wait3A_643 : memref<1x64xf32, #tpu.memory_space<vmem>> -> memref<64xf32, #tpu.memory_space<vmem>>
      %dma_wait3A_645 = arith.constant 0 : i32
      %dma_wait3A_646 = tpu.memref_slice %arg8[%add3A_587, %dma_wait3A_645] : memref<40x64xi32, #tpu.memory_space<vmem>> -> memref<1x64xi32, #tpu.memory_space<vmem>>
      %dma_wait3A_647 = tpu.memref_squeeze %dma_wait3A_646 : memref<1x64xi32, #tpu.memory_space<vmem>> -> memref<64xi32, #tpu.memory_space<vmem>>
      %dma_wait3A_648 = arith.constant 0 : i32
      %dma_wait3A_649 = tpu.memref_slice %arg13[%dma_wait3A_648] : memref<10240xf32, #tpu.memory_space<vmem_shared>> -> memref<10240xf32, #tpu.memory_space<vmem_shared>>
      tpu.wait_indirect_dma semaphore(%arg19 : memref<!tpu.dma_semaphore, #tpu.memory_space<semaphore_mem>>) src(%dma_wait3A_644 : memref<64xf32, #tpu.memory_space<vmem>>) dst(%dma_wait3A_649 : memref<10240xf32, #tpu.memory_space<vmem_shared>>)
      %add3A_650 = arith.constant 4 : i32
      %add3A_651 = arith.addi %add3A_587, %add3A_650 : i32
      %lt3A_652 = arith.constant 40 : i32
      %lt3A_653 = arith.cmpi slt, %add3A_651, %lt3A_652 : i32
      %convert_element_type3A_654 = arith.extui %lt3A_653 : i1 to i32
      %cond3A_655 = arith.constant 0 : i32
      %cond3A_656 = arith.cmpi ne, %convert_element_type3A_654, %cond3A_655 : i32
      scf.if %cond3A_656 {
        %add3A_799 = arith.constant 4 : i32
        %add3A_800 = arith.addi %add3A_587, %add3A_799 : i32
        %dma_start3A_801 = arith.constant 1 : i32
        %dma_start3A_802 = arith.constant 0 : i32
        %dma_start3A_803 = arith.constant 0 : i32
        %dma_start3A_804 = tpu.memref_slice %arg10[%dma_start3A_801, %dma_start3A_802, %dma_start3A_803] : memref<4x64x128xf32, #tpu.memory_space<vmem>> -> memref<1x64x128xf32, #tpu.memory_space<vmem>>
        %dma_start3A_805 = tpu.memref_squeeze %dma_start3A_804 : memref<1x64x128xf32, #tpu.memory_space<vmem>> -> memref<64x128xf32, #tpu.memory_space<vmem>>
        %dma_start3A_806 = arith.constant 0 : i32
        %dma_start3A_807 = tpu.memref_slice %arg8[%add3A_800, %dma_start3A_806] : memref<40x64xi32, #tpu.memory_space<vmem>> -> memref<1x64xi32, #tpu.memory_space<vmem>>
        %dma_start3A_808 = tpu.memref_squeeze %dma_start3A_807 : memref<1x64xi32, #tpu.memory_space<vmem>> -> memref<64xi32, #tpu.memory_space<vmem>>
        %dma_start3A_809 = arith.constant 0 : i32
        %dma_start3A_810 = arith.constant 0 : i32
        %dma_start3A_811 = tpu.memref_slice %arg2[%dma_start3A_809, %dma_start3A_810] : memref<10240x128xf32, #tpu.memory_space<hbm>> -> memref<10240x128xf32, #tpu.memory_space<hbm>>
        tpu.enqueue_indirect_dma source(%dma_start3A_811 : memref<10240x128xf32, #tpu.memory_space<hbm>>) target(%dma_start3A_805 : memref<64x128xf32, #tpu.memory_space<vmem>>) offsets(%dma_start3A_808 : memref<64xi32, #tpu.memory_space<vmem>>) semaphore(%arg15 : memref<!tpu.dma_semaphore, #tpu.memory_space<semaphore_mem>>)
        %add3A_812 = arith.constant 4 : i32
        %add3A_813 = arith.addi %add3A_587, %add3A_812 : i32
        %dma_start3A_814 = arith.constant 1 : i32
        %dma_start3A_815 = arith.constant 0 : i32
        %dma_start3A_816 = tpu.memref_slice %arg11[%dma_start3A_814, %dma_start3A_815] : memref<4x64xf32, #tpu.memory_space<vmem>> -> memref<1x64xf32, #tpu.memory_space<vmem>>
        %dma_start3A_817 = tpu.memref_squeeze %dma_start3A_816 : memref<1x64xf32, #tpu.memory_space<vmem>> -> memref<64xf32, #tpu.memory_space<vmem>>
        %dma_start3A_818 = arith.constant 0 : i32
        %dma_start3A_819 = tpu.memref_slice %arg9[%add3A_813, %dma_start3A_818] : memref<40x64xi32, #tpu.memory_space<vmem>> -> memref<1x64xi32, #tpu.memory_space<vmem>>
        %dma_start3A_820 = tpu.memref_squeeze %dma_start3A_819 : memref<1x64xi32, #tpu.memory_space<vmem>> -> memref<64xi32, #tpu.memory_space<vmem>>
        %dma_start3A_821 = arith.constant 0 : i32
        %dma_start3A_822 = tpu.memref_slice %arg5[%dma_start3A_821] : memref<10240xf32, #tpu.memory_space<hbm>> -> memref<10240xf32, #tpu.memory_space<hbm>>
        tpu.enqueue_indirect_dma source(%dma_start3A_822 : memref<10240xf32, #tpu.memory_space<hbm>>) target(%dma_start3A_817 : memref<64xf32, #tpu.memory_space<vmem>>) offsets(%dma_start3A_820 : memref<64xi32, #tpu.memory_space<vmem>>) semaphore(%arg15 : memref<!tpu.dma_semaphore, #tpu.memory_space<semaphore_mem>>)
      } else {
      }
      %add3A_657 = arith.constant 2 : i32
      %add3A_658 = arith.addi %add3A_518, %add3A_657 : i32
      %dma_wait3A_659 = arith.constant 2 : i32
      %dma_wait3A_660 = arith.constant 2 : i32
      %dma_wait3A_661 = arith.constant 0 : i32
      %dma_wait3A_662 = arith.constant 0 : i32
      %dma_wait3A_663 = tpu.memref_slice %arg10[%dma_wait3A_660, %dma_wait3A_661, %dma_wait3A_662] : memref<4x64x128xf32, #tpu.memory_space<vmem>> -> memref<1x64x128xf32, #tpu.memory_space<vmem>>
      %dma_wait3A_664 = tpu.memref_squeeze %dma_wait3A_663 : memref<1x64x128xf32, #tpu.memory_space<vmem>> -> memref<64x128xf32, #tpu.memory_space<vmem>>
      %dma_wait3A_665 = arith.constant 0 : i32
      %dma_wait3A_666 = tpu.memref_slice %arg8[%dma_wait3A_659, %dma_wait3A_665] : memref<40x64xi32, #tpu.memory_space<vmem>> -> memref<1x64xi32, #tpu.memory_space<vmem>>
      %dma_wait3A_667 = tpu.memref_squeeze %dma_wait3A_666 : memref<1x64xi32, #tpu.memory_space<vmem>> -> memref<64xi32, #tpu.memory_space<vmem>>
      %dma_wait3A_668 = arith.constant 0 : i32
      %dma_wait3A_669 = arith.constant 0 : i32
      %dma_wait3A_670 = tpu.memref_slice %arg2[%dma_wait3A_668, %dma_wait3A_669] : memref<10240x128xf32, #tpu.memory_space<hbm>> -> memref<10240x128xf32, #tpu.memory_space<hbm>>
      tpu.wait_indirect_dma semaphore(%arg16 : memref<!tpu.dma_semaphore, #tpu.memory_space<semaphore_mem>>) src(%dma_wait3A_670 : memref<10240x128xf32, #tpu.memory_space<hbm>>) dst(%dma_wait3A_664 : memref<64x128xf32, #tpu.memory_space<vmem>>)
      %dma_wait3A_671 = arith.constant 2 : i32
      %dma_wait3A_672 = arith.constant 2 : i32
      %dma_wait3A_673 = arith.constant 0 : i32
      %dma_wait3A_674 = tpu.memref_slice %arg11[%dma_wait3A_672, %dma_wait3A_673] : memref<4x64xf32, #tpu.memory_space<vmem>> -> memref<1x64xf32, #tpu.memory_space<vmem>>
      %dma_wait3A_675 = tpu.memref_squeeze %dma_wait3A_674 : memref<1x64xf32, #tpu.memory_space<vmem>> -> memref<64xf32, #tpu.memory_space<vmem>>
      %dma_wait3A_676 = arith.constant 0 : i32
      %dma_wait3A_677 = tpu.memref_slice %arg9[%dma_wait3A_671, %dma_wait3A_676] : memref<40x64xi32, #tpu.memory_space<vmem>> -> memref<1x64xi32, #tpu.memory_space<vmem>>
      %dma_wait3A_678 = tpu.memref_squeeze %dma_wait3A_677 : memref<1x64xi32, #tpu.memory_space<vmem>> -> memref<64xi32, #tpu.memory_space<vmem>>
      %dma_wait3A_679 = arith.constant 0 : i32
      %dma_wait3A_680 = tpu.memref_slice %arg5[%dma_wait3A_679] : memref<10240xf32, #tpu.memory_space<hbm>> -> memref<10240xf32, #tpu.memory_space<hbm>>
      tpu.wait_indirect_dma semaphore(%arg16 : memref<!tpu.dma_semaphore, #tpu.memory_space<semaphore_mem>>) src(%dma_wait3A_680 : memref<10240xf32, #tpu.memory_space<hbm>>) dst(%dma_wait3A_675 : memref<64xf32, #tpu.memory_space<vmem>>)
      %dma_start3A_681 = arith.constant 2 : i32
      %dma_start3A_682 = arith.constant 0 : i32
      %dma_start3A_683 = arith.constant 0 : i32
      %dma_start3A_684 = tpu.memref_slice %arg10[%dma_start3A_681, %dma_start3A_682, %dma_start3A_683] : memref<4x64x128xf32, #tpu.memory_space<vmem>> -> memref<1x64x128xf32, #tpu.memory_space<vmem>>
      %dma_start3A_685 = tpu.memref_squeeze %dma_start3A_684 : memref<1x64x128xf32, #tpu.memory_space<vmem>> -> memref<64x128xf32, #tpu.memory_space<vmem>>
      %dma_start3A_686 = arith.constant 0 : i32
      %dma_start3A_687 = tpu.memref_slice %arg9[%add3A_658, %dma_start3A_686] : memref<40x64xi32, #tpu.memory_space<vmem>> -> memref<1x64xi32, #tpu.memory_space<vmem>>
      %dma_start3A_688 = tpu.memref_squeeze %dma_start3A_687 : memref<1x64xi32, #tpu.memory_space<vmem>> -> memref<64xi32, #tpu.memory_space<vmem>>
      %dma_start3A_689 = arith.constant 0 : i32
      %dma_start3A_690 = arith.constant 0 : i32
      %dma_start3A_691 = tpu.memref_slice %arg12[%dma_start3A_689, %dma_start3A_690] : memref<10240x128xf32, #tpu.memory_space<vmem_shared>> -> memref<10240x128xf32, #tpu.memory_space<vmem_shared>>
      tpu.enqueue_indirect_dma source(%dma_start3A_685 : memref<64x128xf32, #tpu.memory_space<vmem>>) target(%dma_start3A_691 : memref<10240x128xf32, #tpu.memory_space<vmem_shared>>) offsets(%dma_start3A_688 : memref<64xi32, #tpu.memory_space<vmem>>) semaphore(%arg20 : memref<!tpu.dma_semaphore, #tpu.memory_space<semaphore_mem>>) {add = true}
      %dma_start3A_692 = arith.constant 2 : i32
      %dma_start3A_693 = arith.constant 0 : i32
      %dma_start3A_694 = tpu.memref_slice %arg11[%dma_start3A_692, %dma_start3A_693] : memref<4x64xf32, #tpu.memory_space<vmem>> -> memref<1x64xf32, #tpu.memory_space<vmem>>
      %dma_start3A_695 = tpu.memref_squeeze %dma_start3A_694 : memref<1x64xf32, #tpu.memory_space<vmem>> -> memref<64xf32, #tpu.memory_space<vmem>>
      %dma_start3A_696 = arith.constant 0 : i32
      %dma_start3A_697 = tpu.memref_slice %arg8[%add3A_658, %dma_start3A_696] : memref<40x64xi32, #tpu.memory_space<vmem>> -> memref<1x64xi32, #tpu.memory_space<vmem>>
      %dma_start3A_698 = tpu.memref_squeeze %dma_start3A_697 : memref<1x64xi32, #tpu.memory_space<vmem>> -> memref<64xi32, #tpu.memory_space<vmem>>
      %dma_start3A_699 = arith.constant 0 : i32
      %dma_start3A_700 = tpu.memref_slice %arg13[%dma_start3A_699] : memref<10240xf32, #tpu.memory_space<vmem_shared>> -> memref<10240xf32, #tpu.memory_space<vmem_shared>>
      tpu.enqueue_indirect_dma source(%dma_start3A_695 : memref<64xf32, #tpu.memory_space<vmem>>) target(%dma_start3A_700 : memref<10240xf32, #tpu.memory_space<vmem_shared>>) offsets(%dma_start3A_698 : memref<64xi32, #tpu.memory_space<vmem>>) semaphore(%arg20 : memref<!tpu.dma_semaphore, #tpu.memory_space<semaphore_mem>>) {add = true}
      %dma_wait3A_701 = arith.constant 2 : i32
      %dma_wait3A_702 = arith.constant 0 : i32
      %dma_wait3A_703 = arith.constant 0 : i32
      %dma_wait3A_704 = tpu.memref_slice %arg10[%dma_wait3A_701, %dma_wait3A_702, %dma_wait3A_703] : memref<4x64x128xf32, #tpu.memory_space<vmem>> -> memref<1x64x128xf32, #tpu.memory_space<vmem>>
      %dma_wait3A_705 = tpu.memref_squeeze %dma_wait3A_704 : memref<1x64x128xf32, #tpu.memory_space<vmem>> -> memref<64x128xf32, #tpu.memory_space<vmem>>
      %dma_wait3A_706 = arith.constant 0 : i32
      %dma_wait3A_707 = tpu.memref_slice %arg9[%add3A_658, %dma_wait3A_706] : memref<40x64xi32, #tpu.memory_space<vmem>> -> memref<1x64xi32, #tpu.memory_space<vmem>>
      %dma_wait3A_708 = tpu.memref_squeeze %dma_wait3A_707 : memref<1x64xi32, #tpu.memory_space<vmem>> -> memref<64xi32, #tpu.memory_space<vmem>>
      %dma_wait3A_709 = arith.constant 0 : i32
      %dma_wait3A_710 = arith.constant 0 : i32
      %dma_wait3A_711 = tpu.memref_slice %arg12[%dma_wait3A_709, %dma_wait3A_710] : memref<10240x128xf32, #tpu.memory_space<vmem_shared>> -> memref<10240x128xf32, #tpu.memory_space<vmem_shared>>
      tpu.wait_indirect_dma semaphore(%arg20 : memref<!tpu.dma_semaphore, #tpu.memory_space<semaphore_mem>>) src(%dma_wait3A_705 : memref<64x128xf32, #tpu.memory_space<vmem>>) dst(%dma_wait3A_711 : memref<10240x128xf32, #tpu.memory_space<vmem_shared>>)
      %dma_wait3A_712 = arith.constant 2 : i32
      %dma_wait3A_713 = arith.constant 0 : i32
      %dma_wait3A_714 = tpu.memref_slice %arg11[%dma_wait3A_712, %dma_wait3A_713] : memref<4x64xf32, #tpu.memory_space<vmem>> -> memref<1x64xf32, #tpu.memory_space<vmem>>
      %dma_wait3A_715 = tpu.memref_squeeze %dma_wait3A_714 : memref<1x64xf32, #tpu.memory_space<vmem>> -> memref<64xf32, #tpu.memory_space<vmem>>
      %dma_wait3A_716 = arith.constant 0 : i32
      %dma_wait3A_717 = tpu.memref_slice %arg8[%add3A_658, %dma_wait3A_716] : memref<40x64xi32, #tpu.memory_space<vmem>> -> memref<1x64xi32, #tpu.memory_space<vmem>>
      %dma_wait3A_718 = tpu.memref_squeeze %dma_wait3A_717 : memref<1x64xi32, #tpu.memory_space<vmem>> -> memref<64xi32, #tpu.memory_space<vmem>>
      %dma_wait3A_719 = arith.constant 0 : i32
      %dma_wait3A_720 = tpu.memref_slice %arg13[%dma_wait3A_719] : memref<10240xf32, #tpu.memory_space<vmem_shared>> -> memref<10240xf32, #tpu.memory_space<vmem_shared>>
      tpu.wait_indirect_dma semaphore(%arg20 : memref<!tpu.dma_semaphore, #tpu.memory_space<semaphore_mem>>) src(%dma_wait3A_715 : memref<64xf32, #tpu.memory_space<vmem>>) dst(%dma_wait3A_720 : memref<10240xf32, #tpu.memory_space<vmem_shared>>)
      %add3A_721 = arith.constant 4 : i32
      %add3A_722 = arith.addi %add3A_658, %add3A_721 : i32
      %lt3A_723 = arith.constant 40 : i32
      %lt3A_724 = arith.cmpi slt, %add3A_722, %lt3A_723 : i32
      %convert_element_type3A_725 = arith.extui %lt3A_724 : i1 to i32
      %cond3A_726 = arith.constant 0 : i32
      %cond3A_727 = arith.cmpi ne, %convert_element_type3A_725, %cond3A_726 : i32
      scf.if %cond3A_727 {
        %add3A_799 = arith.constant 4 : i32
        %add3A_800 = arith.addi %add3A_658, %add3A_799 : i32
        %dma_start3A_801 = arith.constant 2 : i32
        %dma_start3A_802 = arith.constant 0 : i32
        %dma_start3A_803 = arith.constant 0 : i32
        %dma_start3A_804 = tpu.memref_slice %arg10[%dma_start3A_801, %dma_start3A_802, %dma_start3A_803] : memref<4x64x128xf32, #tpu.memory_space<vmem>> -> memref<1x64x128xf32, #tpu.memory_space<vmem>>
        %dma_start3A_805 = tpu.memref_squeeze %dma_start3A_804 : memref<1x64x128xf32, #tpu.memory_space<vmem>> -> memref<64x128xf32, #tpu.memory_space<vmem>>
        %dma_start3A_806 = arith.constant 0 : i32
        %dma_start3A_807 = tpu.memref_slice %arg8[%add3A_800, %dma_start3A_806] : memref<40x64xi32, #tpu.memory_space<vmem>> -> memref<1x64xi32, #tpu.memory_space<vmem>>
        %dma_start3A_808 = tpu.memref_squeeze %dma_start3A_807 : memref<1x64xi32, #tpu.memory_space<vmem>> -> memref<64xi32, #tpu.memory_space<vmem>>
        %dma_start3A_809 = arith.constant 0 : i32
        %dma_start3A_810 = arith.constant 0 : i32
        %dma_start3A_811 = tpu.memref_slice %arg2[%dma_start3A_809, %dma_start3A_810] : memref<10240x128xf32, #tpu.memory_space<hbm>> -> memref<10240x128xf32, #tpu.memory_space<hbm>>
        tpu.enqueue_indirect_dma source(%dma_start3A_811 : memref<10240x128xf32, #tpu.memory_space<hbm>>) target(%dma_start3A_805 : memref<64x128xf32, #tpu.memory_space<vmem>>) offsets(%dma_start3A_808 : memref<64xi32, #tpu.memory_space<vmem>>) semaphore(%arg16 : memref<!tpu.dma_semaphore, #tpu.memory_space<semaphore_mem>>)
        %add3A_812 = arith.constant 4 : i32
        %add3A_813 = arith.addi %add3A_658, %add3A_812 : i32
        %dma_start3A_814 = arith.constant 2 : i32
        %dma_start3A_815 = arith.constant 0 : i32
        %dma_start3A_816 = tpu.memref_slice %arg11[%dma_start3A_814, %dma_start3A_815] : memref<4x64xf32, #tpu.memory_space<vmem>> -> memref<1x64xf32, #tpu.memory_space<vmem>>
        %dma_start3A_817 = tpu.memref_squeeze %dma_start3A_816 : memref<1x64xf32, #tpu.memory_space<vmem>> -> memref<64xf32, #tpu.memory_space<vmem>>
        %dma_start3A_818 = arith.constant 0 : i32
        %dma_start3A_819 = tpu.memref_slice %arg9[%add3A_813, %dma_start3A_818] : memref<40x64xi32, #tpu.memory_space<vmem>> -> memref<1x64xi32, #tpu.memory_space<vmem>>
        %dma_start3A_820 = tpu.memref_squeeze %dma_start3A_819 : memref<1x64xi32, #tpu.memory_space<vmem>> -> memref<64xi32, #tpu.memory_space<vmem>>
        %dma_start3A_821 = arith.constant 0 : i32
        %dma_start3A_822 = tpu.memref_slice %arg5[%dma_start3A_821] : memref<10240xf32, #tpu.memory_space<hbm>> -> memref<10240xf32, #tpu.memory_space<hbm>>
        tpu.enqueue_indirect_dma source(%dma_start3A_822 : memref<10240xf32, #tpu.memory_space<hbm>>) target(%dma_start3A_817 : memref<64xf32, #tpu.memory_space<vmem>>) offsets(%dma_start3A_820 : memref<64xi32, #tpu.memory_space<vmem>>) semaphore(%arg16 : memref<!tpu.dma_semaphore, #tpu.memory_space<semaphore_mem>>)
      } else {
      }
      %add3A_728 = arith.constant 3 : i32
      %add3A_729 = arith.addi %add3A_518, %add3A_728 : i32
      %dma_wait3A_730 = arith.constant 3 : i32
      %dma_wait3A_731 = arith.constant 3 : i32
      %dma_wait3A_732 = arith.constant 0 : i32
      %dma_wait3A_733 = arith.constant 0 : i32
      %dma_wait3A_734 = tpu.memref_slice %arg10[%dma_wait3A_731, %dma_wait3A_732, %dma_wait3A_733] : memref<4x64x128xf32, #tpu.memory_space<vmem>> -> memref<1x64x128xf32, #tpu.memory_space<vmem>>
      %dma_wait3A_735 = tpu.memref_squeeze %dma_wait3A_734 : memref<1x64x128xf32, #tpu.memory_space<vmem>> -> memref<64x128xf32, #tpu.memory_space<vmem>>
      %dma_wait3A_736 = arith.constant 0 : i32
      %dma_wait3A_737 = tpu.memref_slice %arg8[%dma_wait3A_730, %dma_wait3A_736] : memref<40x64xi32, #tpu.memory_space<vmem>> -> memref<1x64xi32, #tpu.memory_space<vmem>>
      %dma_wait3A_738 = tpu.memref_squeeze %dma_wait3A_737 : memref<1x64xi32, #tpu.memory_space<vmem>> -> memref<64xi32, #tpu.memory_space<vmem>>
      %dma_wait3A_739 = arith.constant 0 : i32
      %dma_wait3A_740 = arith.constant 0 : i32
      %dma_wait3A_741 = tpu.memref_slice %arg2[%dma_wait3A_739, %dma_wait3A_740] : memref<10240x128xf32, #tpu.memory_space<hbm>> -> memref<10240x128xf32, #tpu.memory_space<hbm>>
      tpu.wait_indirect_dma semaphore(%arg17 : memref<!tpu.dma_semaphore, #tpu.memory_space<semaphore_mem>>) src(%dma_wait3A_741 : memref<10240x128xf32, #tpu.memory_space<hbm>>) dst(%dma_wait3A_735 : memref<64x128xf32, #tpu.memory_space<vmem>>)
      %dma_wait3A_742 = arith.constant 3 : i32
      %dma_wait3A_743 = arith.constant 3 : i32
      %dma_wait3A_744 = arith.constant 0 : i32
      %dma_wait3A_745 = tpu.memref_slice %arg11[%dma_wait3A_743, %dma_wait3A_744] : memref<4x64xf32, #tpu.memory_space<vmem>> -> memref<1x64xf32, #tpu.memory_space<vmem>>
      %dma_wait3A_746 = tpu.memref_squeeze %dma_wait3A_745 : memref<1x64xf32, #tpu.memory_space<vmem>> -> memref<64xf32, #tpu.memory_space<vmem>>
      %dma_wait3A_747 = arith.constant 0 : i32
      %dma_wait3A_748 = tpu.memref_slice %arg9[%dma_wait3A_742, %dma_wait3A_747] : memref<40x64xi32, #tpu.memory_space<vmem>> -> memref<1x64xi32, #tpu.memory_space<vmem>>
      %dma_wait3A_749 = tpu.memref_squeeze %dma_wait3A_748 : memref<1x64xi32, #tpu.memory_space<vmem>> -> memref<64xi32, #tpu.memory_space<vmem>>
      %dma_wait3A_750 = arith.constant 0 : i32
      %dma_wait3A_751 = tpu.memref_slice %arg5[%dma_wait3A_750] : memref<10240xf32, #tpu.memory_space<hbm>> -> memref<10240xf32, #tpu.memory_space<hbm>>
      tpu.wait_indirect_dma semaphore(%arg17 : memref<!tpu.dma_semaphore, #tpu.memory_space<semaphore_mem>>) src(%dma_wait3A_751 : memref<10240xf32, #tpu.memory_space<hbm>>) dst(%dma_wait3A_746 : memref<64xf32, #tpu.memory_space<vmem>>)
      %dma_start3A_752 = arith.constant 3 : i32
      %dma_start3A_753 = arith.constant 0 : i32
      %dma_start3A_754 = arith.constant 0 : i32
      %dma_start3A_755 = tpu.memref_slice %arg10[%dma_start3A_752, %dma_start3A_753, %dma_start3A_754] : memref<4x64x128xf32, #tpu.memory_space<vmem>> -> memref<1x64x128xf32, #tpu.memory_space<vmem>>
      %dma_start3A_756 = tpu.memref_squeeze %dma_start3A_755 : memref<1x64x128xf32, #tpu.memory_space<vmem>> -> memref<64x128xf32, #tpu.memory_space<vmem>>
      %dma_start3A_757 = arith.constant 0 : i32
      %dma_start3A_758 = tpu.memref_slice %arg9[%add3A_729, %dma_start3A_757] : memref<40x64xi32, #tpu.memory_space<vmem>> -> memref<1x64xi32, #tpu.memory_space<vmem>>
      %dma_start3A_759 = tpu.memref_squeeze %dma_start3A_758 : memref<1x64xi32, #tpu.memory_space<vmem>> -> memref<64xi32, #tpu.memory_space<vmem>>
      %dma_start3A_760 = arith.constant 0 : i32
      %dma_start3A_761 = arith.constant 0 : i32
      %dma_start3A_762 = tpu.memref_slice %arg12[%dma_start3A_760, %dma_start3A_761] : memref<10240x128xf32, #tpu.memory_space<vmem_shared>> -> memref<10240x128xf32, #tpu.memory_space<vmem_shared>>
      tpu.enqueue_indirect_dma source(%dma_start3A_756 : memref<64x128xf32, #tpu.memory_space<vmem>>) target(%dma_start3A_762 : memref<10240x128xf32, #tpu.memory_space<vmem_shared>>) offsets(%dma_start3A_759 : memref<64xi32, #tpu.memory_space<vmem>>) semaphore(%arg21 : memref<!tpu.dma_semaphore, #tpu.memory_space<semaphore_mem>>) {add = true}
      %dma_start3A_763 = arith.constant 3 : i32
      %dma_start3A_764 = arith.constant 0 : i32
      %dma_start3A_765 = tpu.memref_slice %arg11[%dma_start3A_763, %dma_start3A_764] : memref<4x64xf32, #tpu.memory_space<vmem>> -> memref<1x64xf32, #tpu.memory_space<vmem>>
      %dma_start3A_766 = tpu.memref_squeeze %dma_start3A_765 : memref<1x64xf32, #tpu.memory_space<vmem>> -> memref<64xf32, #tpu.memory_space<vmem>>
      %dma_start3A_767 = arith.constant 0 : i32
      %dma_start3A_768 = tpu.memref_slice %arg8[%add3A_729, %dma_start3A_767] : memref<40x64xi32, #tpu.memory_space<vmem>> -> memref<1x64xi32, #tpu.memory_space<vmem>>
      %dma_start3A_769 = tpu.memref_squeeze %dma_start3A_768 : memref<1x64xi32, #tpu.memory_space<vmem>> -> memref<64xi32, #tpu.memory_space<vmem>>
      %dma_start3A_770 = arith.constant 0 : i32
      %dma_start3A_771 = tpu.memref_slice %arg13[%dma_start3A_770] : memref<10240xf32, #tpu.memory_space<vmem_shared>> -> memref<10240xf32, #tpu.memory_space<vmem_shared>>
      tpu.enqueue_indirect_dma source(%dma_start3A_766 : memref<64xf32, #tpu.memory_space<vmem>>) target(%dma_start3A_771 : memref<10240xf32, #tpu.memory_space<vmem_shared>>) offsets(%dma_start3A_769 : memref<64xi32, #tpu.memory_space<vmem>>) semaphore(%arg21 : memref<!tpu.dma_semaphore, #tpu.memory_space<semaphore_mem>>) {add = true}
      %dma_wait3A_772 = arith.constant 3 : i32
      %dma_wait3A_773 = arith.constant 0 : i32
      %dma_wait3A_774 = arith.constant 0 : i32
      %dma_wait3A_775 = tpu.memref_slice %arg10[%dma_wait3A_772, %dma_wait3A_773, %dma_wait3A_774] : memref<4x64x128xf32, #tpu.memory_space<vmem>> -> memref<1x64x128xf32, #tpu.memory_space<vmem>>
      %dma_wait3A_776 = tpu.memref_squeeze %dma_wait3A_775 : memref<1x64x128xf32, #tpu.memory_space<vmem>> -> memref<64x128xf32, #tpu.memory_space<vmem>>
      %dma_wait3A_777 = arith.constant 0 : i32
      %dma_wait3A_778 = tpu.memref_slice %arg9[%add3A_729, %dma_wait3A_777] : memref<40x64xi32, #tpu.memory_space<vmem>> -> memref<1x64xi32, #tpu.memory_space<vmem>>
      %dma_wait3A_779 = tpu.memref_squeeze %dma_wait3A_778 : memref<1x64xi32, #tpu.memory_space<vmem>> -> memref<64xi32, #tpu.memory_space<vmem>>
      %dma_wait3A_780 = arith.constant 0 : i32
      %dma_wait3A_781 = arith.constant 0 : i32
      %dma_wait3A_782 = tpu.memref_slice %arg12[%dma_wait3A_780, %dma_wait3A_781] : memref<10240x128xf32, #tpu.memory_space<vmem_shared>> -> memref<10240x128xf32, #tpu.memory_space<vmem_shared>>
      tpu.wait_indirect_dma semaphore(%arg21 : memref<!tpu.dma_semaphore, #tpu.memory_space<semaphore_mem>>) src(%dma_wait3A_776 : memref<64x128xf32, #tpu.memory_space<vmem>>) dst(%dma_wait3A_782 : memref<10240x128xf32, #tpu.memory_space<vmem_shared>>)
      %dma_wait3A_783 = arith.constant 3 : i32
      %dma_wait3A_784 = arith.constant 0 : i32
      %dma_wait3A_785 = tpu.memref_slice %arg11[%dma_wait3A_783, %dma_wait3A_784] : memref<4x64xf32, #tpu.memory_space<vmem>> -> memref<1x64xf32, #tpu.memory_space<vmem>>
      %dma_wait3A_786 = tpu.memref_squeeze %dma_wait3A_785 : memref<1x64xf32, #tpu.memory_space<vmem>> -> memref<64xf32, #tpu.memory_space<vmem>>
      %dma_wait3A_787 = arith.constant 0 : i32
      %dma_wait3A_788 = tpu.memref_slice %arg8[%add3A_729, %dma_wait3A_787] : memref<40x64xi32, #tpu.memory_space<vmem>> -> memref<1x64xi32, #tpu.memory_space<vmem>>
      %dma_wait3A_789 = tpu.memref_squeeze %dma_wait3A_788 : memref<1x64xi32, #tpu.memory_space<vmem>> -> memref<64xi32, #tpu.memory_space<vmem>>
      %dma_wait3A_790 = arith.constant 0 : i32
      %dma_wait3A_791 = tpu.memref_slice %arg13[%dma_wait3A_790] : memref<10240xf32, #tpu.memory_space<vmem_shared>> -> memref<10240xf32, #tpu.memory_space<vmem_shared>>
      tpu.wait_indirect_dma semaphore(%arg21 : memref<!tpu.dma_semaphore, #tpu.memory_space<semaphore_mem>>) src(%dma_wait3A_786 : memref<64xf32, #tpu.memory_space<vmem>>) dst(%dma_wait3A_791 : memref<10240xf32, #tpu.memory_space<vmem_shared>>)
      %add3A_792 = arith.constant 4 : i32
      %add3A_793 = arith.addi %add3A_729, %add3A_792 : i32
      %lt3A_794 = arith.constant 40 : i32
      %lt3A_795 = arith.cmpi slt, %add3A_793, %lt3A_794 : i32
      %convert_element_type3A_796 = arith.extui %lt3A_795 : i1 to i32
      %cond3A_797 = arith.constant 0 : i32
      %cond3A_798 = arith.cmpi ne, %convert_element_type3A_796, %cond3A_797 : i32
      scf.if %cond3A_798 {
        %add3A_799 = arith.constant 4 : i32
        %add3A_800 = arith.addi %add3A_729, %add3A_799 : i32
        %dma_start3A_801 = arith.constant 3 : i32
        %dma_start3A_802 = arith.constant 0 : i32
        %dma_start3A_803 = arith.constant 0 : i32
        %dma_start3A_804 = tpu.memref_slice %arg10[%dma_start3A_801, %dma_start3A_802, %dma_start3A_803] : memref<4x64x128xf32, #tpu.memory_space<vmem>> -> memref<1x64x128xf32, #tpu.memory_space<vmem>>
        %dma_start3A_805 = tpu.memref_squeeze %dma_start3A_804 : memref<1x64x128xf32, #tpu.memory_space<vmem>> -> memref<64x128xf32, #tpu.memory_space<vmem>>
        %dma_start3A_806 = arith.constant 0 : i32
        %dma_start3A_807 = tpu.memref_slice %arg8[%add3A_800, %dma_start3A_806] : memref<40x64xi32, #tpu.memory_space<vmem>> -> memref<1x64xi32, #tpu.memory_space<vmem>>
        %dma_start3A_808 = tpu.memref_squeeze %dma_start3A_807 : memref<1x64xi32, #tpu.memory_space<vmem>> -> memref<64xi32, #tpu.memory_space<vmem>>
        %dma_start3A_809 = arith.constant 0 : i32
        %dma_start3A_810 = arith.constant 0 : i32
        %dma_start3A_811 = tpu.memref_slice %arg2[%dma_start3A_809, %dma_start3A_810] : memref<10240x128xf32, #tpu.memory_space<hbm>> -> memref<10240x128xf32, #tpu.memory_space<hbm>>
        tpu.enqueue_indirect_dma source(%dma_start3A_811 : memref<10240x128xf32, #tpu.memory_space<hbm>>) target(%dma_start3A_805 : memref<64x128xf32, #tpu.memory_space<vmem>>) offsets(%dma_start3A_808 : memref<64xi32, #tpu.memory_space<vmem>>) semaphore(%arg17 : memref<!tpu.dma_semaphore, #tpu.memory_space<semaphore_mem>>)
        %add3A_812 = arith.constant 4 : i32
        %add3A_813 = arith.addi %add3A_729, %add3A_812 : i32
        %dma_start3A_814 = arith.constant 3 : i32
        %dma_start3A_815 = arith.constant 0 : i32
        %dma_start3A_816 = tpu.memref_slice %arg11[%dma_start3A_814, %dma_start3A_815] : memref<4x64xf32, #tpu.memory_space<vmem>> -> memref<1x64xf32, #tpu.memory_space<vmem>>
        %dma_start3A_817 = tpu.memref_squeeze %dma_start3A_816 : memref<1x64xf32, #tpu.memory_space<vmem>> -> memref<64xf32, #tpu.memory_space<vmem>>
        %dma_start3A_818 = arith.constant 0 : i32
        %dma_start3A_819 = tpu.memref_slice %arg9[%add3A_813, %dma_start3A_818] : memref<40x64xi32, #tpu.memory_space<vmem>> -> memref<1x64xi32, #tpu.memory_space<vmem>>
        %dma_start3A_820 = tpu.memref_squeeze %dma_start3A_819 : memref<1x64xi32, #tpu.memory_space<vmem>> -> memref<64xi32, #tpu.memory_space<vmem>>
        %dma_start3A_821 = arith.constant 0 : i32
        %dma_start3A_822 = tpu.memref_slice %arg5[%dma_start3A_821] : memref<10240xf32, #tpu.memory_space<hbm>> -> memref<10240xf32, #tpu.memory_space<hbm>>
        tpu.enqueue_indirect_dma source(%dma_start3A_822 : memref<10240xf32, #tpu.memory_space<hbm>>) target(%dma_start3A_817 : memref<64xf32, #tpu.memory_space<vmem>>) offsets(%dma_start3A_820 : memref<64xi32, #tpu.memory_space<vmem>>) semaphore(%arg17 : memref<!tpu.dma_semaphore, #tpu.memory_space<semaphore_mem>>)
      } else {
      }
    }
    %scan3A_504 = arith.constant 10 : i32
    %barrier3A_505 = arith.constant 0 : index
    tpu.barrier barrier_id(%barrier3A_505)
    %mul3A_506 = arith.constant 640 : i32
    %mul3A_507 = arith.muli %arg1, %mul3A_506 : i32
    %mul3A_508 = arith.constant 640 : i32
    %mul3A_509 = arith.muli %arg1, %mul3A_508 : i32
    "tpu.region"() ({
      %run_scoped3A_514 = tpu.sem_alloc : memref<!tpu.dma_semaphore, #tpu.memory_space<semaphore_mem>>
      %dma_start3A_515 = arith.constant 0 : i32
      %dma_start3A_516 = tpu.memref_slice %arg6[%arg0, %mul3A_509, %dma_start3A_515] : memref<2x10240x128xf32, #tpu.memory_space<hbm>> -> memref<1x640x128xf32, #tpu.memory_space<hbm>>
      %dma_start3A_517 = tpu.memref_squeeze %dma_start3A_516 : memref<1x640x128xf32, #tpu.memory_space<hbm>> -> memref<640x128xf32, #tpu.memory_space<hbm>>
      %dma_start3A_518 = arith.constant 0 : i32
      %dma_start3A_519 = tpu.memref_slice %arg12[%mul3A_507, %dma_start3A_518] : memref<10240x128xf32, #tpu.memory_space<vmem_shared>> -> memref<640x128xf32, #tpu.memory_space<vmem_shared>>
      tpu.enqueue_dma source(%dma_start3A_519 : memref<640x128xf32, #tpu.memory_space<vmem_shared>>) target(%dma_start3A_517 : memref<640x128xf32, #tpu.memory_space<hbm>>) target_semaphore(%run_scoped3A_514 : memref<!tpu.dma_semaphore, #tpu.memory_space<semaphore_mem>>)
      %dma_wait3A = arith.constant 0 : i32
      %dma_wait3A_520 = tpu.memref_slice %arg6[%arg0, %mul3A_509, %dma_wait3A] : memref<2x10240x128xf32, #tpu.memory_space<hbm>> -> memref<1x640x128xf32, #tpu.memory_space<hbm>>
      %dma_wait3A_521 = tpu.memref_squeeze %dma_wait3A_520 : memref<1x640x128xf32, #tpu.memory_space<hbm>> -> memref<640x128xf32, #tpu.memory_space<hbm>>
      %dma_wait3A_522 = arith.constant 0 : i32
      %dma_wait3A_523 = tpu.memref_slice %arg12[%mul3A_507, %dma_wait3A_522] : memref<10240x128xf32, #tpu.memory_space<vmem_shared>> -> memref<640x128xf32, #tpu.memory_space<vmem_shared>>
      tpu.wait_dma2 semaphore(%run_scoped3A_514 : memref<!tpu.dma_semaphore, #tpu.memory_space<semaphore_mem>>) src(%dma_wait3A_523 : memref<640x128xf32, #tpu.memory_space<vmem_shared>>) dst(%dma_wait3A_521 : memref<640x128xf32, #tpu.memory_space<hbm>>)
      tpu.yield
    }) : () -> ()
    %mul3A_510 = arith.constant 640 : i32
    %mul3A_511 = arith.muli %arg1, %mul3A_510 : i32
    %mul3A_512 = arith.constant 640 : i32
    %mul3A_513 = arith.muli %arg1, %mul3A_512 : i32
    "tpu.region"() ({
      %run_scoped3A_514 = tpu.sem_alloc : memref<!tpu.dma_semaphore, #tpu.memory_space<semaphore_mem>>
      %dma_start3A_515 = tpu.memref_slice %arg7[%arg0, %mul3A_513] : memref<2x10240xf32, #tpu.memory_space<hbm>> -> memref<1x640xf32, #tpu.memory_space<hbm>>
      %dma_start3A_516 = tpu.memref_squeeze %dma_start3A_515 : memref<1x640xf32, #tpu.memory_space<hbm>> -> memref<640xf32, #tpu.memory_space<hbm>>
      %dma_start3A_517 = tpu.memref_slice %arg13[%mul3A_511] : memref<10240xf32, #tpu.memory_space<vmem_shared>> -> memref<640xf32, #tpu.memory_space<vmem_shared>>
      tpu.enqueue_dma source(%dma_start3A_517 : memref<640xf32, #tpu.memory_space<vmem_shared>>) target(%dma_start3A_516 : memref<640xf32, #tpu.memory_space<hbm>>) target_semaphore(%run_scoped3A_514 : memref<!tpu.dma_semaphore, #tpu.memory_space<semaphore_mem>>)
      %dma_wait3A = tpu.memref_slice %arg7[%arg0, %mul3A_513] : memref<2x10240xf32, #tpu.memory_space<hbm>> -> memref<1x640xf32, #tpu.memory_space<hbm>>
      %dma_wait3A_518 = tpu.memref_squeeze %dma_wait3A : memref<1x640xf32, #tpu.memory_space<hbm>> -> memref<640xf32, #tpu.memory_space<hbm>>
      %dma_wait3A_519 = tpu.memref_slice %arg13[%mul3A_511] : memref<10240xf32, #tpu.memory_space<vmem_shared>> -> memref<640xf32, #tpu.memory_space<vmem_shared>>
      tpu.wait_dma2 semaphore(%run_scoped3A_514 : memref<!tpu.dma_semaphore, #tpu.memory_space<semaphore_mem>>) src(%dma_wait3A_519 : memref<640xf32, #tpu.memory_space<vmem_shared>>) dst(%dma_wait3A_518 : memref<640xf32, #tpu.memory_space<hbm>>)
      tpu.yield
    }) : () -> ()
    return
  }
}

module attributes {stable_mosaic.version = 14 : i64} {
  func.func @_tc_finish_body(%arg0: i32, %arg1: memref<2x1024x128xf32, #tpu.memory_space<vmem>>, %arg2: memref<2x8x128xf32, #tpu.memory_space<vmem>>, %arg3: memref<1024x128xf32, #tpu.memory_space<vmem>>, %arg4: memref<8x128xf32, #tpu.memory_space<vmem>>, %arg5: memref<1x128xf32, #tpu.memory_space<vmem>>, %arg6: memref<128x1xf32, #tpu.memory_space<vmem>>, %arg7: memref<1x1xf32, #tpu.memory_space<vmem>>, %arg8: memref<1x1xf32, #tpu.memory_space<vmem>>, %arg9: memref<1x1xf32, #tpu.memory_space<vmem>>) attributes {dimension_semantics = [#tpu.dimension_semantics<arbitrary>], iteration_bounds = array<i64: 10>, scalar_prefetch = 0 : i64, scratch_operands = 1 : i64, tpu.core_type = #tpu.core_type<tc>, window_params = [{transform_indices = @transform_0, window_bounds = array<i64: 2, 1024, 128>}, {transform_indices = @transform_1, window_bounds = array<i64: 2, 8, 128>}, {transform_indices = @transform_2, window_bounds = array<i64: 1024, 128>}, {transform_indices = @transform_3, window_bounds = array<i64: 8, 128>}, {pipeline_mode = #tpu.pipeline_mode<synchronous>, transform_indices = @transform_4, window_bounds = array<i64: 1, 128>}, {pipeline_mode = #tpu.pipeline_mode<synchronous>, transform_indices = @transform_5, window_bounds = array<i64: 128, 1>}, {pipeline_mode = #tpu.pipeline_mode<synchronous>, transform_indices = @transform_6, window_bounds = array<i64: 1, 1>}, {pipeline_mode = #tpu.pipeline_mode<synchronous>, transform_indices = @transform_7, window_bounds = array<i64: 1, 1>}]} {
    %get3A = arith.constant 0 : index
    %get3A_0 = arith.constant 0 : index
    %get3A_1 = vector.load %arg4[%get3A, %get3A_0] : memref<8x128xf32, #tpu.memory_space<vmem>>, vector<8x128xf32>
    %get3A_2 = arith.constant 0 : index
    %get3A_3 = arith.constant 0 : index
    %get3A_4 = arith.constant 0 : index
    %get3A_5 = vector.load %arg2[%get3A_2, %get3A_3, %get3A_4] : memref<2x8x128xf32, #tpu.memory_space<vmem>>, vector<1x8x128xf32>
    %get3A_6 = vector.shape_cast %get3A_5 : vector<1x8x128xf32> to vector<8x128xf32>
    %get3A_7 = arith.constant 1 : index
    %get3A_8 = arith.constant 0 : index
    %get3A_9 = arith.constant 0 : index
    %get3A_10 = vector.load %arg2[%get3A_7, %get3A_8, %get3A_9] : memref<2x8x128xf32, #tpu.memory_space<vmem>>, vector<1x8x128xf32>
    %get3A_11 = vector.shape_cast %get3A_10 : vector<1x8x128xf32> to vector<8x128xf32>
    %add3A = arith.addf %get3A_6, %get3A_11 : vector<8x128xf32>
    %mul3A = arith.mulf %get3A_1, %add3A : vector<8x128xf32>
    %mul3A_12 = arith.mulf %get3A_1, %get3A_1 : vector<8x128xf32>
    %add3A_13 = arith.addf %mul3A, %mul3A_12 : vector<8x128xf32>
    %transpose3A = tpu.transpose %get3A_1, [1, 0] : vector<8x128xf32> -> vector<128x8xf32>
    %transpose3A_14 = tpu.transpose %add3A_13, [1, 0] : vector<8x128xf32> -> vector<128x8xf32>
    %get3A_15 = arith.constant 0 : index
    %get3A_16 = arith.constant 0 : index
    %get3A_17 = arith.constant 0 : index
    %get3A_18 = vector.load %arg1[%get3A_15, %get3A_16, %get3A_17] : memref<2x1024x128xf32, #tpu.memory_space<vmem>>, vector<1x1024x128xf32>
    %get3A_19 = vector.shape_cast %get3A_18 : vector<1x1024x128xf32> to vector<1024x128xf32>
    %get3A_20 = arith.constant 1 : index
    %get3A_21 = arith.constant 0 : index
    %get3A_22 = arith.constant 0 : index
    %get3A_23 = vector.load %arg1[%get3A_20, %get3A_21, %get3A_22] : memref<2x1024x128xf32, #tpu.memory_space<vmem>>, vector<1x1024x128xf32>
    %get3A_24 = vector.shape_cast %get3A_23 : vector<1x1024x128xf32> to vector<1024x128xf32>
    %add3A_25 = arith.addf %get3A_19, %get3A_24 : vector<1024x128xf32>
    %get3A_26 = arith.constant 0 : index
    %get3A_27 = arith.constant 0 : index
    %get3A_28 = vector.load %arg3[%get3A_26, %get3A_27] : memref<1024x128xf32, #tpu.memory_space<vmem>>, vector<1024x128xf32>
    %add3A_29 = arith.addf %add3A_25, %get3A_28 : vector<1024x128xf32>
    %get3A_30 = arith.constant 0 : index
    %get3A_31 = arith.constant 0 : index
    %get3A_32 = vector.load %arg6[%get3A_30, %get3A_31] : memref<128x1xf32, #tpu.memory_space<vmem>>, vector<128x1xf32>
    %convert_element_type3A = arith.truncf %get3A_32 : vector<128x1xf32> to vector<128x1xbf16>
    %broadcast_in_dim3A = arith.constant 0.000000e+00 : f32
    %broadcast_in_dim3A_33 = vector.broadcast %broadcast_in_dim3A : f32 to vector<1x1xf32>
    %slice3A = vector.extract_strided_slice %add3A_29 {offsets = [0, 0], sizes = [128, 128], strides = [1, 1]} : vector<1024x128xf32> to vector<128x128xf32>
    %slice3A_34 = vector.extract_strided_slice %transpose3A {offsets = [0, 0], sizes = [128, 1], strides = [1, 1]} : vector<128x8xf32> to vector<128x1xf32>
    %mul3A_35 = vector.broadcast %slice3A_34 : vector<128x1xf32> to vector<128x128xf32>
    %mul3A_36 = arith.mulf %slice3A, %mul3A_35 : vector<128x128xf32>
    %get3A_37 = arith.constant 0 : index
    %get3A_38 = arith.constant 0 : index
    %get3A_39 = vector.load %arg5[%get3A_37, %get3A_38] : memref<1x128xf32, #tpu.memory_space<vmem>>, vector<1x128xf32>
    %add3A_40 = vector.broadcast %get3A_39 : vector<1x128xf32> to vector<128x128xf32>
    %add3A_41 = arith.addf %mul3A_36, %add3A_40 : vector<128x128xf32>
    %max3A = arith.constant 0.000000e+00 : f32
    %max3A_42 = vector.broadcast %max3A : f32 to vector<128x128xf32>
    %max3A_43 = arith.maximumf %add3A_41, %max3A_42 : vector<128x128xf32>
    %convert_element_type3A_44 = arith.truncf %max3A_43 : vector<128x128xf32> to vector<128x128xbf16>
    %dot_general3A = arith.constant dense<0.000000e+00> : vector<128x1xf32>
    %dot_general3A_45 = tpu.matmul %convert_element_type3A_44, %convert_element_type3A, %dot_general3A {dimension_numbers = #tpu.dot_dimension_numbers<[1], [0], [0], [1], [0, 0, 1, 1], [], []>, transpose_lhs_hint = false} : vector<128x128xbf16>, vector<128x1xbf16>, vector<128x1xf32> -> vector<128x1xf32>
    %slice3A_46 = vector.extract_strided_slice %transpose3A_14 {offsets = [0, 0], sizes = [128, 1], strides = [1, 1]} : vector<128x8xf32> to vector<128x1xf32>
    %mul3A_47 = arith.mulf %slice3A_46, %dot_general3A_45 : vector<128x1xf32>
    %reduce_sum3A = arith.constant dense<0.000000e+00> : vector<1xf32>
    %reduce_sum3A_48 = vector.multi_reduction <add>, %mul3A_47, %reduce_sum3A [0] : vector<128x1xf32> to vector<1xf32>
    %broadcast_in_dim3A_49 = vector.shape_cast %reduce_sum3A_48 : vector<1xf32> to vector<1x1xf32>
    %add3A_50 = arith.addf %broadcast_in_dim3A_33, %broadcast_in_dim3A_49 : vector<1x1xf32>
    %slice3A_51 = vector.extract_strided_slice %add3A_29 {offsets = [128, 0], sizes = [128, 128], strides = [1, 1]} : vector<1024x128xf32> to vector<128x128xf32>
    %slice3A_52 = vector.extract_strided_slice %transpose3A {offsets = [0, 1], sizes = [128, 1], strides = [1, 1]} : vector<128x8xf32> to vector<128x1xf32>
    %mul3A_53 = vector.broadcast %slice3A_52 : vector<128x1xf32> to vector<128x128xf32>
    %mul3A_54 = arith.mulf %slice3A_51, %mul3A_53 : vector<128x128xf32>
    %get3A_55 = arith.constant 0 : index
    %get3A_56 = arith.constant 0 : index
    %get3A_57 = vector.load %arg5[%get3A_55, %get3A_56] : memref<1x128xf32, #tpu.memory_space<vmem>>, vector<1x128xf32>
    %add3A_58 = vector.broadcast %get3A_57 : vector<1x128xf32> to vector<128x128xf32>
    %add3A_59 = arith.addf %mul3A_54, %add3A_58 : vector<128x128xf32>
    %max3A_60 = arith.constant 0.000000e+00 : f32
    %max3A_61 = vector.broadcast %max3A_60 : f32 to vector<128x128xf32>
    %max3A_62 = arith.maximumf %add3A_59, %max3A_61 : vector<128x128xf32>
    %convert_element_type3A_63 = arith.truncf %max3A_62 : vector<128x128xf32> to vector<128x128xbf16>
    %dot_general3A_64 = arith.constant dense<0.000000e+00> : vector<128x1xf32>
    %dot_general3A_65 = tpu.matmul %convert_element_type3A_63, %convert_element_type3A, %dot_general3A_64 {dimension_numbers = #tpu.dot_dimension_numbers<[1], [0], [0], [1], [0, 0, 1, 1], [], []>, transpose_lhs_hint = false} : vector<128x128xbf16>, vector<128x1xbf16>, vector<128x1xf32> -> vector<128x1xf32>
    %slice3A_66 = vector.extract_strided_slice %transpose3A_14 {offsets = [0, 1], sizes = [128, 1], strides = [1, 1]} : vector<128x8xf32> to vector<128x1xf32>
    %mul3A_67 = arith.mulf %slice3A_66, %dot_general3A_65 : vector<128x1xf32>
    %reduce_sum3A_68 = arith.constant dense<0.000000e+00> : vector<1xf32>
    %reduce_sum3A_69 = vector.multi_reduction <add>, %mul3A_67, %reduce_sum3A_68 [0] : vector<128x1xf32> to vector<1xf32>
    %broadcast_in_dim3A_70 = vector.shape_cast %reduce_sum3A_69 : vector<1xf32> to vector<1x1xf32>
    %add3A_71 = arith.addf %add3A_50, %broadcast_in_dim3A_70 : vector<1x1xf32>
    %slice3A_72 = vector.extract_strided_slice %add3A_29 {offsets = [256, 0], sizes = [128, 128], strides = [1, 1]} : vector<1024x128xf32> to vector<128x128xf32>
    %slice3A_73 = vector.extract_strided_slice %transpose3A {offsets = [0, 2], sizes = [128, 1], strides = [1, 1]} : vector<128x8xf32> to vector<128x1xf32>
    %mul3A_74 = vector.broadcast %slice3A_73 : vector<128x1xf32> to vector<128x128xf32>
    %mul3A_75 = arith.mulf %slice3A_72, %mul3A_74 : vector<128x128xf32>
    %get3A_76 = arith.constant 0 : index
    %get3A_77 = arith.constant 0 : index
    %get3A_78 = vector.load %arg5[%get3A_76, %get3A_77] : memref<1x128xf32, #tpu.memory_space<vmem>>, vector<1x128xf32>
    %add3A_79 = vector.broadcast %get3A_78 : vector<1x128xf32> to vector<128x128xf32>
    %add3A_80 = arith.addf %mul3A_75, %add3A_79 : vector<128x128xf32>
    %max3A_81 = arith.constant 0.000000e+00 : f32
    %max3A_82 = vector.broadcast %max3A_81 : f32 to vector<128x128xf32>
    %max3A_83 = arith.maximumf %add3A_80, %max3A_82 : vector<128x128xf32>
    %convert_element_type3A_84 = arith.truncf %max3A_83 : vector<128x128xf32> to vector<128x128xbf16>
    %dot_general3A_85 = arith.constant dense<0.000000e+00> : vector<128x1xf32>
    %dot_general3A_86 = tpu.matmul %convert_element_type3A_84, %convert_element_type3A, %dot_general3A_85 {dimension_numbers = #tpu.dot_dimension_numbers<[1], [0], [0], [1], [0, 0, 1, 1], [], []>, transpose_lhs_hint = false} : vector<128x128xbf16>, vector<128x1xbf16>, vector<128x1xf32> -> vector<128x1xf32>
    %slice3A_87 = vector.extract_strided_slice %transpose3A_14 {offsets = [0, 2], sizes = [128, 1], strides = [1, 1]} : vector<128x8xf32> to vector<128x1xf32>
    %mul3A_88 = arith.mulf %slice3A_87, %dot_general3A_86 : vector<128x1xf32>
    %reduce_sum3A_89 = arith.constant dense<0.000000e+00> : vector<1xf32>
    %reduce_sum3A_90 = vector.multi_reduction <add>, %mul3A_88, %reduce_sum3A_89 [0] : vector<128x1xf32> to vector<1xf32>
    %broadcast_in_dim3A_91 = vector.shape_cast %reduce_sum3A_90 : vector<1xf32> to vector<1x1xf32>
    %add3A_92 = arith.addf %add3A_71, %broadcast_in_dim3A_91 : vector<1x1xf32>
    %slice3A_93 = vector.extract_strided_slice %add3A_29 {offsets = [384, 0], sizes = [128, 128], strides = [1, 1]} : vector<1024x128xf32> to vector<128x128xf32>
    %slice3A_94 = vector.extract_strided_slice %transpose3A {offsets = [0, 3], sizes = [128, 1], strides = [1, 1]} : vector<128x8xf32> to vector<128x1xf32>
    %mul3A_95 = vector.broadcast %slice3A_94 : vector<128x1xf32> to vector<128x128xf32>
    %mul3A_96 = arith.mulf %slice3A_93, %mul3A_95 : vector<128x128xf32>
    %get3A_97 = arith.constant 0 : index
    %get3A_98 = arith.constant 0 : index
    %get3A_99 = vector.load %arg5[%get3A_97, %get3A_98] : memref<1x128xf32, #tpu.memory_space<vmem>>, vector<1x128xf32>
    %add3A_100 = vector.broadcast %get3A_99 : vector<1x128xf32> to vector<128x128xf32>
    %add3A_101 = arith.addf %mul3A_96, %add3A_100 : vector<128x128xf32>
    %max3A_102 = arith.constant 0.000000e+00 : f32
    %max3A_103 = vector.broadcast %max3A_102 : f32 to vector<128x128xf32>
    %max3A_104 = arith.maximumf %add3A_101, %max3A_103 : vector<128x128xf32>
    %convert_element_type3A_105 = arith.truncf %max3A_104 : vector<128x128xf32> to vector<128x128xbf16>
    %dot_general3A_106 = arith.constant dense<0.000000e+00> : vector<128x1xf32>
    %dot_general3A_107 = tpu.matmul %convert_element_type3A_105, %convert_element_type3A, %dot_general3A_106 {dimension_numbers = #tpu.dot_dimension_numbers<[1], [0], [0], [1], [0, 0, 1, 1], [], []>, transpose_lhs_hint = false} : vector<128x128xbf16>, vector<128x1xbf16>, vector<128x1xf32> -> vector<128x1xf32>
    %slice3A_108 = vector.extract_strided_slice %transpose3A_14 {offsets = [0, 3], sizes = [128, 1], strides = [1, 1]} : vector<128x8xf32> to vector<128x1xf32>
    %mul3A_109 = arith.mulf %slice3A_108, %dot_general3A_107 : vector<128x1xf32>
    %reduce_sum3A_110 = arith.constant dense<0.000000e+00> : vector<1xf32>
    %reduce_sum3A_111 = vector.multi_reduction <add>, %mul3A_109, %reduce_sum3A_110 [0] : vector<128x1xf32> to vector<1xf32>
    %broadcast_in_dim3A_112 = vector.shape_cast %reduce_sum3A_111 : vector<1xf32> to vector<1x1xf32>
    %add3A_113 = arith.addf %add3A_92, %broadcast_in_dim3A_112 : vector<1x1xf32>
    %slice3A_114 = vector.extract_strided_slice %add3A_29 {offsets = [512, 0], sizes = [128, 128], strides = [1, 1]} : vector<1024x128xf32> to vector<128x128xf32>
    %slice3A_115 = vector.extract_strided_slice %transpose3A {offsets = [0, 4], sizes = [128, 1], strides = [1, 1]} : vector<128x8xf32> to vector<128x1xf32>
    %mul3A_116 = vector.broadcast %slice3A_115 : vector<128x1xf32> to vector<128x128xf32>
    %mul3A_117 = arith.mulf %slice3A_114, %mul3A_116 : vector<128x128xf32>
    %get3A_118 = arith.constant 0 : index
    %get3A_119 = arith.constant 0 : index
    %get3A_120 = vector.load %arg5[%get3A_118, %get3A_119] : memref<1x128xf32, #tpu.memory_space<vmem>>, vector<1x128xf32>
    %add3A_121 = vector.broadcast %get3A_120 : vector<1x128xf32> to vector<128x128xf32>
    %add3A_122 = arith.addf %mul3A_117, %add3A_121 : vector<128x128xf32>
    %max3A_123 = arith.constant 0.000000e+00 : f32
    %max3A_124 = vector.broadcast %max3A_123 : f32 to vector<128x128xf32>
    %max3A_125 = arith.maximumf %add3A_122, %max3A_124 : vector<128x128xf32>
    %convert_element_type3A_126 = arith.truncf %max3A_125 : vector<128x128xf32> to vector<128x128xbf16>
    %dot_general3A_127 = arith.constant dense<0.000000e+00> : vector<128x1xf32>
    %dot_general3A_128 = tpu.matmul %convert_element_type3A_126, %convert_element_type3A, %dot_general3A_127 {dimension_numbers = #tpu.dot_dimension_numbers<[1], [0], [0], [1], [0, 0, 1, 1], [], []>, transpose_lhs_hint = false} : vector<128x128xbf16>, vector<128x1xbf16>, vector<128x1xf32> -> vector<128x1xf32>
    %slice3A_129 = vector.extract_strided_slice %transpose3A_14 {offsets = [0, 4], sizes = [128, 1], strides = [1, 1]} : vector<128x8xf32> to vector<128x1xf32>
    %mul3A_130 = arith.mulf %slice3A_129, %dot_general3A_128 : vector<128x1xf32>
    %reduce_sum3A_131 = arith.constant dense<0.000000e+00> : vector<1xf32>
    %reduce_sum3A_132 = vector.multi_reduction <add>, %mul3A_130, %reduce_sum3A_131 [0] : vector<128x1xf32> to vector<1xf32>
    %broadcast_in_dim3A_133 = vector.shape_cast %reduce_sum3A_132 : vector<1xf32> to vector<1x1xf32>
    %add3A_134 = arith.addf %add3A_113, %broadcast_in_dim3A_133 : vector<1x1xf32>
    %slice3A_135 = vector.extract_strided_slice %add3A_29 {offsets = [640, 0], sizes = [128, 128], strides = [1, 1]} : vector<1024x128xf32> to vector<128x128xf32>
    %slice3A_136 = vector.extract_strided_slice %transpose3A {offsets = [0, 5], sizes = [128, 1], strides = [1, 1]} : vector<128x8xf32> to vector<128x1xf32>
    %mul3A_137 = vector.broadcast %slice3A_136 : vector<128x1xf32> to vector<128x128xf32>
    %mul3A_138 = arith.mulf %slice3A_135, %mul3A_137 : vector<128x128xf32>
    %get3A_139 = arith.constant 0 : index
    %get3A_140 = arith.constant 0 : index
    %get3A_141 = vector.load %arg5[%get3A_139, %get3A_140] : memref<1x128xf32, #tpu.memory_space<vmem>>, vector<1x128xf32>
    %add3A_142 = vector.broadcast %get3A_141 : vector<1x128xf32> to vector<128x128xf32>
    %add3A_143 = arith.addf %mul3A_138, %add3A_142 : vector<128x128xf32>
    %max3A_144 = arith.constant 0.000000e+00 : f32
    %max3A_145 = vector.broadcast %max3A_144 : f32 to vector<128x128xf32>
    %max3A_146 = arith.maximumf %add3A_143, %max3A_145 : vector<128x128xf32>
    %convert_element_type3A_147 = arith.truncf %max3A_146 : vector<128x128xf32> to vector<128x128xbf16>
    %dot_general3A_148 = arith.constant dense<0.000000e+00> : vector<128x1xf32>
    %dot_general3A_149 = tpu.matmul %convert_element_type3A_147, %convert_element_type3A, %dot_general3A_148 {dimension_numbers = #tpu.dot_dimension_numbers<[1], [0], [0], [1], [0, 0, 1, 1], [], []>, transpose_lhs_hint = false} : vector<128x128xbf16>, vector<128x1xbf16>, vector<128x1xf32> -> vector<128x1xf32>
    %slice3A_150 = vector.extract_strided_slice %transpose3A_14 {offsets = [0, 5], sizes = [128, 1], strides = [1, 1]} : vector<128x8xf32> to vector<128x1xf32>
    %mul3A_151 = arith.mulf %slice3A_150, %dot_general3A_149 : vector<128x1xf32>
    %reduce_sum3A_152 = arith.constant dense<0.000000e+00> : vector<1xf32>
    %reduce_sum3A_153 = vector.multi_reduction <add>, %mul3A_151, %reduce_sum3A_152 [0] : vector<128x1xf32> to vector<1xf32>
    %broadcast_in_dim3A_154 = vector.shape_cast %reduce_sum3A_153 : vector<1xf32> to vector<1x1xf32>
    %add3A_155 = arith.addf %add3A_134, %broadcast_in_dim3A_154 : vector<1x1xf32>
    %slice3A_156 = vector.extract_strided_slice %add3A_29 {offsets = [768, 0], sizes = [128, 128], strides = [1, 1]} : vector<1024x128xf32> to vector<128x128xf32>
    %slice3A_157 = vector.extract_strided_slice %transpose3A {offsets = [0, 6], sizes = [128, 1], strides = [1, 1]} : vector<128x8xf32> to vector<128x1xf32>
    %mul3A_158 = vector.broadcast %slice3A_157 : vector<128x1xf32> to vector<128x128xf32>
    %mul3A_159 = arith.mulf %slice3A_156, %mul3A_158 : vector<128x128xf32>
    %get3A_160 = arith.constant 0 : index
    %get3A_161 = arith.constant 0 : index
    %get3A_162 = vector.load %arg5[%get3A_160, %get3A_161] : memref<1x128xf32, #tpu.memory_space<vmem>>, vector<1x128xf32>
    %add3A_163 = vector.broadcast %get3A_162 : vector<1x128xf32> to vector<128x128xf32>
    %add3A_164 = arith.addf %mul3A_159, %add3A_163 : vector<128x128xf32>
    %max3A_165 = arith.constant 0.000000e+00 : f32
    %max3A_166 = vector.broadcast %max3A_165 : f32 to vector<128x128xf32>
    %max3A_167 = arith.maximumf %add3A_164, %max3A_166 : vector<128x128xf32>
    %convert_element_type3A_168 = arith.truncf %max3A_167 : vector<128x128xf32> to vector<128x128xbf16>
    %dot_general3A_169 = arith.constant dense<0.000000e+00> : vector<128x1xf32>
    %dot_general3A_170 = tpu.matmul %convert_element_type3A_168, %convert_element_type3A, %dot_general3A_169 {dimension_numbers = #tpu.dot_dimension_numbers<[1], [0], [0], [1], [0, 0, 1, 1], [], []>, transpose_lhs_hint = false} : vector<128x128xbf16>, vector<128x1xbf16>, vector<128x1xf32> -> vector<128x1xf32>
    %slice3A_171 = vector.extract_strided_slice %transpose3A_14 {offsets = [0, 6], sizes = [128, 1], strides = [1, 1]} : vector<128x8xf32> to vector<128x1xf32>
    %mul3A_172 = arith.mulf %slice3A_171, %dot_general3A_170 : vector<128x1xf32>
    %reduce_sum3A_173 = arith.constant dense<0.000000e+00> : vector<1xf32>
    %reduce_sum3A_174 = vector.multi_reduction <add>, %mul3A_172, %reduce_sum3A_173 [0] : vector<128x1xf32> to vector<1xf32>
    %broadcast_in_dim3A_175 = vector.shape_cast %reduce_sum3A_174 : vector<1xf32> to vector<1x1xf32>
    %add3A_176 = arith.addf %add3A_155, %broadcast_in_dim3A_175 : vector<1x1xf32>
    %slice3A_177 = vector.extract_strided_slice %add3A_29 {offsets = [896, 0], sizes = [128, 128], strides = [1, 1]} : vector<1024x128xf32> to vector<128x128xf32>
    %slice3A_178 = vector.extract_strided_slice %transpose3A {offsets = [0, 7], sizes = [128, 1], strides = [1, 1]} : vector<128x8xf32> to vector<128x1xf32>
    %mul3A_179 = vector.broadcast %slice3A_178 : vector<128x1xf32> to vector<128x128xf32>
    %mul3A_180 = arith.mulf %slice3A_177, %mul3A_179 : vector<128x128xf32>
    %get3A_181 = arith.constant 0 : index
    %get3A_182 = arith.constant 0 : index
    %get3A_183 = vector.load %arg5[%get3A_181, %get3A_182] : memref<1x128xf32, #tpu.memory_space<vmem>>, vector<1x128xf32>
    %add3A_184 = vector.broadcast %get3A_183 : vector<1x128xf32> to vector<128x128xf32>
    %add3A_185 = arith.addf %mul3A_180, %add3A_184 : vector<128x128xf32>
    %max3A_186 = arith.constant 0.000000e+00 : f32
    %max3A_187 = vector.broadcast %max3A_186 : f32 to vector<128x128xf32>
    %max3A_188 = arith.maximumf %add3A_185, %max3A_187 : vector<128x128xf32>
    %convert_element_type3A_189 = arith.truncf %max3A_188 : vector<128x128xf32> to vector<128x128xbf16>
    %dot_general3A_190 = arith.constant dense<0.000000e+00> : vector<128x1xf32>
    %dot_general3A_191 = tpu.matmul %convert_element_type3A_189, %convert_element_type3A, %dot_general3A_190 {dimension_numbers = #tpu.dot_dimension_numbers<[1], [0], [0], [1], [0, 0, 1, 1], [], []>, transpose_lhs_hint = false} : vector<128x128xbf16>, vector<128x1xbf16>, vector<128x1xf32> -> vector<128x1xf32>
    %slice3A_192 = vector.extract_strided_slice %transpose3A_14 {offsets = [0, 7], sizes = [128, 1], strides = [1, 1]} : vector<128x8xf32> to vector<128x1xf32>
    %mul3A_193 = arith.mulf %slice3A_192, %dot_general3A_191 : vector<128x1xf32>
    %reduce_sum3A_194 = arith.constant dense<0.000000e+00> : vector<1xf32>
    %reduce_sum3A_195 = vector.multi_reduction <add>, %mul3A_193, %reduce_sum3A_194 [0] : vector<128x1xf32> to vector<1xf32>
    %broadcast_in_dim3A_196 = vector.shape_cast %reduce_sum3A_195 : vector<1xf32> to vector<1x1xf32>
    %add3A_197 = arith.addf %add3A_176, %broadcast_in_dim3A_196 : vector<1x1xf32>
    %eq3A = arith.constant 0 : i32
    %eq3A_198 = arith.cmpi eq, %arg0, %eq3A : i32
    %convert_element_type3A_199 = arith.extui %eq3A_198 : i1 to i32
    %cond3A = arith.constant 0 : i32
    %cond3A_200 = arith.cmpi ne, %convert_element_type3A_199, %cond3A : i32
    scf.if %cond3A_200 {
      %swap3A = arith.constant 0 : index
      %swap3A_210 = arith.constant 0 : index
      %swap3A_211 = vector.load %arg9[%swap3A, %swap3A_210] : memref<1x1xf32, #tpu.memory_space<vmem>>, vector<1x1xf32>
      tpu.vector_store %arg9[%swap3A, %swap3A_210], %add3A_197 {strides = array<i32>} : memref<1x1xf32, #tpu.memory_space<vmem>>, vector<1x1xf32>,
    } else {
    }
    %gt3A = arith.constant 0 : i32
    %gt3A_201 = arith.cmpi sgt, %arg0, %gt3A : i32
    %convert_element_type3A_202 = arith.extui %gt3A_201 : i1 to i32
    %cond3A_203 = arith.constant 0 : i32
    %cond3A_204 = arith.cmpi ne, %convert_element_type3A_202, %cond3A_203 : i32
    scf.if %cond3A_204 {
      %get3A_210 = arith.constant 0 : index
      %get3A_211 = arith.constant 0 : index
      %get3A_212 = vector.load %arg9[%get3A_210, %get3A_211] : memref<1x1xf32, #tpu.memory_space<vmem>>, vector<1x1xf32>
      %add3A_213 = arith.addf %get3A_212, %add3A_197 : vector<1x1xf32>
      %swap3A = arith.constant 0 : index
      %swap3A_214 = arith.constant 0 : index
      %swap3A_215 = vector.load %arg9[%swap3A, %swap3A_214] : memref<1x1xf32, #tpu.memory_space<vmem>>, vector<1x1xf32>
      tpu.vector_store %arg9[%swap3A, %swap3A_214], %add3A_213 {strides = array<i32>} : memref<1x1xf32, #tpu.memory_space<vmem>>, vector<1x1xf32>,
    } else {
    }
    %eq3A_205 = arith.constant 9 : i32
    %eq3A_206 = arith.cmpi eq, %arg0, %eq3A_205 : i32
    %convert_element_type3A_207 = arith.extui %eq3A_206 : i1 to i32
    %cond3A_208 = arith.constant 0 : i32
    %cond3A_209 = arith.cmpi ne, %convert_element_type3A_207, %cond3A_208 : i32
    scf.if %cond3A_209 {
      %get3A_210 = arith.constant 0 : index
      %get3A_211 = arith.constant 0 : index
      %get3A_212 = vector.load %arg9[%get3A_210, %get3A_211] : memref<1x1xf32, #tpu.memory_space<vmem>>, vector<1x1xf32>
      %mul3A_213 = arith.constant 9.99999974E-5 : f32
      %mul3A_214 = vector.broadcast %mul3A_213 : f32 to vector<1x1xf32>
      %mul3A_215 = arith.mulf %get3A_212, %mul3A_214 : vector<1x1xf32>
      %get3A_216 = arith.constant 0 : index
      %get3A_217 = arith.constant 0 : index
      %get3A_218 = vector.load %arg7[%get3A_216, %get3A_217] : memref<1x1xf32, #tpu.memory_space<vmem>>, vector<1x1xf32>
      %add3A_219 = arith.addf %mul3A_215, %get3A_218 : vector<1x1xf32>
      %swap3A = arith.constant 0 : index
      %swap3A_220 = arith.constant 0 : index
      %swap3A_221 = vector.load %arg8[%swap3A, %swap3A_220] : memref<1x1xf32, #tpu.memory_space<vmem>>, vector<1x1xf32>
      tpu.vector_store %arg8[%swap3A, %swap3A_220], %add3A_219 {strides = array<i32>} : memref<1x1xf32, #tpu.memory_space<vmem>>, vector<1x1xf32>,
    } else {
    }
    return
  }
  func.func @transform_0(%arg0: i32) -> (i32, i32, i32) {
    %c0_i32 = arith.constant 0 : i32
    %c0_i32_0 = arith.constant 0 : i32
    %c0_i32_1 = arith.constant 0 : i32
    return %c0_i32, %arg0, %c0_i32_0 : i32, i32, i32
  }
  func.func @transform_1(%arg0: i32) -> (i32, i32, i32) {
    %c0_i32 = arith.constant 0 : i32
    %c0_i32_0 = arith.constant 0 : i32
    %c0_i32_1 = arith.constant 0 : i32
    return %c0_i32, %arg0, %c0_i32_0 : i32, i32, i32
  }
  func.func @transform_2(%arg0: i32) -> (i32, i32) {
    %c0_i32 = arith.constant 0 : i32
    %c0_i32_0 = arith.constant 0 : i32
    return %arg0, %c0_i32 : i32, i32
  }
  func.func @transform_3(%arg0: i32) -> (i32, i32) {
    %c0_i32 = arith.constant 0 : i32
    %c0_i32_0 = arith.constant 0 : i32
    return %arg0, %c0_i32 : i32, i32
  }
  func.func @transform_4(%arg0: i32) -> (i32, i32) {
    %c0_i32 = arith.constant 0 : i32
    %c0_i32_0 = arith.constant 0 : i32
    %c0_i32_1 = arith.constant 0 : i32
    return %c0_i32, %c0_i32_0 : i32, i32
  }
  func.func @transform_5(%arg0: i32) -> (i32, i32) {
    %c0_i32 = arith.constant 0 : i32
    %c0_i32_0 = arith.constant 0 : i32
    %c0_i32_1 = arith.constant 0 : i32
    return %c0_i32, %c0_i32_0 : i32, i32
  }
  func.func @transform_6(%arg0: i32) -> (i32, i32) {
    %c0_i32 = arith.constant 0 : i32
    %c0_i32_0 = arith.constant 0 : i32
    %c0_i32_1 = arith.constant 0 : i32
    return %c0_i32, %c0_i32_0 : i32, i32
  }
  func.func @transform_7(%arg0: i32) -> (i32, i32) {
    %c0_i32 = arith.constant 0 : i32
    %c0_i32_0 = arith.constant 0 : i32
    %c0_i32_1 = arith.constant 0 : i32
    return %c0_i32, %c0_i32_0 : i32, i32
  }
}

module attributes {stable_mosaic.version = 14 : i64} {
  func.func @_tc_prep_body(%arg0: i32, %arg1: memref<1024x128xf32, #tpu.memory_space<vmem>>, %arg2: memref<128x128xf32, #tpu.memory_space<vmem>>, %arg3: memref<2x8x128xf32, #tpu.memory_space<vmem>>, %arg4: memref<1024x128xf32, #tpu.memory_space<vmem>>, %arg5: memref<8x128xf32, #tpu.memory_space<vmem>>) attributes {dimension_semantics = [#tpu.dimension_semantics<arbitrary>], iteration_bounds = array<i64: 10>, scalar_prefetch = 0 : i64, scratch_operands = 0 : i64, tpu.core_type = #tpu.core_type<tc>, window_params = [{transform_indices = @transform_0, window_bounds = array<i64: 1024, 128>}, {pipeline_mode = #tpu.pipeline_mode<synchronous>, transform_indices = @transform_1, window_bounds = array<i64: 128, 128>}, {transform_indices = @transform_2, window_bounds = array<i64: 2, 8, 128>}, {transform_indices = @transform_3, window_bounds = array<i64: 1024, 128>}, {transform_indices = @transform_4, window_bounds = array<i64: 8, 128>}]} {
    %get3A = arith.constant 0 : index
    %get3A_0 = arith.constant 0 : index
    %get3A_1 = arith.constant 0 : index
    %get3A_2 = vector.load %arg3[%get3A, %get3A_0, %get3A_1] : memref<2x8x128xf32, #tpu.memory_space<vmem>>, vector<1x8x128xf32>
    %get3A_3 = vector.shape_cast %get3A_2 : vector<1x8x128xf32> to vector<8x128xf32>
    %get3A_4 = arith.constant 1 : index
    %get3A_5 = arith.constant 0 : index
    %get3A_6 = arith.constant 0 : index
    %get3A_7 = vector.load %arg3[%get3A_4, %get3A_5, %get3A_6] : memref<2x8x128xf32, #tpu.memory_space<vmem>>, vector<1x8x128xf32>
    %get3A_8 = vector.shape_cast %get3A_7 : vector<1x8x128xf32> to vector<8x128xf32>
    %add3A = arith.addf %get3A_3, %get3A_8 : vector<8x128xf32>
    %add3A_9 = arith.constant 1.000000e+00 : f32
    %add3A_10 = vector.broadcast %add3A_9 : f32 to vector<8x128xf32>
    %add3A_11 = arith.addf %add3A, %add3A_10 : vector<8x128xf32>
    %mul3A = arith.constant 8 : i32
    %mul3A_12 = arith.muli %arg0, %mul3A : i32
    %iota3A = tpu.iota {dimensions = array<i32: 0>} : vector<8x128xi32>
    %add3A_13 = vector.broadcast %mul3A_12 : i32 to vector<8x128xi32>
    %add3A_14 = arith.addi %add3A_13, %iota3A : vector<8x128xi32>
    %mul3A_15 = arith.constant 128 : i32
    %mul3A_16 = vector.broadcast %mul3A_15 : i32 to vector<8x128xi32>
    %mul3A_17 = arith.muli %add3A_14, %mul3A_16 : vector<8x128xi32>
    %iota3A_18 = tpu.iota {dimensions = array<i32: 1>} : vector<8x128xi32>
    %add3A_19 = arith.addi %mul3A_17, %iota3A_18 : vector<8x128xi32>
    %lt3A = arith.constant 10000 : i32
    %lt3A_20 = vector.broadcast %lt3A : i32 to vector<8x128xi32>
    %lt3A_21 = arith.cmpi slt, %add3A_19, %lt3A_20 : vector<8x128xi32>
    %sqrt3A = math.sqrt %add3A_11 : vector<8x128xf32>
    %div3A = arith.constant 1.000000e+00 : f32
    %div3A_22 = vector.broadcast %div3A : f32 to vector<8x128xf32>
    %div3A_23 = arith.divf %div3A_22, %sqrt3A : vector<8x128xf32>
    %jit3A = arith.constant 0.000000e+00 : f32
    %broadcast_in_dim3A = vector.broadcast %jit3A : f32 to vector<8x128xf32>
    %select_n3A = arith.select %lt3A_21, %div3A_23, %broadcast_in_dim3A : vector<8x128xi1>, vector<8x128xf32>
    %swap3A = arith.constant 0 : index
    %swap3A_24 = arith.constant 0 : index
    %swap3A_25 = vector.load %arg5[%swap3A, %swap3A_24] : memref<8x128xf32, #tpu.memory_space<vmem>>, vector<8x128xf32>
    tpu.vector_store %arg5[%swap3A, %swap3A_24], %select_n3A {strides = array<i32>} : memref<8x128xf32, #tpu.memory_space<vmem>>, vector<8x128xf32>,
    %get3A_26 = arith.constant 0 : index
    %get3A_27 = arith.constant 0 : index
    %get3A_28 = vector.load %arg1[%get3A_26, %get3A_27] : memref<1024x128xf32, #tpu.memory_space<vmem>>, vector<1024x128xf32>
    %convert_element_type3A = arith.truncf %get3A_28 : vector<1024x128xf32> to vector<1024x128xbf16>
    %get3A_29 = arith.constant 0 : index
    %get3A_30 = arith.constant 0 : index
    %get3A_31 = vector.load %arg2[%get3A_29, %get3A_30] : memref<128x128xf32, #tpu.memory_space<vmem>>, vector<128x128xf32>
    %convert_element_type3A_32 = arith.truncf %get3A_31 : vector<128x128xf32> to vector<128x128xbf16>
    %dot_general3A = arith.constant dense<0.000000e+00> : vector<1024x128xf32>
    %dot_general3A_33 = tpu.matmul %convert_element_type3A, %convert_element_type3A_32, %dot_general3A {dimension_numbers = #tpu.dot_dimension_numbers<[1], [0], [0], [1], [0, 0, 1, 1], [], []>, transpose_lhs_hint = false} : vector<1024x128xbf16>, vector<128x128xbf16>, vector<1024x128xf32> -> vector<1024x128xf32>
    %transpose3A = tpu.transpose %select_n3A, [1, 0] : vector<8x128xf32> -> vector<128x8xf32>
    %slice3A = vector.extract_strided_slice %dot_general3A_33 {offsets = [0, 0], sizes = [128, 128], strides = [1, 1]} : vector<1024x128xf32> to vector<128x128xf32>
    %slice3A_34 = vector.extract_strided_slice %transpose3A {offsets = [0, 0], sizes = [128, 1], strides = [1, 1]} : vector<128x8xf32> to vector<128x1xf32>
    %mul3A_35 = vector.broadcast %slice3A_34 : vector<128x1xf32> to vector<128x128xf32>
    %mul3A_36 = arith.mulf %slice3A, %mul3A_35 : vector<128x128xf32>
    %swap3A_37 = arith.constant 0 : index
    %swap3A_38 = arith.constant 0 : index
    %swap3A_39 = vector.load %arg4[%swap3A_37, %swap3A_38] : memref<1024x128xf32, #tpu.memory_space<vmem>>, vector<128x128xf32>
    tpu.vector_store %arg4[%swap3A_37, %swap3A_38], %mul3A_36 {strides = array<i32>} : memref<1024x128xf32, #tpu.memory_space<vmem>>, vector<128x128xf32>,
    %slice3A_40 = vector.extract_strided_slice %dot_general3A_33 {offsets = [128, 0], sizes = [128, 128], strides = [1, 1]} : vector<1024x128xf32> to vector<128x128xf32>
    %slice3A_41 = vector.extract_strided_slice %transpose3A {offsets = [0, 1], sizes = [128, 1], strides = [1, 1]} : vector<128x8xf32> to vector<128x1xf32>
    %mul3A_42 = vector.broadcast %slice3A_41 : vector<128x1xf32> to vector<128x128xf32>
    %mul3A_43 = arith.mulf %slice3A_40, %mul3A_42 : vector<128x128xf32>
    %swap3A_44 = arith.constant 128 : index
    %swap3A_45 = arith.constant 0 : index
    %swap3A_46 = vector.load %arg4[%swap3A_44, %swap3A_45] : memref<1024x128xf32, #tpu.memory_space<vmem>>, vector<128x128xf32>
    tpu.vector_store %arg4[%swap3A_44, %swap3A_45], %mul3A_43 {strides = array<i32>} : memref<1024x128xf32, #tpu.memory_space<vmem>>, vector<128x128xf32>,
    %slice3A_47 = vector.extract_strided_slice %dot_general3A_33 {offsets = [256, 0], sizes = [128, 128], strides = [1, 1]} : vector<1024x128xf32> to vector<128x128xf32>
    %slice3A_48 = vector.extract_strided_slice %transpose3A {offsets = [0, 2], sizes = [128, 1], strides = [1, 1]} : vector<128x8xf32> to vector<128x1xf32>
    %mul3A_49 = vector.broadcast %slice3A_48 : vector<128x1xf32> to vector<128x128xf32>
    %mul3A_50 = arith.mulf %slice3A_47, %mul3A_49 : vector<128x128xf32>
    %swap3A_51 = arith.constant 256 : index
    %swap3A_52 = arith.constant 0 : index
    %swap3A_53 = vector.load %arg4[%swap3A_51, %swap3A_52] : memref<1024x128xf32, #tpu.memory_space<vmem>>, vector<128x128xf32>
    tpu.vector_store %arg4[%swap3A_51, %swap3A_52], %mul3A_50 {strides = array<i32>} : memref<1024x128xf32, #tpu.memory_space<vmem>>, vector<128x128xf32>,
    %slice3A_54 = vector.extract_strided_slice %dot_general3A_33 {offsets = [384, 0], sizes = [128, 128], strides = [1, 1]} : vector<1024x128xf32> to vector<128x128xf32>
    %slice3A_55 = vector.extract_strided_slice %transpose3A {offsets = [0, 3], sizes = [128, 1], strides = [1, 1]} : vector<128x8xf32> to vector<128x1xf32>
    %mul3A_56 = vector.broadcast %slice3A_55 : vector<128x1xf32> to vector<128x128xf32>
    %mul3A_57 = arith.mulf %slice3A_54, %mul3A_56 : vector<128x128xf32>
    %swap3A_58 = arith.constant 384 : index
    %swap3A_59 = arith.constant 0 : index
    %swap3A_60 = vector.load %arg4[%swap3A_58, %swap3A_59] : memref<1024x128xf32, #tpu.memory_space<vmem>>, vector<128x128xf32>
    tpu.vector_store %arg4[%swap3A_58, %swap3A_59], %mul3A_57 {strides = array<i32>} : memref<1024x128xf32, #tpu.memory_space<vmem>>, vector<128x128xf32>,
    %slice3A_61 = vector.extract_strided_slice %dot_general3A_33 {offsets = [512, 0], sizes = [128, 128], strides = [1, 1]} : vector<1024x128xf32> to vector<128x128xf32>
    %slice3A_62 = vector.extract_strided_slice %transpose3A {offsets = [0, 4], sizes = [128, 1], strides = [1, 1]} : vector<128x8xf32> to vector<128x1xf32>
    %mul3A_63 = vector.broadcast %slice3A_62 : vector<128x1xf32> to vector<128x128xf32>
    %mul3A_64 = arith.mulf %slice3A_61, %mul3A_63 : vector<128x128xf32>
    %swap3A_65 = arith.constant 512 : index
    %swap3A_66 = arith.constant 0 : index
    %swap3A_67 = vector.load %arg4[%swap3A_65, %swap3A_66] : memref<1024x128xf32, #tpu.memory_space<vmem>>, vector<128x128xf32>
    tpu.vector_store %arg4[%swap3A_65, %swap3A_66], %mul3A_64 {strides = array<i32>} : memref<1024x128xf32, #tpu.memory_space<vmem>>, vector<128x128xf32>,
    %slice3A_68 = vector.extract_strided_slice %dot_general3A_33 {offsets = [640, 0], sizes = [128, 128], strides = [1, 1]} : vector<1024x128xf32> to vector<128x128xf32>
    %slice3A_69 = vector.extract_strided_slice %transpose3A {offsets = [0, 5], sizes = [128, 1], strides = [1, 1]} : vector<128x8xf32> to vector<128x1xf32>
    %mul3A_70 = vector.broadcast %slice3A_69 : vector<128x1xf32> to vector<128x128xf32>
    %mul3A_71 = arith.mulf %slice3A_68, %mul3A_70 : vector<128x128xf32>
    %swap3A_72 = arith.constant 640 : index
    %swap3A_73 = arith.constant 0 : index
    %swap3A_74 = vector.load %arg4[%swap3A_72, %swap3A_73] : memref<1024x128xf32, #tpu.memory_space<vmem>>, vector<128x128xf32>
    tpu.vector_store %arg4[%swap3A_72, %swap3A_73], %mul3A_71 {strides = array<i32>} : memref<1024x128xf32, #tpu.memory_space<vmem>>, vector<128x128xf32>,
    %slice3A_75 = vector.extract_strided_slice %dot_general3A_33 {offsets = [768, 0], sizes = [128, 128], strides = [1, 1]} : vector<1024x128xf32> to vector<128x128xf32>
    %slice3A_76 = vector.extract_strided_slice %transpose3A {offsets = [0, 6], sizes = [128, 1], strides = [1, 1]} : vector<128x8xf32> to vector<128x1xf32>
    %mul3A_77 = vector.broadcast %slice3A_76 : vector<128x1xf32> to vector<128x128xf32>
    %mul3A_78 = arith.mulf %slice3A_75, %mul3A_77 : vector<128x128xf32>
    %swap3A_79 = arith.constant 768 : index
    %swap3A_80 = arith.constant 0 : index
    %swap3A_81 = vector.load %arg4[%swap3A_79, %swap3A_80] : memref<1024x128xf32, #tpu.memory_space<vmem>>, vector<128x128xf32>
    tpu.vector_store %arg4[%swap3A_79, %swap3A_80], %mul3A_78 {strides = array<i32>} : memref<1024x128xf32, #tpu.memory_space<vmem>>, vector<128x128xf32>,
    %slice3A_82 = vector.extract_strided_slice %dot_general3A_33 {offsets = [896, 0], sizes = [128, 128], strides = [1, 1]} : vector<1024x128xf32> to vector<128x128xf32>
    %slice3A_83 = vector.extract_strided_slice %transpose3A {offsets = [0, 7], sizes = [128, 1], strides = [1, 1]} : vector<128x8xf32> to vector<128x1xf32>
    %mul3A_84 = vector.broadcast %slice3A_83 : vector<128x1xf32> to vector<128x128xf32>
    %mul3A_85 = arith.mulf %slice3A_82, %mul3A_84 : vector<128x128xf32>
    %swap3A_86 = arith.constant 896 : index
    %swap3A_87 = arith.constant 0 : index
    %swap3A_88 = vector.load %arg4[%swap3A_86, %swap3A_87] : memref<1024x128xf32, #tpu.memory_space<vmem>>, vector<128x128xf32>
    tpu.vector_store %arg4[%swap3A_86, %swap3A_87], %mul3A_85 {strides = array<i32>} : memref<1024x128xf32, #tpu.memory_space<vmem>>, vector<128x128xf32>,
    return
  }
  func.func @transform_0(%arg0: i32) -> (i32, i32) {
    %c0_i32 = arith.constant 0 : i32
    %c0_i32_0 = arith.constant 0 : i32
    return %arg0, %c0_i32 : i32, i32
  }
  func.func @transform_1(%arg0: i32) -> (i32, i32) {
    %c0_i32 = arith.constant 0 : i32
    %c0_i32_0 = arith.constant 0 : i32
    %c0_i32_1 = arith.constant 0 : i32
    return %c0_i32, %c0_i32_0 : i32, i32
  }
  func.func @transform_2(%arg0: i32) -> (i32, i32, i32) {
    %c0_i32 = arith.constant 0 : i32
    %c0_i32_0 = arith.constant 0 : i32
    %c0_i32_1 = arith.constant 0 : i32
    return %c0_i32, %arg0, %c0_i32_0 : i32, i32, i32
  }
  func.func @transform_3(%arg0: i32) -> (i32, i32) {
    %c0_i32 = arith.constant 0 : i32
    %c0_i32_0 = arith.constant 0 : i32
    return %arg0, %c0_i32 : i32, i32
  }
  func.func @transform_4(%arg0: i32) -> (i32, i32) {
    %c0_i32 = arith.constant 0 : i32
    %c0_i32_0 = arith.constant 0 : i32
    return %arg0, %c0_i32 : i32, i32
  }
}

</mosaic_0001>

<sc_bundles>
// kernel: kernel.6.cloned.1.call-start
scs
__scs_entry_jumppad:
0x0: {  	(pc) =	sbr.rel $0x88, $3  }
0x1: {  	(tag) =	ssettag $0x0;
	lr =	simm.s32 $0x1  }
0x2: {  	[smem:$0x3F9B] =	sst lr;
	_ =	strace $0xD0000000  }
0x3: {  	_ = 	snop  }
0x4: {  	_ = 	snop  }
0x5: {  	_ = 	snop  }
0x6: {  	_ = 	snop  }
0x7: {  	_ = 	snop  }
__scs_overlays_trampoline_lowered:
0x8: {  	[smem:$0x3FAA] =	sst s0  }
0x9: {  	[smem:$0x3FAB] =	sst s1  }
0xa: {  	[smem:$0x3FAC] =	sst s2  }
0xb: {  	[smem:$0x3FAD] =	sst s3  }
0xc: {  	[smem:$0x3FAE] =	sst s4  }
0xd: {  	[smem:$0x3FAF] =	sst s5  }
0xe: {  	[smem:$0x3FB0] =	sst s6  }
0xf: {  	[smem:$0x3FB1] =	sst s7  }
0x10: {  	[smem:$0x3FB2] =	sst s8  }
0x11: {  	[smem:$0x3FB3] =	sst s9;
	s0 =	simm.s32 @!p0 $0x0  }
0x12: {  	s1 =	sld [smem:$0x3F99];
	s0 =	simm.s32 @p0 $0x1  }
0x13: {  	[smem:$0x3FB4] =	sst s0;
	s0 =	simm.s32 @!p1 $0x0  }
0x14: {  	s2 =	sld [smem:$0x3F98];
	s0 =	simm.s32 @p1 $0x1  }
0x15: {  	[smem:$0x3FB5] =	sst s0;
	s0 =	simm.s32 @!p2 $0x0  }
0x16: {  	s3 =	sld [smem:$0x3FDB];
	s0 =	simm.s32 @p2 $0x1  }
0x17: {  	s4 =	simm.s32 $0x1BF5;
	[smem:$0x3FB7] =	sst s0  }
0x18: {  	s0 =	sld [smem:$0x3F9A];
	_ =	swait.ge [sflag:s4], $0x0  }
0x19: {  	s7 =	sld [smem:$0x3F9B]  }
0x1a: {  	s8 =	sadd.s32 $0xFFFFE003, lr  }
0x1b: {  	s9 =	sadd.s32 $0xFFFFFEF7, lr;
	s5 =	simm.s32 $0xFFFFFFFF;
	p2 =	slt.u32 s8, $0xFFFFF086  }
0x1c: {  	p1 =	slt.u32 s9, $0xF7A;
	s5 =	simm.s32 @!p2 $0x0  }
0x1d: {  	s5 =	simm.s32 @p1 $0x1;
	p0 =	seq.s32 s7, s2  }
0x1e: {  	s7 =	smul.u32 @!p0 $0xF7A, s2;
	p2 =	seq.s32 @!p0 s5, $0x0  }
0x1f: {  	s9 =	smul.u32 $0xF7A, s1;
	s8 =	simm.s32 @!p0 $0x1BF5;
	p2 =	por !p2, p0  }
0x20: {  	[sflag:s8] =	ssyncset.s32 @!p0 $0xFFFFF086;
	s6 =	sadd.s32 @!p0 s3, s7;
	s7 =	simm.s32 @!p0 $0x108  }
0x21: {  	s3 =	sadd.s32 s3, s9;
	s6 =	sadd.s32 @!p0 $0x88, s6;
	s7 =	simm.s32 @p2 $0x1082  }
0x22: {  	[simem:s7], [sflag:s8] =	dma.local @!p0 [hbm:s6], $0xF7A  }
0x23: {  	s9 =	sor.u32 $0xD0000000, s2;
	s6 =	simm.s32 $0x108;
	_ =	swait.ge @!p0 [sflag:s8], $0x0  }
0x24: {  	s3 =	sadd.s32 $0x88, s3;
	s6 =	simm.s32 @!p1 $0x1082;
	[sflag:s4] =	ssyncset.s32 $0xFFFFF086  }
0x25: {  	[simem:s6], [sflag:s4] =	dma.local [hbm:s3], $0xF7A  }
0x26: {  	[smem:$0x3F9B] =	sst s1;
	(tag) =	ssettag s2;
	_ =	strace s9  }
0x27: {  	s1 =	sld [smem:$0x3FAB]  }
0x28: {  	s2 =	sld [smem:$0x3FAC]  }
0x29: {  	s4 =	sld [smem:$0x3FAE]  }
0x2a: {  	p0 =	seq.s32 s5, $0x0;
	s5 =	sld [smem:$0x3FAF]  }
0x2b: {  	s6 =	sld [smem:$0x3FB0]  }
0x2c: {  	s7 =	sld [smem:$0x3FB1]  }
0x2d: {  	s3 =	simm.s32 $0x108;
	s8 =	sld [smem:$0x3FB2]  }
0x2e: {  	s3 =	simm.s32 @!p0 $0x1082;
	s9 =	sld [smem:$0x3FB3]  }
0x2f: {  	lr =	sadd.s32 s0, s3;
	s0 =	sld [smem:$0x3FAA]  }
0x30: {  	s3 =	sld [smem:$0x3FAD]  }
0x31: {  	[smem:$0x3FB6] =	sst s10  }
0x32: {  	s10 =	sld [smem:$0x3FB4];
	_ =	sdelay $0x3  }
0x33: {  	p0 =	seq.s32 s10, $0x1;
	s10 =	sld [smem:$0x3FB6];
	_ =	sdelay $0x3  }
0x34: {  	[smem:$0x3FB6] =	sst s10  }
0x35: {  	s10 =	sld [smem:$0x3FB5];
	_ =	sdelay $0x3  }
0x36: {  	p1 =	seq.s32 s10, $0x1;
	s10 =	sld [smem:$0x3FB6];
	_ =	sdelay $0x3  }
0x37: {  	[smem:$0x3FB6] =	sst s10  }
0x38: {  	s10 =	sld [smem:$0x3FB7]  }
0x39: {  	_ = 	snop;
	(pc) =	sbr.ind lr, $3  }
0x3a: {  	_ = 	snop  }
0x3b: {  	_ = 	snop  }
0x3c: {  	p2 =	seq.s32 s10, $0x1;
	s10 =	sld [smem:$0x3FB6]  }
0x3d: {  	_ =	shalt  }
0x3e: {  	_ =	shalt  }
0x3f: {  	_ =	shalt  }
0x40: {  	_ =	shalt  }
0x41: {  	_ =	shalt  }
0x42: {  	_ =	shalt  }
0x43: {  	_ =	shalt  }
0x44: {  	_ =	shalt  }
0x45: {  	_ =	shalt  }
0x46: {  	_ =	shalt  }
0x47: {  	_ =	shalt  }
0x48: {  	_ =	shalt  }
0x49: {  	_ =	shalt  }
0x4a: {  	_ =	shalt  }
0x4b: {  	_ =	shalt  }
0x4c: {  	_ =	shalt  }
0x4d: {  	_ =	shalt  }
0x4e: {  	_ =	shalt  }
0x4f: {  	_ =	shalt  }
0x50: {  	_ =	shalt  }
0x51: {  	_ =	shalt  }
0x52: {  	_ =	shalt  }
0x53: {  	_ =	shalt  }
0x54: {  	_ =	shalt  }
0x55: {  	_ =	shalt  }
0x56: {  	_ =	shalt  }
0x57: {  	_ =	shalt  }
0x58: {  	_ =	shalt  }
0x59: {  	_ =	shalt  }
0x5a: {  	_ =	shalt  }
0x5b: {  	_ =	shalt  }
0x5c: {  	_ =	shalt  }
0x5d: {  	_ =	shalt  }
0x5e: {  	_ =	shalt  }
0x5f: {  	_ =	shalt  }
0x60: {  	_ =	shalt  }
0x61: {  	_ =	shalt  }
0x62: {  	_ =	shalt  }
0x63: {  	_ =	shalt  }
0x64: {  	_ =	shalt  }
0x65: {  	_ =	shalt  }
0x66: {  	_ =	shalt  }
0x67: {  	_ =	shalt  }
0x68: {  	_ =	shalt  }
0x69: {  	_ =	shalt  }
0x6a: {  	_ =	shalt  }
0x6b: {  	_ =	shalt  }
0x6c: {  	_ =	shalt  }
0x6d: {  	_ =	shalt  }
0x6e: {  	_ =	shalt  }
0x6f: {  	_ =	shalt  }
0x70: {  	_ =	shalt  }
0x71: {  	_ =	shalt  }
0x72: {  	_ =	shalt  }
0x73: {  	_ =	shalt  }
0x74: {  	_ =	shalt  }
0x75: {  	_ =	shalt  }
0x76: {  	_ =	shalt  }
0x77: {  	_ =	shalt  }
0x78: {  	_ =	shalt  }
0x79: {  	_ =	shalt  }
0x7a: {  	_ =	shalt  }
0x7b: {  	_ =	shalt  }
0x7c: {  	_ =	shalt  }
0x7d: {  	_ =	shalt  }
0x7e: {  	_ =	shalt  }
0x7f: {  	_ =	shalt  }
0x80: {  	_ =	shalt  }
0x81: {  	_ =	shalt  }
0x82: {  	_ =	shalt  }
0x83: {  	_ =	shalt  }
0x84: {  	_ =	shalt  }
0x85: {  	_ =	shalt  }
0x86: {  	_ =	shalt  }
0x87: {  	_ =	shalt  }
.Lfunc_end0:
.L_simem_size_0:
called_computation_lowered:
.L_overlay_start_0:
0x88: {  	s2 =	sld [smem:$0x3FD9]  }
0x89: {  	s3 =	sld [smem:$0x3FFE];
	_ =	sdelay $0x1  }
0x8a: {  	s1 =	srdreg.scid  }
0x8b: {  	s0 =	sand.u32 $0x1, s1  }
0x8c: {  	s16 =	sshll.u32 s0, $0xA;
	s2 =	sadd.s32 s3, s2  }
0x8d: {  	s2 =	sadd.s32 s2, s16  }
0x8e: {  	[smem:$0x3FC2] =	sst s2  }
0x8f: {  	_ = 	snop  }
0x90: {  	(tm) =	ssettm $0x1  }
0x91: {  	s17 =	sld [smem:$0x3FFB];
	_ =	sdelay $0x3  }
0x92: {  	_ =	strace s17  }
0x93: {  	s2 =	sld [smem:$0x3FFC];
	_ =	sdelay $0x3  }
0x94: {  	_ =	strace s2  }
0x95: {  	s2 =	sld [smem:$0x3FFD];
	_ =	sdelay $0x3  }
0x96: {  	_ =	strace s2  }
0x97: {  	_ =	strace $0x8FFFFFFF  }
0x98: {  	s18 =	sld [smem:$0x3FDB];
	_ =	sdelay $0x1  }
0x99: {  	s19 =	simm.s32 $_scs_section_size  }
0x9a: {  	s4 =	simm.s32 $_size__tile_overlayer_lowered;
	s5 =	simm.s32 $_tile_overlayer_lowered  }
0x9b: {  	s22 =	simm.s32 $0x1BFF;
	s21 =	sshll.u32 s5, $0x1;
	s2 =	sadd.s32 s19, s18  }
0x9c: {  	s6 =	simm.s32 $0x0;
	s20 =	sshll.u32 s4, $0x1;
	s4 =	sadd.s32 s21, s2  }
0x9d: {  	[timem:s6], [sflag:s22] =	dma.local [hbm:s4], s20  }
0x9e: {  	_ =	swait.ge [sflag:s22], s20  }
0x9f: {  	s3 =	ssub.s32 $0x0, s20;
	[sflag:s22] =	ssyncset.done $0x0  }
0xa0: {  	[sflag:s22] =	ssyncadd.s32 s3;
	_ =	sdelay $0x1  }
0xa1: {  	s23 =	simm.s32 $0x1B8B  }
0xa2: {  	_ =	swait.ge [sflag:s23], $0x1  }
0xa3: {  	[sflag:s23] =	ssyncset.done $0x0  }
0xa4: {  	s25 =	simm.s32 $0x1B8E;
	s24 =	sld [smem:$0x3FFE];
	[sflag:s23] =	ssyncadd.s32 $0xFFFFFFFF  }
0xa5: {  	s26 =	simm.s32 $execute0_lowered;
	[smem:$0x3FD2] =	sst s25  }
0xa6: {  	s4 =	sshll.u32 s26, $0x1;
	_ =	strace $0x80000046;
	[dreg:$0x1] =	wrdreg $0xFFFFFFFF  }
0xa7: {  	s28 =	simm.s32 $_size_execute0_lowered;
	s2 =	sadd.s32 s2, s4;
	[dreg:$0x0] =	wrdreg $0x0  }
0xa8: {  	s4 =	sshll.u32 s28, $0x1;
	[dreg:$0x2] =	wrdreg s2  }
0xa9: {  	[dreg:$0x3] =	wrdreg s4  }
0xaa: {  	[dreg:$0x4] =	wrdreg $0xC0  }
0xab: {  	_ =	task [dreg:s6], $0x5FFFF  }
0xac: {  	[dreg:$0x1] =	wrdreg $0xFFFFFFFF  }
0xad: {  	[dreg:$0x0] =	wrdreg $0x60  }
0xae: {  	[dreg:$0x2] =	wrdreg s24  }
0xaf: {  	[dreg:$0x3] =	wrdreg $0x51000  }
0xb0: {  	[dreg:$0x4] =	wrdreg $0x9  }
0xb1: {  	_ =	task.clear_ibuf [dreg:s6], $0x5FFFF;
	_ =	strace $0x90000046  }
0xb2: {  	s29 =	simm.s32 $0x9;
	_ =	strace $0x80000048  }
0xb3: {  	_ =	swait.ge [sflag:s29], $0x1  }
0xb4: {  	[sflag:s29] =	ssyncadd.s32 $0xFFFFFFFF  }
0xb5: {  	_ =	strace $0x90000048  }
0xb6: {  	_ =	sfence  }
0xb7: {  	s30 =	sld [smem:$0x0];
	_ =	sdelay $0x2  }
0xb8: {  	s31 =	sshll.u32 s1, $0xD;
	s1 =	sshrl.u32 s1, $0x2  }
0xb9: {  	s3 =	sand.u32 $0x4000, s31;
	s1 =	sadd.s32 s1, s30  }
0xba: {  	s0 =	sor.u32 s3, s0;
	s1 =	sshll.u32 s1, $0x11  }
0xbb: {  	s0 =	sor.u32 s1, s0  }
0xbc: {  	s0 =	sadd.s32 $0x8F2B, s0  }
0xbd: {  	[sflag:s0] =	ssyncadd.remote.s32 $0x1  }
0xbe: {  	_ =	sfence.sel $0xFFFF  }
0xbf: {  	[dreg:$0x0] =	wrdreg $0xFFFFFFFF;
	(pc) =	sbr.abs _section_cstart, $3  }
0xc0: {  	[dreg:$0x1] =	wrdreg $0xFFFFFFFF  }
0xc1: {  	_ =	task.clear_ibuf [dreg:s6], $0x2FFFF;
	_ =	strace $0x9FFFFFFF  }
0xc2: {  	(tm) =	ssettm $0x7FFFFFFF  }
0xc3: {  	_ =	shalt  }
tec
execute0_lowered:
.L_overlay_start_1:
0x0: {  	(tag) =	ssettag $0x1  }
0x1: {  	s0 =	srdreg.scid;
	s5 =	rddreg [dreg:$0x0]  }
0x2: {  	s2 =	rddreg [dreg:$0x1];
	s3 =	simm.s32 $0x0;
	s17 =	simm.s32 $0x80  }
0x3: {  	s18 =	simm.s32 $0x2;
	s19 =	simm.s32 $0x100;
	s20 =	simm.s32 $0x40  }
0x4: {  	s21 =	simm.s32 $0x1;
	s24 =	simm.s32 $0x20;
	s25 =	simm.s32 $0x10  }
0x5: {  	s26 =	simm.s32 $0x0;
	s4 =	sand.u32 $0x1, s0;
	s0 =	stileid.u32  }
0x6: {  	[smem:$0x7FF] =	sst s3;
	s1 =	sshll.u32 s4, $0x4;
	s7 =	smul.u32 $0x500, s0  }
0x7: {  	s8 =	sshll.u32 s4, $0x7;
	s9 =	smul.u32 $0xA00, s0;
	s29 =	ssub.s32 $0x2, s4  }
0x8: {  	s22 =	sshll.u32 s0, $0x6;
	s1 =	sor.u32 s0, s1;
	s31 =	sshrl.u32 s29, $0x1  }
0x9: {  	s22 =	sor.u32 $0x1C02, s22;
	s6 =	smul.u32 $0xA00, s1;
	s1 =	rddreg [dreg:$0x2]  }
0xa: {  	_ =	strace $0x80000047;
	s30 =	sshrl.u32 s9, $0x2;
	s16 =	ssub.s32 s29, s31  }
0xb: {  	s28 =	sor.u32 s8, s7;
	s4 =	sadd.s32 s30, s2;
	s16 =	smax.u32 s16, $0x1  }
0xc: {  	s14 =	sadd.s32 s6, s5;
	s6 =	sshrl.u32 s28, $0x3;
	s7 =	sadd.s32 $0xC0, s4  }
0xd: {  	s8 =	sadd.s32 $0x100, s4;
	s9 =	sadd.s32 $0x140, s4;
	s10 =	sadd.s32 $0x180, s4  }
0xe: {  	s11 =	sadd.s32 $0x1C0, s4;
	s12 =	sadd.s32 $0x200, s4;
	s13 =	sadd.s32 $0x240, s4  }
0xf: {  	s23 =	sshrl.u32 s4, $0x3;
	s15 =	sadd.s32 s6, s5;
	s5 =	sadd.s32 $0x40, s4  }
0x10: {  	v0 =	vimm.f32 $1.000000000e+00;
	v1 =	vimm.f32 $0.0e+00;
	s6 =	sadd.s32 $0x80, s4;
	s14 =	sadd.s32 $0x2600, s14;
	s15 =	sadd.s32 $0x16600, s15  }
.LBB2_1:
0x11: {  	[tilespmem:$0x0] =	vst v0  }
0x12: {  	[tilespmem:$0x80] =	vst v1  }
0x13: {  	[tilespmem:$0x10] =	vst v0  }
0x14: {  	[tilespmem:$0x90] =	vst v1  }
0x15: {  	[tilespmem:$0x20] =	vst v0  }
0x16: {  	[tilespmem:$0xA0] =	vst v1  }
0x17: {  	[tilespmem:$0x30] =	vst v0  }
0x18: {  	[tilespmem:$0xB0] =	vst v1  }
0x19: {  	[spmem:s4] =	stream.linear.scatter [tilespmem:s17], [sflag:$0x2], $0x40, $0x38;
	[tilespmem:$0x5380] =	vst v63  }
0x1a: {  	_ =	swait.ge [sflag:s18], $0x40  }
0x1b: {  	[sflag:s18] =	ssyncset.done $0x0  }
0x1c: {  	[sflag:s18] =	ssyncadd.s32 $0xFFFFFFC0  }
0x1d: {  	[spmem:s5] =	stream.linear.scatter [tilespmem:s17], [sflag:$0x2], $0x40, $0x38;
	[tilespmem:$0x5380] =	vst v63  }
0x1e: {  	_ =	swait.ge [sflag:s18], $0x40  }
0x1f: {  	[sflag:s18] =	ssyncset.done $0x0  }
0x20: {  	[sflag:s18] =	ssyncadd.s32 $0xFFFFFFC0  }
0x21: {  	[spmem:s6] =	stream.linear.scatter [tilespmem:s17], [sflag:$0x2], $0x40, $0x38;
	[tilespmem:$0x5380] =	vst v63  }
0x22: {  	_ =	swait.ge [sflag:s18], $0x40  }
0x23: {  	[sflag:s18] =	ssyncset.done $0x0  }
0x24: {  	[sflag:s18] =	ssyncadd.s32 $0xFFFFFFC0  }
0x25: {  	[spmem:s7] =	stream.linear.scatter [tilespmem:s17], [sflag:$0x2], $0x40, $0x38;
	[tilespmem:$0x5380] =	vst v63  }
0x26: {  	_ =	swait.ge [sflag:s18], $0x40  }
0x27: {  	[sflag:s18] =	ssyncset.done $0x0  }
0x28: {  	[sflag:s18] =	ssyncadd.s32 $0xFFFFFFC0  }
0x29: {  	[spmem:s8] =	stream.linear.scatter [tilespmem:s17], [sflag:$0x2], $0x40, $0x38;
	[tilespmem:$0x5380] =	vst v63  }
0x2a: {  	_ =	swait.ge [sflag:s18], $0x40  }
0x2b: {  	[sflag:s18] =	ssyncset.done $0x0  }
0x2c: {  	[sflag:s18] =	ssyncadd.s32 $0xFFFFFFC0  }
0x2d: {  	[spmem:s9] =	stream.linear.scatter [tilespmem:s17], [sflag:$0x2], $0x40, $0x38;
	[tilespmem:$0x5380] =	vst v63  }
0x2e: {  	_ =	swait.ge [sflag:s18], $0x40  }
0x2f: {  	[sflag:s18] =	ssyncset.done $0x0  }
0x30: {  	[sflag:s18] =	ssyncadd.s32 $0xFFFFFFC0  }
0x31: {  	[spmem:s10] =	stream.linear.scatter [tilespmem:s17], [sflag:$0x2], $0x40, $0x38;
	[tilespmem:$0x5380] =	vst v63  }
0x32: {  	_ =	swait.ge [sflag:s18], $0x40  }
0x33: {  	[sflag:s18] =	ssyncset.done $0x0  }
0x34: {  	[sflag:s18] =	ssyncadd.s32 $0xFFFFFFC0  }
0x35: {  	[spmem:s11] =	stream.linear.scatter [tilespmem:s17], [sflag:$0x2], $0x40, $0x38;
	[tilespmem:$0x5380] =	vst v63  }
0x36: {  	_ =	swait.ge [sflag:s18], $0x40  }
0x37: {  	[sflag:s18] =	ssyncset.done $0x0  }
0x38: {  	[sflag:s18] =	ssyncadd.s32 $0xFFFFFFC0  }
0x39: {  	[spmem:s12] =	stream.linear.scatter [tilespmem:s17], [sflag:$0x2], $0x40, $0x38;
	[tilespmem:$0x5380] =	vst v63  }
0x3a: {  	_ =	swait.ge [sflag:s18], $0x40  }
0x3b: {  	[sflag:s18] =	ssyncset.done $0x0  }
0x3c: {  	[sflag:s18] =	ssyncadd.s32 $0xFFFFFFC0  }
0x3d: {  	[spmem:s13] =	stream.linear.scatter [tilespmem:s17], [sflag:$0x2], $0x40, $0x38;
	[tilespmem:$0x5380] =	vst v63  }
0x3e: {  	_ =	swait.ge [sflag:s18], $0x40  }
0x3f: {  	[sflag:s18] =	ssyncset.done $0x0  }
0x40: {  	[sflag:s18] =	ssyncadd.s32 $0xFFFFFFC0  }
0x41: {  	[tilespmem:s19], [sflag:$0x2] =	stream.linear.gather [hbm4b:s14+s3], $0x5000, $0x38;
	[tilespmem:$0x5380] =	vst v63  }
0x42: {  	_ =	swait.ge [sflag:s18], $0x5000  }
0x43: {  	[sflag:s18] =	ssyncset.done $0x0  }
0x44: {  	[sflag:s18] =	ssyncadd.s32 $0xFFFFB000  }
0x45: {  	s28 =	simm.s32 $0x0;
	[bflag:$0x0] =	sbarrier.arrive $0xFFFF  }
.LBB2_2:
0x46: {  	p0 =	sne.s32 s28, $0x13E00  }
.Ltmp0:
0x47: {  	_ = 	snop;
	(pc) =	sbr.rel @p0 .LBB2_2-.Ltmp0, $4  }
0x48: {  	_ = 	snop  }
0x49: {  	s29 =	sshra.s32 s28, $0x2  }
0x4a: {  	s28 =	sadd.s32 $0x200, s28;
	s29 =	sadd.s32 $0x100, s29  }
0x4b: {  	[spmem:s2] =	stream.indirect.scatter.add.f32 [tilespmem:s3], [sflag:$0x1], $0x1, s29, s20, $0xb8;
	[tilespmem:$0x5380] =	vst v63  }
0x4c: {  	_ =	swait.ge [sflag:s21], $0x40  }
0x4d: {  	s28 =	simm.s32 $0x9F;
	[sflag:s21] =	ssyncset.done $0x0  }
.LBB2_4:
0x4e: {  	p0 =	sne.s32 s28, $0x1;
	s28 =	sadd.s32 $0xFFFFFFFF, s28;
	[sflag:s21] =	ssyncadd.s32 $0xFFFFFFC0  }
.Ltmp1:
0x4f: {  	(pc) =	sbr.rel @p0 .LBB2_4-.Ltmp1, $3  }
0x50: {  	_ =	sdelay $0x1  }
0x51: {  	_ =	swait.ge [sflag:s21], $0x40  }
0x52: {  	[sflag:s21] =	ssyncset.done $0x0  }
0x53: {  	s26 =	sadd.s32 $0x1, s26  }
0x54: {  	[sflag:s21] =	ssyncadd.s32 $0xFFFFFFC0;
	p0 =	sne.s32 s26, s16  }
.Ltmp2:
0x55: {  	[bflag:$0x0] =	sbarrier.arrive $0xFFFF;
	(pc) =	sbr.rel @p0 .LBB2_1-.Ltmp2, $4  }
0x56: {  	[hbm:s15@s24], [sflag:s22] =	dma.strided [spmem:s23@s25], $0x50, s21, $0x10   }
0x57: {  	_ =	swait.ge [sflag:s18], $0x50  }
0x58: {  	[sflag:s18] =	ssyncset.done $0x0  }
0x59: {  	[sflag:s18] =	ssyncadd.s32 $0xFFFFFFB0  }
0x5a: {  	_ =	sfence.sel $0x180000  }
0x5b: {  	[bflag:$0x0] =	sbarrier.arrive $0xFFFF  }
0x5c: {  	p0 =	sne.s32 s0, $0x0;
	_ =	strace $0x90000047  }
0x5d: {  	s0 =	sadd.s32 @!p0 $0x100000, s1;
	[bflag:$0x2] =	sbarrier.arrive $0xFFFF  }
0x5e: {  	[sflag:s0] =	ssyncadd.tile.s32 @!p0 $0x1;
	_ =	shalt  }
.Lfunc_end2:
_tile_overlayer_lowered:
.L_overlay_start_2:
0x5f: {  	(tag) =	ssettag $0x2  }
0x60: {  	s0 =	rddreg [dreg:$0x0];
	s2 =	stileid.u32  }
0x61: {  	s1 =	rddreg [dreg:$0x1];
	p0 =	sne.s32 s2, $0x0  }
0x62: {  	s3 =	rddreg [dreg:$0x2];
	[bflag:$0x3] =	sbarrier.arrive $0xFFFF;
	s2 =	simm.s32 @!p0 $0x1C02  }
0x63: {  	[timem:s3], [sflag:s2] =	dma.local @!p0 [hbm:s0], s1  }
0x64: {  	s0 =	simm.s32 @!p0 $0x2  }
0x65: {  	_ =	swait.ge @!p0 [sflag:s0], s1  }
0x66: {  	s1 =	ssub.s32 @!p0 $0x0, s1;
	[sflag:s0] =	ssyncset.done @!p0 $0x0  }
0x67: {  	[sflag:s0] =	ssyncadd.s32 @!p0 s1  }
0x68: {  	[bflag:$0x3] =	sbarrier.arrive $0xFFFF  }
0x69: {  	_ =	shalt  }

// kernel: kernel.9.cloned.1.call-start
scs
__scs_entry_jumppad:
0x0: {  	(pc) =	sbr.rel $0x88, $3  }
0x1: {  	(tag) =	ssettag $0x0;
	lr =	simm.s32 $0x1  }
0x2: {  	[smem:$0x3F9B] =	sst lr;
	_ =	strace $0xD0000000  }
0x3: {  	_ = 	snop  }
0x4: {  	_ = 	snop  }
0x5: {  	_ = 	snop  }
0x6: {  	_ = 	snop  }
0x7: {  	_ = 	snop  }
__scs_overlays_trampoline_lowered:
0x8: {  	[smem:$0x3FAA] =	sst s0  }
0x9: {  	[smem:$0x3FAB] =	sst s1  }
0xa: {  	[smem:$0x3FAC] =	sst s2  }
0xb: {  	[smem:$0x3FAD] =	sst s3  }
0xc: {  	[smem:$0x3FAE] =	sst s4  }
0xd: {  	[smem:$0x3FAF] =	sst s5  }
0xe: {  	[smem:$0x3FB0] =	sst s6  }
0xf: {  	[smem:$0x3FB1] =	sst s7  }
0x10: {  	[smem:$0x3FB2] =	sst s8  }
0x11: {  	[smem:$0x3FB3] =	sst s9;
	s0 =	simm.s32 @!p0 $0x0  }
0x12: {  	s1 =	sld [smem:$0x3F99];
	s0 =	simm.s32 @p0 $0x1  }
0x13: {  	[smem:$0x3FB4] =	sst s0;
	s0 =	simm.s32 @!p1 $0x0  }
0x14: {  	s2 =	sld [smem:$0x3F98];
	s0 =	simm.s32 @p1 $0x1  }
0x15: {  	[smem:$0x3FB5] =	sst s0;
	s0 =	simm.s32 @!p2 $0x0  }
0x16: {  	s3 =	sld [smem:$0x3FDB];
	s0 =	simm.s32 @p2 $0x1  }
0x17: {  	s4 =	simm.s32 $0x1BF5;
	[smem:$0x3FB7] =	sst s0  }
0x18: {  	s0 =	sld [smem:$0x3F9A];
	_ =	swait.ge [sflag:s4], $0x0  }
0x19: {  	s7 =	sld [smem:$0x3F9B]  }
0x1a: {  	s8 =	sadd.s32 $0xFFFFE003, lr  }
0x1b: {  	s9 =	sadd.s32 $0xFFFFFEF7, lr;
	s5 =	simm.s32 $0xFFFFFFFF;
	p2 =	slt.u32 s8, $0xFFFFF086  }
0x1c: {  	p1 =	slt.u32 s9, $0xF7A;
	s5 =	simm.s32 @!p2 $0x0  }
0x1d: {  	s5 =	simm.s32 @p1 $0x1;
	p0 =	seq.s32 s7, s2  }
0x1e: {  	s7 =	smul.u32 @!p0 $0xF7A, s2;
	p2 =	seq.s32 @!p0 s5, $0x0  }
0x1f: {  	s9 =	smul.u32 $0xF7A, s1;
	s8 =	simm.s32 @!p0 $0x1BF5;
	p2 =	por !p2, p0  }
0x20: {  	[sflag:s8] =	ssyncset.s32 @!p0 $0xFFFFF086;
	s6 =	sadd.s32 @!p0 s3, s7;
	s7 =	simm.s32 @!p0 $0x108  }
0x21: {  	s3 =	sadd.s32 s3, s9;
	s6 =	sadd.s32 @!p0 $0x88, s6;
	s7 =	simm.s32 @p2 $0x1082  }
0x22: {  	[simem:s7], [sflag:s8] =	dma.local @!p0 [hbm:s6], $0xF7A  }
0x23: {  	s9 =	sor.u32 $0xD0000000, s2;
	s6 =	simm.s32 $0x108;
	_ =	swait.ge @!p0 [sflag:s8], $0x0  }
0x24: {  	s3 =	sadd.s32 $0x88, s3;
	s6 =	simm.s32 @!p1 $0x1082;
	[sflag:s4] =	ssyncset.s32 $0xFFFFF086  }
0x25: {  	[simem:s6], [sflag:s4] =	dma.local [hbm:s3], $0xF7A  }
0x26: {  	[smem:$0x3F9B] =	sst s1;
	(tag) =	ssettag s2;
	_ =	strace s9  }
0x27: {  	s1 =	sld [smem:$0x3FAB]  }
0x28: {  	s2 =	sld [smem:$0x3FAC]  }
0x29: {  	s4 =	sld [smem:$0x3FAE]  }
0x2a: {  	p0 =	seq.s32 s5, $0x0;
	s5 =	sld [smem:$0x3FAF]  }
0x2b: {  	s6 =	sld [smem:$0x3FB0]  }
0x2c: {  	s7 =	sld [smem:$0x3FB1]  }
0x2d: {  	s3 =	simm.s32 $0x108;
	s8 =	sld [smem:$0x3FB2]  }
0x2e: {  	s3 =	simm.s32 @!p0 $0x1082;
	s9 =	sld [smem:$0x3FB3]  }
0x2f: {  	lr =	sadd.s32 s0, s3;
	s0 =	sld [smem:$0x3FAA]  }
0x30: {  	s3 =	sld [smem:$0x3FAD]  }
0x31: {  	[smem:$0x3FB6] =	sst s10  }
0x32: {  	s10 =	sld [smem:$0x3FB4];
	_ =	sdelay $0x3  }
0x33: {  	p0 =	seq.s32 s10, $0x1;
	s10 =	sld [smem:$0x3FB6];
	_ =	sdelay $0x3  }
0x34: {  	[smem:$0x3FB6] =	sst s10  }
0x35: {  	s10 =	sld [smem:$0x3FB5];
	_ =	sdelay $0x3  }
0x36: {  	p1 =	seq.s32 s10, $0x1;
	s10 =	sld [smem:$0x3FB6];
	_ =	sdelay $0x3  }
0x37: {  	[smem:$0x3FB6] =	sst s10  }
0x38: {  	s10 =	sld [smem:$0x3FB7]  }
0x39: {  	_ = 	snop;
	(pc) =	sbr.ind lr, $3  }
0x3a: {  	_ = 	snop  }
0x3b: {  	_ = 	snop  }
0x3c: {  	p2 =	seq.s32 s10, $0x1;
	s10 =	sld [smem:$0x3FB6]  }
0x3d: {  	_ =	shalt  }
0x3e: {  	_ =	shalt  }
0x3f: {  	_ =	shalt  }
0x40: {  	_ =	shalt  }
0x41: {  	_ =	shalt  }
0x42: {  	_ =	shalt  }
0x43: {  	_ =	shalt  }
0x44: {  	_ =	shalt  }
0x45: {  	_ =	shalt  }
0x46: {  	_ =	shalt  }
0x47: {  	_ =	shalt  }
0x48: {  	_ =	shalt  }
0x49: {  	_ =	shalt  }
0x4a: {  	_ =	shalt  }
0x4b: {  	_ =	shalt  }
0x4c: {  	_ =	shalt  }
0x4d: {  	_ =	shalt  }
0x4e: {  	_ =	shalt  }
0x4f: {  	_ =	shalt  }
0x50: {  	_ =	shalt  }
0x51: {  	_ =	shalt  }
0x52: {  	_ =	shalt  }
0x53: {  	_ =	shalt  }
0x54: {  	_ =	shalt  }
0x55: {  	_ =	shalt  }
0x56: {  	_ =	shalt  }
0x57: {  	_ =	shalt  }
0x58: {  	_ =	shalt  }
0x59: {  	_ =	shalt  }
0x5a: {  	_ =	shalt  }
0x5b: {  	_ =	shalt  }
0x5c: {  	_ =	shalt  }
0x5d: {  	_ =	shalt  }
0x5e: {  	_ =	shalt  }
0x5f: {  	_ =	shalt  }
0x60: {  	_ =	shalt  }
0x61: {  	_ =	shalt  }
0x62: {  	_ =	shalt  }
0x63: {  	_ =	shalt  }
0x64: {  	_ =	shalt  }
0x65: {  	_ =	shalt  }
0x66: {  	_ =	shalt  }
0x67: {  	_ =	shalt  }
0x68: {  	_ =	shalt  }
0x69: {  	_ =	shalt  }
0x6a: {  	_ =	shalt  }
0x6b: {  	_ =	shalt  }
0x6c: {  	_ =	shalt  }
0x6d: {  	_ =	shalt  }
0x6e: {  	_ =	shalt  }
0x6f: {  	_ =	shalt  }
0x70: {  	_ =	shalt  }
0x71: {  	_ =	shalt  }
0x72: {  	_ =	shalt  }
0x73: {  	_ =	shalt  }
0x74: {  	_ =	shalt  }
0x75: {  	_ =	shalt  }
0x76: {  	_ =	shalt  }
0x77: {  	_ =	shalt  }
0x78: {  	_ =	shalt  }
0x79: {  	_ =	shalt  }
0x7a: {  	_ =	shalt  }
0x7b: {  	_ =	shalt  }
0x7c: {  	_ =	shalt  }
0x7d: {  	_ =	shalt  }
0x7e: {  	_ =	shalt  }
0x7f: {  	_ =	shalt  }
0x80: {  	_ =	shalt  }
0x81: {  	_ =	shalt  }
0x82: {  	_ =	shalt  }
0x83: {  	_ =	shalt  }
0x84: {  	_ =	shalt  }
0x85: {  	_ =	shalt  }
0x86: {  	_ =	shalt  }
0x87: {  	_ =	shalt  }
.Lfunc_end0:
.L_simem_size_0:
called_computation.1_lowered:
.L_overlay_start_0:
0x88: {  	s2 =	sld [smem:$0x3FD9]  }
0x89: {  	s3 =	sld [smem:$0x3FFE];
	_ =	sdelay $0x1  }
0x8a: {  	s1 =	srdreg.scid  }
0x8b: {  	s0 =	sand.u32 $0x1, s1  }
0x8c: {  	s16 =	sshll.u32 s0, $0xA;
	s2 =	sadd.s32 s3, s2  }
0x8d: {  	s2 =	sadd.s32 s2, s16  }
0x8e: {  	[smem:$0x3FC2] =	sst s2  }
0x8f: {  	_ = 	snop  }
0x90: {  	(tm) =	ssettm $0x1  }
0x91: {  	s17 =	sld [smem:$0x3FFB];
	_ =	sdelay $0x3  }
0x92: {  	_ =	strace s17  }
0x93: {  	s2 =	sld [smem:$0x3FFC];
	_ =	sdelay $0x3  }
0x94: {  	_ =	strace s2  }
0x95: {  	s2 =	sld [smem:$0x3FFD];
	_ =	sdelay $0x3  }
0x96: {  	_ =	strace s2  }
0x97: {  	_ =	strace $0x8FFFFFFF  }
0x98: {  	s18 =	sld [smem:$0x3FDB];
	_ =	sdelay $0x1  }
0x99: {  	s19 =	simm.s32 $_scs_section_size  }
0x9a: {  	s4 =	simm.s32 $_size__tile_overlayer_lowered;
	s5 =	simm.s32 $_tile_overlayer_lowered  }
0x9b: {  	s22 =	simm.s32 $0x1BFF;
	s21 =	sshll.u32 s5, $0x1;
	s2 =	sadd.s32 s19, s18  }
0x9c: {  	s6 =	simm.s32 $0x0;
	s20 =	sshll.u32 s4, $0x1;
	s4 =	sadd.s32 s21, s2  }
0x9d: {  	[timem:s6], [sflag:s22] =	dma.local [hbm:s4], s20  }
0x9e: {  	_ =	swait.ge [sflag:s22], s20  }
0x9f: {  	s3 =	ssub.s32 $0x0, s20;
	[sflag:s22] =	ssyncset.done $0x0  }
0xa0: {  	[sflag:s22] =	ssyncadd.s32 s3;
	_ =	sdelay $0x1  }
0xa1: {  	s23 =	simm.s32 $0x1B8B  }
0xa2: {  	_ =	swait.ge [sflag:s23], $0x1  }
0xa3: {  	[sflag:s23] =	ssyncset.done $0x0  }
0xa4: {  	s25 =	simm.s32 $0x1B8E;
	s24 =	sld [smem:$0x3FFE];
	[sflag:s23] =	ssyncadd.s32 $0xFFFFFFFF  }
0xa5: {  	s26 =	simm.s32 $execute0_lowered;
	[smem:$0x3FD2] =	sst s25  }
0xa6: {  	s4 =	sshll.u32 s26, $0x1;
	_ =	strace $0x80000049;
	[dreg:$0x1] =	wrdreg $0xFFFFFFFF  }
0xa7: {  	s28 =	simm.s32 $_size_execute0_lowered;
	s2 =	sadd.s32 s2, s4;
	[dreg:$0x0] =	wrdreg $0x0  }
0xa8: {  	s4 =	sshll.u32 s28, $0x1;
	[dreg:$0x2] =	wrdreg s2  }
0xa9: {  	[dreg:$0x3] =	wrdreg s4  }
0xaa: {  	[dreg:$0x4] =	wrdreg $0xC0  }
0xab: {  	_ =	task [dreg:s6], $0x5FFFF  }
0xac: {  	[dreg:$0x1] =	wrdreg $0xFFFFFFFF  }
0xad: {  	[dreg:$0x0] =	wrdreg $0x60  }
0xae: {  	[dreg:$0x2] =	wrdreg s24  }
0xaf: {  	[dreg:$0x3] =	wrdreg $0xAA000  }
0xb0: {  	[dreg:$0x4] =	wrdreg $0x1EA000  }
0xb1: {  	[dreg:$0x5] =	wrdreg $0x9  }
0xb2: {  	_ =	task.clear_ibuf [dreg:s6], $0x6FFFF;
	_ =	strace $0x90000049  }
0xb3: {  	s29 =	simm.s32 $0x9;
	_ =	strace $0x8000004B  }
0xb4: {  	_ =	swait.ge [sflag:s29], $0x1  }
0xb5: {  	[sflag:s29] =	ssyncadd.s32 $0xFFFFFFFF  }
0xb6: {  	_ =	strace $0x9000004B  }
0xb7: {  	_ =	sfence  }
0xb8: {  	s30 =	sld [smem:$0x0];
	_ =	sdelay $0x2  }
0xb9: {  	s31 =	sshll.u32 s1, $0xD;
	s1 =	sshrl.u32 s1, $0x2  }
0xba: {  	s3 =	sand.u32 $0x4000, s31;
	s1 =	sadd.s32 s1, s30  }
0xbb: {  	s0 =	sor.u32 s3, s0;
	s1 =	sshll.u32 s1, $0x11  }
0xbc: {  	s0 =	sor.u32 s1, s0  }
0xbd: {  	s0 =	sadd.s32 $0x8F2B, s0  }
0xbe: {  	[sflag:s0] =	ssyncadd.remote.s32 $0x1  }
0xbf: {  	_ =	sfence.sel $0xFFFF  }
0xc0: {  	[dreg:$0x0] =	wrdreg $0xFFFFFFFF;
	(pc) =	sbr.abs _section_cstart, $3  }
0xc1: {  	[dreg:$0x1] =	wrdreg $0xFFFFFFFF  }
0xc2: {  	_ =	task.clear_ibuf [dreg:s6], $0x2FFFF;
	_ =	strace $0x9FFFFFFF  }
0xc3: {  	(tm) =	ssettm $0x7FFFFFFF  }
tec
execute0_lowered:
.L_overlay_start_1:
0x0: {  	(tag) =	ssettag $0x1  }
0x1: {  	s0 =	rddreg [dreg:$0x0]  }
0x2: {  	s1 =	rddreg [dreg:$0x1]  }
0x3: {  	s2 =	rddreg [dreg:$0x2]  }
0x4: {  	s3 =	srdreg.scid;
	s4 =	simm.s32 $0x0;
	s14 =	stileid.u32  }
0x5: {  	s28 =	simm.s32 $0x8800;
	s31 =	simm.s32 $0xA980;
	s7 =	smul.u32 $0x14000, s14  }
0x6: {  	s3 =	sand.u32 $0x1, s3;
	[smem:$0x7FF] =	sst s4;
	s8 =	smul.u32 $0x500, s14  }
0x7: {  	s5 =	sadd.s32 $0x2B000, s0;
	s9 =	sadd.s32 $0x17000, s0;
	s13 =	smul.u32 $0x50000, s14  }
0x8: {  	s10 =	sadd.s32 $0x2600, s0;
	s6 =	smul.u32 $0x140000, s3;
	_ =	strace $0x8000004A  }
0x9: {  	s23 =	sshll.u32 s3, $0x7;
	s24 =	ssub.s32 $0x2, s3;
	s3 =	sshll.u32 s3, $0x4  }
0xa: {  	s12 =	sshrl.u32 s24, $0x1;
	s3 =	sor.u32 s14, s3;
	s13 =	sshrl.u32 s13, $0x2  }
0xb: {  	s6 =	sadd.s32 s7, s6;
	s7 =	sor.u32 s23, s8;
	s3 =	smul.u32 $0x5000, s3  }
0xc: {  	s22 =	sadd.s32 s13, s1;
	s11 =	sshrl.u32 s6, $0x3;
	s7 =	sshrl.u32 s7, $0x3  }
0xd: {  	s6 =	sadd.s32 $0x16600, s0;
	s8 =	sadd.s32 s11, s0;
	s0 =	sadd.s32 s7, s0  }
0xe: {  	s11 =	smul.u32 $0x280, s14;
	s7 =	ssub.s32 s24, s12;
	s3 =	sshrl.u32 s3, $0x3  }
0xf: {  	s17 =	sadd.s32 $0x280, s3;
	s18 =	sadd.s32 s10, s3;
	s20 =	sadd.s32 $0x500, s3  }
0x10: {  	s0 =	sadd.s32 $0x53000, s0;
	s25 =	sor.u32 $0x40, s11;
	s30 =	sadd.s32 $0x80, s11  }
0x11: {  	s16 =	sadd.s32 $0xC0, s11;
	[dreg:$0x8] =	wrdreg s18;
	s19 =	sadd.s32 s9, s17  }
0x12: {  	s14 =	sadd.s32 s10, s17;
	s21 =	sadd.s32 s9, s20;
	[smem:$0x7FC] =	sst s0  }
0x13: {  	s24 =	sadd.s32 $0x100, s11;
	s18 =	sadd.s32 $0x200, s11;
	[dreg:$0x9] =	wrdreg s19  }
0x14: {  	s0 =	simm.s32 $0x1;
	s26 =	sshll.u32 s25, $0x7;
	[dreg:$0xa] =	wrdreg s14  }
0x15: {  	s12 =	sadd.s32 s25, s2;
	s15 =	sshll.u32 s30, $0x7;
	[dreg:$0xb] =	wrdreg s21  }
0x16: {  	s14 =	sadd.s32 s10, s20;
	s23 =	sshll.u32 s16, $0x7;
	[dreg:$0x5] =	wrdreg s12  }
0x17: {  	s25 =	sadd.s32 s30, s2;
	s30 =	sadd.s32 $0x140, s11;
	[dreg:$0xc] =	wrdreg s14  }
0x18: {  	s19 =	sadd.s32 $0x240, s11;
	s29 =	sadd.s32 s26, s1;
	[dreg:$0xf] =	wrdreg s25  }
0x19: {  	s20 =	sshll.u32 s18, $0x7;
	s12 =	sadd.s32 s15, s1;
	[dreg:$0x4] =	wrdreg s29  }
0x1a: {  	s15 =	sadd.s32 s9, s3;
	s3 =	sadd.s32 $0x780, s3;
	[dreg:$0x6] =	wrdreg s12  }
0x1b: {  	s26 =	sshll.u32 s24, $0x7;
	[dreg:$0x7] =	wrdreg s15;
	s9 =	sadd.s32 s9, s3  }
0x1c: {  	s14 =	sadd.s32 $0x1C0, s11;
	s3 =	sadd.s32 s10, s3;
	[dreg:$0xd] =	wrdreg s9  }
0x1d: {  	s29 =	sadd.s32 s16, s2;
	s10 =	sshll.u32 s30, $0x7;
	[dreg:$0xe] =	wrdreg s3  }
0x1e: {  	s12 =	sadd.s32 $0x180, s11;
	s21 =	sadd.s32 s14, s2;
	[dreg:$0x11] =	wrdreg s29  }
0x1f: {  	s16 =	sshll.u32 s14, $0x7;
	s3 =	sadd.s32 s23, s1;
	[dreg:$0x1a] =	wrdreg s21  }
0x20: {  	s14 =	simm.s32 $0x9;
	s9 =	sadd.s32 s24, s2;
	[dreg:$0x10] =	wrdreg s3  }
0x21: {  	s13 =	sshll.u32 s12, $0x7;
	s17 =	sadd.s32 s12, s2;
	[dreg:$0x13] =	wrdreg s9  }
0x22: {  	s24 =	sadd.s32 s11, s2;
	s29 =	sadd.s32 $0x53A00, s8;
	[dreg:$0x17] =	wrdreg s17  }
0x23: {  	s23 =	sshll.u32 s19, $0x7;
	s21 =	simm.s32 $0xA880;
	[dreg:$0x1f] =	wrdreg s29  }
0x24: {  	s8 =	simm.s32 $0x2;
	s3 =	sadd.s32 s26, s1;
	[dreg:$0x19] =	wrdreg s24  }
0x25: {  	s11 =	simm.s32 $0x7;
	s9 =	sadd.s32 s10, s1;
	[dreg:$0x12] =	wrdreg s3  }
0x26: {  	s12 =	simm.s32 $0x4;
	s15 =	sadd.s32 s13, s1;
	[dreg:$0x14] =	wrdreg s9  }
0x27: {  	s10 =	sadd.s32 s20, s1;
	s25 =	sadd.s32 s23, s1;
	[dreg:$0x16] =	wrdreg s15  }
0x28: {  	s26 =	sadd.s32 s19, s2;
	s13 =	simm.s32 $0x2800;
	[dreg:$0x1b] =	wrdreg s10  }
0x29: {  	s17 =	simm.s32 $0x40;
	s19 =	simm.s32 $0x4800;
	[dreg:$0x1d] =	wrdreg s25  }
0x2a: {  	s23 =	simm.s32 $0x6800;
	s3 =	sadd.s32 s30, s2;
	[dreg:$0x1e] =	wrdreg s26  }
.Ltmp0:
0x2b: {  	s30 =	smax.u32 s7, $0x1;
	s15 =	simm.s32 $0xA800;
	(pc) =	sbr.rel .LBB2_1-.Ltmp0, $4  }
0x2c: {  	s25 =	simm.s32 $0xA900;
	s9 =	simm.s32 $0x6;
	[dreg:$0x15] =	wrdreg s3  }
0x2d: {  	s10 =	simm.s32 $0x3;
	s3 =	sadd.s32 s16, s1;
	[smem:$0x7FD] =	sst s30  }
0x2e: {  	s7 =	simm.s32 $0x8;
	[dreg:$0x18] =	wrdreg s3;
	s3 =	sadd.s32 s18, s2  }
0x2f: {  	v0 =	vimm.f32 $0.0e+00;
	s16 =	simm.s32 $0x1400;
	[dreg:$0x1c] =	wrdreg s3;
	s3 =	simm.s32 $0x5  }
.LBB2_15:
0x30: {  	s18 =	stileid.u32  }
0x31: {  	[bflag:$0x0] =	sbarrier.arrive $0xFFFF;
	s18 =	sshll.u32 s18, $0x6  }
0x32: {  	s20 =	sshrl.u32 s29, $0x3;
	s24 =	rddreg [dreg:$0x1f];
	s18 =	sor.u32 $0x1C09, s18  }
0x33: {  	[hbm:s24], [sflag:s18] =	dma.local [spmem:s20], $0x2800  }
0x34: {  	_ =	swait.ge [sflag:s14], $0x2800  }
0x35: {  	s22 =	smov.u32 s29;
	s26 =	sld [smem:$0x7FC]  }
0x36: {  	s29 =	simm.s32 $0x20;
	[sflag:s14] =	ssyncset.done $0x0;
	s24 =	rddreg [dreg:$0x19]  }
0x37: {  	s30 =	simm.s32 $0x10;
	[sflag:s14] =	ssyncadd.s32 $0xFFFFD800;
	s20 =	sshrl.u32 s24, $0x3  }
0x38: {  	[hbm:s26@s29], [sflag:s18] =	dma.strided [spmem:s20@s30], $0x50, s0, $0x10   }
0x39: {  	_ =	swait.ge [sflag:s14], $0x50  }
0x3a: {  	s30 =	sld [smem:$0x7FD];
	_ =	sdelay $0x1  }
0x3b: {  	s4 =	sadd.s32 $0x1, s4  }
0x3c: {  	p0 =	sne.s32 s4, s30  }
.Ltmp1:
0x3d: {  	_ = 	snop;
	(pc) =	sbr.rel @!p0 .LBB2_16-.Ltmp1, $3  }
0x3e: {  	_ =	sdelay $0x1  }
0x3f: {  	[sflag:s14] =	ssyncset.done $0x0  }
0x40: {  	[sflag:s14] =	ssyncadd.s32 $0xFFFFFFB0  }
.LBB2_1:
0x41: {  	s18 =	simm.s32 $0x0;
	s30 =	simm.s32 $0x200  }
.LBB2_2:
0x42: {  	p0 =	sne.s32 s30, $0x7E00;
	[tilespmem:s18+$0x2870] =	vst v0  }
0x43: {  	[tilespmem:s18+$0x2800] =	vst v0  }
0x44: {  	[tilespmem:s18+$0x2810] =	vst v0  }
.Ltmp2:
0x45: {  	[tilespmem:s18+$0x2820] =	vst v0;
	(pc) =	sbr.rel @p0 .LBB2_2-.Ltmp2, $4  }
0x46: {  	[tilespmem:s18+$0x2830] =	vst v0  }
0x47: {  	[tilespmem:s18+$0x2840] =	vst v0  }
0x48: {  	[tilespmem:s18+$0x2850] =	vst v0  }
0x49: {  	[tilespmem:s18+$0x2860] =	vst v0;
	s18 =	sshra.s32 s30, $0x2;
	s30 =	sadd.s32 $0x200, s30  }
0x4a: {  	[tilespmem:s18+$0x2870] =	vst v0  }
0x4b: {  	[tilespmem:s18+$0x2800] =	vst v0  }
0x4c: {  	[tilespmem:s18+$0x2810] =	vst v0  }
0x4d: {  	[tilespmem:s18+$0x2820] =	vst v0  }
0x4e: {  	[tilespmem:s18+$0x2830] =	vst v0  }
0x4f: {  	[tilespmem:s18+$0x2840] =	vst v0  }
0x50: {  	[tilespmem:s18+$0x2850] =	vst v0  }
0x51: {  	[tilespmem:s18+$0x2860] =	vst v0  }
0x52: {  	[tilespmem:$0xA800] =	vst v0  }
0x53: {  	[tilespmem:$0xA810] =	vst v0  }
0x54: {  	[tilespmem:$0xA820] =	vst v0  }
0x55: {  	[tilespmem:$0xA830] =	vst v0  }
0x56: {  	[spmem:s22] =	stream.linear.scatter [tilespmem:s13], [sflag:$0x9], $0x2000, $0x38;
	[tilespmem:$0x1EC80] =	vst v63  }
0x57: {  	_ =	swait.ge [sflag:s14], $0x2000  }
0x58: {  	[sflag:s14] =	ssyncset.done $0x0  }
0x59: {  	[sflag:s14] =	ssyncadd.s32 $0xFFFFE000  }
0x5a: {  	[spmem:s24] =	stream.linear.scatter [tilespmem:s15], [sflag:$0x9], $0x40, $0x38;
	[tilespmem:$0x1EC80] =	vst v63  }
0x5b: {  	_ =	swait.ge [sflag:s14], $0x40  }
0x5c: {  	[sflag:s14] =	ssyncset.done $0x0  }
0x5d: {  	s24 =	rddreg [dreg:$0x4];
	[sflag:s14] =	ssyncadd.s32 $0xFFFFFFC0  }
0x5e: {  	[spmem:s24] =	stream.linear.scatter [tilespmem:s13], [sflag:$0x9], $0x2000, $0x38;
	[tilespmem:$0x1EC80] =	vst v63  }
0x5f: {  	_ =	swait.ge [sflag:s14], $0x2000  }
0x60: {  	[sflag:s14] =	ssyncset.done $0x0  }
0x61: {  	s26 =	rddreg [dreg:$0x5];
	[sflag:s14] =	ssyncadd.s32 $0xFFFFE000  }
0x62: {  	[spmem:s26] =	stream.linear.scatter [tilespmem:s15], [sflag:$0x9], $0x40, $0x38;
	[tilespmem:$0x1EC80] =	vst v63  }
0x63: {  	_ =	swait.ge [sflag:s14], $0x40  }
0x64: {  	[sflag:s14] =	ssyncset.done $0x0  }
0x65: {  	s20 =	rddreg [dreg:$0x6];
	[sflag:s14] =	ssyncadd.s32 $0xFFFFFFC0  }
0x66: {  	[spmem:s20] =	stream.linear.scatter [tilespmem:s13], [sflag:$0x9], $0x2000, $0x38;
	[tilespmem:$0x1EC80] =	vst v63  }
0x67: {  	_ =	swait.ge [sflag:s14], $0x2000  }
0x68: {  	[sflag:s14] =	ssyncset.done $0x0  }
0x69: {  	s29 =	smov.u32 s22;
	s22 =	rddreg [dreg:$0xf];
	[sflag:s14] =	ssyncadd.s32 $0xFFFFE000  }
0x6a: {  	[spmem:s22] =	stream.linear.scatter [tilespmem:s15], [sflag:$0x9], $0x40, $0x38;
	[tilespmem:$0x1EC80] =	vst v63  }
0x6b: {  	_ =	swait.ge [sflag:s14], $0x40  }
0x6c: {  	[sflag:s14] =	ssyncset.done $0x0  }
0x6d: {  	s24 =	rddreg [dreg:$0x10];
	[sflag:s14] =	ssyncadd.s32 $0xFFFFFFC0  }
0x6e: {  	[spmem:s24] =	stream.linear.scatter [tilespmem:s13], [sflag:$0x9], $0x2000, $0x38;
	[tilespmem:$0x1EC80] =	vst v63  }
0x6f: {  	_ =	swait.ge [sflag:s14], $0x2000  }
0x70: {  	[sflag:s14] =	ssyncset.done $0x0  }
0x71: {  	s26 =	rddreg [dreg:$0x11];
	[sflag:s14] =	ssyncadd.s32 $0xFFFFE000  }
0x72: {  	[spmem:s26] =	stream.linear.scatter [tilespmem:s15], [sflag:$0x9], $0x40, $0x38;
	[tilespmem:$0x1EC80] =	vst v63  }
0x73: {  	_ =	swait.ge [sflag:s14], $0x40  }
0x74: {  	[sflag:s14] =	ssyncset.done $0x0  }
0x75: {  	s20 =	rddreg [dreg:$0x12];
	[sflag:s14] =	ssyncadd.s32 $0xFFFFFFC0  }
0x76: {  	[spmem:s20] =	stream.linear.scatter [tilespmem:s13], [sflag:$0x9], $0x2000, $0x38;
	[tilespmem:$0x1EC80] =	vst v63  }
0x77: {  	_ =	swait.ge [sflag:s14], $0x2000  }
0x78: {  	[sflag:s14] =	ssyncset.done $0x0  }
0x79: {  	s22 =	rddreg [dreg:$0x13];
	[sflag:s14] =	ssyncadd.s32 $0xFFFFE000  }
0x7a: {  	[spmem:s22] =	stream.linear.scatter [tilespmem:s15], [sflag:$0x9], $0x40, $0x38;
	[tilespmem:$0x1EC80] =	vst v63  }
0x7b: {  	_ =	swait.ge [sflag:s14], $0x40  }
0x7c: {  	[sflag:s14] =	ssyncset.done $0x0  }
0x7d: {  	s24 =	rddreg [dreg:$0x14];
	[sflag:s14] =	ssyncadd.s32 $0xFFFFFFC0  }
0x7e: {  	[spmem:s24] =	stream.linear.scatter [tilespmem:s13], [sflag:$0x9], $0x2000, $0x38;
	[tilespmem:$0x1EC80] =	vst v63  }
0x7f: {  	_ =	swait.ge [sflag:s14], $0x2000  }
0x80: {  	[sflag:s14] =	ssyncset.done $0x0  }
0x81: {  	s26 =	rddreg [dreg:$0x15];
	[sflag:s14] =	ssyncadd.s32 $0xFFFFE000  }
0x82: {  	[spmem:s26] =	stream.linear.scatter [tilespmem:s15], [sflag:$0x9], $0x40, $0x38;
	[tilespmem:$0x1EC80] =	vst v63  }
0x83: {  	_ =	swait.ge [sflag:s14], $0x40  }
0x84: {  	[sflag:s14] =	ssyncset.done $0x0  }
0x85: {  	s20 =	rddreg [dreg:$0x16];
	[sflag:s14] =	ssyncadd.s32 $0xFFFFFFC0  }
0x86: {  	[spmem:s20] =	stream.linear.scatter [tilespmem:s13], [sflag:$0x9], $0x2000, $0x38;
	[tilespmem:$0x1EC80] =	vst v63  }
0x87: {  	_ =	swait.ge [sflag:s14], $0x2000  }
0x88: {  	[sflag:s14] =	ssyncset.done $0x0  }
0x89: {  	s22 =	rddreg [dreg:$0x17];
	[sflag:s14] =	ssyncadd.s32 $0xFFFFE000  }
0x8a: {  	[spmem:s22] =	stream.linear.scatter [tilespmem:s15], [sflag:$0x9], $0x40, $0x38;
	[tilespmem:$0x1EC80] =	vst v63  }
0x8b: {  	_ =	swait.ge [sflag:s14], $0x40  }
0x8c: {  	[sflag:s14] =	ssyncset.done $0x0  }
0x8d: {  	s24 =	rddreg [dreg:$0x18];
	[sflag:s14] =	ssyncadd.s32 $0xFFFFFFC0  }
0x8e: {  	[spmem:s24] =	stream.linear.scatter [tilespmem:s13], [sflag:$0x9], $0x2000, $0x38;
	[tilespmem:$0x1EC80] =	vst v63  }
0x8f: {  	_ =	swait.ge [sflag:s14], $0x2000  }
0x90: {  	[sflag:s14] =	ssyncset.done $0x0  }
0x91: {  	s26 =	rddreg [dreg:$0x1a];
	[sflag:s14] =	ssyncadd.s32 $0xFFFFE000  }
0x92: {  	[spmem:s26] =	stream.linear.scatter [tilespmem:s15], [sflag:$0x9], $0x40, $0x38;
	[tilespmem:$0x1EC80] =	vst v63  }
0x93: {  	_ =	swait.ge [sflag:s14], $0x40  }
0x94: {  	[sflag:s14] =	ssyncset.done $0x0  }
0x95: {  	s20 =	rddreg [dreg:$0x1b];
	[sflag:s14] =	ssyncadd.s32 $0xFFFFFFC0  }
0x96: {  	[spmem:s20] =	stream.linear.scatter [tilespmem:s13], [sflag:$0x9], $0x2000, $0x38;
	[tilespmem:$0x1EC80] =	vst v63  }
0x97: {  	_ =	swait.ge [sflag:s14], $0x2000  }
0x98: {  	[sflag:s14] =	ssyncset.done $0x0  }
0x99: {  	s22 =	rddreg [dreg:$0x1c];
	[sflag:s14] =	ssyncadd.s32 $0xFFFFE000  }
0x9a: {  	[spmem:s22] =	stream.linear.scatter [tilespmem:s15], [sflag:$0x9], $0x40, $0x38;
	[tilespmem:$0x1EC80] =	vst v63  }
0x9b: {  	_ =	swait.ge [sflag:s14], $0x40  }
0x9c: {  	[sflag:s14] =	ssyncset.done $0x0  }
0x9d: {  	s24 =	rddreg [dreg:$0x1d];
	[sflag:s14] =	ssyncadd.s32 $0xFFFFFFC0  }
0x9e: {  	[spmem:s24] =	stream.linear.scatter [tilespmem:s13], [sflag:$0x9], $0x2000, $0x38;
	[tilespmem:$0x1EC80] =	vst v63  }
0x9f: {  	_ =	swait.ge [sflag:s14], $0x2000  }
0xa0: {  	[sflag:s14] =	ssyncset.done $0x0  }
0xa1: {  	s26 =	rddreg [dreg:$0x1e];
	[sflag:s14] =	ssyncadd.s32 $0xFFFFE000  }
0xa2: {  	[spmem:s26] =	stream.linear.scatter [tilespmem:s15], [sflag:$0x9], $0x40, $0x38;
	[tilespmem:$0x1EC80] =	vst v63  }
0xa3: {  	_ =	swait.ge [sflag:s14], $0x40  }
0xa4: {  	[sflag:s14] =	ssyncset.done $0x0  }
0xa5: {  	[sflag:s14] =	ssyncadd.s32 $0xFFFFFFC0  }
0xa6: {  	[bflag:$0x0] =	sbarrier.arrive $0xFFFF  }
0xa7: {  	s30 =	simm.s32 $0x0;
	s20 =	rddreg [dreg:$0x7]  }
0xa8: {  	[tilespmem:s30], [sflag:$0x9] =	stream.linear.gather [hbm4b:s20+s30], $0x1400, $0x38;
	[tilespmem:$0x1EC80] =	vst v63  }
0xa9: {  	_ =	swait.ge [sflag:s14], $0x1400  }
0xaa: {  	[sflag:s14] =	ssyncset.done $0x0  }
0xab: {  	s22 =	rddreg [dreg:$0x8];
	[sflag:s14] =	ssyncadd.s32 $0xFFFFEC00  }
0xac: {  	[tilespmem:s16], [sflag:$0x9] =	stream.linear.gather [hbm4b:s22+s30], $0x1400, $0x38;
	[tilespmem:$0x1EC80] =	vst v63  }
0xad: {  	_ =	swait.ge [sflag:s14], $0x1400  }
0xae: {  	[sflag:s14] =	ssyncset.done $0x0  }
0xaf: {  	[sflag:s14] =	ssyncadd.s32 $0xFFFFEC00  }
0xb0: {  	[tilespmem:s13], [sflag:$0x1] =	stream.indirect.gather [hbm4b:s5+s17], $0x80, s30, s17, $0xb8;
	[tilespmem:$0x1EC80] =	vst v63  }
0xb1: {  	_ = 	snop  }
0xb2: {  	[tilespmem:s15], [sflag:$0x1] =	stream.indirect.gather [hbm4b:s6+s17], $0x1, s16, s17, $0xb8;
	[tilespmem:$0x1EC80] =	vst v63  }
0xb3: {  	s24 =	simm.s32 $0x80  }
0xb4: {  	[tilespmem:s19], [sflag:$0x2] =	stream.indirect.gather [hbm4b:s5+s17], $0x80, s24, s17, $0xb8;
	[tilespmem:$0x1EC80] =	vst v63  }
0xb5: {  	s26 =	simm.s32 $0x1480  }
0xb6: {  	[tilespmem:s21], [sflag:$0x2] =	stream.indirect.gather [hbm4b:s6+s17], $0x1, s26, s17, $0xb8;
	[tilespmem:$0x1EC80] =	vst v63  }
0xb7: {  	s20 =	simm.s32 $0x100  }
0xb8: {  	[tilespmem:s23], [sflag:$0x3] =	stream.indirect.gather [hbm4b:s5+s17], $0x80, s20, s17, $0xb8;
	[tilespmem:$0x1EC80] =	vst v63  }
0xb9: {  	s22 =	simm.s32 $0x1500  }
0xba: {  	[tilespmem:s25], [sflag:$0x3] =	stream.indirect.gather [hbm4b:s6+s17], $0x1, s22, s17, $0xb8;
	[tilespmem:$0x1EC80] =	vst v63  }
0xbb: {  	s24 =	simm.s32 $0x180  }
0xbc: {  	[tilespmem:s28], [sflag:$0x4] =	stream.indirect.gather [hbm4b:s5+s17], $0x80, s24, s17, $0xb8;
	[tilespmem:$0x1EC80] =	vst v63  }
0xbd: {  	s26 =	simm.s32 $0x1580  }
0xbe: {  	[tilespmem:s31], [sflag:$0x4] =	stream.indirect.gather [hbm4b:s6+s17], $0x1, s26, s17, $0xb8;
	[tilespmem:$0x1EC80] =	vst v63  }
.LBB2_4:
0xbf: {  	_ =	swait.ge [sflag:s0], $0x2000  }
0xc0: {  	[sflag:s0] =	ssyncset.done $0x0  }
0xc1: {  	[sflag:s0] =	ssyncadd.s32 $0xFFFFE000  }
0xc2: {  	_ =	swait.ge [sflag:s0], $0x40  }
0xc3: {  	s18 =	sshra.s32 s30, $0x2;
	[sflag:s0] =	ssyncset.done $0x0  }
0xc4: {  	s20 =	sadd.s32 $0x1400, s18;
	[sflag:s0] =	ssyncadd.s32 $0xFFFFFFC0  }
0xc5: {  	[spmem:s1] =	stream.indirect.scatter.add.f32 [tilespmem:s13], [sflag:$0x5], $0x80, s20, s17, $0xb8;
	[tilespmem:$0x1EC80] =	vst v63  }
0xc6: {  	_ = 	snop  }
0xc7: {  	[spmem:s2] =	stream.indirect.scatter.add.f32 [tilespmem:s15], [sflag:$0x5], $0x1, s18, s17, $0xb8;
	[tilespmem:$0x1EC80] =	vst v63  }
0xc8: {  	_ =	swait.ge [sflag:s3], $0x2000  }
0xc9: {  	[sflag:s3] =	ssyncset.done $0x0  }
0xca: {  	[sflag:s3] =	ssyncadd.s32 $0xFFFFE000  }
0xcb: {  	p0 =	seq.s32 s30, $0x4800;
	_ =	swait.ge [sflag:s3], $0x40  }
0xcc: {  	s24 =	simm.s32 @!p0 $0x40;
	s20 =	sshra.s32 @!p0 s30, $0x2;
	[sflag:s3] =	ssyncset.done $0x0  }
0xcd: {  	s26 =	simm.s32 @!p0 $0x2800;
	s22 =	sadd.s32 @!p0 $0x200, s20;
	[sflag:s3] =	ssyncadd.s32 $0xFFFFFFC0  }
0xce: {  	[tilespmem:s26], [sflag:$0x1] =	stream.indirect.gather @!p0 [hbm4b:s5+s24], $0x80, s22, s24, $0xb8;
	[tilespmem:$0x1EC80] =	vst v63  }
0xcf: {  	s22 =	sadd.s32 @!p0 $0x1600, s20;
	s26 =	simm.s32 @!p0 $0xA800  }
0xd0: {  	[tilespmem:s26], [sflag:$0x1] =	stream.indirect.gather @!p0 [hbm4b:s6+s24], $0x1, s22, s24, $0xb8;
	[tilespmem:$0x1EC80] =	vst v63  }
0xd1: {  	_ =	swait.ge [sflag:s8], $0x2000  }
0xd2: {  	[sflag:s8] =	ssyncset.done $0x0  }
0xd3: {  	[sflag:s8] =	ssyncadd.s32 $0xFFFFE000  }
0xd4: {  	_ =	swait.ge [sflag:s8], $0x40  }
0xd5: {  	[sflag:s8] =	ssyncset.done $0x0  }
0xd6: {  	s26 =	sadd.s32 $0x1480, s18;
	[sflag:s8] =	ssyncadd.s32 $0xFFFFFFC0  }
0xd7: {  	[spmem:s1] =	stream.indirect.scatter.add.f32 [tilespmem:s19], [sflag:$0x6], $0x80, s26, s17, $0xb8;
	[tilespmem:$0x1EC80] =	vst v63  }
0xd8: {  	s26 =	sadd.s32 $0x80, s18  }
0xd9: {  	[spmem:s2] =	stream.indirect.scatter.add.f32 [tilespmem:s21], [sflag:$0x6], $0x1, s26, s17, $0xb8;
	[tilespmem:$0x1EC80] =	vst v63  }
0xda: {  	_ =	swait.ge [sflag:s9], $0x2000  }
0xdb: {  	[sflag:s9] =	ssyncset.done $0x0  }
0xdc: {  	[sflag:s9] =	ssyncadd.s32 $0xFFFFE000  }
0xdd: {  	_ =	swait.ge [sflag:s9], $0x40  }
0xde: {  	[sflag:s9] =	ssyncset.done $0x0  }
0xdf: {  	s22 =	sadd.s32 @!p0 $0x280, s20;
	s26 =	simm.s32 @!p0 $0x4800;
	[sflag:s9] =	ssyncadd.s32 $0xFFFFFFC0  }
0xe0: {  	[tilespmem:s26], [sflag:$0x2] =	stream.indirect.gather @!p0 [hbm4b:s5+s24], $0x80, s22, s24, $0xb8;
	[tilespmem:$0x1EC80] =	vst v63  }
0xe1: {  	s22 =	sadd.s32 @!p0 $0x1680, s20;
	s26 =	simm.s32 @!p0 $0xA880  }
0xe2: {  	[tilespmem:s26], [sflag:$0x2] =	stream.indirect.gather @!p0 [hbm4b:s6+s24], $0x1, s22, s24, $0xb8;
	[tilespmem:$0x1EC80] =	vst v63  }
0xe3: {  	_ =	swait.ge [sflag:s10], $0x2000  }
0xe4: {  	[sflag:s10] =	ssyncset.done $0x0  }
0xe5: {  	[sflag:s10] =	ssyncadd.s32 $0xFFFFE000  }
0xe6: {  	_ =	swait.ge [sflag:s10], $0x40  }
0xe7: {  	[sflag:s10] =	ssyncset.done $0x0  }
0xe8: {  	s26 =	sadd.s32 $0x1500, s18;
	[sflag:s10] =	ssyncadd.s32 $0xFFFFFFC0  }
0xe9: {  	[spmem:s1] =	stream.indirect.scatter.add.f32 [tilespmem:s23], [sflag:$0x7], $0x80, s26, s17, $0xb8;
	[tilespmem:$0x1EC80] =	vst v63  }
0xea: {  	s26 =	sadd.s32 $0x100, s18  }
0xeb: {  	[spmem:s2] =	stream.indirect.scatter.add.f32 [tilespmem:s25], [sflag:$0x7], $0x1, s26, s17, $0xb8;
	[tilespmem:$0x1EC80] =	vst v63  }
0xec: {  	_ =	swait.ge [sflag:s11], $0x2000  }
0xed: {  	[sflag:s11] =	ssyncset.done $0x0  }
0xee: {  	[sflag:s11] =	ssyncadd.s32 $0xFFFFE000  }
0xef: {  	_ =	swait.ge [sflag:s11], $0x40  }
0xf0: {  	[sflag:s11] =	ssyncset.done $0x0  }
0xf1: {  	s22 =	sadd.s32 @!p0 $0x300, s20;
	s26 =	simm.s32 @!p0 $0x6800;
	[sflag:s11] =	ssyncadd.s32 $0xFFFFFFC0  }
0xf2: {  	[tilespmem:s26], [sflag:$0x3] =	stream.indirect.gather @!p0 [hbm4b:s5+s24], $0x80, s22, s24, $0xb8;
	[tilespmem:$0x1EC80] =	vst v63  }
0xf3: {  	s20 =	sadd.s32 @!p0 $0x1700, s20;
	s22 =	simm.s32 @!p0 $0xA900  }
0xf4: {  	[tilespmem:s22], [sflag:$0x3] =	stream.indirect.gather @!p0 [hbm4b:s6+s24], $0x1, s20, s24, $0xb8;
	[tilespmem:$0x1EC80] =	vst v63  }
0xf5: {  	_ =	swait.ge [sflag:s12], $0x2000  }
0xf6: {  	[sflag:s12] =	ssyncset.done $0x0  }
0xf7: {  	[sflag:s12] =	ssyncadd.s32 $0xFFFFE000  }
0xf8: {  	_ =	swait.ge [sflag:s12], $0x40  }
0xf9: {  	[sflag:s12] =	ssyncset.done $0x0  }
0xfa: {  	s24 =	sadd.s32 $0x1580, s18;
	[sflag:s12] =	ssyncadd.s32 $0xFFFFFFC0  }
0xfb: {  	[spmem:s1] =	stream.indirect.scatter.add.f32 [tilespmem:s28], [sflag:$0x8], $0x80, s24, s17, $0xb8;
	[tilespmem:$0x1EC80] =	vst v63  }
0xfc: {  	s26 =	sadd.s32 $0x180, s18  }
0xfd: {  	[spmem:s2] =	stream.indirect.scatter.add.f32 [tilespmem:s31], [sflag:$0x8], $0x1, s26, s17, $0xb8;
	[tilespmem:$0x1EC80] =	vst v63  }
0xfe: {  	_ =	swait.ge [sflag:s7], $0x2000  }
.Ltmp3:
0xff: {  	[sflag:s7] =	ssyncset.done $0x0;
	(pc) =	sbr.rel @p0 .LBB2_6-.Ltmp3, $4  }
0x100: {  	[sflag:s7] =	ssyncadd.s32 $0xFFFFE000  }
0x101: {  	_ =	swait.ge [sflag:s7], $0x40  }
0x102: {  	[sflag:s7] =	ssyncset.done $0x0  }
0x103: {  	[sflag:s7] =	ssyncadd.s32 $0xFFFFFFC0  }
.Ltmp4:
0x104: {  	(pc) =	sbr.rel .LBB2_4-.Ltmp4, $4  }
0x105: {  	s20 =	sadd.s32 $0x380, s18  }
0x106: {  	[tilespmem:s28], [sflag:$0x4] =	stream.indirect.gather [hbm4b:s5+s17], $0x80, s20, s17, $0xb8;
	[tilespmem:$0x1EC80] =	vst v63  }
0x107: {  	s26 =	sadd.s32 $0x1780, s18;
	s30 =	sadd.s32 $0x800, s30  }
0x108: {  	[tilespmem:s31], [sflag:$0x4] =	stream.indirect.gather [hbm4b:s6+s17], $0x1, s26, s17, $0xb8;
	[tilespmem:$0x1EC80] =	vst v63  }
.LBB2_6:
0x109: {  	s30 =	simm.s32 $0x0;
	s18 =	rddreg [dreg:$0x9]  }
0x10a: {  	[tilespmem:s30], [sflag:$0x9] =	stream.linear.gather [hbm4b:s18+s30], $0x1400, $0x38;
	[tilespmem:$0x1EC80] =	vst v63  }
0x10b: {  	_ =	swait.ge [sflag:s14], $0x1400  }
0x10c: {  	[sflag:s14] =	ssyncset.done $0x0  }
0x10d: {  	s22 =	rddreg [dreg:$0xa];
	[sflag:s14] =	ssyncadd.s32 $0xFFFFEC00  }
0x10e: {  	[tilespmem:s16], [sflag:$0x9] =	stream.linear.gather [hbm4b:s22+s30], $0x1400, $0x38;
	[tilespmem:$0x1EC80] =	vst v63  }
0x10f: {  	_ =	swait.ge [sflag:s14], $0x1400  }
0x110: {  	[sflag:s14] =	ssyncset.done $0x0  }
0x111: {  	[sflag:s14] =	ssyncadd.s32 $0xFFFFEC00  }
0x112: {  	[tilespmem:s13], [sflag:$0x1] =	stream.indirect.gather [hbm4b:s5+s17], $0x80, s30, s17, $0xb8;
	[tilespmem:$0x1EC80] =	vst v63  }
0x113: {  	_ = 	snop  }
0x114: {  	[tilespmem:s15], [sflag:$0x1] =	stream.indirect.gather [hbm4b:s6+s17], $0x1, s16, s17, $0xb8;
	[tilespmem:$0x1EC80] =	vst v63  }
0x115: {  	s24 =	simm.s32 $0x80  }
0x116: {  	[tilespmem:s19], [sflag:$0x2] =	stream.indirect.gather [hbm4b:s5+s17], $0x80, s24, s17, $0xb8;
	[tilespmem:$0x1EC80] =	vst v63  }
0x117: {  	s26 =	simm.s32 $0x1480  }
0x118: {  	[tilespmem:s21], [sflag:$0x2] =	stream.indirect.gather [hbm4b:s6+s17], $0x1, s26, s17, $0xb8;
	[tilespmem:$0x1EC80] =	vst v63  }
0x119: {  	s20 =	simm.s32 $0x100  }
0x11a: {  	[tilespmem:s23], [sflag:$0x3] =	stream.indirect.gather [hbm4b:s5+s17], $0x80, s20, s17, $0xb8;
	[tilespmem:$0x1EC80] =	vst v63  }
0x11b: {  	s22 =	simm.s32 $0x1500  }
0x11c: {  	[tilespmem:s25], [sflag:$0x3] =	stream.indirect.gather [hbm4b:s6+s17], $0x1, s22, s17, $0xb8;
	[tilespmem:$0x1EC80] =	vst v63  }
0x11d: {  	s24 =	simm.s32 $0x180  }
0x11e: {  	[tilespmem:s28], [sflag:$0x4] =	stream.indirect.gather [hbm4b:s5+s17], $0x80, s24, s17, $0xb8;
	[tilespmem:$0x1EC80] =	vst v63  }
0x11f: {  	s26 =	simm.s32 $0x1580  }
0x120: {  	[tilespmem:s31], [sflag:$0x4] =	stream.indirect.gather [hbm4b:s6+s17], $0x1, s26, s17, $0xb8;
	[tilespmem:$0x1EC80] =	vst v63  }
.LBB2_7:
0x121: {  	_ =	swait.ge [sflag:s0], $0x2000  }
0x122: {  	[sflag:s0] =	ssyncset.done $0x0  }
0x123: {  	[sflag:s0] =	ssyncadd.s32 $0xFFFFE000  }
0x124: {  	_ =	swait.ge [sflag:s0], $0x40  }
0x125: {  	s18 =	sshra.s32 s30, $0x2;
	[sflag:s0] =	ssyncset.done $0x0  }
0x126: {  	s20 =	sadd.s32 $0x1400, s18;
	[sflag:s0] =	ssyncadd.s32 $0xFFFFFFC0  }
0x127: {  	[spmem:s1] =	stream.indirect.scatter.add.f32 [tilespmem:s13], [sflag:$0x5], $0x80, s20, s17, $0xb8;
	[tilespmem:$0x1EC80] =	vst v63  }
0x128: {  	_ = 	snop  }
0x129: {  	[spmem:s2] =	stream.indirect.scatter.add.f32 [tilespmem:s15], [sflag:$0x5], $0x1, s18, s17, $0xb8;
	[tilespmem:$0x1EC80] =	vst v63  }
0x12a: {  	_ =	swait.ge [sflag:s3], $0x2000  }
0x12b: {  	[sflag:s3] =	ssyncset.done $0x0  }
0x12c: {  	[sflag:s3] =	ssyncadd.s32 $0xFFFFE000  }
0x12d: {  	p0 =	seq.s32 s30, $0x4800;
	_ =	swait.ge [sflag:s3], $0x40  }
0x12e: {  	s24 =	simm.s32 @!p0 $0x40;
	s20 =	sshra.s32 @!p0 s30, $0x2;
	[sflag:s3] =	ssyncset.done $0x0  }
0x12f: {  	s26 =	simm.s32 @!p0 $0x2800;
	s22 =	sadd.s32 @!p0 $0x200, s20;
	[sflag:s3] =	ssyncadd.s32 $0xFFFFFFC0  }
0x130: {  	[tilespmem:s26], [sflag:$0x1] =	stream.indirect.gather @!p0 [hbm4b:s5+s24], $0x80, s22, s24, $0xb8;
	[tilespmem:$0x1EC80] =	vst v63  }
0x131: {  	s22 =	sadd.s32 @!p0 $0x1600, s20;
	s26 =	simm.s32 @!p0 $0xA800  }
0x132: {  	[tilespmem:s26], [sflag:$0x1] =	stream.indirect.gather @!p0 [hbm4b:s6+s24], $0x1, s22, s24, $0xb8;
	[tilespmem:$0x1EC80] =	vst v63  }
0x133: {  	_ =	swait.ge [sflag:s8], $0x2000  }
0x134: {  	[sflag:s8] =	ssyncset.done $0x0  }
0x135: {  	[sflag:s8] =	ssyncadd.s32 $0xFFFFE000  }
0x136: {  	_ =	swait.ge [sflag:s8], $0x40  }
0x137: {  	[sflag:s8] =	ssyncset.done $0x0  }
0x138: {  	s26 =	sadd.s32 $0x1480, s18;
	[sflag:s8] =	ssyncadd.s32 $0xFFFFFFC0  }
0x139: {  	[spmem:s1] =	stream.indirect.scatter.add.f32 [tilespmem:s19], [sflag:$0x6], $0x80, s26, s17, $0xb8;
	[tilespmem:$0x1EC80] =	vst v63  }
0x13a: {  	s26 =	sadd.s32 $0x80, s18  }
0x13b: {  	[spmem:s2] =	stream.indirect.scatter.add.f32 [tilespmem:s21], [sflag:$0x6], $0x1, s26, s17, $0xb8;
	[tilespmem:$0x1EC80] =	vst v63  }
0x13c: {  	_ =	swait.ge [sflag:s9], $0x2000  }
0x13d: {  	[sflag:s9] =	ssyncset.done $0x0  }
0x13e: {  	[sflag:s9] =	ssyncadd.s32 $0xFFFFE000  }
0x13f: {  	_ =	swait.ge [sflag:s9], $0x40  }
0x140: {  	[sflag:s9] =	ssyncset.done $0x0  }
0x141: {  	s22 =	sadd.s32 @!p0 $0x280, s20;
	s26 =	simm.s32 @!p0 $0x4800;
	[sflag:s9] =	ssyncadd.s32 $0xFFFFFFC0  }
0x142: {  	[tilespmem:s26], [sflag:$0x2] =	stream.indirect.gather @!p0 [hbm4b:s5+s24], $0x80, s22, s24, $0xb8;
	[tilespmem:$0x1EC80] =	vst v63  }
0x143: {  	s22 =	sadd.s32 @!p0 $0x1680, s20;
	s26 =	simm.s32 @!p0 $0xA880  }
0x144: {  	[tilespmem:s26], [sflag:$0x2] =	stream.indirect.gather @!p0 [hbm4b:s6+s24], $0x1, s22, s24, $0xb8;
	[tilespmem:$0x1EC80] =	vst v63  }
0x145: {  	_ =	swait.ge [sflag:s10], $0x2000  }
0x146: {  	[sflag:s10] =	ssyncset.done $0x0  }
0x147: {  	[sflag:s10] =	ssyncadd.s32 $0xFFFFE000  }
0x148: {  	_ =	swait.ge [sflag:s10], $0x40  }
0x149: {  	[sflag:s10] =	ssyncset.done $0x0  }
0x14a: {  	s26 =	sadd.s32 $0x1500, s18;
	[sflag:s10] =	ssyncadd.s32 $0xFFFFFFC0  }
0x14b: {  	[spmem:s1] =	stream.indirect.scatter.add.f32 [tilespmem:s23], [sflag:$0x7], $0x80, s26, s17, $0xb8;
	[tilespmem:$0x1EC80] =	vst v63  }
0x14c: {  	s26 =	sadd.s32 $0x100, s18  }
0x14d: {  	[spmem:s2] =	stream.indirect.scatter.add.f32 [tilespmem:s25], [sflag:$0x7], $0x1, s26, s17, $0xb8;
	[tilespmem:$0x1EC80] =	vst v63  }
0x14e: {  	_ =	swait.ge [sflag:s11], $0x2000  }
0x14f: {  	[sflag:s11] =	ssyncset.done $0x0  }
0x150: {  	[sflag:s11] =	ssyncadd.s32 $0xFFFFE000  }
0x151: {  	_ =	swait.ge [sflag:s11], $0x40  }
0x152: {  	[sflag:s11] =	ssyncset.done $0x0  }
0x153: {  	s22 =	sadd.s32 @!p0 $0x300, s20;
	s26 =	simm.s32 @!p0 $0x6800;
	[sflag:s11] =	ssyncadd.s32 $0xFFFFFFC0  }
0x154: {  	[tilespmem:s26], [sflag:$0x3] =	stream.indirect.gather @!p0 [hbm4b:s5+s24], $0x80, s22, s24, $0xb8;
	[tilespmem:$0x1EC80] =	vst v63  }
0x155: {  	s20 =	sadd.s32 @!p0 $0x1700, s20;
	s22 =	simm.s32 @!p0 $0xA900  }
0x156: {  	[tilespmem:s22], [sflag:$0x3] =	stream.indirect.gather @!p0 [hbm4b:s6+s24], $0x1, s20, s24, $0xb8;
	[tilespmem:$0x1EC80] =	vst v63  }
0x157: {  	_ =	swait.ge [sflag:s12], $0x2000  }
0x158: {  	[sflag:s12] =	ssyncset.done $0x0  }
0x159: {  	[sflag:s12] =	ssyncadd.s32 $0xFFFFE000  }
0x15a: {  	_ =	swait.ge [sflag:s12], $0x40  }
0x15b: {  	[sflag:s12] =	ssyncset.done $0x0  }
0x15c: {  	s24 =	sadd.s32 $0x1580, s18;
	[sflag:s12] =	ssyncadd.s32 $0xFFFFFFC0  }
0x15d: {  	[spmem:s1] =	stream.indirect.scatter.add.f32 [tilespmem:s28], [sflag:$0x8], $0x80, s24, s17, $0xb8;
	[tilespmem:$0x1EC80] =	vst v63  }
0x15e: {  	s26 =	sadd.s32 $0x180, s18  }
0x15f: {  	[spmem:s2] =	stream.indirect.scatter.add.f32 [tilespmem:s31], [sflag:$0x8], $0x1, s26, s17, $0xb8;
	[tilespmem:$0x1EC80] =	vst v63  }
0x160: {  	_ =	swait.ge [sflag:s7], $0x2000  }
.Ltmp5:
0x161: {  	[sflag:s7] =	ssyncset.done $0x0;
	(pc) =	sbr.rel @p0 .LBB2_9-.Ltmp5, $4  }
0x162: {  	[sflag:s7] =	ssyncadd.s32 $0xFFFFE000  }
0x163: {  	_ =	swait.ge [sflag:s7], $0x40  }
0x164: {  	[sflag:s7] =	ssyncset.done $0x0  }
0x165: {  	[sflag:s7] =	ssyncadd.s32 $0xFFFFFFC0  }
.Ltmp6:
0x166: {  	(pc) =	sbr.rel .LBB2_7-.Ltmp6, $4  }
0x167: {  	s20 =	sadd.s32 $0x380, s18  }
0x168: {  	[tilespmem:s28], [sflag:$0x4] =	stream.indirect.gather [hbm4b:s5+s17], $0x80, s20, s17, $0xb8;
	[tilespmem:$0x1EC80] =	vst v63  }
0x169: {  	s26 =	sadd.s32 $0x1780, s18;
	s30 =	sadd.s32 $0x800, s30  }
0x16a: {  	[tilespmem:s31], [sflag:$0x4] =	stream.indirect.gather [hbm4b:s6+s17], $0x1, s26, s17, $0xb8;
	[tilespmem:$0x1EC80] =	vst v63  }
.LBB2_9:
0x16b: {  	s30 =	simm.s32 $0x0;
	s18 =	rddreg [dreg:$0xb]  }
0x16c: {  	[tilespmem:s30], [sflag:$0x9] =	stream.linear.gather [hbm4b:s18+s30], $0x1400, $0x38;
	[tilespmem:$0x1EC80] =	vst v63  }
0x16d: {  	_ =	swait.ge [sflag:s14], $0x1400  }
0x16e: {  	[sflag:s14] =	ssyncset.done $0x0  }
0x16f: {  	s22 =	rddreg [dreg:$0xc];
	[sflag:s14] =	ssyncadd.s32 $0xFFFFEC00  }
0x170: {  	[tilespmem:s16], [sflag:$0x9] =	stream.linear.gather [hbm4b:s22+s30], $0x1400, $0x38;
	[tilespmem:$0x1EC80] =	vst v63  }
0x171: {  	_ =	swait.ge [sflag:s14], $0x1400  }
0x172: {  	[sflag:s14] =	ssyncset.done $0x0  }
0x173: {  	[sflag:s14] =	ssyncadd.s32 $0xFFFFEC00  }
0x174: {  	[tilespmem:s13], [sflag:$0x1] =	stream.indirect.gather [hbm4b:s5+s17], $0x80, s30, s17, $0xb8;
	[tilespmem:$0x1EC80] =	vst v63  }
0x175: {  	_ = 	snop  }
0x176: {  	[tilespmem:s15], [sflag:$0x1] =	stream.indirect.gather [hbm4b:s6+s17], $0x1, s16, s17, $0xb8;
	[tilespmem:$0x1EC80] =	vst v63  }
0x177: {  	s24 =	simm.s32 $0x80  }
0x178: {  	[tilespmem:s19], [sflag:$0x2] =	stream.indirect.gather [hbm4b:s5+s17], $0x80, s24, s17, $0xb8;
	[tilespmem:$0x1EC80] =	vst v63  }
0x179: {  	s26 =	simm.s32 $0x1480  }
0x17a: {  	[tilespmem:s21], [sflag:$0x2] =	stream.indirect.gather [hbm4b:s6+s17], $0x1, s26, s17, $0xb8;
	[tilespmem:$0x1EC80] =	vst v63  }
0x17b: {  	s20 =	simm.s32 $0x100  }
0x17c: {  	[tilespmem:s23], [sflag:$0x3] =	stream.indirect.gather [hbm4b:s5+s17], $0x80, s20, s17, $0xb8;
	[tilespmem:$0x1EC80] =	vst v63  }
0x17d: {  	s22 =	simm.s32 $0x1500  }
0x17e: {  	[tilespmem:s25], [sflag:$0x3] =	stream.indirect.gather [hbm4b:s6+s17], $0x1, s22, s17, $0xb8;
	[tilespmem:$0x1EC80] =	vst v63  }
0x17f: {  	s24 =	simm.s32 $0x180  }
0x180: {  	[tilespmem:s28], [sflag:$0x4] =	stream.indirect.gather [hbm4b:s5+s17], $0x80, s24, s17, $0xb8;
	[tilespmem:$0x1EC80] =	vst v63  }
0x181: {  	s26 =	simm.s32 $0x1580  }
0x182: {  	[tilespmem:s31], [sflag:$0x4] =	stream.indirect.gather [hbm4b:s6+s17], $0x1, s26, s17, $0xb8;
	[tilespmem:$0x1EC80] =	vst v63  }
.LBB2_10:
0x183: {  	_ =	swait.ge [sflag:s0], $0x2000  }
0x184: {  	[sflag:s0] =	ssyncset.done $0x0  }
0x185: {  	[sflag:s0] =	ssyncadd.s32 $0xFFFFE000  }
0x186: {  	_ =	swait.ge [sflag:s0], $0x40  }
0x187: {  	s18 =	sshra.s32 s30, $0x2;
	[sflag:s0] =	ssyncset.done $0x0  }
0x188: {  	s20 =	sadd.s32 $0x1400, s18;
	[sflag:s0] =	ssyncadd.s32 $0xFFFFFFC0  }
0x189: {  	[spmem:s1] =	stream.indirect.scatter.add.f32 [tilespmem:s13], [sflag:$0x5], $0x80, s20, s17, $0xb8;
	[tilespmem:$0x1EC80] =	vst v63  }
0x18a: {  	_ = 	snop  }
0x18b: {  	[spmem:s2] =	stream.indirect.scatter.add.f32 [tilespmem:s15], [sflag:$0x5], $0x1, s18, s17, $0xb8;
	[tilespmem:$0x1EC80] =	vst v63  }
0x18c: {  	_ =	swait.ge [sflag:s3], $0x2000  }
0x18d: {  	[sflag:s3] =	ssyncset.done $0x0  }
0x18e: {  	[sflag:s3] =	ssyncadd.s32 $0xFFFFE000  }
0x18f: {  	p0 =	seq.s32 s30, $0x4800;
	_ =	swait.ge [sflag:s3], $0x40  }
0x190: {  	s24 =	simm.s32 @!p0 $0x40;
	s20 =	sshra.s32 @!p0 s30, $0x2;
	[sflag:s3] =	ssyncset.done $0x0  }
0x191: {  	s26 =	simm.s32 @!p0 $0x2800;
	s22 =	sadd.s32 @!p0 $0x200, s20;
	[sflag:s3] =	ssyncadd.s32 $0xFFFFFFC0  }
0x192: {  	[tilespmem:s26], [sflag:$0x1] =	stream.indirect.gather @!p0 [hbm4b:s5+s24], $0x80, s22, s24, $0xb8;
	[tilespmem:$0x1EC80] =	vst v63  }
0x193: {  	s22 =	sadd.s32 @!p0 $0x1600, s20;
	s26 =	simm.s32 @!p0 $0xA800  }
0x194: {  	[tilespmem:s26], [sflag:$0x1] =	stream.indirect.gather @!p0 [hbm4b:s6+s24], $0x1, s22, s24, $0xb8;
	[tilespmem:$0x1EC80] =	vst v63  }
0x195: {  	_ =	swait.ge [sflag:s8], $0x2000  }
0x196: {  	[sflag:s8] =	ssyncset.done $0x0  }
0x197: {  	[sflag:s8] =	ssyncadd.s32 $0xFFFFE000  }
0x198: {  	_ =	swait.ge [sflag:s8], $0x40  }
0x199: {  	[sflag:s8] =	ssyncset.done $0x0  }
0x19a: {  	s26 =	sadd.s32 $0x1480, s18;
	[sflag:s8] =	ssyncadd.s32 $0xFFFFFFC0  }
0x19b: {  	[spmem:s1] =	stream.indirect.scatter.add.f32 [tilespmem:s19], [sflag:$0x6], $0x80, s26, s17, $0xb8;
	[tilespmem:$0x1EC80] =	vst v63  }
0x19c: {  	s26 =	sadd.s32 $0x80, s18  }
0x19d: {  	[spmem:s2] =	stream.indirect.scatter.add.f32 [tilespmem:s21], [sflag:$0x6], $0x1, s26, s17, $0xb8;
	[tilespmem:$0x1EC80] =	vst v63  }
0x19e: {  	_ =	swait.ge [sflag:s9], $0x2000  }
0x19f: {  	[sflag:s9] =	ssyncset.done $0x0  }
0x1a0: {  	[sflag:s9] =	ssyncadd.s32 $0xFFFFE000  }
0x1a1: {  	_ =	swait.ge [sflag:s9], $0x40  }
0x1a2: {  	[sflag:s9] =	ssyncset.done $0x0  }
0x1a3: {  	s22 =	sadd.s32 @!p0 $0x280, s20;
	s26 =	simm.s32 @!p0 $0x4800;
	[sflag:s9] =	ssyncadd.s32 $0xFFFFFFC0  }
0x1a4: {  	[tilespmem:s26], [sflag:$0x2] =	stream.indirect.gather @!p0 [hbm4b:s5+s24], $0x80, s22, s24, $0xb8;
	[tilespmem:$0x1EC80] =	vst v63  }
0x1a5: {  	s22 =	sadd.s32 @!p0 $0x1680, s20;
	s26 =	simm.s32 @!p0 $0xA880  }
0x1a6: {  	[tilespmem:s26], [sflag:$0x2] =	stream.indirect.gather @!p0 [hbm4b:s6+s24], $0x1, s22, s24, $0xb8;
	[tilespmem:$0x1EC80] =	vst v63  }
0x1a7: {  	_ =	swait.ge [sflag:s10], $0x2000  }
0x1a8: {  	[sflag:s10] =	ssyncset.done $0x0  }
0x1a9: {  	[sflag:s10] =	ssyncadd.s32 $0xFFFFE000  }
0x1aa: {  	_ =	swait.ge [sflag:s10], $0x40  }
0x1ab: {  	[sflag:s10] =	ssyncset.done $0x0  }
0x1ac: {  	s26 =	sadd.s32 $0x1500, s18;
	[sflag:s10] =	ssyncadd.s32 $0xFFFFFFC0  }
0x1ad: {  	[spmem:s1] =	stream.indirect.scatter.add.f32 [tilespmem:s23], [sflag:$0x7], $0x80, s26, s17, $0xb8;
	[tilespmem:$0x1EC80] =	vst v63  }
0x1ae: {  	s26 =	sadd.s32 $0x100, s18  }
0x1af: {  	[spmem:s2] =	stream.indirect.scatter.add.f32 [tilespmem:s25], [sflag:$0x7], $0x1, s26, s17, $0xb8;
	[tilespmem:$0x1EC80] =	vst v63  }
0x1b0: {  	_ =	swait.ge [sflag:s11], $0x2000  }
0x1b1: {  	[sflag:s11] =	ssyncset.done $0x0  }
0x1b2: {  	[sflag:s11] =	ssyncadd.s32 $0xFFFFE000  }
0x1b3: {  	_ =	swait.ge [sflag:s11], $0x40  }
0x1b4: {  	[sflag:s11] =	ssyncset.done $0x0  }
0x1b5: {  	s22 =	sadd.s32 @!p0 $0x300, s20;
	s26 =	simm.s32 @!p0 $0x6800;
	[sflag:s11] =	ssyncadd.s32 $0xFFFFFFC0  }
0x1b6: {  	[tilespmem:s26], [sflag:$0x3] =	stream.indirect.gather @!p0 [hbm4b:s5+s24], $0x80, s22, s24, $0xb8;
	[tilespmem:$0x1EC80] =	vst v63  }
0x1b7: {  	s20 =	sadd.s32 @!p0 $0x1700, s20;
	s22 =	simm.s32 @!p0 $0xA900  }
0x1b8: {  	[tilespmem:s22], [sflag:$0x3] =	stream.indirect.gather @!p0 [hbm4b:s6+s24], $0x1, s20, s24, $0xb8;
	[tilespmem:$0x1EC80] =	vst v63  }
0x1b9: {  	_ =	swait.ge [sflag:s12], $0x2000  }
0x1ba: {  	[sflag:s12] =	ssyncset.done $0x0  }
0x1bb: {  	[sflag:s12] =	ssyncadd.s32 $0xFFFFE000  }
0x1bc: {  	_ =	swait.ge [sflag:s12], $0x40  }
0x1bd: {  	[sflag:s12] =	ssyncset.done $0x0  }
0x1be: {  	s24 =	sadd.s32 $0x1580, s18;
	[sflag:s12] =	ssyncadd.s32 $0xFFFFFFC0  }
0x1bf: {  	[spmem:s1] =	stream.indirect.scatter.add.f32 [tilespmem:s28], [sflag:$0x8], $0x80, s24, s17, $0xb8;
	[tilespmem:$0x1EC80] =	vst v63  }
0x1c0: {  	s26 =	sadd.s32 $0x180, s18  }
0x1c1: {  	[spmem:s2] =	stream.indirect.scatter.add.f32 [tilespmem:s31], [sflag:$0x8], $0x1, s26, s17, $0xb8;
	[tilespmem:$0x1EC80] =	vst v63  }
0x1c2: {  	_ =	swait.ge [sflag:s7], $0x2000  }
.Ltmp7:
0x1c3: {  	[sflag:s7] =	ssyncset.done $0x0;
	(pc) =	sbr.rel @p0 .LBB2_12-.Ltmp7, $4  }
0x1c4: {  	[sflag:s7] =	ssyncadd.s32 $0xFFFFE000  }
0x1c5: {  	_ =	swait.ge [sflag:s7], $0x40  }
0x1c6: {  	[sflag:s7] =	ssyncset.done $0x0  }
0x1c7: {  	[sflag:s7] =	ssyncadd.s32 $0xFFFFFFC0  }
.Ltmp8:
0x1c8: {  	(pc) =	sbr.rel .LBB2_10-.Ltmp8, $4  }
0x1c9: {  	s20 =	sadd.s32 $0x380, s18  }
0x1ca: {  	[tilespmem:s28], [sflag:$0x4] =	stream.indirect.gather [hbm4b:s5+s17], $0x80, s20, s17, $0xb8;
	[tilespmem:$0x1EC80] =	vst v63  }
0x1cb: {  	s26 =	sadd.s32 $0x1780, s18;
	s30 =	sadd.s32 $0x800, s30  }
0x1cc: {  	[tilespmem:s31], [sflag:$0x4] =	stream.indirect.gather [hbm4b:s6+s17], $0x1, s26, s17, $0xb8;
	[tilespmem:$0x1EC80] =	vst v63  }
.LBB2_12:
0x1cd: {  	s30 =	simm.s32 $0x0;
	s18 =	rddreg [dreg:$0xd]  }
0x1ce: {  	[tilespmem:s30], [sflag:$0x9] =	stream.linear.gather [hbm4b:s18+s30], $0x1400, $0x38;
	[tilespmem:$0x1EC80] =	vst v63  }
0x1cf: {  	_ =	swait.ge [sflag:s14], $0x1400  }
0x1d0: {  	[sflag:s14] =	ssyncset.done $0x0  }
0x1d1: {  	s22 =	rddreg [dreg:$0xe];
	[sflag:s14] =	ssyncadd.s32 $0xFFFFEC00  }
0x1d2: {  	[tilespmem:s16], [sflag:$0x9] =	stream.linear.gather [hbm4b:s22+s30], $0x1400, $0x38;
	[tilespmem:$0x1EC80] =	vst v63  }
0x1d3: {  	_ =	swait.ge [sflag:s14], $0x1400  }
0x1d4: {  	[sflag:s14] =	ssyncset.done $0x0  }
0x1d5: {  	[sflag:s14] =	ssyncadd.s32 $0xFFFFEC00  }
0x1d6: {  	[tilespmem:s13], [sflag:$0x1] =	stream.indirect.gather [hbm4b:s5+s17], $0x80, s30, s17, $0xb8;
	[tilespmem:$0x1EC80] =	vst v63  }
0x1d7: {  	_ = 	snop  }
0x1d8: {  	[tilespmem:s15], [sflag:$0x1] =	stream.indirect.gather [hbm4b:s6+s17], $0x1, s16, s17, $0xb8;
	[tilespmem:$0x1EC80] =	vst v63  }
0x1d9: {  	s24 =	simm.s32 $0x80  }
0x1da: {  	[tilespmem:s19], [sflag:$0x2] =	stream.indirect.gather [hbm4b:s5+s17], $0x80, s24, s17, $0xb8;
	[tilespmem:$0x1EC80] =	vst v63  }
0x1db: {  	s26 =	simm.s32 $0x1480  }
0x1dc: {  	[tilespmem:s21], [sflag:$0x2] =	stream.indirect.gather [hbm4b:s6+s17], $0x1, s26, s17, $0xb8;
	[tilespmem:$0x1EC80] =	vst v63  }
0x1dd: {  	s20 =	simm.s32 $0x100  }
0x1de: {  	[tilespmem:s23], [sflag:$0x3] =	stream.indirect.gather [hbm4b:s5+s17], $0x80, s20, s17, $0xb8;
	[tilespmem:$0x1EC80] =	vst v63  }
0x1df: {  	s22 =	simm.s32 $0x1500  }
0x1e0: {  	[tilespmem:s25], [sflag:$0x3] =	stream.indirect.gather [hbm4b:s6+s17], $0x1, s22, s17, $0xb8;
	[tilespmem:$0x1EC80] =	vst v63  }
0x1e1: {  	s24 =	simm.s32 $0x180  }
0x1e2: {  	[tilespmem:s28], [sflag:$0x4] =	stream.indirect.gather [hbm4b:s5+s17], $0x80, s24, s17, $0xb8;
	[tilespmem:$0x1EC80] =	vst v63  }
0x1e3: {  	s26 =	simm.s32 $0x1580  }
0x1e4: {  	[tilespmem:s31], [sflag:$0x4] =	stream.indirect.gather [hbm4b:s6+s17], $0x1, s26, s17, $0xb8;
	[tilespmem:$0x1EC80] =	vst v63  }
.LBB2_13:
0x1e5: {  	_ =	swait.ge [sflag:s0], $0x2000  }
0x1e6: {  	[sflag:s0] =	ssyncset.done $0x0  }
0x1e7: {  	[sflag:s0] =	ssyncadd.s32 $0xFFFFE000  }
0x1e8: {  	_ =	swait.ge [sflag:s0], $0x40  }
0x1e9: {  	s18 =	sshra.s32 s30, $0x2;
	[sflag:s0] =	ssyncset.done $0x0  }
0x1ea: {  	s20 =	sadd.s32 $0x1400, s18;
	[sflag:s0] =	ssyncadd.s32 $0xFFFFFFC0  }
0x1eb: {  	[spmem:s1] =	stream.indirect.scatter.add.f32 [tilespmem:s13], [sflag:$0x5], $0x80, s20, s17, $0xb8;
	[tilespmem:$0x1EC80] =	vst v63  }
0x1ec: {  	_ = 	snop  }
0x1ed: {  	[spmem:s2] =	stream.indirect.scatter.add.f32 [tilespmem:s15], [sflag:$0x5], $0x1, s18, s17, $0xb8;
	[tilespmem:$0x1EC80] =	vst v63  }
0x1ee: {  	_ =	swait.ge [sflag:s3], $0x2000  }
0x1ef: {  	[sflag:s3] =	ssyncset.done $0x0  }
0x1f0: {  	[sflag:s3] =	ssyncadd.s32 $0xFFFFE000  }
0x1f1: {  	p0 =	seq.s32 s30, $0x4800;
	_ =	swait.ge [sflag:s3], $0x40  }
0x1f2: {  	s24 =	simm.s32 @!p0 $0x40;
	s20 =	sshra.s32 @!p0 s30, $0x2;
	[sflag:s3] =	ssyncset.done $0x0  }
0x1f3: {  	s26 =	simm.s32 @!p0 $0x2800;
	s22 =	sadd.s32 @!p0 $0x200, s20;
	[sflag:s3] =	ssyncadd.s32 $0xFFFFFFC0  }
0x1f4: {  	[tilespmem:s26], [sflag:$0x1] =	stream.indirect.gather @!p0 [hbm4b:s5+s24], $0x80, s22, s24, $0xb8;
	[tilespmem:$0x1EC80] =	vst v63  }
0x1f5: {  	s22 =	sadd.s32 @!p0 $0x1600, s20;
	s26 =	simm.s32 @!p0 $0xA800  }
0x1f6: {  	[tilespmem:s26], [sflag:$0x1] =	stream.indirect.gather @!p0 [hbm4b:s6+s24], $0x1, s22, s24, $0xb8;
	[tilespmem:$0x1EC80] =	vst v63  }
0x1f7: {  	_ =	swait.ge [sflag:s8], $0x2000  }
0x1f8: {  	[sflag:s8] =	ssyncset.done $0x0  }
0x1f9: {  	[sflag:s8] =	ssyncadd.s32 $0xFFFFE000  }
0x1fa: {  	_ =	swait.ge [sflag:s8], $0x40  }
0x1fb: {  	[sflag:s8] =	ssyncset.done $0x0  }
0x1fc: {  	s26 =	sadd.s32 $0x1480, s18;
	[sflag:s8] =	ssyncadd.s32 $0xFFFFFFC0  }
0x1fd: {  	[spmem:s1] =	stream.indirect.scatter.add.f32 [tilespmem:s19], [sflag:$0x6], $0x80, s26, s17, $0xb8;
	[tilespmem:$0x1EC80] =	vst v63  }
0x1fe: {  	s26 =	sadd.s32 $0x80, s18  }
0x1ff: {  	[spmem:s2] =	stream.indirect.scatter.add.f32 [tilespmem:s21], [sflag:$0x6], $0x1, s26, s17, $0xb8;
	[tilespmem:$0x1EC80] =	vst v63  }
0x200: {  	_ =	swait.ge [sflag:s9], $0x2000  }
0x201: {  	[sflag:s9] =	ssyncset.done $0x0  }
0x202: {  	[sflag:s9] =	ssyncadd.s32 $0xFFFFE000  }
0x203: {  	_ =	swait.ge [sflag:s9], $0x40  }
0x204: {  	[sflag:s9] =	ssyncset.done $0x0  }
0x205: {  	s22 =	sadd.s32 @!p0 $0x280, s20;
	s26 =	simm.s32 @!p0 $0x4800;
	[sflag:s9] =	ssyncadd.s32 $0xFFFFFFC0  }
0x206: {  	[tilespmem:s26], [sflag:$0x2] =	stream.indirect.gather @!p0 [hbm4b:s5+s24], $0x80, s22, s24, $0xb8;
	[tilespmem:$0x1EC80] =	vst v63  }
0x207: {  	s22 =	sadd.s32 @!p0 $0x1680, s20;
	s26 =	simm.s32 @!p0 $0xA880  }
0x208: {  	[tilespmem:s26], [sflag:$0x2] =	stream.indirect.gather @!p0 [hbm4b:s6+s24], $0x1, s22, s24, $0xb8;
	[tilespmem:$0x1EC80] =	vst v63  }
0x209: {  	_ =	swait.ge [sflag:s10], $0x2000  }
0x20a: {  	[sflag:s10] =	ssyncset.done $0x0  }
0x20b: {  	[sflag:s10] =	ssyncadd.s32 $0xFFFFE000  }
0x20c: {  	_ =	swait.ge [sflag:s10], $0x40  }
0x20d: {  	[sflag:s10] =	ssyncset.done $0x0  }
0x20e: {  	s26 =	sadd.s32 $0x1500, s18;
	[sflag:s10] =	ssyncadd.s32 $0xFFFFFFC0  }
0x20f: {  	[spmem:s1] =	stream.indirect.scatter.add.f32 [tilespmem:s23], [sflag:$0x7], $0x80, s26, s17, $0xb8;
	[tilespmem:$0x1EC80] =	vst v63  }
0x210: {  	s26 =	sadd.s32 $0x100, s18  }
0x211: {  	[spmem:s2] =	stream.indirect.scatter.add.f32 [tilespmem:s25], [sflag:$0x7], $0x1, s26, s17, $0xb8;
	[tilespmem:$0x1EC80] =	vst v63  }
0x212: {  	_ =	swait.ge [sflag:s11], $0x2000  }
0x213: {  	[sflag:s11] =	ssyncset.done $0x0  }
0x214: {  	[sflag:s11] =	ssyncadd.s32 $0xFFFFE000  }
0x215: {  	_ =	swait.ge [sflag:s11], $0x40  }
0x216: {  	[sflag:s11] =	ssyncset.done $0x0  }
0x217: {  	s22 =	sadd.s32 @!p0 $0x300, s20;
	s26 =	simm.s32 @!p0 $0x6800;
	[sflag:s11] =	ssyncadd.s32 $0xFFFFFFC0  }
0x218: {  	[tilespmem:s26], [sflag:$0x3] =	stream.indirect.gather @!p0 [hbm4b:s5+s24], $0x80, s22, s24, $0xb8;
	[tilespmem:$0x1EC80] =	vst v63  }
0x219: {  	s20 =	sadd.s32 @!p0 $0x1700, s20;
	s22 =	simm.s32 @!p0 $0xA900  }
0x21a: {  	[tilespmem:s22], [sflag:$0x3] =	stream.indirect.gather @!p0 [hbm4b:s6+s24], $0x1, s20, s24, $0xb8;
	[tilespmem:$0x1EC80] =	vst v63  }
0x21b: {  	_ =	swait.ge [sflag:s12], $0x2000  }
0x21c: {  	[sflag:s12] =	ssyncset.done $0x0  }
0x21d: {  	[sflag:s12] =	ssyncadd.s32 $0xFFFFE000  }
0x21e: {  	_ =	swait.ge [sflag:s12], $0x40  }
0x21f: {  	[sflag:s12] =	ssyncset.done $0x0  }
0x220: {  	s24 =	sadd.s32 $0x1580, s18;
	[sflag:s12] =	ssyncadd.s32 $0xFFFFFFC0  }
0x221: {  	[spmem:s1] =	stream.indirect.scatter.add.f32 [tilespmem:s28], [sflag:$0x8], $0x80, s24, s17, $0xb8;
	[tilespmem:$0x1EC80] =	vst v63  }
0x222: {  	s26 =	sadd.s32 $0x180, s18  }
0x223: {  	[spmem:s2] =	stream.indirect.scatter.add.f32 [tilespmem:s31], [sflag:$0x8], $0x1, s26, s17, $0xb8;
	[tilespmem:$0x1EC80] =	vst v63  }
0x224: {  	_ =	swait.ge [sflag:s7], $0x2000  }
.Ltmp9:
0x225: {  	[sflag:s7] =	ssyncset.done $0x0;
	(pc) =	sbr.rel @p0 .LBB2_15-.Ltmp9, $4  }
0x226: {  	[sflag:s7] =	ssyncadd.s32 $0xFFFFE000  }
0x227: {  	_ =	swait.ge [sflag:s7], $0x40  }
0x228: {  	[sflag:s7] =	ssyncset.done $0x0  }
0x229: {  	[sflag:s7] =	ssyncadd.s32 $0xFFFFFFC0  }
.Ltmp10:
0x22a: {  	(pc) =	sbr.rel .LBB2_13-.Ltmp10, $4  }
0x22b: {  	s20 =	sadd.s32 $0x380, s18  }
0x22c: {  	[tilespmem:s28], [sflag:$0x4] =	stream.indirect.gather [hbm4b:s5+s17], $0x80, s20, s17, $0xb8;
	[tilespmem:$0x1EC80] =	vst v63  }
0x22d: {  	s26 =	sadd.s32 $0x1780, s18;
	s30 =	sadd.s32 $0x800, s30  }
0x22e: {  	[tilespmem:s31], [sflag:$0x4] =	stream.indirect.gather [hbm4b:s6+s17], $0x1, s26, s17, $0xb8;
	[tilespmem:$0x1EC80] =	vst v63  }
.LBB2_16:
0x22f: {  	_ =	sfence.sel $0x180000  }
0x230: {  	[bflag:$0x0] =	sbarrier.arrive $0xFFFF  }
0x231: {  	_ =	strace $0x9000004A  }
0x232: {  	s0 =	stileid.u32;
	[bflag:$0x2] =	sbarrier.arrive $0xFFFF  }
0x233: {  	p0 =	sne.s32 s0, $0x0;
	s0 =	rddreg [dreg:$0x3]  }
0x234: {  	s0 =	sadd.s32 @!p0 $0x100000, s0  }
0x235: {  	[sflag:s0] =	ssyncadd.tile.s32 @!p0 $0x1;
	_ =	shalt  }
.Lfunc_end2:
_tile_overlayer_lowered:
.L_overlay_start_2:
0x236: {  	(tag) =	ssettag $0x2  }
0x237: {  	s0 =	rddreg [dreg:$0x0];
	s2 =	stileid.u32  }
0x238: {  	s1 =	rddreg [dreg:$0x1];
	p0 =	sne.s32 s2, $0x0  }
0x239: {  	s3 =	rddreg [dreg:$0x2];
	[bflag:$0x3] =	sbarrier.arrive $0xFFFF;
	s2 =	simm.s32 @!p0 $0x1C09  }
0x23a: {  	[timem:s3], [sflag:s2] =	dma.local @!p0 [hbm:s0], s1  }
0x23b: {  	s0 =	simm.s32 @!p0 $0x9  }
0x23c: {  	_ =	swait.ge @!p0 [sflag:s0], s1  }
0x23d: {  	s1 =	ssub.s32 @!p0 $0x0, s1;
	[sflag:s0] =	ssyncset.done @!p0 $0x0  }
0x23e: {  	[sflag:s0] =	ssyncadd.s32 @!p0 s1  }
0x23f: {  	[bflag:$0x3] =	sbarrier.arrive $0xFFFF  }
0x240: {  	_ =	shalt  }

</sc_bundles>
